<compile_context>
chip_gen: v7x
topology: tpu7x:2x2x1
jax: 0.10.2.dev20260603
libtpu: 0.0.44.dev20260713+nightly
codegen_flags: <defaults>
</compile_context>

<pallas_src>
import functools

import jax
import jax.numpy as jnp
from jax import lax
from jax.experimental import pallas as pl
from jax.experimental.pallas import tpu as pltpu
from jax.experimental.pallas import tpu_sc as plsc

_V = 8192
_N = 2048
_NC = 2
_NS = 16
_NW = _NC * _NS
_W = 16
_GROUPS = _N // (_W * _NW)
_VA = 4096
_VB = _V - _VA - 1
_U = 8
_VB8 = (_VB // _U) * _U

_BISECT_ITERS = 6
_NEWTON_ITERS = 3

_mesh = plsc.VectorSubcoreMesh(core_axis_name="c", subcore_axis_name="s")


def _sweep(bufa, bufb, upd, merge, c0, c1):

    def body_a(i, c):
        c0, c1 = c
        base = i * _U
        for u in range(0, _U, 2):
            c0 = upd(bufa[base + u, :], c0)
            c1 = upd(bufa[base + u + 1, :], c1)
        return c0, c1

    def body_b(i, c):
        c0, c1 = c
        base = i * _U
        for u in range(0, _U, 2):
            c0 = upd(bufb[base + u, :], c0)
            c1 = upd(bufb[base + u + 1, :], c1)
        return c0, c1

    c0, c1 = lax.fori_loop(0, _VA // _U, body_a, (c0, c1))
    c0, c1 = lax.fori_loop(0, _VB8 // _U, body_b, (c0, c1))
    for j in range(_VB8, _VB):
        c0 = upd(bufb[j, :], c0)
    return jax.tree.map(merge, c0, c1)


@functools.partial(
    pl.kernel,
    mesh=_mesh,
    out_type=jax.ShapeDtypeStruct((_V, _N), jnp.float32),
    scratch_types=[
        pltpu.VMEM((_VA, _W), jnp.float32),
        pltpu.VMEM((_VB, _W), jnp.float32),
    ],
    compiler_params=pltpu.CompilerParams(use_tc_tiling_on_sc=False),
)
def _sc_sparsemax(x_hbm, out_hbm, bufa, bufb):
    wid = lax.axis_index("s") * _NC + lax.axis_index("c")

    def do_group(g, _):
        col0 = (wid * _GROUPS + g) * _W

        pltpu.sync_copy(x_hbm.at[pl.ds(_V - 1, 1), pl.ds(col0, _W)],
                        bufa.at[pl.ds(0, 1), :])
        xl = bufa[0, :]
        pltpu.sync_copy(x_hbm.at[pl.ds(0, _VA), pl.ds(col0, _W)], bufa)
        pltpu.sync_copy(x_hbm.at[pl.ds(_VA, _VB), pl.ds(col0, _W)], bufb)

        m = _sweep(bufa, bufb,
                   lambda v, acc: jnp.maximum(acc, v),
                   jnp.maximum, xl, xl)

        lo = m - 1.0
        hi = m
        for _ in range(_BISECT_ITERS):
            mid = 0.5 * (lo + hi)
            s = _sweep(bufa, bufb,
                       lambda v, acc: acc + jnp.maximum(v - mid, 0.0),
                       jnp.add,
                       jnp.maximum(xl - mid, 0.0), jnp.zeros_like(mid))
            go_right = s >= 1.0
            lo = jnp.where(go_right, mid, lo)
            hi = jnp.where(go_right, hi, mid)

        tau = lo
        for _ in range(_NEWTON_ITERS):
            def upd_fk(v, carry):
                f, k = carry
                r = jnp.maximum(v - tau, 0.0)
                return f + r, k + jnp.where(r > 0.0, 1.0, 0.0)

            z = jnp.zeros_like(tau)
            f, k = _sweep(bufa, bufb, upd_fk, jnp.add,
                          upd_fk(xl, (z, z)), (z, z))
            tau = tau + (f - 1.0) / k

        def out_a(i, _):
            base = i * _U
            for u in range(_U):
                bufa[base + u, :] = jnp.maximum(bufa[base + u, :] - tau, 0.0)
            return 0

        def out_b(i, _):
            base = i * _U
            for u in range(_U):
                bufb[base + u, :] = jnp.maximum(bufb[base + u, :] - tau, 0.0)
            return 0

        lax.fori_loop(0, _VA // _U, out_a, 0)
        lax.fori_loop(0, _VB8 // _U, out_b, 0)
        for j in range(_VB8, _VB):
            bufb[j, :] = jnp.maximum(bufb[j, :] - tau, 0.0)
        out_last = jnp.maximum(xl - tau, 0.0)

        pltpu.sync_copy(bufa, out_hbm.at[pl.ds(0, _VA), pl.ds(col0, _W)])
        pltpu.sync_copy(bufb, out_hbm.at[pl.ds(_VA, _VB), pl.ds(col0, _W)])
        bufa[0, :] = out_last
        pltpu.sync_copy(bufa.at[pl.ds(0, 1), :],
                        out_hbm.at[pl.ds(_V - 1, 1), pl.ds(col0, _W)])
        return 0

    lax.fori_loop(0, _GROUPS, do_group, 0)


@jax.jit
def kernel(x):
    return _sc_sparsemax(x)

# --- scband reference (transcript-rebuilt; emitter-appended) ---
"""Pipeline reference for scband-sparsemax-43602507989422 (READ-ONLY COPY).

The authoritative reference and input builder live on the scoring server;
editing this copy changes nothing except your own understanding.
"""

import jax, jax.numpy as jnp
import numpy as np


def setup_inputs(seed: int = 0) -> dict:
    key = jax.random.key(seed)
    x = jax.random.normal(key, (8192, 2048), dtype=jnp.float32)
    return {"x": x}


def reference(x):
    # Sparsemax (Martins & Astudillo, 2016), faithful to the torch module with dim=0.
    # With dim=0, transpose(0, dim) is the identity, so the reshape bookkeeping in the
    # original forward is exactly consistent.
    original_size = x.shape
    x2 = x.reshape(x.shape[0], -1)          # (V, M)
    x2 = x2.T                                # (M, V): rows are independent distributions
    x2 = x2 - jnp.max(x2, axis=1, keepdims=True)
    # descending sort along axis 1
    zs = -jnp.sort(-x2, axis=1)
    number_of_logits = x2.shape[1]
    rng = jnp.arange(1, number_of_logits + 1, dtype=x2.dtype).reshape(1, -1)
    bound = 1.0 + rng * zs
    cumulative_sum_zs = jnp.cumsum(zs, axis=1)
    is_gt = (bound > cumulative_sum_zs).astype(x2.dtype)
    k = jnp.max(is_gt * rng, axis=1, keepdims=True)
    zs_sparse = is_gt * zs
    taus = (jnp.sum(zs_sparse, axis=1, keepdims=True) - 1.0) / k
    output = jnp.maximum(jnp.zeros_like(x2), x2 - taus)
    output = output.T
    output = output.reshape(original_size)
    return output

if __name__ == "__main__":
    import jax
    _d = setup_inputs()
    print(jax.jit(kernel)(*tuple(_d.values())))

</pallas_src>

<mosaic_0001>
#map = affine_map<(d0, d1) -> (0, 0)>
module attributes {stable_mosaic.version = 14 : i64} {
  func.func @_sc_sparsemax(%arg0: i32, %arg1: i32, %arg2: memref<8192x2048xf32, #tpu.memory_space<hbm>>, %arg3: memref<8192x2048xf32, #tpu.memory_space<hbm>>, %arg4: memref<4096x16xf32, #tpu.memory_space<vmem>>, %arg5: memref<4095x16xf32, #tpu.memory_space<vmem>>) attributes {dimension_semantics = [#tpu.dimension_semantics<core_parallel>, #tpu.dimension_semantics<subcore_parallel>], iteration_bounds = array<i64: 2, 16>, scalar_prefetch = 0 : i64, scratch_operands = 2 : i64, tpu.core_type = #tpu.core_type<sc_vector_subcore>, window_params = [{transform_indices = #map}, {transform_indices = #map}]} {
    %mul3A = arith.constant 2 : i32
    %mul3A_0 = arith.muli %arg1, %mul3A : i32
    %add3A = arith.addi %mul3A_0, %arg0 : i32
    %scan3A = arith.constant 0 : i32
    %scan3A_1 = arith.constant 0 : i32
    %scan3A_2 = arith.constant 4 : i32
    %scan3A_3 = arith.addi %scan3A_1, %scan3A_2 : i32
    %scan3A_4 = arith.constant 1 : i32
    %scan3A_5 = scf.for %scan3A_7 = %scan3A_1 to %scan3A_3 step %scan3A_4 iter_args(%scan3A_8 = %scan3A) -> (i32)  : i32 {
      %mul3A_9 = arith.constant 4 : i32
      %mul3A_10 = arith.muli %add3A, %mul3A_9 : i32
      %add3A_11 = arith.addi %mul3A_10, %scan3A_7 : i32
      %mul3A_12 = arith.constant 16 : i32
      %mul3A_13 = arith.muli %add3A_11, %mul3A_12 : i32
      "tpu.region"() ({
        %run_scoped3A = tpu.sem_alloc : memref<!tpu.dma_semaphore, #tpu.memory_space<semaphore_mem>>
        %dma_start3A = arith.constant 0 : i32
        %dma_start3A_1289 = arith.constant 0 : i32
        %dma_start3A_1290 = tpu.memref_slice %arg4[%dma_start3A, %dma_start3A_1289] : memref<4096x16xf32, #tpu.memory_space<vmem>> -> memref<1x16xf32, #tpu.memory_space<vmem>>
        %dma_start3A_1291 = arith.constant 8191 : i32
        %dma_start3A_1292 = tpu.memref_slice %arg2[%dma_start3A_1291, %mul3A_13] : memref<8192x2048xf32, #tpu.memory_space<hbm>> -> memref<1x16xf32, #tpu.memory_space<hbm>>
        %dma_start3A_1293 = arith.constant 0 : i32
        %dma_start3A_1294 = arith.constant 0 : i32
        %dma_start3A_1295 = tpu.memref_slice %arg4[%dma_start3A_1293, %dma_start3A_1294] : memref<4096x16xf32, #tpu.memory_space<vmem>> -> memref<1x16xf32, #tpu.memory_space<vmem>>
        %dma_start3A_1296 = arith.constant 8191 : i32
        %dma_start3A_1297 = tpu.memref_slice %arg2[%dma_start3A_1296, %mul3A_13] : memref<8192x2048xf32, #tpu.memory_space<hbm>> -> memref<1x16xf32, #tpu.memory_space<hbm>>
        tpu.enqueue_dma source(%dma_start3A_1297 : memref<1x16xf32, #tpu.memory_space<hbm>>) target(%dma_start3A_1295 : memref<1x16xf32, #tpu.memory_space<vmem>>) target_semaphore(%run_scoped3A : memref<!tpu.dma_semaphore, #tpu.memory_space<semaphore_mem>>)
        %dma_wait3A = arith.constant 0 : i32
        %dma_wait3A_1298 = arith.constant 0 : i32
        %dma_wait3A_1299 = tpu.memref_slice %arg4[%dma_wait3A, %dma_wait3A_1298] : memref<4096x16xf32, #tpu.memory_space<vmem>> -> memref<1x16xf32, #tpu.memory_space<vmem>>
        %dma_wait3A_1300 = arith.constant 8191 : i32
        %dma_wait3A_1301 = tpu.memref_slice %arg2[%dma_wait3A_1300, %mul3A_13] : memref<8192x2048xf32, #tpu.memory_space<hbm>> -> memref<1x16xf32, #tpu.memory_space<hbm>>
        %dma_wait3A_1302 = arith.constant 0 : i32
        %dma_wait3A_1303 = arith.constant 0 : i32
        %dma_wait3A_1304 = tpu.memref_slice %arg4[%dma_wait3A_1302, %dma_wait3A_1303] : memref<4096x16xf32, #tpu.memory_space<vmem>> -> memref<1x16xf32, #tpu.memory_space<vmem>>
        %dma_wait3A_1305 = arith.constant 8191 : i32
        %dma_wait3A_1306 = tpu.memref_slice %arg2[%dma_wait3A_1305, %mul3A_13] : memref<8192x2048xf32, #tpu.memory_space<hbm>> -> memref<1x16xf32, #tpu.memory_space<hbm>>
        tpu.wait_dma2 semaphore(%run_scoped3A : memref<!tpu.dma_semaphore, #tpu.memory_space<semaphore_mem>>) src(%dma_wait3A_1306 : memref<1x16xf32, #tpu.memory_space<hbm>>) dst(%dma_wait3A_1304 : memref<1x16xf32, #tpu.memory_space<vmem>>)
        tpu.yield
      }) : () -> ()
      %get3A = arith.constant 0 : i32
      %get3A_14 = arith.index_cast %get3A : i32 to index
      %get3A_15 = arith.constant 0 : index
      %get3A_16 = tpu.vector_load %arg4[%get3A_14, %get3A_15] {strides = array<i32>} : memref<4096x16xf32, #tpu.memory_space<vmem>>, vector<1x16xf32>,
      %get3A_17 = vector.shape_cast %get3A_16 : vector<1x16xf32> to vector<16xf32>
      "tpu.region"() ({
        %run_scoped3A = tpu.sem_alloc : memref<!tpu.dma_semaphore, #tpu.memory_space<semaphore_mem>>
        %dma_start3A = arith.constant 0 : i32
        %dma_start3A_1289 = tpu.memref_slice %arg2[%dma_start3A, %mul3A_13] : memref<8192x2048xf32, #tpu.memory_space<hbm>> -> memref<4096x16xf32, #tpu.memory_space<hbm>>
        %dma_start3A_1290 = arith.constant 0 : i32
        %dma_start3A_1291 = tpu.memref_slice %arg2[%dma_start3A_1290, %mul3A_13] : memref<8192x2048xf32, #tpu.memory_space<hbm>> -> memref<4096x16xf32, #tpu.memory_space<hbm>>
        tpu.enqueue_dma source(%dma_start3A_1291 : memref<4096x16xf32, #tpu.memory_space<hbm>>) target(%arg4 : memref<4096x16xf32, #tpu.memory_space<vmem>>) target_semaphore(%run_scoped3A : memref<!tpu.dma_semaphore, #tpu.memory_space<semaphore_mem>>)
        %dma_wait3A = arith.constant 0 : i32
        %dma_wait3A_1292 = tpu.memref_slice %arg2[%dma_wait3A, %mul3A_13] : memref<8192x2048xf32, #tpu.memory_space<hbm>> -> memref<4096x16xf32, #tpu.memory_space<hbm>>
        %dma_wait3A_1293 = arith.constant 0 : i32
        %dma_wait3A_1294 = tpu.memref_slice %arg2[%dma_wait3A_1293, %mul3A_13] : memref<8192x2048xf32, #tpu.memory_space<hbm>> -> memref<4096x16xf32, #tpu.memory_space<hbm>>
        tpu.wait_dma2 semaphore(%run_scoped3A : memref<!tpu.dma_semaphore, #tpu.memory_space<semaphore_mem>>) src(%dma_wait3A_1294 : memref<4096x16xf32, #tpu.memory_space<hbm>>) dst(%arg4 : memref<4096x16xf32, #tpu.memory_space<vmem>>)
        tpu.yield
      }) : () -> ()
      "tpu.region"() ({
        %run_scoped3A = tpu.sem_alloc : memref<!tpu.dma_semaphore, #tpu.memory_space<semaphore_mem>>
        %dma_start3A = arith.constant 4096 : i32
        %dma_start3A_1289 = tpu.memref_slice %arg2[%dma_start3A, %mul3A_13] : memref<8192x2048xf32, #tpu.memory_space<hbm>> -> memref<4095x16xf32, #tpu.memory_space<hbm>>
        %dma_start3A_1290 = arith.constant 4096 : i32
        %dma_start3A_1291 = tpu.memref_slice %arg2[%dma_start3A_1290, %mul3A_13] : memref<8192x2048xf32, #tpu.memory_space<hbm>> -> memref<4095x16xf32, #tpu.memory_space<hbm>>
        tpu.enqueue_dma source(%dma_start3A_1291 : memref<4095x16xf32, #tpu.memory_space<hbm>>) target(%arg5 : memref<4095x16xf32, #tpu.memory_space<vmem>>) target_semaphore(%run_scoped3A : memref<!tpu.dma_semaphore, #tpu.memory_space<semaphore_mem>>)
        %dma_wait3A = arith.constant 4096 : i32
        %dma_wait3A_1292 = tpu.memref_slice %arg2[%dma_wait3A, %mul3A_13] : memref<8192x2048xf32, #tpu.memory_space<hbm>> -> memref<4095x16xf32, #tpu.memory_space<hbm>>
        %dma_wait3A_1293 = arith.constant 4096 : i32
        %dma_wait3A_1294 = tpu.memref_slice %arg2[%dma_wait3A_1293, %mul3A_13] : memref<8192x2048xf32, #tpu.memory_space<hbm>> -> memref<4095x16xf32, #tpu.memory_space<hbm>>
        tpu.wait_dma2 semaphore(%run_scoped3A : memref<!tpu.dma_semaphore, #tpu.memory_space<semaphore_mem>>) src(%dma_wait3A_1294 : memref<4095x16xf32, #tpu.memory_space<hbm>>) dst(%arg5 : memref<4095x16xf32, #tpu.memory_space<vmem>>)
        tpu.yield
      }) : () -> ()
      %scan3A_18 = arith.constant 0 : i32
      %scan3A_19 = arith.constant 512 : i32
      %scan3A_20 = arith.addi %scan3A_18, %scan3A_19 : i32
      %scan3A_21 = arith.constant 1 : i32
      %scan3A_22:2 = scf.for %scan3A_1289 = %scan3A_18 to %scan3A_20 step %scan3A_21 iter_args(%scan3A_1290 = %get3A_17, %scan3A_1291 = %get3A_17) -> (vector<16xf32>, vector<16xf32>)  : i32 {
        %mul3A_1292 = arith.constant 8 : i32
        %mul3A_1293 = arith.muli %scan3A_1289, %mul3A_1292 : i32
        %add3A_1294 = arith.constant 0 : i32
        %add3A_1295 = arith.addi %mul3A_1293, %add3A_1294 : i32
        %get3A_1296 = arith.index_cast %add3A_1295 : i32 to index
        %get3A_1297 = arith.constant 0 : index
        %get3A_1298 = tpu.vector_load %arg4[%get3A_1296, %get3A_1297] {strides = array<i32>} : memref<4096x16xf32, #tpu.memory_space<vmem>>, vector<1x16xf32>,
        %get3A_1299 = vector.shape_cast %get3A_1298 : vector<1x16xf32> to vector<16xf32>
        %max3A_1300 = arith.maximumf %scan3A_1290, %get3A_1299 : vector<16xf32>
        %add3A_1301 = arith.constant 0 : i32
        %add3A_1302 = arith.addi %mul3A_1293, %add3A_1301 : i32
        %add3A_1303 = arith.constant 1 : i32
        %add3A_1304 = arith.addi %add3A_1302, %add3A_1303 : i32
        %get3A_1305 = arith.index_cast %add3A_1304 : i32 to index
        %get3A_1306 = arith.constant 0 : index
        %get3A_1307 = tpu.vector_load %arg4[%get3A_1305, %get3A_1306] {strides = array<i32>} : memref<4096x16xf32, #tpu.memory_space<vmem>>, vector<1x16xf32>,
        %get3A_1308 = vector.shape_cast %get3A_1307 : vector<1x16xf32> to vector<16xf32>
        %max3A_1309 = arith.maximumf %scan3A_1291, %get3A_1308 : vector<16xf32>
        %add3A_1310 = arith.constant 2 : i32
        %add3A_1311 = arith.addi %mul3A_1293, %add3A_1310 : i32
        %get3A_1312 = arith.index_cast %add3A_1311 : i32 to index
        %get3A_1313 = arith.constant 0 : index
        %get3A_1314 = tpu.vector_load %arg4[%get3A_1312, %get3A_1313] {strides = array<i32>} : memref<4096x16xf32, #tpu.memory_space<vmem>>, vector<1x16xf32>,
        %get3A_1315 = vector.shape_cast %get3A_1314 : vector<1x16xf32> to vector<16xf32>
        %max3A_1316 = arith.maximumf %max3A_1300, %get3A_1315 : vector<16xf32>
        %add3A_1317 = arith.constant 2 : i32
        %add3A_1318 = arith.addi %mul3A_1293, %add3A_1317 : i32
        %add3A_1319 = arith.constant 1 : i32
        %add3A_1320 = arith.addi %add3A_1318, %add3A_1319 : i32
        %get3A_1321 = arith.index_cast %add3A_1320 : i32 to index
        %get3A_1322 = arith.constant 0 : index
        %get3A_1323 = tpu.vector_load %arg4[%get3A_1321, %get3A_1322] {strides = array<i32>} : memref<4096x16xf32, #tpu.memory_space<vmem>>, vector<1x16xf32>,
        %get3A_1324 = vector.shape_cast %get3A_1323 : vector<1x16xf32> to vector<16xf32>
        %max3A_1325 = arith.maximumf %max3A_1309, %get3A_1324 : vector<16xf32>
        %add3A_1326 = arith.constant 4 : i32
        %add3A_1327 = arith.addi %mul3A_1293, %add3A_1326 : i32
        %get3A_1328 = arith.index_cast %add3A_1327 : i32 to index
        %get3A_1329 = arith.constant 0 : index
        %get3A_1330 = tpu.vector_load %arg4[%get3A_1328, %get3A_1329] {strides = array<i32>} : memref<4096x16xf32, #tpu.memory_space<vmem>>, vector<1x16xf32>,
        %get3A_1331 = vector.shape_cast %get3A_1330 : vector<1x16xf32> to vector<16xf32>
        %max3A_1332 = arith.maximumf %max3A_1316, %get3A_1331 : vector<16xf32>
        %add3A_1333 = arith.constant 4 : i32
        %add3A_1334 = arith.addi %mul3A_1293, %add3A_1333 : i32
        %add3A_1335 = arith.constant 1 : i32
        %add3A_1336 = arith.addi %add3A_1334, %add3A_1335 : i32
        %get3A_1337 = arith.index_cast %add3A_1336 : i32 to index
        %get3A_1338 = arith.constant 0 : index
        %get3A_1339 = tpu.vector_load %arg4[%get3A_1337, %get3A_1338] {strides = array<i32>} : memref<4096x16xf32, #tpu.memory_space<vmem>>, vector<1x16xf32>,
        %get3A_1340 = vector.shape_cast %get3A_1339 : vector<1x16xf32> to vector<16xf32>
        %max3A_1341 = arith.maximumf %max3A_1325, %get3A_1340 : vector<16xf32>
        %add3A_1342 = arith.constant 6 : i32
        %add3A_1343 = arith.addi %mul3A_1293, %add3A_1342 : i32
        %get3A_1344 = arith.index_cast %add3A_1343 : i32 to index
        %get3A_1345 = arith.constant 0 : index
        %get3A_1346 = tpu.vector_load %arg4[%get3A_1344, %get3A_1345] {strides = array<i32>} : memref<4096x16xf32, #tpu.memory_space<vmem>>, vector<1x16xf32>,
        %get3A_1347 = vector.shape_cast %get3A_1346 : vector<1x16xf32> to vector<16xf32>
        %max3A_1348 = arith.maximumf %max3A_1332, %get3A_1347 : vector<16xf32>
        %add3A_1349 = arith.constant 6 : i32
        %add3A_1350 = arith.addi %mul3A_1293, %add3A_1349 : i32
        %add3A_1351 = arith.constant 1 : i32
        %add3A_1352 = arith.addi %add3A_1350, %add3A_1351 : i32
        %get3A_1353 = arith.index_cast %add3A_1352 : i32 to index
        %get3A_1354 = arith.constant 0 : index
        %get3A_1355 = tpu.vector_load %arg4[%get3A_1353, %get3A_1354] {strides = array<i32>} : memref<4096x16xf32, #tpu.memory_space<vmem>>, vector<1x16xf32>,
        %get3A_1356 = vector.shape_cast %get3A_1355 : vector<1x16xf32> to vector<16xf32>
        %max3A_1357 = arith.maximumf %max3A_1341, %get3A_1356 : vector<16xf32>
        scf.yield %max3A_1348, %max3A_1357 : vector<16xf32>, vector<16xf32>
      }
      %scan3A_23 = arith.constant 512 : i32
      %scan3A_24 = arith.constant 0 : i32
      %scan3A_25 = arith.constant 511 : i32
      %scan3A_26 = arith.addi %scan3A_24, %scan3A_25 : i32
      %scan3A_27 = arith.constant 1 : i32
      %scan3A_28:2 = scf.for %scan3A_1289 = %scan3A_24 to %scan3A_26 step %scan3A_27 iter_args(%scan3A_1290 = %scan3A_22#0, %scan3A_1291 = %scan3A_22#1) -> (vector<16xf32>, vector<16xf32>)  : i32 {
        %mul3A_1292 = arith.constant 8 : i32
        %mul3A_1293 = arith.muli %scan3A_1289, %mul3A_1292 : i32
        %add3A_1294 = arith.constant 0 : i32
        %add3A_1295 = arith.addi %mul3A_1293, %add3A_1294 : i32
        %get3A_1296 = arith.index_cast %add3A_1295 : i32 to index
        %get3A_1297 = arith.constant 0 : index
        %get3A_1298 = tpu.vector_load %arg5[%get3A_1296, %get3A_1297] {strides = array<i32>} : memref<4095x16xf32, #tpu.memory_space<vmem>>, vector<1x16xf32>,
        %get3A_1299 = vector.shape_cast %get3A_1298 : vector<1x16xf32> to vector<16xf32>
        %max3A_1300 = arith.maximumf %scan3A_1290, %get3A_1299 : vector<16xf32>
        %add3A_1301 = arith.constant 0 : i32
        %add3A_1302 = arith.addi %mul3A_1293, %add3A_1301 : i32
        %add3A_1303 = arith.constant 1 : i32
        %add3A_1304 = arith.addi %add3A_1302, %add3A_1303 : i32
        %get3A_1305 = arith.index_cast %add3A_1304 : i32 to index
        %get3A_1306 = arith.constant 0 : index
        %get3A_1307 = tpu.vector_load %arg5[%get3A_1305, %get3A_1306] {strides = array<i32>} : memref<4095x16xf32, #tpu.memory_space<vmem>>, vector<1x16xf32>,
        %get3A_1308 = vector.shape_cast %get3A_1307 : vector<1x16xf32> to vector<16xf32>
        %max3A_1309 = arith.maximumf %scan3A_1291, %get3A_1308 : vector<16xf32>
        %add3A_1310 = arith.constant 2 : i32
        %add3A_1311 = arith.addi %mul3A_1293, %add3A_1310 : i32
        %get3A_1312 = arith.index_cast %add3A_1311 : i32 to index
        %get3A_1313 = arith.constant 0 : index
        %get3A_1314 = tpu.vector_load %arg5[%get3A_1312, %get3A_1313] {strides = array<i32>} : memref<4095x16xf32, #tpu.memory_space<vmem>>, vector<1x16xf32>,
        %get3A_1315 = vector.shape_cast %get3A_1314 : vector<1x16xf32> to vector<16xf32>
        %max3A_1316 = arith.maximumf %max3A_1300, %get3A_1315 : vector<16xf32>
        %add3A_1317 = arith.constant 2 : i32
        %add3A_1318 = arith.addi %mul3A_1293, %add3A_1317 : i32
        %add3A_1319 = arith.constant 1 : i32
        %add3A_1320 = arith.addi %add3A_1318, %add3A_1319 : i32
        %get3A_1321 = arith.index_cast %add3A_1320 : i32 to index
        %get3A_1322 = arith.constant 0 : index
        %get3A_1323 = tpu.vector_load %arg5[%get3A_1321, %get3A_1322] {strides = array<i32>} : memref<4095x16xf32, #tpu.memory_space<vmem>>, vector<1x16xf32>,
        %get3A_1324 = vector.shape_cast %get3A_1323 : vector<1x16xf32> to vector<16xf32>
        %max3A_1325 = arith.maximumf %max3A_1309, %get3A_1324 : vector<16xf32>
        %add3A_1326 = arith.constant 4 : i32
        %add3A_1327 = arith.addi %mul3A_1293, %add3A_1326 : i32
        %get3A_1328 = arith.index_cast %add3A_1327 : i32 to index
        %get3A_1329 = arith.constant 0 : index
        %get3A_1330 = tpu.vector_load %arg5[%get3A_1328, %get3A_1329] {strides = array<i32>} : memref<4095x16xf32, #tpu.memory_space<vmem>>, vector<1x16xf32>,
        %get3A_1331 = vector.shape_cast %get3A_1330 : vector<1x16xf32> to vector<16xf32>
        %max3A_1332 = arith.maximumf %max3A_1316, %get3A_1331 : vector<16xf32>
        %add3A_1333 = arith.constant 4 : i32
        %add3A_1334 = arith.addi %mul3A_1293, %add3A_1333 : i32
        %add3A_1335 = arith.constant 1 : i32
        %add3A_1336 = arith.addi %add3A_1334, %add3A_1335 : i32
        %get3A_1337 = arith.index_cast %add3A_1336 : i32 to index
        %get3A_1338 = arith.constant 0 : index
        %get3A_1339 = tpu.vector_load %arg5[%get3A_1337, %get3A_1338] {strides = array<i32>} : memref<4095x16xf32, #tpu.memory_space<vmem>>, vector<1x16xf32>,
        %get3A_1340 = vector.shape_cast %get3A_1339 : vector<1x16xf32> to vector<16xf32>
        %max3A_1341 = arith.maximumf %max3A_1325, %get3A_1340 : vector<16xf32>
        %add3A_1342 = arith.constant 6 : i32
        %add3A_1343 = arith.addi %mul3A_1293, %add3A_1342 : i32
        %get3A_1344 = arith.index_cast %add3A_1343 : i32 to index
        %get3A_1345 = arith.constant 0 : index
        %get3A_1346 = tpu.vector_load %arg5[%get3A_1344, %get3A_1345] {strides = array<i32>} : memref<4095x16xf32, #tpu.memory_space<vmem>>, vector<1x16xf32>,
        %get3A_1347 = vector.shape_cast %get3A_1346 : vector<1x16xf32> to vector<16xf32>
        %max3A_1348 = arith.maximumf %max3A_1332, %get3A_1347 : vector<16xf32>
        %add3A_1349 = arith.constant 6 : i32
        %add3A_1350 = arith.addi %mul3A_1293, %add3A_1349 : i32
        %add3A_1351 = arith.constant 1 : i32
        %add3A_1352 = arith.addi %add3A_1350, %add3A_1351 : i32
        %get3A_1353 = arith.index_cast %add3A_1352 : i32 to index
        %get3A_1354 = arith.constant 0 : index
        %get3A_1355 = tpu.vector_load %arg5[%get3A_1353, %get3A_1354] {strides = array<i32>} : memref<4095x16xf32, #tpu.memory_space<vmem>>, vector<1x16xf32>,
        %get3A_1356 = vector.shape_cast %get3A_1355 : vector<1x16xf32> to vector<16xf32>
        %max3A_1357 = arith.maximumf %max3A_1341, %get3A_1356 : vector<16xf32>
        scf.yield %max3A_1348, %max3A_1357 : vector<16xf32>, vector<16xf32>
      }
      %scan3A_29 = arith.constant 511 : i32
      %get3A_30 = arith.constant 4088 : i32
      %get3A_31 = arith.index_cast %get3A_30 : i32 to index
      %get3A_32 = arith.constant 0 : index
      %get3A_33 = tpu.vector_load %arg5[%get3A_31, %get3A_32] {strides = array<i32>} : memref<4095x16xf32, #tpu.memory_space<vmem>>, vector<1x16xf32>,
      %get3A_34 = vector.shape_cast %get3A_33 : vector<1x16xf32> to vector<16xf32>
      %max3A = arith.maximumf %scan3A_28#0, %get3A_34 : vector<16xf32>
      %get3A_35 = arith.constant 4089 : i32
      %get3A_36 = arith.index_cast %get3A_35 : i32 to index
      %get3A_37 = arith.constant 0 : index
      %get3A_38 = tpu.vector_load %arg5[%get3A_36, %get3A_37] {strides = array<i32>} : memref<4095x16xf32, #tpu.memory_space<vmem>>, vector<1x16xf32>,
      %get3A_39 = vector.shape_cast %get3A_38 : vector<1x16xf32> to vector<16xf32>
      %max3A_40 = arith.maximumf %max3A, %get3A_39 : vector<16xf32>
      %get3A_41 = arith.constant 4090 : i32
      %get3A_42 = arith.index_cast %get3A_41 : i32 to index
      %get3A_43 = arith.constant 0 : index
      %get3A_44 = tpu.vector_load %arg5[%get3A_42, %get3A_43] {strides = array<i32>} : memref<4095x16xf32, #tpu.memory_space<vmem>>, vector<1x16xf32>,
      %get3A_45 = vector.shape_cast %get3A_44 : vector<1x16xf32> to vector<16xf32>
      %max3A_46 = arith.maximumf %max3A_40, %get3A_45 : vector<16xf32>
      %get3A_47 = arith.constant 4091 : i32
      %get3A_48 = arith.index_cast %get3A_47 : i32 to index
      %get3A_49 = arith.constant 0 : index
      %get3A_50 = tpu.vector_load %arg5[%get3A_48, %get3A_49] {strides = array<i32>} : memref<4095x16xf32, #tpu.memory_space<vmem>>, vector<1x16xf32>,
      %get3A_51 = vector.shape_cast %get3A_50 : vector<1x16xf32> to vector<16xf32>
      %max3A_52 = arith.maximumf %max3A_46, %get3A_51 : vector<16xf32>
      %get3A_53 = arith.constant 4092 : i32
      %get3A_54 = arith.index_cast %get3A_53 : i32 to index
      %get3A_55 = arith.constant 0 : index
      %get3A_56 = tpu.vector_load %arg5[%get3A_54, %get3A_55] {strides = array<i32>} : memref<4095x16xf32, #tpu.memory_space<vmem>>, vector<1x16xf32>,
      %get3A_57 = vector.shape_cast %get3A_56 : vector<1x16xf32> to vector<16xf32>
      %max3A_58 = arith.maximumf %max3A_52, %get3A_57 : vector<16xf32>
      %get3A_59 = arith.constant 4093 : i32
      %get3A_60 = arith.index_cast %get3A_59 : i32 to index
      %get3A_61 = arith.constant 0 : index
      %get3A_62 = tpu.vector_load %arg5[%get3A_60, %get3A_61] {strides = array<i32>} : memref<4095x16xf32, #tpu.memory_space<vmem>>, vector<1x16xf32>,
      %get3A_63 = vector.shape_cast %get3A_62 : vector<1x16xf32> to vector<16xf32>
      %max3A_64 = arith.maximumf %max3A_58, %get3A_63 : vector<16xf32>
      %get3A_65 = arith.constant 4094 : i32
      %get3A_66 = arith.index_cast %get3A_65 : i32 to index
      %get3A_67 = arith.constant 0 : index
      %get3A_68 = tpu.vector_load %arg5[%get3A_66, %get3A_67] {strides = array<i32>} : memref<4095x16xf32, #tpu.memory_space<vmem>>, vector<1x16xf32>,
      %get3A_69 = vector.shape_cast %get3A_68 : vector<1x16xf32> to vector<16xf32>
      %max3A_70 = arith.maximumf %max3A_64, %get3A_69 : vector<16xf32>
      %max3A_71 = arith.maximumf %max3A_70, %scan3A_28#1 : vector<16xf32>
      %sub3A = arith.constant 1.000000e+00 : f32
      %sub3A_72 = vector.broadcast %sub3A : f32 to vector<16xf32>
      %sub3A_73 = arith.subf %max3A_71, %sub3A_72 : vector<16xf32>
      %add3A_74 = arith.addf %sub3A_73, %max3A_71 : vector<16xf32>
      %mul3A_75 = arith.constant 5.000000e-01 : f32
      %mul3A_76 = vector.broadcast %mul3A_75 : f32 to vector<16xf32>
      %mul3A_77 = arith.mulf %mul3A_76, %add3A_74 : vector<16xf32>
      %sub3A_78 = arith.subf %get3A_17, %mul3A_77 : vector<16xf32>
      %max3A_79 = arith.constant 0.000000e+00 : f32
      %max3A_80 = vector.broadcast %max3A_79 : f32 to vector<16xf32>
      %max3A_81 = arith.maximumf %sub3A_78, %max3A_80 : vector<16xf32>
      %broadcast_in_dim3A = arith.constant 0.000000e+00 : f32
      %broadcast_in_dim3A_82 = vector.broadcast %broadcast_in_dim3A : f32 to vector<16xf32>
      %scan3A_83 = arith.constant 0 : i32
      %scan3A_84 = arith.constant 512 : i32
      %scan3A_85 = arith.addi %scan3A_83, %scan3A_84 : i32
      %scan3A_86 = arith.constant 1 : i32
      %scan3A_87:2 = scf.for %scan3A_1289 = %scan3A_83 to %scan3A_85 step %scan3A_86 iter_args(%scan3A_1290 = %max3A_81, %scan3A_1291 = %broadcast_in_dim3A_82) -> (vector<16xf32>, vector<16xf32>)  : i32 {
        %mul3A_1292 = arith.constant 8 : i32
        %mul3A_1293 = arith.muli %scan3A_1289, %mul3A_1292 : i32
        %add3A_1294 = arith.constant 0 : i32
        %add3A_1295 = arith.addi %mul3A_1293, %add3A_1294 : i32
        %get3A_1296 = arith.index_cast %add3A_1295 : i32 to index
        %get3A_1297 = arith.constant 0 : index
        %get3A_1298 = tpu.vector_load %arg4[%get3A_1296, %get3A_1297] {strides = array<i32>} : memref<4096x16xf32, #tpu.memory_space<vmem>>, vector<1x16xf32>,
        %get3A_1299 = vector.shape_cast %get3A_1298 : vector<1x16xf32> to vector<16xf32>
        %sub3A_1300 = arith.subf %get3A_1299, %mul3A_77 : vector<16xf32>
        %max3A_1301 = arith.constant 0.000000e+00 : f32
        %max3A_1302 = vector.broadcast %max3A_1301 : f32 to vector<16xf32>
        %max3A_1303 = arith.maximumf %sub3A_1300, %max3A_1302 : vector<16xf32>
        %add3A_1304 = arith.addf %scan3A_1290, %max3A_1303 : vector<16xf32>
        %add3A_1305 = arith.constant 0 : i32
        %add3A_1306 = arith.addi %mul3A_1293, %add3A_1305 : i32
        %add3A_1307 = arith.constant 1 : i32
        %add3A_1308 = arith.addi %add3A_1306, %add3A_1307 : i32
        %get3A_1309 = arith.index_cast %add3A_1308 : i32 to index
        %get3A_1310 = arith.constant 0 : index
        %get3A_1311 = tpu.vector_load %arg4[%get3A_1309, %get3A_1310] {strides = array<i32>} : memref<4096x16xf32, #tpu.memory_space<vmem>>, vector<1x16xf32>,
        %get3A_1312 = vector.shape_cast %get3A_1311 : vector<1x16xf32> to vector<16xf32>
        %sub3A_1313 = arith.subf %get3A_1312, %mul3A_77 : vector<16xf32>
        %max3A_1314 = arith.constant 0.000000e+00 : f32
        %max3A_1315 = vector.broadcast %max3A_1314 : f32 to vector<16xf32>
        %max3A_1316 = arith.maximumf %sub3A_1313, %max3A_1315 : vector<16xf32>
        %add3A_1317 = arith.addf %scan3A_1291, %max3A_1316 : vector<16xf32>
        %add3A_1318 = arith.constant 2 : i32
        %add3A_1319 = arith.addi %mul3A_1293, %add3A_1318 : i32
        %get3A_1320 = arith.index_cast %add3A_1319 : i32 to index
        %get3A_1321 = arith.constant 0 : index
        %get3A_1322 = tpu.vector_load %arg4[%get3A_1320, %get3A_1321] {strides = array<i32>} : memref<4096x16xf32, #tpu.memory_space<vmem>>, vector<1x16xf32>,
        %get3A_1323 = vector.shape_cast %get3A_1322 : vector<1x16xf32> to vector<16xf32>
        %sub3A_1324 = arith.subf %get3A_1323, %mul3A_77 : vector<16xf32>
        %max3A_1325 = arith.constant 0.000000e+00 : f32
        %max3A_1326 = vector.broadcast %max3A_1325 : f32 to vector<16xf32>
        %max3A_1327 = arith.maximumf %sub3A_1324, %max3A_1326 : vector<16xf32>
        %add3A_1328 = arith.addf %add3A_1304, %max3A_1327 : vector<16xf32>
        %add3A_1329 = arith.constant 2 : i32
        %add3A_1330 = arith.addi %mul3A_1293, %add3A_1329 : i32
        %add3A_1331 = arith.constant 1 : i32
        %add3A_1332 = arith.addi %add3A_1330, %add3A_1331 : i32
        %get3A_1333 = arith.index_cast %add3A_1332 : i32 to index
        %get3A_1334 = arith.constant 0 : index
        %get3A_1335 = tpu.vector_load %arg4[%get3A_1333, %get3A_1334] {strides = array<i32>} : memref<4096x16xf32, #tpu.memory_space<vmem>>, vector<1x16xf32>,
        %get3A_1336 = vector.shape_cast %get3A_1335 : vector<1x16xf32> to vector<16xf32>
        %sub3A_1337 = arith.subf %get3A_1336, %mul3A_77 : vector<16xf32>
        %max3A_1338 = arith.constant 0.000000e+00 : f32
        %max3A_1339 = vector.broadcast %max3A_1338 : f32 to vector<16xf32>
        %max3A_1340 = arith.maximumf %sub3A_1337, %max3A_1339 : vector<16xf32>
        %add3A_1341 = arith.addf %add3A_1317, %max3A_1340 : vector<16xf32>
        %add3A_1342 = arith.constant 4 : i32
        %add3A_1343 = arith.addi %mul3A_1293, %add3A_1342 : i32
        %get3A_1344 = arith.index_cast %add3A_1343 : i32 to index
        %get3A_1345 = arith.constant 0 : index
        %get3A_1346 = tpu.vector_load %arg4[%get3A_1344, %get3A_1345] {strides = array<i32>} : memref<4096x16xf32, #tpu.memory_space<vmem>>, vector<1x16xf32>,
        %get3A_1347 = vector.shape_cast %get3A_1346 : vector<1x16xf32> to vector<16xf32>
        %sub3A_1348 = arith.subf %get3A_1347, %mul3A_77 : vector<16xf32>
        %max3A_1349 = arith.constant 0.000000e+00 : f32
        %max3A_1350 = vector.broadcast %max3A_1349 : f32 to vector<16xf32>
        %max3A_1351 = arith.maximumf %sub3A_1348, %max3A_1350 : vector<16xf32>
        %add3A_1352 = arith.addf %add3A_1328, %max3A_1351 : vector<16xf32>
        %add3A_1353 = arith.constant 4 : i32
        %add3A_1354 = arith.addi %mul3A_1293, %add3A_1353 : i32
        %add3A_1355 = arith.constant 1 : i32
        %add3A_1356 = arith.addi %add3A_1354, %add3A_1355 : i32
        %get3A_1357 = arith.index_cast %add3A_1356 : i32 to index
        %get3A_1358 = arith.constant 0 : index
        %get3A_1359 = tpu.vector_load %arg4[%get3A_1357, %get3A_1358] {strides = array<i32>} : memref<4096x16xf32, #tpu.memory_space<vmem>>, vector<1x16xf32>,
        %get3A_1360 = vector.shape_cast %get3A_1359 : vector<1x16xf32> to vector<16xf32>
        %sub3A_1361 = arith.subf %get3A_1360, %mul3A_77 : vector<16xf32>
        %max3A_1362 = arith.constant 0.000000e+00 : f32
        %max3A_1363 = vector.broadcast %max3A_1362 : f32 to vector<16xf32>
        %max3A_1364 = arith.maximumf %sub3A_1361, %max3A_1363 : vector<16xf32>
        %add3A_1365 = arith.addf %add3A_1341, %max3A_1364 : vector<16xf32>
        %add3A_1366 = arith.constant 6 : i32
        %add3A_1367 = arith.addi %mul3A_1293, %add3A_1366 : i32
        %get3A_1368 = arith.index_cast %add3A_1367 : i32 to index
        %get3A_1369 = arith.constant 0 : index
        %get3A_1370 = tpu.vector_load %arg4[%get3A_1368, %get3A_1369] {strides = array<i32>} : memref<4096x16xf32, #tpu.memory_space<vmem>>, vector<1x16xf32>,
        %get3A_1371 = vector.shape_cast %get3A_1370 : vector<1x16xf32> to vector<16xf32>
        %sub3A_1372 = arith.subf %get3A_1371, %mul3A_77 : vector<16xf32>
        %max3A_1373 = arith.constant 0.000000e+00 : f32
        %max3A_1374 = vector.broadcast %max3A_1373 : f32 to vector<16xf32>
        %max3A_1375 = arith.maximumf %sub3A_1372, %max3A_1374 : vector<16xf32>
        %add3A_1376 = arith.addf %add3A_1352, %max3A_1375 : vector<16xf32>
        %add3A_1377 = arith.constant 6 : i32
        %add3A_1378 = arith.addi %mul3A_1293, %add3A_1377 : i32
        %add3A_1379 = arith.constant 1 : i32
        %add3A_1380 = arith.addi %add3A_1378, %add3A_1379 : i32
        %get3A_1381 = arith.index_cast %add3A_1380 : i32 to index
        %get3A_1382 = arith.constant 0 : index
        %get3A_1383 = tpu.vector_load %arg4[%get3A_1381, %get3A_1382] {strides = array<i32>} : memref<4096x16xf32, #tpu.memory_space<vmem>>, vector<1x16xf32>,
        %get3A_1384 = vector.shape_cast %get3A_1383 : vector<1x16xf32> to vector<16xf32>
        %sub3A_1385 = arith.subf %get3A_1384, %mul3A_77 : vector<16xf32>
        %max3A_1386 = arith.constant 0.000000e+00 : f32
        %max3A_1387 = vector.broadcast %max3A_1386 : f32 to vector<16xf32>
        %max3A_1388 = arith.maximumf %sub3A_1385, %max3A_1387 : vector<16xf32>
        %add3A_1389 = arith.addf %add3A_1365, %max3A_1388 : vector<16xf32>
        scf.yield %add3A_1376, %add3A_1389 : vector<16xf32>, vector<16xf32>
      }
      %scan3A_88 = arith.constant 512 : i32
      %scan3A_89 = arith.constant 0 : i32
      %scan3A_90 = arith.constant 511 : i32
      %scan3A_91 = arith.addi %scan3A_89, %scan3A_90 : i32
      %scan3A_92 = arith.constant 1 : i32
      %scan3A_93:2 = scf.for %scan3A_1289 = %scan3A_89 to %scan3A_91 step %scan3A_92 iter_args(%scan3A_1290 = %scan3A_87#0, %scan3A_1291 = %scan3A_87#1) -> (vector<16xf32>, vector<16xf32>)  : i32 {
        %mul3A_1292 = arith.constant 8 : i32
        %mul3A_1293 = arith.muli %scan3A_1289, %mul3A_1292 : i32
        %add3A_1294 = arith.constant 0 : i32
        %add3A_1295 = arith.addi %mul3A_1293, %add3A_1294 : i32
        %get3A_1296 = arith.index_cast %add3A_1295 : i32 to index
        %get3A_1297 = arith.constant 0 : index
        %get3A_1298 = tpu.vector_load %arg5[%get3A_1296, %get3A_1297] {strides = array<i32>} : memref<4095x16xf32, #tpu.memory_space<vmem>>, vector<1x16xf32>,
        %get3A_1299 = vector.shape_cast %get3A_1298 : vector<1x16xf32> to vector<16xf32>
        %sub3A_1300 = arith.subf %get3A_1299, %mul3A_77 : vector<16xf32>
        %max3A_1301 = arith.constant 0.000000e+00 : f32
        %max3A_1302 = vector.broadcast %max3A_1301 : f32 to vector<16xf32>
        %max3A_1303 = arith.maximumf %sub3A_1300, %max3A_1302 : vector<16xf32>
        %add3A_1304 = arith.addf %scan3A_1290, %max3A_1303 : vector<16xf32>
        %add3A_1305 = arith.constant 0 : i32
        %add3A_1306 = arith.addi %mul3A_1293, %add3A_1305 : i32
        %add3A_1307 = arith.constant 1 : i32
        %add3A_1308 = arith.addi %add3A_1306, %add3A_1307 : i32
        %get3A_1309 = arith.index_cast %add3A_1308 : i32 to index
        %get3A_1310 = arith.constant 0 : index
        %get3A_1311 = tpu.vector_load %arg5[%get3A_1309, %get3A_1310] {strides = array<i32>} : memref<4095x16xf32, #tpu.memory_space<vmem>>, vector<1x16xf32>,
        %get3A_1312 = vector.shape_cast %get3A_1311 : vector<1x16xf32> to vector<16xf32>
        %sub3A_1313 = arith.subf %get3A_1312, %mul3A_77 : vector<16xf32>
        %max3A_1314 = arith.constant 0.000000e+00 : f32
        %max3A_1315 = vector.broadcast %max3A_1314 : f32 to vector<16xf32>
        %max3A_1316 = arith.maximumf %sub3A_1313, %max3A_1315 : vector<16xf32>
        %add3A_1317 = arith.addf %scan3A_1291, %max3A_1316 : vector<16xf32>
        %add3A_1318 = arith.constant 2 : i32
        %add3A_1319 = arith.addi %mul3A_1293, %add3A_1318 : i32
        %get3A_1320 = arith.index_cast %add3A_1319 : i32 to index
        %get3A_1321 = arith.constant 0 : index
        %get3A_1322 = tpu.vector_load %arg5[%get3A_1320, %get3A_1321] {strides = array<i32>} : memref<4095x16xf32, #tpu.memory_space<vmem>>, vector<1x16xf32>,
        %get3A_1323 = vector.shape_cast %get3A_1322 : vector<1x16xf32> to vector<16xf32>
        %sub3A_1324 = arith.subf %get3A_1323, %mul3A_77 : vector<16xf32>
        %max3A_1325 = arith.constant 0.000000e+00 : f32
        %max3A_1326 = vector.broadcast %max3A_1325 : f32 to vector<16xf32>
        %max3A_1327 = arith.maximumf %sub3A_1324, %max3A_1326 : vector<16xf32>
        %add3A_1328 = arith.addf %add3A_1304, %max3A_1327 : vector<16xf32>
        %add3A_1329 = arith.constant 2 : i32
        %add3A_1330 = arith.addi %mul3A_1293, %add3A_1329 : i32
        %add3A_1331 = arith.constant 1 : i32
        %add3A_1332 = arith.addi %add3A_1330, %add3A_1331 : i32
        %get3A_1333 = arith.index_cast %add3A_1332 : i32 to index
        %get3A_1334 = arith.constant 0 : index
        %get3A_1335 = tpu.vector_load %arg5[%get3A_1333, %get3A_1334] {strides = array<i32>} : memref<4095x16xf32, #tpu.memory_space<vmem>>, vector<1x16xf32>,
        %get3A_1336 = vector.shape_cast %get3A_1335 : vector<1x16xf32> to vector<16xf32>
        %sub3A_1337 = arith.subf %get3A_1336, %mul3A_77 : vector<16xf32>
        %max3A_1338 = arith.constant 0.000000e+00 : f32
        %max3A_1339 = vector.broadcast %max3A_1338 : f32 to vector<16xf32>
        %max3A_1340 = arith.maximumf %sub3A_1337, %max3A_1339 : vector<16xf32>
        %add3A_1341 = arith.addf %add3A_1317, %max3A_1340 : vector<16xf32>
        %add3A_1342 = arith.constant 4 : i32
        %add3A_1343 = arith.addi %mul3A_1293, %add3A_1342 : i32
        %get3A_1344 = arith.index_cast %add3A_1343 : i32 to index
        %get3A_1345 = arith.constant 0 : index
        %get3A_1346 = tpu.vector_load %arg5[%get3A_1344, %get3A_1345] {strides = array<i32>} : memref<4095x16xf32, #tpu.memory_space<vmem>>, vector<1x16xf32>,
        %get3A_1347 = vector.shape_cast %get3A_1346 : vector<1x16xf32> to vector<16xf32>
        %sub3A_1348 = arith.subf %get3A_1347, %mul3A_77 : vector<16xf32>
        %max3A_1349 = arith.constant 0.000000e+00 : f32
        %max3A_1350 = vector.broadcast %max3A_1349 : f32 to vector<16xf32>
        %max3A_1351 = arith.maximumf %sub3A_1348, %max3A_1350 : vector<16xf32>
        %add3A_1352 = arith.addf %add3A_1328, %max3A_1351 : vector<16xf32>
        %add3A_1353 = arith.constant 4 : i32
        %add3A_1354 = arith.addi %mul3A_1293, %add3A_1353 : i32
        %add3A_1355 = arith.constant 1 : i32
        %add3A_1356 = arith.addi %add3A_1354, %add3A_1355 : i32
        %get3A_1357 = arith.index_cast %add3A_1356 : i32 to index
        %get3A_1358 = arith.constant 0 : index
        %get3A_1359 = tpu.vector_load %arg5[%get3A_1357, %get3A_1358] {strides = array<i32>} : memref<4095x16xf32, #tpu.memory_space<vmem>>, vector<1x16xf32>,
        %get3A_1360 = vector.shape_cast %get3A_1359 : vector<1x16xf32> to vector<16xf32>
        %sub3A_1361 = arith.subf %get3A_1360, %mul3A_77 : vector<16xf32>
        %max3A_1362 = arith.constant 0.000000e+00 : f32
        %max3A_1363 = vector.broadcast %max3A_1362 : f32 to vector<16xf32>
        %max3A_1364 = arith.maximumf %sub3A_1361, %max3A_1363 : vector<16xf32>
        %add3A_1365 = arith.addf %add3A_1341, %max3A_1364 : vector<16xf32>
        %add3A_1366 = arith.constant 6 : i32
        %add3A_1367 = arith.addi %mul3A_1293, %add3A_1366 : i32
        %get3A_1368 = arith.index_cast %add3A_1367 : i32 to index
        %get3A_1369 = arith.constant 0 : index
        %get3A_1370 = tpu.vector_load %arg5[%get3A_1368, %get3A_1369] {strides = array<i32>} : memref<4095x16xf32, #tpu.memory_space<vmem>>, vector<1x16xf32>,
        %get3A_1371 = vector.shape_cast %get3A_1370 : vector<1x16xf32> to vector<16xf32>
        %sub3A_1372 = arith.subf %get3A_1371, %mul3A_77 : vector<16xf32>
        %max3A_1373 = arith.constant 0.000000e+00 : f32
        %max3A_1374 = vector.broadcast %max3A_1373 : f32 to vector<16xf32>
        %max3A_1375 = arith.maximumf %sub3A_1372, %max3A_1374 : vector<16xf32>
        %add3A_1376 = arith.addf %add3A_1352, %max3A_1375 : vector<16xf32>
        %add3A_1377 = arith.constant 6 : i32
        %add3A_1378 = arith.addi %mul3A_1293, %add3A_1377 : i32
        %add3A_1379 = arith.constant 1 : i32
        %add3A_1380 = arith.addi %add3A_1378, %add3A_1379 : i32
        %get3A_1381 = arith.index_cast %add3A_1380 : i32 to index
        %get3A_1382 = arith.constant 0 : index
        %get3A_1383 = tpu.vector_load %arg5[%get3A_1381, %get3A_1382] {strides = array<i32>} : memref<4095x16xf32, #tpu.memory_space<vmem>>, vector<1x16xf32>,
        %get3A_1384 = vector.shape_cast %get3A_1383 : vector<1x16xf32> to vector<16xf32>
        %sub3A_1385 = arith.subf %get3A_1384, %mul3A_77 : vector<16xf32>
        %max3A_1386 = arith.constant 0.000000e+00 : f32
        %max3A_1387 = vector.broadcast %max3A_1386 : f32 to vector<16xf32>
        %max3A_1388 = arith.maximumf %sub3A_1385, %max3A_1387 : vector<16xf32>
        %add3A_1389 = arith.addf %add3A_1365, %max3A_1388 : vector<16xf32>
        scf.yield %add3A_1376, %add3A_1389 : vector<16xf32>, vector<16xf32>
      }
      %scan3A_94 = arith.constant 511 : i32
      %get3A_95 = arith.constant 4088 : i32
      %get3A_96 = arith.index_cast %get3A_95 : i32 to index
      %get3A_97 = arith.constant 0 : index
      %get3A_98 = tpu.vector_load %arg5[%get3A_96, %get3A_97] {strides = array<i32>} : memref<4095x16xf32, #tpu.memory_space<vmem>>, vector<1x16xf32>,
      %get3A_99 = vector.shape_cast %get3A_98 : vector<1x16xf32> to vector<16xf32>
      %sub3A_100 = arith.subf %get3A_99, %mul3A_77 : vector<16xf32>
      %max3A_101 = arith.constant 0.000000e+00 : f32
      %max3A_102 = vector.broadcast %max3A_101 : f32 to vector<16xf32>
      %max3A_103 = arith.maximumf %sub3A_100, %max3A_102 : vector<16xf32>
      %add3A_104 = arith.addf %scan3A_93#0, %max3A_103 : vector<16xf32>
      %get3A_105 = arith.constant 4089 : i32
      %get3A_106 = arith.index_cast %get3A_105 : i32 to index
      %get3A_107 = arith.constant 0 : index
      %get3A_108 = tpu.vector_load %arg5[%get3A_106, %get3A_107] {strides = array<i32>} : memref<4095x16xf32, #tpu.memory_space<vmem>>, vector<1x16xf32>,
      %get3A_109 = vector.shape_cast %get3A_108 : vector<1x16xf32> to vector<16xf32>
      %sub3A_110 = arith.subf %get3A_109, %mul3A_77 : vector<16xf32>
      %max3A_111 = arith.constant 0.000000e+00 : f32
      %max3A_112 = vector.broadcast %max3A_111 : f32 to vector<16xf32>
      %max3A_113 = arith.maximumf %sub3A_110, %max3A_112 : vector<16xf32>
      %add3A_114 = arith.addf %add3A_104, %max3A_113 : vector<16xf32>
      %get3A_115 = arith.constant 4090 : i32
      %get3A_116 = arith.index_cast %get3A_115 : i32 to index
      %get3A_117 = arith.constant 0 : index
      %get3A_118 = tpu.vector_load %arg5[%get3A_116, %get3A_117] {strides = array<i32>} : memref<4095x16xf32, #tpu.memory_space<vmem>>, vector<1x16xf32>,
      %get3A_119 = vector.shape_cast %get3A_118 : vector<1x16xf32> to vector<16xf32>
      %sub3A_120 = arith.subf %get3A_119, %mul3A_77 : vector<16xf32>
      %max3A_121 = arith.constant 0.000000e+00 : f32
      %max3A_122 = vector.broadcast %max3A_121 : f32 to vector<16xf32>
      %max3A_123 = arith.maximumf %sub3A_120, %max3A_122 : vector<16xf32>
      %add3A_124 = arith.addf %add3A_114, %max3A_123 : vector<16xf32>
      %get3A_125 = arith.constant 4091 : i32
      %get3A_126 = arith.index_cast %get3A_125 : i32 to index
      %get3A_127 = arith.constant 0 : index
      %get3A_128 = tpu.vector_load %arg5[%get3A_126, %get3A_127] {strides = array<i32>} : memref<4095x16xf32, #tpu.memory_space<vmem>>, vector<1x16xf32>,
      %get3A_129 = vector.shape_cast %get3A_128 : vector<1x16xf32> to vector<16xf32>
      %sub3A_130 = arith.subf %get3A_129, %mul3A_77 : vector<16xf32>
      %max3A_131 = arith.constant 0.000000e+00 : f32
      %max3A_132 = vector.broadcast %max3A_131 : f32 to vector<16xf32>
      %max3A_133 = arith.maximumf %sub3A_130, %max3A_132 : vector<16xf32>
      %add3A_134 = arith.addf %add3A_124, %max3A_133 : vector<16xf32>
      %get3A_135 = arith.constant 4092 : i32
      %get3A_136 = arith.index_cast %get3A_135 : i32 to index
      %get3A_137 = arith.constant 0 : index
      %get3A_138 = tpu.vector_load %arg5[%get3A_136, %get3A_137] {strides = array<i32>} : memref<4095x16xf32, #tpu.memory_space<vmem>>, vector<1x16xf32>,
      %get3A_139 = vector.shape_cast %get3A_138 : vector<1x16xf32> to vector<16xf32>
      %sub3A_140 = arith.subf %get3A_139, %mul3A_77 : vector<16xf32>
      %max3A_141 = arith.constant 0.000000e+00 : f32
      %max3A_142 = vector.broadcast %max3A_141 : f32 to vector<16xf32>
      %max3A_143 = arith.maximumf %sub3A_140, %max3A_142 : vector<16xf32>
      %add3A_144 = arith.addf %add3A_134, %max3A_143 : vector<16xf32>
      %get3A_145 = arith.constant 4093 : i32
      %get3A_146 = arith.index_cast %get3A_145 : i32 to index
      %get3A_147 = arith.constant 0 : index
      %get3A_148 = tpu.vector_load %arg5[%get3A_146, %get3A_147] {strides = array<i32>} : memref<4095x16xf32, #tpu.memory_space<vmem>>, vector<1x16xf32>,
      %get3A_149 = vector.shape_cast %get3A_148 : vector<1x16xf32> to vector<16xf32>
      %sub3A_150 = arith.subf %get3A_149, %mul3A_77 : vector<16xf32>
      %max3A_151 = arith.constant 0.000000e+00 : f32
      %max3A_152 = vector.broadcast %max3A_151 : f32 to vector<16xf32>
      %max3A_153 = arith.maximumf %sub3A_150, %max3A_152 : vector<16xf32>
      %add3A_154 = arith.addf %add3A_144, %max3A_153 : vector<16xf32>
      %get3A_155 = arith.constant 4094 : i32
      %get3A_156 = arith.index_cast %get3A_155 : i32 to index
      %get3A_157 = arith.constant 0 : index
      %get3A_158 = tpu.vector_load %arg5[%get3A_156, %get3A_157] {strides = array<i32>} : memref<4095x16xf32, #tpu.memory_space<vmem>>, vector<1x16xf32>,
      %get3A_159 = vector.shape_cast %get3A_158 : vector<1x16xf32> to vector<16xf32>
      %sub3A_160 = arith.subf %get3A_159, %mul3A_77 : vector<16xf32>
      %max3A_161 = arith.constant 0.000000e+00 : f32
      %max3A_162 = vector.broadcast %max3A_161 : f32 to vector<16xf32>
      %max3A_163 = arith.maximumf %sub3A_160, %max3A_162 : vector<16xf32>
      %add3A_164 = arith.addf %add3A_154, %max3A_163 : vector<16xf32>
      %add3A_165 = arith.addf %add3A_164, %scan3A_93#1 : vector<16xf32>
      %ge3A = arith.constant 1.000000e+00 : f32
      %ge3A_166 = vector.broadcast %ge3A : f32 to vector<16xf32>
      %ge3A_167 = arith.cmpf oge, %add3A_165, %ge3A_166 : vector<16xf32>
      %select_n3A = arith.select %ge3A_167, %mul3A_77, %sub3A_73 : vector<16xi1>, vector<16xf32>
      %select_n3A_168 = arith.select %ge3A_167, %max3A_71, %mul3A_77 : vector<16xi1>, vector<16xf32>
      %add3A_169 = arith.addf %select_n3A, %select_n3A_168 : vector<16xf32>
      %mul3A_170 = arith.constant 5.000000e-01 : f32
      %mul3A_171 = vector.broadcast %mul3A_170 : f32 to vector<16xf32>
      %mul3A_172 = arith.mulf %mul3A_171, %add3A_169 : vector<16xf32>
      %sub3A_173 = arith.subf %get3A_17, %mul3A_172 : vector<16xf32>
      %max3A_174 = arith.constant 0.000000e+00 : f32
      %max3A_175 = vector.broadcast %max3A_174 : f32 to vector<16xf32>
      %max3A_176 = arith.maximumf %sub3A_173, %max3A_175 : vector<16xf32>
      %broadcast_in_dim3A_177 = arith.constant 0.000000e+00 : f32
      %broadcast_in_dim3A_178 = vector.broadcast %broadcast_in_dim3A_177 : f32 to vector<16xf32>
      %scan3A_179 = arith.constant 0 : i32
      %scan3A_180 = arith.constant 512 : i32
      %scan3A_181 = arith.addi %scan3A_179, %scan3A_180 : i32
      %scan3A_182 = arith.constant 1 : i32
      %scan3A_183:2 = scf.for %scan3A_1289 = %scan3A_179 to %scan3A_181 step %scan3A_182 iter_args(%scan3A_1290 = %max3A_176, %scan3A_1291 = %broadcast_in_dim3A_178) -> (vector<16xf32>, vector<16xf32>)  : i32 {
        %mul3A_1292 = arith.constant 8 : i32
        %mul3A_1293 = arith.muli %scan3A_1289, %mul3A_1292 : i32
        %add3A_1294 = arith.constant 0 : i32
        %add3A_1295 = arith.addi %mul3A_1293, %add3A_1294 : i32
        %get3A_1296 = arith.index_cast %add3A_1295 : i32 to index
        %get3A_1297 = arith.constant 0 : index
        %get3A_1298 = tpu.vector_load %arg4[%get3A_1296, %get3A_1297] {strides = array<i32>} : memref<4096x16xf32, #tpu.memory_space<vmem>>, vector<1x16xf32>,
        %get3A_1299 = vector.shape_cast %get3A_1298 : vector<1x16xf32> to vector<16xf32>
        %sub3A_1300 = arith.subf %get3A_1299, %mul3A_172 : vector<16xf32>
        %max3A_1301 = arith.constant 0.000000e+00 : f32
        %max3A_1302 = vector.broadcast %max3A_1301 : f32 to vector<16xf32>
        %max3A_1303 = arith.maximumf %sub3A_1300, %max3A_1302 : vector<16xf32>
        %add3A_1304 = arith.addf %scan3A_1290, %max3A_1303 : vector<16xf32>
        %add3A_1305 = arith.constant 0 : i32
        %add3A_1306 = arith.addi %mul3A_1293, %add3A_1305 : i32
        %add3A_1307 = arith.constant 1 : i32
        %add3A_1308 = arith.addi %add3A_1306, %add3A_1307 : i32
        %get3A_1309 = arith.index_cast %add3A_1308 : i32 to index
        %get3A_1310 = arith.constant 0 : index
        %get3A_1311 = tpu.vector_load %arg4[%get3A_1309, %get3A_1310] {strides = array<i32>} : memref<4096x16xf32, #tpu.memory_space<vmem>>, vector<1x16xf32>,
        %get3A_1312 = vector.shape_cast %get3A_1311 : vector<1x16xf32> to vector<16xf32>
        %sub3A_1313 = arith.subf %get3A_1312, %mul3A_172 : vector<16xf32>
        %max3A_1314 = arith.constant 0.000000e+00 : f32
        %max3A_1315 = vector.broadcast %max3A_1314 : f32 to vector<16xf32>
        %max3A_1316 = arith.maximumf %sub3A_1313, %max3A_1315 : vector<16xf32>
        %add3A_1317 = arith.addf %scan3A_1291, %max3A_1316 : vector<16xf32>
        %add3A_1318 = arith.constant 2 : i32
        %add3A_1319 = arith.addi %mul3A_1293, %add3A_1318 : i32
        %get3A_1320 = arith.index_cast %add3A_1319 : i32 to index
        %get3A_1321 = arith.constant 0 : index
        %get3A_1322 = tpu.vector_load %arg4[%get3A_1320, %get3A_1321] {strides = array<i32>} : memref<4096x16xf32, #tpu.memory_space<vmem>>, vector<1x16xf32>,
        %get3A_1323 = vector.shape_cast %get3A_1322 : vector<1x16xf32> to vector<16xf32>
        %sub3A_1324 = arith.subf %get3A_1323, %mul3A_172 : vector<16xf32>
        %max3A_1325 = arith.constant 0.000000e+00 : f32
        %max3A_1326 = vector.broadcast %max3A_1325 : f32 to vector<16xf32>
        %max3A_1327 = arith.maximumf %sub3A_1324, %max3A_1326 : vector<16xf32>
        %add3A_1328 = arith.addf %add3A_1304, %max3A_1327 : vector<16xf32>
        %add3A_1329 = arith.constant 2 : i32
        %add3A_1330 = arith.addi %mul3A_1293, %add3A_1329 : i32
        %add3A_1331 = arith.constant 1 : i32
        %add3A_1332 = arith.addi %add3A_1330, %add3A_1331 : i32
        %get3A_1333 = arith.index_cast %add3A_1332 : i32 to index
        %get3A_1334 = arith.constant 0 : index
        %get3A_1335 = tpu.vector_load %arg4[%get3A_1333, %get3A_1334] {strides = array<i32>} : memref<4096x16xf32, #tpu.memory_space<vmem>>, vector<1x16xf32>,
        %get3A_1336 = vector.shape_cast %get3A_1335 : vector<1x16xf32> to vector<16xf32>
        %sub3A_1337 = arith.subf %get3A_1336, %mul3A_172 : vector<16xf32>
        %max3A_1338 = arith.constant 0.000000e+00 : f32
        %max3A_1339 = vector.broadcast %max3A_1338 : f32 to vector<16xf32>
        %max3A_1340 = arith.maximumf %sub3A_1337, %max3A_1339 : vector<16xf32>
        %add3A_1341 = arith.addf %add3A_1317, %max3A_1340 : vector<16xf32>
        %add3A_1342 = arith.constant 4 : i32
        %add3A_1343 = arith.addi %mul3A_1293, %add3A_1342 : i32
        %get3A_1344 = arith.index_cast %add3A_1343 : i32 to index
        %get3A_1345 = arith.constant 0 : index
        %get3A_1346 = tpu.vector_load %arg4[%get3A_1344, %get3A_1345] {strides = array<i32>} : memref<4096x16xf32, #tpu.memory_space<vmem>>, vector<1x16xf32>,
        %get3A_1347 = vector.shape_cast %get3A_1346 : vector<1x16xf32> to vector<16xf32>
        %sub3A_1348 = arith.subf %get3A_1347, %mul3A_172 : vector<16xf32>
        %max3A_1349 = arith.constant 0.000000e+00 : f32
        %max3A_1350 = vector.broadcast %max3A_1349 : f32 to vector<16xf32>
        %max3A_1351 = arith.maximumf %sub3A_1348, %max3A_1350 : vector<16xf32>
        %add3A_1352 = arith.addf %add3A_1328, %max3A_1351 : vector<16xf32>
        %add3A_1353 = arith.constant 4 : i32
        %add3A_1354 = arith.addi %mul3A_1293, %add3A_1353 : i32
        %add3A_1355 = arith.constant 1 : i32
        %add3A_1356 = arith.addi %add3A_1354, %add3A_1355 : i32
        %get3A_1357 = arith.index_cast %add3A_1356 : i32 to index
        %get3A_1358 = arith.constant 0 : index
        %get3A_1359 = tpu.vector_load %arg4[%get3A_1357, %get3A_1358] {strides = array<i32>} : memref<4096x16xf32, #tpu.memory_space<vmem>>, vector<1x16xf32>,
        %get3A_1360 = vector.shape_cast %get3A_1359 : vector<1x16xf32> to vector<16xf32>
        %sub3A_1361 = arith.subf %get3A_1360, %mul3A_172 : vector<16xf32>
        %max3A_1362 = arith.constant 0.000000e+00 : f32
        %max3A_1363 = vector.broadcast %max3A_1362 : f32 to vector<16xf32>
        %max3A_1364 = arith.maximumf %sub3A_1361, %max3A_1363 : vector<16xf32>
        %add3A_1365 = arith.addf %add3A_1341, %max3A_1364 : vector<16xf32>
        %add3A_1366 = arith.constant 6 : i32
        %add3A_1367 = arith.addi %mul3A_1293, %add3A_1366 : i32
        %get3A_1368 = arith.index_cast %add3A_1367 : i32 to index
        %get3A_1369 = arith.constant 0 : index
        %get3A_1370 = tpu.vector_load %arg4[%get3A_1368, %get3A_1369] {strides = array<i32>} : memref<4096x16xf32, #tpu.memory_space<vmem>>, vector<1x16xf32>,
        %get3A_1371 = vector.shape_cast %get3A_1370 : vector<1x16xf32> to vector<16xf32>
        %sub3A_1372 = arith.subf %get3A_1371, %mul3A_172 : vector<16xf32>
        %max3A_1373 = arith.constant 0.000000e+00 : f32
        %max3A_1374 = vector.broadcast %max3A_1373 : f32 to vector<16xf32>
        %max3A_1375 = arith.maximumf %sub3A_1372, %max3A_1374 : vector<16xf32>
        %add3A_1376 = arith.addf %add3A_1352, %max3A_1375 : vector<16xf32>
        %add3A_1377 = arith.constant 6 : i32
        %add3A_1378 = arith.addi %mul3A_1293, %add3A_1377 : i32
        %add3A_1379 = arith.constant 1 : i32
        %add3A_1380 = arith.addi %add3A_1378, %add3A_1379 : i32
        %get3A_1381 = arith.index_cast %add3A_1380 : i32 to index
        %get3A_1382 = arith.constant 0 : index
        %get3A_1383 = tpu.vector_load %arg4[%get3A_1381, %get3A_1382] {strides = array<i32>} : memref<4096x16xf32, #tpu.memory_space<vmem>>, vector<1x16xf32>,
        %get3A_1384 = vector.shape_cast %get3A_1383 : vector<1x16xf32> to vector<16xf32>
        %sub3A_1385 = arith.subf %get3A_1384, %mul3A_172 : vector<16xf32>
        %max3A_1386 = arith.constant 0.000000e+00 : f32
        %max3A_1387 = vector.broadcast %max3A_1386 : f32 to vector<16xf32>
        %max3A_1388 = arith.maximumf %sub3A_1385, %max3A_1387 : vector<16xf32>
        %add3A_1389 = arith.addf %add3A_1365, %max3A_1388 : vector<16xf32>
        scf.yield %add3A_1376, %add3A_1389 : vector<16xf32>, vector<16xf32>
      }
      %scan3A_184 = arith.constant 512 : i32
      %scan3A_185 = arith.constant 0 : i32
      %scan3A_186 = arith.constant 511 : i32
      %scan3A_187 = arith.addi %scan3A_185, %scan3A_186 : i32
      %scan3A_188 = arith.constant 1 : i32
      %scan3A_189:2 = scf.for %scan3A_1289 = %scan3A_185 to %scan3A_187 step %scan3A_188 iter_args(%scan3A_1290 = %scan3A_183#0, %scan3A_1291 = %scan3A_183#1) -> (vector<16xf32>, vector<16xf32>)  : i32 {
        %mul3A_1292 = arith.constant 8 : i32
        %mul3A_1293 = arith.muli %scan3A_1289, %mul3A_1292 : i32
        %add3A_1294 = arith.constant 0 : i32
        %add3A_1295 = arith.addi %mul3A_1293, %add3A_1294 : i32
        %get3A_1296 = arith.index_cast %add3A_1295 : i32 to index
        %get3A_1297 = arith.constant 0 : index
        %get3A_1298 = tpu.vector_load %arg5[%get3A_1296, %get3A_1297] {strides = array<i32>} : memref<4095x16xf32, #tpu.memory_space<vmem>>, vector<1x16xf32>,
        %get3A_1299 = vector.shape_cast %get3A_1298 : vector<1x16xf32> to vector<16xf32>
        %sub3A_1300 = arith.subf %get3A_1299, %mul3A_172 : vector<16xf32>
        %max3A_1301 = arith.constant 0.000000e+00 : f32
        %max3A_1302 = vector.broadcast %max3A_1301 : f32 to vector<16xf32>
        %max3A_1303 = arith.maximumf %sub3A_1300, %max3A_1302 : vector<16xf32>
        %add3A_1304 = arith.addf %scan3A_1290, %max3A_1303 : vector<16xf32>
        %add3A_1305 = arith.constant 0 : i32
        %add3A_1306 = arith.addi %mul3A_1293, %add3A_1305 : i32
        %add3A_1307 = arith.constant 1 : i32
        %add3A_1308 = arith.addi %add3A_1306, %add3A_1307 : i32
        %get3A_1309 = arith.index_cast %add3A_1308 : i32 to index
        %get3A_1310 = arith.constant 0 : index
        %get3A_1311 = tpu.vector_load %arg5[%get3A_1309, %get3A_1310] {strides = array<i32>} : memref<4095x16xf32, #tpu.memory_space<vmem>>, vector<1x16xf32>,
        %get3A_1312 = vector.shape_cast %get3A_1311 : vector<1x16xf32> to vector<16xf32>
        %sub3A_1313 = arith.subf %get3A_1312, %mul3A_172 : vector<16xf32>
        %max3A_1314 = arith.constant 0.000000e+00 : f32
        %max3A_1315 = vector.broadcast %max3A_1314 : f32 to vector<16xf32>
        %max3A_1316 = arith.maximumf %sub3A_1313, %max3A_1315 : vector<16xf32>
        %add3A_1317 = arith.addf %scan3A_1291, %max3A_1316 : vector<16xf32>
        %add3A_1318 = arith.constant 2 : i32
        %add3A_1319 = arith.addi %mul3A_1293, %add3A_1318 : i32
        %get3A_1320 = arith.index_cast %add3A_1319 : i32 to index
        %get3A_1321 = arith.constant 0 : index
        %get3A_1322 = tpu.vector_load %arg5[%get3A_1320, %get3A_1321] {strides = array<i32>} : memref<4095x16xf32, #tpu.memory_space<vmem>>, vector<1x16xf32>,
        %get3A_1323 = vector.shape_cast %get3A_1322 : vector<1x16xf32> to vector<16xf32>
        %sub3A_1324 = arith.subf %get3A_1323, %mul3A_172 : vector<16xf32>
        %max3A_1325 = arith.constant 0.000000e+00 : f32
        %max3A_1326 = vector.broadcast %max3A_1325 : f32 to vector<16xf32>
        %max3A_1327 = arith.maximumf %sub3A_1324, %max3A_1326 : vector<16xf32>
        %add3A_1328 = arith.addf %add3A_1304, %max3A_1327 : vector<16xf32>
        %add3A_1329 = arith.constant 2 : i32
        %add3A_1330 = arith.addi %mul3A_1293, %add3A_1329 : i32
        %add3A_1331 = arith.constant 1 : i32
        %add3A_1332 = arith.addi %add3A_1330, %add3A_1331 : i32
        %get3A_1333 = arith.index_cast %add3A_1332 : i32 to index
        %get3A_1334 = arith.constant 0 : index
        %get3A_1335 = tpu.vector_load %arg5[%get3A_1333, %get3A_1334] {strides = array<i32>} : memref<4095x16xf32, #tpu.memory_space<vmem>>, vector<1x16xf32>,
        %get3A_1336 = vector.shape_cast %get3A_1335 : vector<1x16xf32> to vector<16xf32>
        %sub3A_1337 = arith.subf %get3A_1336, %mul3A_172 : vector<16xf32>
        %max3A_1338 = arith.constant 0.000000e+00 : f32
        %max3A_1339 = vector.broadcast %max3A_1338 : f32 to vector<16xf32>
        %max3A_1340 = arith.maximumf %sub3A_1337, %max3A_1339 : vector<16xf32>
        %add3A_1341 = arith.addf %add3A_1317, %max3A_1340 : vector<16xf32>
        %add3A_1342 = arith.constant 4 : i32
        %add3A_1343 = arith.addi %mul3A_1293, %add3A_1342 : i32
        %get3A_1344 = arith.index_cast %add3A_1343 : i32 to index
        %get3A_1345 = arith.constant 0 : index
        %get3A_1346 = tpu.vector_load %arg5[%get3A_1344, %get3A_1345] {strides = array<i32>} : memref<4095x16xf32, #tpu.memory_space<vmem>>, vector<1x16xf32>,
        %get3A_1347 = vector.shape_cast %get3A_1346 : vector<1x16xf32> to vector<16xf32>
        %sub3A_1348 = arith.subf %get3A_1347, %mul3A_172 : vector<16xf32>
        %max3A_1349 = arith.constant 0.000000e+00 : f32
        %max3A_1350 = vector.broadcast %max3A_1349 : f32 to vector<16xf32>
        %max3A_1351 = arith.maximumf %sub3A_1348, %max3A_1350 : vector<16xf32>
        %add3A_1352 = arith.addf %add3A_1328, %max3A_1351 : vector<16xf32>
        %add3A_1353 = arith.constant 4 : i32
        %add3A_1354 = arith.addi %mul3A_1293, %add3A_1353 : i32
        %add3A_1355 = arith.constant 1 : i32
        %add3A_1356 = arith.addi %add3A_1354, %add3A_1355 : i32
        %get3A_1357 = arith.index_cast %add3A_1356 : i32 to index
        %get3A_1358 = arith.constant 0 : index
        %get3A_1359 = tpu.vector_load %arg5[%get3A_1357, %get3A_1358] {strides = array<i32>} : memref<4095x16xf32, #tpu.memory_space<vmem>>, vector<1x16xf32>,
        %get3A_1360 = vector.shape_cast %get3A_1359 : vector<1x16xf32> to vector<16xf32>
        %sub3A_1361 = arith.subf %get3A_1360, %mul3A_172 : vector<16xf32>
        %max3A_1362 = arith.constant 0.000000e+00 : f32
        %max3A_1363 = vector.broadcast %max3A_1362 : f32 to vector<16xf32>
        %max3A_1364 = arith.maximumf %sub3A_1361, %max3A_1363 : vector<16xf32>
        %add3A_1365 = arith.addf %add3A_1341, %max3A_1364 : vector<16xf32>
        %add3A_1366 = arith.constant 6 : i32
        %add3A_1367 = arith.addi %mul3A_1293, %add3A_1366 : i32
        %get3A_1368 = arith.index_cast %add3A_1367 : i32 to index
        %get3A_1369 = arith.constant 0 : index
        %get3A_1370 = tpu.vector_load %arg5[%get3A_1368, %get3A_1369] {strides = array<i32>} : memref<4095x16xf32, #tpu.memory_space<vmem>>, vector<1x16xf32>,
        %get3A_1371 = vector.shape_cast %get3A_1370 : vector<1x16xf32> to vector<16xf32>
        %sub3A_1372 = arith.subf %get3A_1371, %mul3A_172 : vector<16xf32>
        %max3A_1373 = arith.constant 0.000000e+00 : f32
        %max3A_1374 = vector.broadcast %max3A_1373 : f32 to vector<16xf32>
        %max3A_1375 = arith.maximumf %sub3A_1372, %max3A_1374 : vector<16xf32>
        %add3A_1376 = arith.addf %add3A_1352, %max3A_1375 : vector<16xf32>
        %add3A_1377 = arith.constant 6 : i32
        %add3A_1378 = arith.addi %mul3A_1293, %add3A_1377 : i32
        %add3A_1379 = arith.constant 1 : i32
        %add3A_1380 = arith.addi %add3A_1378, %add3A_1379 : i32
        %get3A_1381 = arith.index_cast %add3A_1380 : i32 to index
        %get3A_1382 = arith.constant 0 : index
        %get3A_1383 = tpu.vector_load %arg5[%get3A_1381, %get3A_1382] {strides = array<i32>} : memref<4095x16xf32, #tpu.memory_space<vmem>>, vector<1x16xf32>,
        %get3A_1384 = vector.shape_cast %get3A_1383 : vector<1x16xf32> to vector<16xf32>
        %sub3A_1385 = arith.subf %get3A_1384, %mul3A_172 : vector<16xf32>
        %max3A_1386 = arith.constant 0.000000e+00 : f32
        %max3A_1387 = vector.broadcast %max3A_1386 : f32 to vector<16xf32>
        %max3A_1388 = arith.maximumf %sub3A_1385, %max3A_1387 : vector<16xf32>
        %add3A_1389 = arith.addf %add3A_1365, %max3A_1388 : vector<16xf32>
        scf.yield %add3A_1376, %add3A_1389 : vector<16xf32>, vector<16xf32>
      }
      %scan3A_190 = arith.constant 511 : i32
      %get3A_191 = arith.constant 4088 : i32
      %get3A_192 = arith.index_cast %get3A_191 : i32 to index
      %get3A_193 = arith.constant 0 : index
      %get3A_194 = tpu.vector_load %arg5[%get3A_192, %get3A_193] {strides = array<i32>} : memref<4095x16xf32, #tpu.memory_space<vmem>>, vector<1x16xf32>,
      %get3A_195 = vector.shape_cast %get3A_194 : vector<1x16xf32> to vector<16xf32>
      %sub3A_196 = arith.subf %get3A_195, %mul3A_172 : vector<16xf32>
      %max3A_197 = arith.constant 0.000000e+00 : f32
      %max3A_198 = vector.broadcast %max3A_197 : f32 to vector<16xf32>
      %max3A_199 = arith.maximumf %sub3A_196, %max3A_198 : vector<16xf32>
      %add3A_200 = arith.addf %scan3A_189#0, %max3A_199 : vector<16xf32>
      %get3A_201 = arith.constant 4089 : i32
      %get3A_202 = arith.index_cast %get3A_201 : i32 to index
      %get3A_203 = arith.constant 0 : index
      %get3A_204 = tpu.vector_load %arg5[%get3A_202, %get3A_203] {strides = array<i32>} : memref<4095x16xf32, #tpu.memory_space<vmem>>, vector<1x16xf32>,
      %get3A_205 = vector.shape_cast %get3A_204 : vector<1x16xf32> to vector<16xf32>
      %sub3A_206 = arith.subf %get3A_205, %mul3A_172 : vector<16xf32>
      %max3A_207 = arith.constant 0.000000e+00 : f32
      %max3A_208 = vector.broadcast %max3A_207 : f32 to vector<16xf32>
      %max3A_209 = arith.maximumf %sub3A_206, %max3A_208 : vector<16xf32>
      %add3A_210 = arith.addf %add3A_200, %max3A_209 : vector<16xf32>
      %get3A_211 = arith.constant 4090 : i32
      %get3A_212 = arith.index_cast %get3A_211 : i32 to index
      %get3A_213 = arith.constant 0 : index
      %get3A_214 = tpu.vector_load %arg5[%get3A_212, %get3A_213] {strides = array<i32>} : memref<4095x16xf32, #tpu.memory_space<vmem>>, vector<1x16xf32>,
      %get3A_215 = vector.shape_cast %get3A_214 : vector<1x16xf32> to vector<16xf32>
      %sub3A_216 = arith.subf %get3A_215, %mul3A_172 : vector<16xf32>
      %max3A_217 = arith.constant 0.000000e+00 : f32
      %max3A_218 = vector.broadcast %max3A_217 : f32 to vector<16xf32>
      %max3A_219 = arith.maximumf %sub3A_216, %max3A_218 : vector<16xf32>
      %add3A_220 = arith.addf %add3A_210, %max3A_219 : vector<16xf32>
      %get3A_221 = arith.constant 4091 : i32
      %get3A_222 = arith.index_cast %get3A_221 : i32 to index
      %get3A_223 = arith.constant 0 : index
      %get3A_224 = tpu.vector_load %arg5[%get3A_222, %get3A_223] {strides = array<i32>} : memref<4095x16xf32, #tpu.memory_space<vmem>>, vector<1x16xf32>,
      %get3A_225 = vector.shape_cast %get3A_224 : vector<1x16xf32> to vector<16xf32>
      %sub3A_226 = arith.subf %get3A_225, %mul3A_172 : vector<16xf32>
      %max3A_227 = arith.constant 0.000000e+00 : f32
      %max3A_228 = vector.broadcast %max3A_227 : f32 to vector<16xf32>
      %max3A_229 = arith.maximumf %sub3A_226, %max3A_228 : vector<16xf32>
      %add3A_230 = arith.addf %add3A_220, %max3A_229 : vector<16xf32>
      %get3A_231 = arith.constant 4092 : i32
      %get3A_232 = arith.index_cast %get3A_231 : i32 to index
      %get3A_233 = arith.constant 0 : index
      %get3A_234 = tpu.vector_load %arg5[%get3A_232, %get3A_233] {strides = array<i32>} : memref<4095x16xf32, #tpu.memory_space<vmem>>, vector<1x16xf32>,
      %get3A_235 = vector.shape_cast %get3A_234 : vector<1x16xf32> to vector<16xf32>
      %sub3A_236 = arith.subf %get3A_235, %mul3A_172 : vector<16xf32>
      %max3A_237 = arith.constant 0.000000e+00 : f32
      %max3A_238 = vector.broadcast %max3A_237 : f32 to vector<16xf32>
      %max3A_239 = arith.maximumf %sub3A_236, %max3A_238 : vector<16xf32>
      %add3A_240 = arith.addf %add3A_230, %max3A_239 : vector<16xf32>
      %get3A_241 = arith.constant 4093 : i32
      %get3A_242 = arith.index_cast %get3A_241 : i32 to index
      %get3A_243 = arith.constant 0 : index
      %get3A_244 = tpu.vector_load %arg5[%get3A_242, %get3A_243] {strides = array<i32>} : memref<4095x16xf32, #tpu.memory_space<vmem>>, vector<1x16xf32>,
      %get3A_245 = vector.shape_cast %get3A_244 : vector<1x16xf32> to vector<16xf32>
      %sub3A_246 = arith.subf %get3A_245, %mul3A_172 : vector<16xf32>
      %max3A_247 = arith.constant 0.000000e+00 : f32
      %max3A_248 = vector.broadcast %max3A_247 : f32 to vector<16xf32>
      %max3A_249 = arith.maximumf %sub3A_246, %max3A_248 : vector<16xf32>
      %add3A_250 = arith.addf %add3A_240, %max3A_249 : vector<16xf32>
      %get3A_251 = arith.constant 4094 : i32
      %get3A_252 = arith.index_cast %get3A_251 : i32 to index
      %get3A_253 = arith.constant 0 : index
      %get3A_254 = tpu.vector_load %arg5[%get3A_252, %get3A_253] {strides = array<i32>} : memref<4095x16xf32, #tpu.memory_space<vmem>>, vector<1x16xf32>,
      %get3A_255 = vector.shape_cast %get3A_254 : vector<1x16xf32> to vector<16xf32>
      %sub3A_256 = arith.subf %get3A_255, %mul3A_172 : vector<16xf32>
      %max3A_257 = arith.constant 0.000000e+00 : f32
      %max3A_258 = vector.broadcast %max3A_257 : f32 to vector<16xf32>
      %max3A_259 = arith.maximumf %sub3A_256, %max3A_258 : vector<16xf32>
      %add3A_260 = arith.addf %add3A_250, %max3A_259 : vector<16xf32>
      %add3A_261 = arith.addf %add3A_260, %scan3A_189#1 : vector<16xf32>
      %ge3A_262 = arith.constant 1.000000e+00 : f32
      %ge3A_263 = vector.broadcast %ge3A_262 : f32 to vector<16xf32>
      %ge3A_264 = arith.cmpf oge, %add3A_261, %ge3A_263 : vector<16xf32>
      %select_n3A_265 = arith.select %ge3A_264, %mul3A_172, %select_n3A : vector<16xi1>, vector<16xf32>
      %select_n3A_266 = arith.select %ge3A_264, %select_n3A_168, %mul3A_172 : vector<16xi1>, vector<16xf32>
      %add3A_267 = arith.addf %select_n3A_265, %select_n3A_266 : vector<16xf32>
      %mul3A_268 = arith.constant 5.000000e-01 : f32
      %mul3A_269 = vector.broadcast %mul3A_268 : f32 to vector<16xf32>
      %mul3A_270 = arith.mulf %mul3A_269, %add3A_267 : vector<16xf32>
      %sub3A_271 = arith.subf %get3A_17, %mul3A_270 : vector<16xf32>
      %max3A_272 = arith.constant 0.000000e+00 : f32
      %max3A_273 = vector.broadcast %max3A_272 : f32 to vector<16xf32>
      %max3A_274 = arith.maximumf %sub3A_271, %max3A_273 : vector<16xf32>
      %broadcast_in_dim3A_275 = arith.constant 0.000000e+00 : f32
      %broadcast_in_dim3A_276 = vector.broadcast %broadcast_in_dim3A_275 : f32 to vector<16xf32>
      %scan3A_277 = arith.constant 0 : i32
      %scan3A_278 = arith.constant 512 : i32
      %scan3A_279 = arith.addi %scan3A_277, %scan3A_278 : i32
      %scan3A_280 = arith.constant 1 : i32
      %scan3A_281:2 = scf.for %scan3A_1289 = %scan3A_277 to %scan3A_279 step %scan3A_280 iter_args(%scan3A_1290 = %max3A_274, %scan3A_1291 = %broadcast_in_dim3A_276) -> (vector<16xf32>, vector<16xf32>)  : i32 {
        %mul3A_1292 = arith.constant 8 : i32
        %mul3A_1293 = arith.muli %scan3A_1289, %mul3A_1292 : i32
        %add3A_1294 = arith.constant 0 : i32
        %add3A_1295 = arith.addi %mul3A_1293, %add3A_1294 : i32
        %get3A_1296 = arith.index_cast %add3A_1295 : i32 to index
        %get3A_1297 = arith.constant 0 : index
        %get3A_1298 = tpu.vector_load %arg4[%get3A_1296, %get3A_1297] {strides = array<i32>} : memref<4096x16xf32, #tpu.memory_space<vmem>>, vector<1x16xf32>,
        %get3A_1299 = vector.shape_cast %get3A_1298 : vector<1x16xf32> to vector<16xf32>
        %sub3A_1300 = arith.subf %get3A_1299, %mul3A_270 : vector<16xf32>
        %max3A_1301 = arith.constant 0.000000e+00 : f32
        %max3A_1302 = vector.broadcast %max3A_1301 : f32 to vector<16xf32>
        %max3A_1303 = arith.maximumf %sub3A_1300, %max3A_1302 : vector<16xf32>
        %add3A_1304 = arith.addf %scan3A_1290, %max3A_1303 : vector<16xf32>
        %add3A_1305 = arith.constant 0 : i32
        %add3A_1306 = arith.addi %mul3A_1293, %add3A_1305 : i32
        %add3A_1307 = arith.constant 1 : i32
        %add3A_1308 = arith.addi %add3A_1306, %add3A_1307 : i32
        %get3A_1309 = arith.index_cast %add3A_1308 : i32 to index
        %get3A_1310 = arith.constant 0 : index
        %get3A_1311 = tpu.vector_load %arg4[%get3A_1309, %get3A_1310] {strides = array<i32>} : memref<4096x16xf32, #tpu.memory_space<vmem>>, vector<1x16xf32>,
        %get3A_1312 = vector.shape_cast %get3A_1311 : vector<1x16xf32> to vector<16xf32>
        %sub3A_1313 = arith.subf %get3A_1312, %mul3A_270 : vector<16xf32>
        %max3A_1314 = arith.constant 0.000000e+00 : f32
        %max3A_1315 = vector.broadcast %max3A_1314 : f32 to vector<16xf32>
        %max3A_1316 = arith.maximumf %sub3A_1313, %max3A_1315 : vector<16xf32>
        %add3A_1317 = arith.addf %scan3A_1291, %max3A_1316 : vector<16xf32>
        %add3A_1318 = arith.constant 2 : i32
        %add3A_1319 = arith.addi %mul3A_1293, %add3A_1318 : i32
        %get3A_1320 = arith.index_cast %add3A_1319 : i32 to index
        %get3A_1321 = arith.constant 0 : index
        %get3A_1322 = tpu.vector_load %arg4[%get3A_1320, %get3A_1321] {strides = array<i32>} : memref<4096x16xf32, #tpu.memory_space<vmem>>, vector<1x16xf32>,
        %get3A_1323 = vector.shape_cast %get3A_1322 : vector<1x16xf32> to vector<16xf32>
        %sub3A_1324 = arith.subf %get3A_1323, %mul3A_270 : vector<16xf32>
        %max3A_1325 = arith.constant 0.000000e+00 : f32
        %max3A_1326 = vector.broadcast %max3A_1325 : f32 to vector<16xf32>
        %max3A_1327 = arith.maximumf %sub3A_1324, %max3A_1326 : vector<16xf32>
        %add3A_1328 = arith.addf %add3A_1304, %max3A_1327 : vector<16xf32>
        %add3A_1329 = arith.constant 2 : i32
        %add3A_1330 = arith.addi %mul3A_1293, %add3A_1329 : i32
        %add3A_1331 = arith.constant 1 : i32
        %add3A_1332 = arith.addi %add3A_1330, %add3A_1331 : i32
        %get3A_1333 = arith.index_cast %add3A_1332 : i32 to index
        %get3A_1334 = arith.constant 0 : index
        %get3A_1335 = tpu.vector_load %arg4[%get3A_1333, %get3A_1334] {strides = array<i32>} : memref<4096x16xf32, #tpu.memory_space<vmem>>, vector<1x16xf32>,
        %get3A_1336 = vector.shape_cast %get3A_1335 : vector<1x16xf32> to vector<16xf32>
        %sub3A_1337 = arith.subf %get3A_1336, %mul3A_270 : vector<16xf32>
        %max3A_1338 = arith.constant 0.000000e+00 : f32
        %max3A_1339 = vector.broadcast %max3A_1338 : f32 to vector<16xf32>
        %max3A_1340 = arith.maximumf %sub3A_1337, %max3A_1339 : vector<16xf32>
        %add3A_1341 = arith.addf %add3A_1317, %max3A_1340 : vector<16xf32>
        %add3A_1342 = arith.constant 4 : i32
        %add3A_1343 = arith.addi %mul3A_1293, %add3A_1342 : i32
        %get3A_1344 = arith.index_cast %add3A_1343 : i32 to index
        %get3A_1345 = arith.constant 0 : index
        %get3A_1346 = tpu.vector_load %arg4[%get3A_1344, %get3A_1345] {strides = array<i32>} : memref<4096x16xf32, #tpu.memory_space<vmem>>, vector<1x16xf32>,
        %get3A_1347 = vector.shape_cast %get3A_1346 : vector<1x16xf32> to vector<16xf32>
        %sub3A_1348 = arith.subf %get3A_1347, %mul3A_270 : vector<16xf32>
        %max3A_1349 = arith.constant 0.000000e+00 : f32
        %max3A_1350 = vector.broadcast %max3A_1349 : f32 to vector<16xf32>
        %max3A_1351 = arith.maximumf %sub3A_1348, %max3A_1350 : vector<16xf32>
        %add3A_1352 = arith.addf %add3A_1328, %max3A_1351 : vector<16xf32>
        %add3A_1353 = arith.constant 4 : i32
        %add3A_1354 = arith.addi %mul3A_1293, %add3A_1353 : i32
        %add3A_1355 = arith.constant 1 : i32
        %add3A_1356 = arith.addi %add3A_1354, %add3A_1355 : i32
        %get3A_1357 = arith.index_cast %add3A_1356 : i32 to index
        %get3A_1358 = arith.constant 0 : index
        %get3A_1359 = tpu.vector_load %arg4[%get3A_1357, %get3A_1358] {strides = array<i32>} : memref<4096x16xf32, #tpu.memory_space<vmem>>, vector<1x16xf32>,
        %get3A_1360 = vector.shape_cast %get3A_1359 : vector<1x16xf32> to vector<16xf32>
        %sub3A_1361 = arith.subf %get3A_1360, %mul3A_270 : vector<16xf32>
        %max3A_1362 = arith.constant 0.000000e+00 : f32
        %max3A_1363 = vector.broadcast %max3A_1362 : f32 to vector<16xf32>
        %max3A_1364 = arith.maximumf %sub3A_1361, %max3A_1363 : vector<16xf32>
        %add3A_1365 = arith.addf %add3A_1341, %max3A_1364 : vector<16xf32>
        %add3A_1366 = arith.constant 6 : i32
        %add3A_1367 = arith.addi %mul3A_1293, %add3A_1366 : i32
        %get3A_1368 = arith.index_cast %add3A_1367 : i32 to index
        %get3A_1369 = arith.constant 0 : index
        %get3A_1370 = tpu.vector_load %arg4[%get3A_1368, %get3A_1369] {strides = array<i32>} : memref<4096x16xf32, #tpu.memory_space<vmem>>, vector<1x16xf32>,
        %get3A_1371 = vector.shape_cast %get3A_1370 : vector<1x16xf32> to vector<16xf32>
        %sub3A_1372 = arith.subf %get3A_1371, %mul3A_270 : vector<16xf32>
        %max3A_1373 = arith.constant 0.000000e+00 : f32
        %max3A_1374 = vector.broadcast %max3A_1373 : f32 to vector<16xf32>
        %max3A_1375 = arith.maximumf %sub3A_1372, %max3A_1374 : vector<16xf32>
        %add3A_1376 = arith.addf %add3A_1352, %max3A_1375 : vector<16xf32>
        %add3A_1377 = arith.constant 6 : i32
        %add3A_1378 = arith.addi %mul3A_1293, %add3A_1377 : i32
        %add3A_1379 = arith.constant 1 : i32
        %add3A_1380 = arith.addi %add3A_1378, %add3A_1379 : i32
        %get3A_1381 = arith.index_cast %add3A_1380 : i32 to index
        %get3A_1382 = arith.constant 0 : index
        %get3A_1383 = tpu.vector_load %arg4[%get3A_1381, %get3A_1382] {strides = array<i32>} : memref<4096x16xf32, #tpu.memory_space<vmem>>, vector<1x16xf32>,
        %get3A_1384 = vector.shape_cast %get3A_1383 : vector<1x16xf32> to vector<16xf32>
        %sub3A_1385 = arith.subf %get3A_1384, %mul3A_270 : vector<16xf32>
        %max3A_1386 = arith.constant 0.000000e+00 : f32
        %max3A_1387 = vector.broadcast %max3A_1386 : f32 to vector<16xf32>
        %max3A_1388 = arith.maximumf %sub3A_1385, %max3A_1387 : vector<16xf32>
        %add3A_1389 = arith.addf %add3A_1365, %max3A_1388 : vector<16xf32>
        scf.yield %add3A_1376, %add3A_1389 : vector<16xf32>, vector<16xf32>
      }
      %scan3A_282 = arith.constant 512 : i32
      %scan3A_283 = arith.constant 0 : i32
      %scan3A_284 = arith.constant 511 : i32
      %scan3A_285 = arith.addi %scan3A_283, %scan3A_284 : i32
      %scan3A_286 = arith.constant 1 : i32
      %scan3A_287:2 = scf.for %scan3A_1289 = %scan3A_283 to %scan3A_285 step %scan3A_286 iter_args(%scan3A_1290 = %scan3A_281#0, %scan3A_1291 = %scan3A_281#1) -> (vector<16xf32>, vector<16xf32>)  : i32 {
        %mul3A_1292 = arith.constant 8 : i32
        %mul3A_1293 = arith.muli %scan3A_1289, %mul3A_1292 : i32
        %add3A_1294 = arith.constant 0 : i32
        %add3A_1295 = arith.addi %mul3A_1293, %add3A_1294 : i32
        %get3A_1296 = arith.index_cast %add3A_1295 : i32 to index
        %get3A_1297 = arith.constant 0 : index
        %get3A_1298 = tpu.vector_load %arg5[%get3A_1296, %get3A_1297] {strides = array<i32>} : memref<4095x16xf32, #tpu.memory_space<vmem>>, vector<1x16xf32>,
        %get3A_1299 = vector.shape_cast %get3A_1298 : vector<1x16xf32> to vector<16xf32>
        %sub3A_1300 = arith.subf %get3A_1299, %mul3A_270 : vector<16xf32>
        %max3A_1301 = arith.constant 0.000000e+00 : f32
        %max3A_1302 = vector.broadcast %max3A_1301 : f32 to vector<16xf32>
        %max3A_1303 = arith.maximumf %sub3A_1300, %max3A_1302 : vector<16xf32>
        %add3A_1304 = arith.addf %scan3A_1290, %max3A_1303 : vector<16xf32>
        %add3A_1305 = arith.constant 0 : i32
        %add3A_1306 = arith.addi %mul3A_1293, %add3A_1305 : i32
        %add3A_1307 = arith.constant 1 : i32
        %add3A_1308 = arith.addi %add3A_1306, %add3A_1307 : i32
        %get3A_1309 = arith.index_cast %add3A_1308 : i32 to index
        %get3A_1310 = arith.constant 0 : index
        %get3A_1311 = tpu.vector_load %arg5[%get3A_1309, %get3A_1310] {strides = array<i32>} : memref<4095x16xf32, #tpu.memory_space<vmem>>, vector<1x16xf32>,
        %get3A_1312 = vector.shape_cast %get3A_1311 : vector<1x16xf32> to vector<16xf32>
        %sub3A_1313 = arith.subf %get3A_1312, %mul3A_270 : vector<16xf32>
        %max3A_1314 = arith.constant 0.000000e+00 : f32
        %max3A_1315 = vector.broadcast %max3A_1314 : f32 to vector<16xf32>
        %max3A_1316 = arith.maximumf %sub3A_1313, %max3A_1315 : vector<16xf32>
        %add3A_1317 = arith.addf %scan3A_1291, %max3A_1316 : vector<16xf32>
        %add3A_1318 = arith.constant 2 : i32
        %add3A_1319 = arith.addi %mul3A_1293, %add3A_1318 : i32
        %get3A_1320 = arith.index_cast %add3A_1319 : i32 to index
        %get3A_1321 = arith.constant 0 : index
        %get3A_1322 = tpu.vector_load %arg5[%get3A_1320, %get3A_1321] {strides = array<i32>} : memref<4095x16xf32, #tpu.memory_space<vmem>>, vector<1x16xf32>,
        %get3A_1323 = vector.shape_cast %get3A_1322 : vector<1x16xf32> to vector<16xf32>
        %sub3A_1324 = arith.subf %get3A_1323, %mul3A_270 : vector<16xf32>
        %max3A_1325 = arith.constant 0.000000e+00 : f32
        %max3A_1326 = vector.broadcast %max3A_1325 : f32 to vector<16xf32>
        %max3A_1327 = arith.maximumf %sub3A_1324, %max3A_1326 : vector<16xf32>
        %add3A_1328 = arith.addf %add3A_1304, %max3A_1327 : vector<16xf32>
        %add3A_1329 = arith.constant 2 : i32
        %add3A_1330 = arith.addi %mul3A_1293, %add3A_1329 : i32
        %add3A_1331 = arith.constant 1 : i32
        %add3A_1332 = arith.addi %add3A_1330, %add3A_1331 : i32
        %get3A_1333 = arith.index_cast %add3A_1332 : i32 to index
        %get3A_1334 = arith.constant 0 : index
        %get3A_1335 = tpu.vector_load %arg5[%get3A_1333, %get3A_1334] {strides = array<i32>} : memref<4095x16xf32, #tpu.memory_space<vmem>>, vector<1x16xf32>,
        %get3A_1336 = vector.shape_cast %get3A_1335 : vector<1x16xf32> to vector<16xf32>
        %sub3A_1337 = arith.subf %get3A_1336, %mul3A_270 : vector<16xf32>
        %max3A_1338 = arith.constant 0.000000e+00 : f32
        %max3A_1339 = vector.broadcast %max3A_1338 : f32 to vector<16xf32>
        %max3A_1340 = arith.maximumf %sub3A_1337, %max3A_1339 : vector<16xf32>
        %add3A_1341 = arith.addf %add3A_1317, %max3A_1340 : vector<16xf32>
        %add3A_1342 = arith.constant 4 : i32
        %add3A_1343 = arith.addi %mul3A_1293, %add3A_1342 : i32
        %get3A_1344 = arith.index_cast %add3A_1343 : i32 to index
        %get3A_1345 = arith.constant 0 : index
        %get3A_1346 = tpu.vector_load %arg5[%get3A_1344, %get3A_1345] {strides = array<i32>} : memref<4095x16xf32, #tpu.memory_space<vmem>>, vector<1x16xf32>,
        %get3A_1347 = vector.shape_cast %get3A_1346 : vector<1x16xf32> to vector<16xf32>
        %sub3A_1348 = arith.subf %get3A_1347, %mul3A_270 : vector<16xf32>
        %max3A_1349 = arith.constant 0.000000e+00 : f32
        %max3A_1350 = vector.broadcast %max3A_1349 : f32 to vector<16xf32>
        %max3A_1351 = arith.maximumf %sub3A_1348, %max3A_1350 : vector<16xf32>
        %add3A_1352 = arith.addf %add3A_1328, %max3A_1351 : vector<16xf32>
        %add3A_1353 = arith.constant 4 : i32
        %add3A_1354 = arith.addi %mul3A_1293, %add3A_1353 : i32
        %add3A_1355 = arith.constant 1 : i32
        %add3A_1356 = arith.addi %add3A_1354, %add3A_1355 : i32
        %get3A_1357 = arith.index_cast %add3A_1356 : i32 to index
        %get3A_1358 = arith.constant 0 : index
        %get3A_1359 = tpu.vector_load %arg5[%get3A_1357, %get3A_1358] {strides = array<i32>} : memref<4095x16xf32, #tpu.memory_space<vmem>>, vector<1x16xf32>,
        %get3A_1360 = vector.shape_cast %get3A_1359 : vector<1x16xf32> to vector<16xf32>
        %sub3A_1361 = arith.subf %get3A_1360, %mul3A_270 : vector<16xf32>
        %max3A_1362 = arith.constant 0.000000e+00 : f32
        %max3A_1363 = vector.broadcast %max3A_1362 : f32 to vector<16xf32>
        %max3A_1364 = arith.maximumf %sub3A_1361, %max3A_1363 : vector<16xf32>
        %add3A_1365 = arith.addf %add3A_1341, %max3A_1364 : vector<16xf32>
        %add3A_1366 = arith.constant 6 : i32
        %add3A_1367 = arith.addi %mul3A_1293, %add3A_1366 : i32
        %get3A_1368 = arith.index_cast %add3A_1367 : i32 to index
        %get3A_1369 = arith.constant 0 : index
        %get3A_1370 = tpu.vector_load %arg5[%get3A_1368, %get3A_1369] {strides = array<i32>} : memref<4095x16xf32, #tpu.memory_space<vmem>>, vector<1x16xf32>,
        %get3A_1371 = vector.shape_cast %get3A_1370 : vector<1x16xf32> to vector<16xf32>
        %sub3A_1372 = arith.subf %get3A_1371, %mul3A_270 : vector<16xf32>
        %max3A_1373 = arith.constant 0.000000e+00 : f32
        %max3A_1374 = vector.broadcast %max3A_1373 : f32 to vector<16xf32>
        %max3A_1375 = arith.maximumf %sub3A_1372, %max3A_1374 : vector<16xf32>
        %add3A_1376 = arith.addf %add3A_1352, %max3A_1375 : vector<16xf32>
        %add3A_1377 = arith.constant 6 : i32
        %add3A_1378 = arith.addi %mul3A_1293, %add3A_1377 : i32
        %add3A_1379 = arith.constant 1 : i32
        %add3A_1380 = arith.addi %add3A_1378, %add3A_1379 : i32
        %get3A_1381 = arith.index_cast %add3A_1380 : i32 to index
        %get3A_1382 = arith.constant 0 : index
        %get3A_1383 = tpu.vector_load %arg5[%get3A_1381, %get3A_1382] {strides = array<i32>} : memref<4095x16xf32, #tpu.memory_space<vmem>>, vector<1x16xf32>,
        %get3A_1384 = vector.shape_cast %get3A_1383 : vector<1x16xf32> to vector<16xf32>
        %sub3A_1385 = arith.subf %get3A_1384, %mul3A_270 : vector<16xf32>
        %max3A_1386 = arith.constant 0.000000e+00 : f32
        %max3A_1387 = vector.broadcast %max3A_1386 : f32 to vector<16xf32>
        %max3A_1388 = arith.maximumf %sub3A_1385, %max3A_1387 : vector<16xf32>
        %add3A_1389 = arith.addf %add3A_1365, %max3A_1388 : vector<16xf32>
        scf.yield %add3A_1376, %add3A_1389 : vector<16xf32>, vector<16xf32>
      }
      %scan3A_288 = arith.constant 511 : i32
      %get3A_289 = arith.constant 4088 : i32
      %get3A_290 = arith.index_cast %get3A_289 : i32 to index
      %get3A_291 = arith.constant 0 : index
      %get3A_292 = tpu.vector_load %arg5[%get3A_290, %get3A_291] {strides = array<i32>} : memref<4095x16xf32, #tpu.memory_space<vmem>>, vector<1x16xf32>,
      %get3A_293 = vector.shape_cast %get3A_292 : vector<1x16xf32> to vector<16xf32>
      %sub3A_294 = arith.subf %get3A_293, %mul3A_270 : vector<16xf32>
      %max3A_295 = arith.constant 0.000000e+00 : f32
      %max3A_296 = vector.broadcast %max3A_295 : f32 to vector<16xf32>
      %max3A_297 = arith.maximumf %sub3A_294, %max3A_296 : vector<16xf32>
      %add3A_298 = arith.addf %scan3A_287#0, %max3A_297 : vector<16xf32>
      %get3A_299 = arith.constant 4089 : i32
      %get3A_300 = arith.index_cast %get3A_299 : i32 to index
      %get3A_301 = arith.constant 0 : index
      %get3A_302 = tpu.vector_load %arg5[%get3A_300, %get3A_301] {strides = array<i32>} : memref<4095x16xf32, #tpu.memory_space<vmem>>, vector<1x16xf32>,
      %get3A_303 = vector.shape_cast %get3A_302 : vector<1x16xf32> to vector<16xf32>
      %sub3A_304 = arith.subf %get3A_303, %mul3A_270 : vector<16xf32>
      %max3A_305 = arith.constant 0.000000e+00 : f32
      %max3A_306 = vector.broadcast %max3A_305 : f32 to vector<16xf32>
      %max3A_307 = arith.maximumf %sub3A_304, %max3A_306 : vector<16xf32>
      %add3A_308 = arith.addf %add3A_298, %max3A_307 : vector<16xf32>
      %get3A_309 = arith.constant 4090 : i32
      %get3A_310 = arith.index_cast %get3A_309 : i32 to index
      %get3A_311 = arith.constant 0 : index
      %get3A_312 = tpu.vector_load %arg5[%get3A_310, %get3A_311] {strides = array<i32>} : memref<4095x16xf32, #tpu.memory_space<vmem>>, vector<1x16xf32>,
      %get3A_313 = vector.shape_cast %get3A_312 : vector<1x16xf32> to vector<16xf32>
      %sub3A_314 = arith.subf %get3A_313, %mul3A_270 : vector<16xf32>
      %max3A_315 = arith.constant 0.000000e+00 : f32
      %max3A_316 = vector.broadcast %max3A_315 : f32 to vector<16xf32>
      %max3A_317 = arith.maximumf %sub3A_314, %max3A_316 : vector<16xf32>
      %add3A_318 = arith.addf %add3A_308, %max3A_317 : vector<16xf32>
      %get3A_319 = arith.constant 4091 : i32
      %get3A_320 = arith.index_cast %get3A_319 : i32 to index
      %get3A_321 = arith.constant 0 : index
      %get3A_322 = tpu.vector_load %arg5[%get3A_320, %get3A_321] {strides = array<i32>} : memref<4095x16xf32, #tpu.memory_space<vmem>>, vector<1x16xf32>,
      %get3A_323 = vector.shape_cast %get3A_322 : vector<1x16xf32> to vector<16xf32>
      %sub3A_324 = arith.subf %get3A_323, %mul3A_270 : vector<16xf32>
      %max3A_325 = arith.constant 0.000000e+00 : f32
      %max3A_326 = vector.broadcast %max3A_325 : f32 to vector<16xf32>
      %max3A_327 = arith.maximumf %sub3A_324, %max3A_326 : vector<16xf32>
      %add3A_328 = arith.addf %add3A_318, %max3A_327 : vector<16xf32>
      %get3A_329 = arith.constant 4092 : i32
      %get3A_330 = arith.index_cast %get3A_329 : i32 to index
      %get3A_331 = arith.constant 0 : index
      %get3A_332 = tpu.vector_load %arg5[%get3A_330, %get3A_331] {strides = array<i32>} : memref<4095x16xf32, #tpu.memory_space<vmem>>, vector<1x16xf32>,
      %get3A_333 = vector.shape_cast %get3A_332 : vector<1x16xf32> to vector<16xf32>
      %sub3A_334 = arith.subf %get3A_333, %mul3A_270 : vector<16xf32>
      %max3A_335 = arith.constant 0.000000e+00 : f32
      %max3A_336 = vector.broadcast %max3A_335 : f32 to vector<16xf32>
      %max3A_337 = arith.maximumf %sub3A_334, %max3A_336 : vector<16xf32>
      %add3A_338 = arith.addf %add3A_328, %max3A_337 : vector<16xf32>
      %get3A_339 = arith.constant 4093 : i32
      %get3A_340 = arith.index_cast %get3A_339 : i32 to index
      %get3A_341 = arith.constant 0 : index
      %get3A_342 = tpu.vector_load %arg5[%get3A_340, %get3A_341] {strides = array<i32>} : memref<4095x16xf32, #tpu.memory_space<vmem>>, vector<1x16xf32>,
      %get3A_343 = vector.shape_cast %get3A_342 : vector<1x16xf32> to vector<16xf32>
      %sub3A_344 = arith.subf %get3A_343, %mul3A_270 : vector<16xf32>
      %max3A_345 = arith.constant 0.000000e+00 : f32
      %max3A_346 = vector.broadcast %max3A_345 : f32 to vector<16xf32>
      %max3A_347 = arith.maximumf %sub3A_344, %max3A_346 : vector<16xf32>
      %add3A_348 = arith.addf %add3A_338, %max3A_347 : vector<16xf32>
      %get3A_349 = arith.constant 4094 : i32
      %get3A_350 = arith.index_cast %get3A_349 : i32 to index
      %get3A_351 = arith.constant 0 : index
      %get3A_352 = tpu.vector_load %arg5[%get3A_350, %get3A_351] {strides = array<i32>} : memref<4095x16xf32, #tpu.memory_space<vmem>>, vector<1x16xf32>,
      %get3A_353 = vector.shape_cast %get3A_352 : vector<1x16xf32> to vector<16xf32>
      %sub3A_354 = arith.subf %get3A_353, %mul3A_270 : vector<16xf32>
      %max3A_355 = arith.constant 0.000000e+00 : f32
      %max3A_356 = vector.broadcast %max3A_355 : f32 to vector<16xf32>
      %max3A_357 = arith.maximumf %sub3A_354, %max3A_356 : vector<16xf32>
      %add3A_358 = arith.addf %add3A_348, %max3A_357 : vector<16xf32>
      %add3A_359 = arith.addf %add3A_358, %scan3A_287#1 : vector<16xf32>
      %ge3A_360 = arith.constant 1.000000e+00 : f32
      %ge3A_361 = vector.broadcast %ge3A_360 : f32 to vector<16xf32>
      %ge3A_362 = arith.cmpf oge, %add3A_359, %ge3A_361 : vector<16xf32>
      %select_n3A_363 = arith.select %ge3A_362, %mul3A_270, %select_n3A_265 : vector<16xi1>, vector<16xf32>
      %select_n3A_364 = arith.select %ge3A_362, %select_n3A_266, %mul3A_270 : vector<16xi1>, vector<16xf32>
      %add3A_365 = arith.addf %select_n3A_363, %select_n3A_364 : vector<16xf32>
      %mul3A_366 = arith.constant 5.000000e-01 : f32
      %mul3A_367 = vector.broadcast %mul3A_366 : f32 to vector<16xf32>
      %mul3A_368 = arith.mulf %mul3A_367, %add3A_365 : vector<16xf32>
      %sub3A_369 = arith.subf %get3A_17, %mul3A_368 : vector<16xf32>
      %max3A_370 = arith.constant 0.000000e+00 : f32
      %max3A_371 = vector.broadcast %max3A_370 : f32 to vector<16xf32>
      %max3A_372 = arith.maximumf %sub3A_369, %max3A_371 : vector<16xf32>
      %broadcast_in_dim3A_373 = arith.constant 0.000000e+00 : f32
      %broadcast_in_dim3A_374 = vector.broadcast %broadcast_in_dim3A_373 : f32 to vector<16xf32>
      %scan3A_375 = arith.constant 0 : i32
      %scan3A_376 = arith.constant 512 : i32
      %scan3A_377 = arith.addi %scan3A_375, %scan3A_376 : i32
      %scan3A_378 = arith.constant 1 : i32
      %scan3A_379:2 = scf.for %scan3A_1289 = %scan3A_375 to %scan3A_377 step %scan3A_378 iter_args(%scan3A_1290 = %max3A_372, %scan3A_1291 = %broadcast_in_dim3A_374) -> (vector<16xf32>, vector<16xf32>)  : i32 {
        %mul3A_1292 = arith.constant 8 : i32
        %mul3A_1293 = arith.muli %scan3A_1289, %mul3A_1292 : i32
        %add3A_1294 = arith.constant 0 : i32
        %add3A_1295 = arith.addi %mul3A_1293, %add3A_1294 : i32
        %get3A_1296 = arith.index_cast %add3A_1295 : i32 to index
        %get3A_1297 = arith.constant 0 : index
        %get3A_1298 = tpu.vector_load %arg4[%get3A_1296, %get3A_1297] {strides = array<i32>} : memref<4096x16xf32, #tpu.memory_space<vmem>>, vector<1x16xf32>,
        %get3A_1299 = vector.shape_cast %get3A_1298 : vector<1x16xf32> to vector<16xf32>
        %sub3A_1300 = arith.subf %get3A_1299, %mul3A_368 : vector<16xf32>
        %max3A_1301 = arith.constant 0.000000e+00 : f32
        %max3A_1302 = vector.broadcast %max3A_1301 : f32 to vector<16xf32>
        %max3A_1303 = arith.maximumf %sub3A_1300, %max3A_1302 : vector<16xf32>
        %add3A_1304 = arith.addf %scan3A_1290, %max3A_1303 : vector<16xf32>
        %add3A_1305 = arith.constant 0 : i32
        %add3A_1306 = arith.addi %mul3A_1293, %add3A_1305 : i32
        %add3A_1307 = arith.constant 1 : i32
        %add3A_1308 = arith.addi %add3A_1306, %add3A_1307 : i32
        %get3A_1309 = arith.index_cast %add3A_1308 : i32 to index
        %get3A_1310 = arith.constant 0 : index
        %get3A_1311 = tpu.vector_load %arg4[%get3A_1309, %get3A_1310] {strides = array<i32>} : memref<4096x16xf32, #tpu.memory_space<vmem>>, vector<1x16xf32>,
        %get3A_1312 = vector.shape_cast %get3A_1311 : vector<1x16xf32> to vector<16xf32>
        %sub3A_1313 = arith.subf %get3A_1312, %mul3A_368 : vector<16xf32>
        %max3A_1314 = arith.constant 0.000000e+00 : f32
        %max3A_1315 = vector.broadcast %max3A_1314 : f32 to vector<16xf32>
        %max3A_1316 = arith.maximumf %sub3A_1313, %max3A_1315 : vector<16xf32>
        %add3A_1317 = arith.addf %scan3A_1291, %max3A_1316 : vector<16xf32>
        %add3A_1318 = arith.constant 2 : i32
        %add3A_1319 = arith.addi %mul3A_1293, %add3A_1318 : i32
        %get3A_1320 = arith.index_cast %add3A_1319 : i32 to index
        %get3A_1321 = arith.constant 0 : index
        %get3A_1322 = tpu.vector_load %arg4[%get3A_1320, %get3A_1321] {strides = array<i32>} : memref<4096x16xf32, #tpu.memory_space<vmem>>, vector<1x16xf32>,
        %get3A_1323 = vector.shape_cast %get3A_1322 : vector<1x16xf32> to vector<16xf32>
        %sub3A_1324 = arith.subf %get3A_1323, %mul3A_368 : vector<16xf32>
        %max3A_1325 = arith.constant 0.000000e+00 : f32
        %max3A_1326 = vector.broadcast %max3A_1325 : f32 to vector<16xf32>
        %max3A_1327 = arith.maximumf %sub3A_1324, %max3A_1326 : vector<16xf32>
        %add3A_1328 = arith.addf %add3A_1304, %max3A_1327 : vector<16xf32>
        %add3A_1329 = arith.constant 2 : i32
        %add3A_1330 = arith.addi %mul3A_1293, %add3A_1329 : i32
        %add3A_1331 = arith.constant 1 : i32
        %add3A_1332 = arith.addi %add3A_1330, %add3A_1331 : i32
        %get3A_1333 = arith.index_cast %add3A_1332 : i32 to index
        %get3A_1334 = arith.constant 0 : index
        %get3A_1335 = tpu.vector_load %arg4[%get3A_1333, %get3A_1334] {strides = array<i32>} : memref<4096x16xf32, #tpu.memory_space<vmem>>, vector<1x16xf32>,
        %get3A_1336 = vector.shape_cast %get3A_1335 : vector<1x16xf32> to vector<16xf32>
        %sub3A_1337 = arith.subf %get3A_1336, %mul3A_368 : vector<16xf32>
        %max3A_1338 = arith.constant 0.000000e+00 : f32
        %max3A_1339 = vector.broadcast %max3A_1338 : f32 to vector<16xf32>
        %max3A_1340 = arith.maximumf %sub3A_1337, %max3A_1339 : vector<16xf32>
        %add3A_1341 = arith.addf %add3A_1317, %max3A_1340 : vector<16xf32>
        %add3A_1342 = arith.constant 4 : i32
        %add3A_1343 = arith.addi %mul3A_1293, %add3A_1342 : i32
        %get3A_1344 = arith.index_cast %add3A_1343 : i32 to index
        %get3A_1345 = arith.constant 0 : index
        %get3A_1346 = tpu.vector_load %arg4[%get3A_1344, %get3A_1345] {strides = array<i32>} : memref<4096x16xf32, #tpu.memory_space<vmem>>, vector<1x16xf32>,
        %get3A_1347 = vector.shape_cast %get3A_1346 : vector<1x16xf32> to vector<16xf32>
        %sub3A_1348 = arith.subf %get3A_1347, %mul3A_368 : vector<16xf32>
        %max3A_1349 = arith.constant 0.000000e+00 : f32
        %max3A_1350 = vector.broadcast %max3A_1349 : f32 to vector<16xf32>
        %max3A_1351 = arith.maximumf %sub3A_1348, %max3A_1350 : vector<16xf32>
        %add3A_1352 = arith.addf %add3A_1328, %max3A_1351 : vector<16xf32>
        %add3A_1353 = arith.constant 4 : i32
        %add3A_1354 = arith.addi %mul3A_1293, %add3A_1353 : i32
        %add3A_1355 = arith.constant 1 : i32
        %add3A_1356 = arith.addi %add3A_1354, %add3A_1355 : i32
        %get3A_1357 = arith.index_cast %add3A_1356 : i32 to index
        %get3A_1358 = arith.constant 0 : index
        %get3A_1359 = tpu.vector_load %arg4[%get3A_1357, %get3A_1358] {strides = array<i32>} : memref<4096x16xf32, #tpu.memory_space<vmem>>, vector<1x16xf32>,
        %get3A_1360 = vector.shape_cast %get3A_1359 : vector<1x16xf32> to vector<16xf32>
        %sub3A_1361 = arith.subf %get3A_1360, %mul3A_368 : vector<16xf32>
        %max3A_1362 = arith.constant 0.000000e+00 : f32
        %max3A_1363 = vector.broadcast %max3A_1362 : f32 to vector<16xf32>
        %max3A_1364 = arith.maximumf %sub3A_1361, %max3A_1363 : vector<16xf32>
        %add3A_1365 = arith.addf %add3A_1341, %max3A_1364 : vector<16xf32>
        %add3A_1366 = arith.constant 6 : i32
        %add3A_1367 = arith.addi %mul3A_1293, %add3A_1366 : i32
        %get3A_1368 = arith.index_cast %add3A_1367 : i32 to index
        %get3A_1369 = arith.constant 0 : index
        %get3A_1370 = tpu.vector_load %arg4[%get3A_1368, %get3A_1369] {strides = array<i32>} : memref<4096x16xf32, #tpu.memory_space<vmem>>, vector<1x16xf32>,
        %get3A_1371 = vector.shape_cast %get3A_1370 : vector<1x16xf32> to vector<16xf32>
        %sub3A_1372 = arith.subf %get3A_1371, %mul3A_368 : vector<16xf32>
        %max3A_1373 = arith.constant 0.000000e+00 : f32
        %max3A_1374 = vector.broadcast %max3A_1373 : f32 to vector<16xf32>
        %max3A_1375 = arith.maximumf %sub3A_1372, %max3A_1374 : vector<16xf32>
        %add3A_1376 = arith.addf %add3A_1352, %max3A_1375 : vector<16xf32>
        %add3A_1377 = arith.constant 6 : i32
        %add3A_1378 = arith.addi %mul3A_1293, %add3A_1377 : i32
        %add3A_1379 = arith.constant 1 : i32
        %add3A_1380 = arith.addi %add3A_1378, %add3A_1379 : i32
        %get3A_1381 = arith.index_cast %add3A_1380 : i32 to index
        %get3A_1382 = arith.constant 0 : index
        %get3A_1383 = tpu.vector_load %arg4[%get3A_1381, %get3A_1382] {strides = array<i32>} : memref<4096x16xf32, #tpu.memory_space<vmem>>, vector<1x16xf32>,
        %get3A_1384 = vector.shape_cast %get3A_1383 : vector<1x16xf32> to vector<16xf32>
        %sub3A_1385 = arith.subf %get3A_1384, %mul3A_368 : vector<16xf32>
        %max3A_1386 = arith.constant 0.000000e+00 : f32
        %max3A_1387 = vector.broadcast %max3A_1386 : f32 to vector<16xf32>
        %max3A_1388 = arith.maximumf %sub3A_1385, %max3A_1387 : vector<16xf32>
        %add3A_1389 = arith.addf %add3A_1365, %max3A_1388 : vector<16xf32>
        scf.yield %add3A_1376, %add3A_1389 : vector<16xf32>, vector<16xf32>
      }
      %scan3A_380 = arith.constant 512 : i32
      %scan3A_381 = arith.constant 0 : i32
      %scan3A_382 = arith.constant 511 : i32
      %scan3A_383 = arith.addi %scan3A_381, %scan3A_382 : i32
      %scan3A_384 = arith.constant 1 : i32
      %scan3A_385:2 = scf.for %scan3A_1289 = %scan3A_381 to %scan3A_383 step %scan3A_384 iter_args(%scan3A_1290 = %scan3A_379#0, %scan3A_1291 = %scan3A_379#1) -> (vector<16xf32>, vector<16xf32>)  : i32 {
        %mul3A_1292 = arith.constant 8 : i32
        %mul3A_1293 = arith.muli %scan3A_1289, %mul3A_1292 : i32
        %add3A_1294 = arith.constant 0 : i32
        %add3A_1295 = arith.addi %mul3A_1293, %add3A_1294 : i32
        %get3A_1296 = arith.index_cast %add3A_1295 : i32 to index
        %get3A_1297 = arith.constant 0 : index
        %get3A_1298 = tpu.vector_load %arg5[%get3A_1296, %get3A_1297] {strides = array<i32>} : memref<4095x16xf32, #tpu.memory_space<vmem>>, vector<1x16xf32>,
        %get3A_1299 = vector.shape_cast %get3A_1298 : vector<1x16xf32> to vector<16xf32>
        %sub3A_1300 = arith.subf %get3A_1299, %mul3A_368 : vector<16xf32>
        %max3A_1301 = arith.constant 0.000000e+00 : f32
        %max3A_1302 = vector.broadcast %max3A_1301 : f32 to vector<16xf32>
        %max3A_1303 = arith.maximumf %sub3A_1300, %max3A_1302 : vector<16xf32>
        %add3A_1304 = arith.addf %scan3A_1290, %max3A_1303 : vector<16xf32>
        %add3A_1305 = arith.constant 0 : i32
        %add3A_1306 = arith.addi %mul3A_1293, %add3A_1305 : i32
        %add3A_1307 = arith.constant 1 : i32
        %add3A_1308 = arith.addi %add3A_1306, %add3A_1307 : i32
        %get3A_1309 = arith.index_cast %add3A_1308 : i32 to index
        %get3A_1310 = arith.constant 0 : index
        %get3A_1311 = tpu.vector_load %arg5[%get3A_1309, %get3A_1310] {strides = array<i32>} : memref<4095x16xf32, #tpu.memory_space<vmem>>, vector<1x16xf32>,
        %get3A_1312 = vector.shape_cast %get3A_1311 : vector<1x16xf32> to vector<16xf32>
        %sub3A_1313 = arith.subf %get3A_1312, %mul3A_368 : vector<16xf32>
        %max3A_1314 = arith.constant 0.000000e+00 : f32
        %max3A_1315 = vector.broadcast %max3A_1314 : f32 to vector<16xf32>
        %max3A_1316 = arith.maximumf %sub3A_1313, %max3A_1315 : vector<16xf32>
        %add3A_1317 = arith.addf %scan3A_1291, %max3A_1316 : vector<16xf32>
        %add3A_1318 = arith.constant 2 : i32
        %add3A_1319 = arith.addi %mul3A_1293, %add3A_1318 : i32
        %get3A_1320 = arith.index_cast %add3A_1319 : i32 to index
        %get3A_1321 = arith.constant 0 : index
        %get3A_1322 = tpu.vector_load %arg5[%get3A_1320, %get3A_1321] {strides = array<i32>} : memref<4095x16xf32, #tpu.memory_space<vmem>>, vector<1x16xf32>,
        %get3A_1323 = vector.shape_cast %get3A_1322 : vector<1x16xf32> to vector<16xf32>
        %sub3A_1324 = arith.subf %get3A_1323, %mul3A_368 : vector<16xf32>
        %max3A_1325 = arith.constant 0.000000e+00 : f32
        %max3A_1326 = vector.broadcast %max3A_1325 : f32 to vector<16xf32>
        %max3A_1327 = arith.maximumf %sub3A_1324, %max3A_1326 : vector<16xf32>
        %add3A_1328 = arith.addf %add3A_1304, %max3A_1327 : vector<16xf32>
        %add3A_1329 = arith.constant 2 : i32
        %add3A_1330 = arith.addi %mul3A_1293, %add3A_1329 : i32
        %add3A_1331 = arith.constant 1 : i32
        %add3A_1332 = arith.addi %add3A_1330, %add3A_1331 : i32
        %get3A_1333 = arith.index_cast %add3A_1332 : i32 to index
        %get3A_1334 = arith.constant 0 : index
        %get3A_1335 = tpu.vector_load %arg5[%get3A_1333, %get3A_1334] {strides = array<i32>} : memref<4095x16xf32, #tpu.memory_space<vmem>>, vector<1x16xf32>,
        %get3A_1336 = vector.shape_cast %get3A_1335 : vector<1x16xf32> to vector<16xf32>
        %sub3A_1337 = arith.subf %get3A_1336, %mul3A_368 : vector<16xf32>
        %max3A_1338 = arith.constant 0.000000e+00 : f32
        %max3A_1339 = vector.broadcast %max3A_1338 : f32 to vector<16xf32>
        %max3A_1340 = arith.maximumf %sub3A_1337, %max3A_1339 : vector<16xf32>
        %add3A_1341 = arith.addf %add3A_1317, %max3A_1340 : vector<16xf32>
        %add3A_1342 = arith.constant 4 : i32
        %add3A_1343 = arith.addi %mul3A_1293, %add3A_1342 : i32
        %get3A_1344 = arith.index_cast %add3A_1343 : i32 to index
        %get3A_1345 = arith.constant 0 : index
        %get3A_1346 = tpu.vector_load %arg5[%get3A_1344, %get3A_1345] {strides = array<i32>} : memref<4095x16xf32, #tpu.memory_space<vmem>>, vector<1x16xf32>,
        %get3A_1347 = vector.shape_cast %get3A_1346 : vector<1x16xf32> to vector<16xf32>
        %sub3A_1348 = arith.subf %get3A_1347, %mul3A_368 : vector<16xf32>
        %max3A_1349 = arith.constant 0.000000e+00 : f32
        %max3A_1350 = vector.broadcast %max3A_1349 : f32 to vector<16xf32>
        %max3A_1351 = arith.maximumf %sub3A_1348, %max3A_1350 : vector<16xf32>
        %add3A_1352 = arith.addf %add3A_1328, %max3A_1351 : vector<16xf32>
        %add3A_1353 = arith.constant 4 : i32
        %add3A_1354 = arith.addi %mul3A_1293, %add3A_1353 : i32
        %add3A_1355 = arith.constant 1 : i32
        %add3A_1356 = arith.addi %add3A_1354, %add3A_1355 : i32
        %get3A_1357 = arith.index_cast %add3A_1356 : i32 to index
        %get3A_1358 = arith.constant 0 : index
        %get3A_1359 = tpu.vector_load %arg5[%get3A_1357, %get3A_1358] {strides = array<i32>} : memref<4095x16xf32, #tpu.memory_space<vmem>>, vector<1x16xf32>,
        %get3A_1360 = vector.shape_cast %get3A_1359 : vector<1x16xf32> to vector<16xf32>
        %sub3A_1361 = arith.subf %get3A_1360, %mul3A_368 : vector<16xf32>
        %max3A_1362 = arith.constant 0.000000e+00 : f32
        %max3A_1363 = vector.broadcast %max3A_1362 : f32 to vector<16xf32>
        %max3A_1364 = arith.maximumf %sub3A_1361, %max3A_1363 : vector<16xf32>
        %add3A_1365 = arith.addf %add3A_1341, %max3A_1364 : vector<16xf32>
        %add3A_1366 = arith.constant 6 : i32
        %add3A_1367 = arith.addi %mul3A_1293, %add3A_1366 : i32
        %get3A_1368 = arith.index_cast %add3A_1367 : i32 to index
        %get3A_1369 = arith.constant 0 : index
        %get3A_1370 = tpu.vector_load %arg5[%get3A_1368, %get3A_1369] {strides = array<i32>} : memref<4095x16xf32, #tpu.memory_space<vmem>>, vector<1x16xf32>,
        %get3A_1371 = vector.shape_cast %get3A_1370 : vector<1x16xf32> to vector<16xf32>
        %sub3A_1372 = arith.subf %get3A_1371, %mul3A_368 : vector<16xf32>
        %max3A_1373 = arith.constant 0.000000e+00 : f32
        %max3A_1374 = vector.broadcast %max3A_1373 : f32 to vector<16xf32>
        %max3A_1375 = arith.maximumf %sub3A_1372, %max3A_1374 : vector<16xf32>
        %add3A_1376 = arith.addf %add3A_1352, %max3A_1375 : vector<16xf32>
        %add3A_1377 = arith.constant 6 : i32
        %add3A_1378 = arith.addi %mul3A_1293, %add3A_1377 : i32
        %add3A_1379 = arith.constant 1 : i32
        %add3A_1380 = arith.addi %add3A_1378, %add3A_1379 : i32
        %get3A_1381 = arith.index_cast %add3A_1380 : i32 to index
        %get3A_1382 = arith.constant 0 : index
        %get3A_1383 = tpu.vector_load %arg5[%get3A_1381, %get3A_1382] {strides = array<i32>} : memref<4095x16xf32, #tpu.memory_space<vmem>>, vector<1x16xf32>,
        %get3A_1384 = vector.shape_cast %get3A_1383 : vector<1x16xf32> to vector<16xf32>
        %sub3A_1385 = arith.subf %get3A_1384, %mul3A_368 : vector<16xf32>
        %max3A_1386 = arith.constant 0.000000e+00 : f32
        %max3A_1387 = vector.broadcast %max3A_1386 : f32 to vector<16xf32>
        %max3A_1388 = arith.maximumf %sub3A_1385, %max3A_1387 : vector<16xf32>
        %add3A_1389 = arith.addf %add3A_1365, %max3A_1388 : vector<16xf32>
        scf.yield %add3A_1376, %add3A_1389 : vector<16xf32>, vector<16xf32>
      }
      %scan3A_386 = arith.constant 511 : i32
      %get3A_387 = arith.constant 4088 : i32
      %get3A_388 = arith.index_cast %get3A_387 : i32 to index
      %get3A_389 = arith.constant 0 : index
      %get3A_390 = tpu.vector_load %arg5[%get3A_388, %get3A_389] {strides = array<i32>} : memref<4095x16xf32, #tpu.memory_space<vmem>>, vector<1x16xf32>,
      %get3A_391 = vector.shape_cast %get3A_390 : vector<1x16xf32> to vector<16xf32>
      %sub3A_392 = arith.subf %get3A_391, %mul3A_368 : vector<16xf32>
      %max3A_393 = arith.constant 0.000000e+00 : f32
      %max3A_394 = vector.broadcast %max3A_393 : f32 to vector<16xf32>
      %max3A_395 = arith.maximumf %sub3A_392, %max3A_394 : vector<16xf32>
      %add3A_396 = arith.addf %scan3A_385#0, %max3A_395 : vector<16xf32>
      %get3A_397 = arith.constant 4089 : i32
      %get3A_398 = arith.index_cast %get3A_397 : i32 to index
      %get3A_399 = arith.constant 0 : index
      %get3A_400 = tpu.vector_load %arg5[%get3A_398, %get3A_399] {strides = array<i32>} : memref<4095x16xf32, #tpu.memory_space<vmem>>, vector<1x16xf32>,
      %get3A_401 = vector.shape_cast %get3A_400 : vector<1x16xf32> to vector<16xf32>
      %sub3A_402 = arith.subf %get3A_401, %mul3A_368 : vector<16xf32>
      %max3A_403 = arith.constant 0.000000e+00 : f32
      %max3A_404 = vector.broadcast %max3A_403 : f32 to vector<16xf32>
      %max3A_405 = arith.maximumf %sub3A_402, %max3A_404 : vector<16xf32>
      %add3A_406 = arith.addf %add3A_396, %max3A_405 : vector<16xf32>
      %get3A_407 = arith.constant 4090 : i32
      %get3A_408 = arith.index_cast %get3A_407 : i32 to index
      %get3A_409 = arith.constant 0 : index
      %get3A_410 = tpu.vector_load %arg5[%get3A_408, %get3A_409] {strides = array<i32>} : memref<4095x16xf32, #tpu.memory_space<vmem>>, vector<1x16xf32>,
      %get3A_411 = vector.shape_cast %get3A_410 : vector<1x16xf32> to vector<16xf32>
      %sub3A_412 = arith.subf %get3A_411, %mul3A_368 : vector<16xf32>
      %max3A_413 = arith.constant 0.000000e+00 : f32
      %max3A_414 = vector.broadcast %max3A_413 : f32 to vector<16xf32>
      %max3A_415 = arith.maximumf %sub3A_412, %max3A_414 : vector<16xf32>
      %add3A_416 = arith.addf %add3A_406, %max3A_415 : vector<16xf32>
      %get3A_417 = arith.constant 4091 : i32
      %get3A_418 = arith.index_cast %get3A_417 : i32 to index
      %get3A_419 = arith.constant 0 : index
      %get3A_420 = tpu.vector_load %arg5[%get3A_418, %get3A_419] {strides = array<i32>} : memref<4095x16xf32, #tpu.memory_space<vmem>>, vector<1x16xf32>,
      %get3A_421 = vector.shape_cast %get3A_420 : vector<1x16xf32> to vector<16xf32>
      %sub3A_422 = arith.subf %get3A_421, %mul3A_368 : vector<16xf32>
      %max3A_423 = arith.constant 0.000000e+00 : f32
      %max3A_424 = vector.broadcast %max3A_423 : f32 to vector<16xf32>
      %max3A_425 = arith.maximumf %sub3A_422, %max3A_424 : vector<16xf32>
      %add3A_426 = arith.addf %add3A_416, %max3A_425 : vector<16xf32>
      %get3A_427 = arith.constant 4092 : i32
      %get3A_428 = arith.index_cast %get3A_427 : i32 to index
      %get3A_429 = arith.constant 0 : index
      %get3A_430 = tpu.vector_load %arg5[%get3A_428, %get3A_429] {strides = array<i32>} : memref<4095x16xf32, #tpu.memory_space<vmem>>, vector<1x16xf32>,
      %get3A_431 = vector.shape_cast %get3A_430 : vector<1x16xf32> to vector<16xf32>
      %sub3A_432 = arith.subf %get3A_431, %mul3A_368 : vector<16xf32>
      %max3A_433 = arith.constant 0.000000e+00 : f32
      %max3A_434 = vector.broadcast %max3A_433 : f32 to vector<16xf32>
      %max3A_435 = arith.maximumf %sub3A_432, %max3A_434 : vector<16xf32>
      %add3A_436 = arith.addf %add3A_426, %max3A_435 : vector<16xf32>
      %get3A_437 = arith.constant 4093 : i32
      %get3A_438 = arith.index_cast %get3A_437 : i32 to index
      %get3A_439 = arith.constant 0 : index
      %get3A_440 = tpu.vector_load %arg5[%get3A_438, %get3A_439] {strides = array<i32>} : memref<4095x16xf32, #tpu.memory_space<vmem>>, vector<1x16xf32>,
      %get3A_441 = vector.shape_cast %get3A_440 : vector<1x16xf32> to vector<16xf32>
      %sub3A_442 = arith.subf %get3A_441, %mul3A_368 : vector<16xf32>
      %max3A_443 = arith.constant 0.000000e+00 : f32
      %max3A_444 = vector.broadcast %max3A_443 : f32 to vector<16xf32>
      %max3A_445 = arith.maximumf %sub3A_442, %max3A_444 : vector<16xf32>
      %add3A_446 = arith.addf %add3A_436, %max3A_445 : vector<16xf32>
      %get3A_447 = arith.constant 4094 : i32
      %get3A_448 = arith.index_cast %get3A_447 : i32 to index
      %get3A_449 = arith.constant 0 : index
      %get3A_450 = tpu.vector_load %arg5[%get3A_448, %get3A_449] {strides = array<i32>} : memref<4095x16xf32, #tpu.memory_space<vmem>>, vector<1x16xf32>,
      %get3A_451 = vector.shape_cast %get3A_450 : vector<1x16xf32> to vector<16xf32>
      %sub3A_452 = arith.subf %get3A_451, %mul3A_368 : vector<16xf32>
      %max3A_453 = arith.constant 0.000000e+00 : f32
      %max3A_454 = vector.broadcast %max3A_453 : f32 to vector<16xf32>
      %max3A_455 = arith.maximumf %sub3A_452, %max3A_454 : vector<16xf32>
      %add3A_456 = arith.addf %add3A_446, %max3A_455 : vector<16xf32>
      %add3A_457 = arith.addf %add3A_456, %scan3A_385#1 : vector<16xf32>
      %ge3A_458 = arith.constant 1.000000e+00 : f32
      %ge3A_459 = vector.broadcast %ge3A_458 : f32 to vector<16xf32>
      %ge3A_460 = arith.cmpf oge, %add3A_457, %ge3A_459 : vector<16xf32>
      %select_n3A_461 = arith.select %ge3A_460, %mul3A_368, %select_n3A_363 : vector<16xi1>, vector<16xf32>
      %select_n3A_462 = arith.select %ge3A_460, %select_n3A_364, %mul3A_368 : vector<16xi1>, vector<16xf32>
      %add3A_463 = arith.addf %select_n3A_461, %select_n3A_462 : vector<16xf32>
      %mul3A_464 = arith.constant 5.000000e-01 : f32
      %mul3A_465 = vector.broadcast %mul3A_464 : f32 to vector<16xf32>
      %mul3A_466 = arith.mulf %mul3A_465, %add3A_463 : vector<16xf32>
      %sub3A_467 = arith.subf %get3A_17, %mul3A_466 : vector<16xf32>
      %max3A_468 = arith.constant 0.000000e+00 : f32
      %max3A_469 = vector.broadcast %max3A_468 : f32 to vector<16xf32>
      %max3A_470 = arith.maximumf %sub3A_467, %max3A_469 : vector<16xf32>
      %broadcast_in_dim3A_471 = arith.constant 0.000000e+00 : f32
      %broadcast_in_dim3A_472 = vector.broadcast %broadcast_in_dim3A_471 : f32 to vector<16xf32>
      %scan3A_473 = arith.constant 0 : i32
      %scan3A_474 = arith.constant 512 : i32
      %scan3A_475 = arith.addi %scan3A_473, %scan3A_474 : i32
      %scan3A_476 = arith.constant 1 : i32
      %scan3A_477:2 = scf.for %scan3A_1289 = %scan3A_473 to %scan3A_475 step %scan3A_476 iter_args(%scan3A_1290 = %max3A_470, %scan3A_1291 = %broadcast_in_dim3A_472) -> (vector<16xf32>, vector<16xf32>)  : i32 {
        %mul3A_1292 = arith.constant 8 : i32
        %mul3A_1293 = arith.muli %scan3A_1289, %mul3A_1292 : i32
        %add3A_1294 = arith.constant 0 : i32
        %add3A_1295 = arith.addi %mul3A_1293, %add3A_1294 : i32
        %get3A_1296 = arith.index_cast %add3A_1295 : i32 to index
        %get3A_1297 = arith.constant 0 : index
        %get3A_1298 = tpu.vector_load %arg4[%get3A_1296, %get3A_1297] {strides = array<i32>} : memref<4096x16xf32, #tpu.memory_space<vmem>>, vector<1x16xf32>,
        %get3A_1299 = vector.shape_cast %get3A_1298 : vector<1x16xf32> to vector<16xf32>
        %sub3A_1300 = arith.subf %get3A_1299, %mul3A_466 : vector<16xf32>
        %max3A_1301 = arith.constant 0.000000e+00 : f32
        %max3A_1302 = vector.broadcast %max3A_1301 : f32 to vector<16xf32>
        %max3A_1303 = arith.maximumf %sub3A_1300, %max3A_1302 : vector<16xf32>
        %add3A_1304 = arith.addf %scan3A_1290, %max3A_1303 : vector<16xf32>
        %add3A_1305 = arith.constant 0 : i32
        %add3A_1306 = arith.addi %mul3A_1293, %add3A_1305 : i32
        %add3A_1307 = arith.constant 1 : i32
        %add3A_1308 = arith.addi %add3A_1306, %add3A_1307 : i32
        %get3A_1309 = arith.index_cast %add3A_1308 : i32 to index
        %get3A_1310 = arith.constant 0 : index
        %get3A_1311 = tpu.vector_load %arg4[%get3A_1309, %get3A_1310] {strides = array<i32>} : memref<4096x16xf32, #tpu.memory_space<vmem>>, vector<1x16xf32>,
        %get3A_1312 = vector.shape_cast %get3A_1311 : vector<1x16xf32> to vector<16xf32>
        %sub3A_1313 = arith.subf %get3A_1312, %mul3A_466 : vector<16xf32>
        %max3A_1314 = arith.constant 0.000000e+00 : f32
        %max3A_1315 = vector.broadcast %max3A_1314 : f32 to vector<16xf32>
        %max3A_1316 = arith.maximumf %sub3A_1313, %max3A_1315 : vector<16xf32>
        %add3A_1317 = arith.addf %scan3A_1291, %max3A_1316 : vector<16xf32>
        %add3A_1318 = arith.constant 2 : i32
        %add3A_1319 = arith.addi %mul3A_1293, %add3A_1318 : i32
        %get3A_1320 = arith.index_cast %add3A_1319 : i32 to index
        %get3A_1321 = arith.constant 0 : index
        %get3A_1322 = tpu.vector_load %arg4[%get3A_1320, %get3A_1321] {strides = array<i32>} : memref<4096x16xf32, #tpu.memory_space<vmem>>, vector<1x16xf32>,
        %get3A_1323 = vector.shape_cast %get3A_1322 : vector<1x16xf32> to vector<16xf32>
        %sub3A_1324 = arith.subf %get3A_1323, %mul3A_466 : vector<16xf32>
        %max3A_1325 = arith.constant 0.000000e+00 : f32
        %max3A_1326 = vector.broadcast %max3A_1325 : f32 to vector<16xf32>
        %max3A_1327 = arith.maximumf %sub3A_1324, %max3A_1326 : vector<16xf32>
        %add3A_1328 = arith.addf %add3A_1304, %max3A_1327 : vector<16xf32>
        %add3A_1329 = arith.constant 2 : i32
        %add3A_1330 = arith.addi %mul3A_1293, %add3A_1329 : i32
        %add3A_1331 = arith.constant 1 : i32
        %add3A_1332 = arith.addi %add3A_1330, %add3A_1331 : i32
        %get3A_1333 = arith.index_cast %add3A_1332 : i32 to index
        %get3A_1334 = arith.constant 0 : index
        %get3A_1335 = tpu.vector_load %arg4[%get3A_1333, %get3A_1334] {strides = array<i32>} : memref<4096x16xf32, #tpu.memory_space<vmem>>, vector<1x16xf32>,
        %get3A_1336 = vector.shape_cast %get3A_1335 : vector<1x16xf32> to vector<16xf32>
        %sub3A_1337 = arith.subf %get3A_1336, %mul3A_466 : vector<16xf32>
        %max3A_1338 = arith.constant 0.000000e+00 : f32
        %max3A_1339 = vector.broadcast %max3A_1338 : f32 to vector<16xf32>
        %max3A_1340 = arith.maximumf %sub3A_1337, %max3A_1339 : vector<16xf32>
        %add3A_1341 = arith.addf %add3A_1317, %max3A_1340 : vector<16xf32>
        %add3A_1342 = arith.constant 4 : i32
        %add3A_1343 = arith.addi %mul3A_1293, %add3A_1342 : i32
        %get3A_1344 = arith.index_cast %add3A_1343 : i32 to index
        %get3A_1345 = arith.constant 0 : index
        %get3A_1346 = tpu.vector_load %arg4[%get3A_1344, %get3A_1345] {strides = array<i32>} : memref<4096x16xf32, #tpu.memory_space<vmem>>, vector<1x16xf32>,
        %get3A_1347 = vector.shape_cast %get3A_1346 : vector<1x16xf32> to vector<16xf32>
        %sub3A_1348 = arith.subf %get3A_1347, %mul3A_466 : vector<16xf32>
        %max3A_1349 = arith.constant 0.000000e+00 : f32
        %max3A_1350 = vector.broadcast %max3A_1349 : f32 to vector<16xf32>
        %max3A_1351 = arith.maximumf %sub3A_1348, %max3A_1350 : vector<16xf32>
        %add3A_1352 = arith.addf %add3A_1328, %max3A_1351 : vector<16xf32>
        %add3A_1353 = arith.constant 4 : i32
        %add3A_1354 = arith.addi %mul3A_1293, %add3A_1353 : i32
        %add3A_1355 = arith.constant 1 : i32
        %add3A_1356 = arith.addi %add3A_1354, %add3A_1355 : i32
        %get3A_1357 = arith.index_cast %add3A_1356 : i32 to index
        %get3A_1358 = arith.constant 0 : index
        %get3A_1359 = tpu.vector_load %arg4[%get3A_1357, %get3A_1358] {strides = array<i32>} : memref<4096x16xf32, #tpu.memory_space<vmem>>, vector<1x16xf32>,
        %get3A_1360 = vector.shape_cast %get3A_1359 : vector<1x16xf32> to vector<16xf32>
        %sub3A_1361 = arith.subf %get3A_1360, %mul3A_466 : vector<16xf32>
        %max3A_1362 = arith.constant 0.000000e+00 : f32
        %max3A_1363 = vector.broadcast %max3A_1362 : f32 to vector<16xf32>
        %max3A_1364 = arith.maximumf %sub3A_1361, %max3A_1363 : vector<16xf32>
        %add3A_1365 = arith.addf %add3A_1341, %max3A_1364 : vector<16xf32>
        %add3A_1366 = arith.constant 6 : i32
        %add3A_1367 = arith.addi %mul3A_1293, %add3A_1366 : i32
        %get3A_1368 = arith.index_cast %add3A_1367 : i32 to index
        %get3A_1369 = arith.constant 0 : index
        %get3A_1370 = tpu.vector_load %arg4[%get3A_1368, %get3A_1369] {strides = array<i32>} : memref<4096x16xf32, #tpu.memory_space<vmem>>, vector<1x16xf32>,
        %get3A_1371 = vector.shape_cast %get3A_1370 : vector<1x16xf32> to vector<16xf32>
        %sub3A_1372 = arith.subf %get3A_1371, %mul3A_466 : vector<16xf32>
        %max3A_1373 = arith.constant 0.000000e+00 : f32
        %max3A_1374 = vector.broadcast %max3A_1373 : f32 to vector<16xf32>
        %max3A_1375 = arith.maximumf %sub3A_1372, %max3A_1374 : vector<16xf32>
        %add3A_1376 = arith.addf %add3A_1352, %max3A_1375 : vector<16xf32>
        %add3A_1377 = arith.constant 6 : i32
        %add3A_1378 = arith.addi %mul3A_1293, %add3A_1377 : i32
        %add3A_1379 = arith.constant 1 : i32
        %add3A_1380 = arith.addi %add3A_1378, %add3A_1379 : i32
        %get3A_1381 = arith.index_cast %add3A_1380 : i32 to index
        %get3A_1382 = arith.constant 0 : index
        %get3A_1383 = tpu.vector_load %arg4[%get3A_1381, %get3A_1382] {strides = array<i32>} : memref<4096x16xf32, #tpu.memory_space<vmem>>, vector<1x16xf32>,
        %get3A_1384 = vector.shape_cast %get3A_1383 : vector<1x16xf32> to vector<16xf32>
        %sub3A_1385 = arith.subf %get3A_1384, %mul3A_466 : vector<16xf32>
        %max3A_1386 = arith.constant 0.000000e+00 : f32
        %max3A_1387 = vector.broadcast %max3A_1386 : f32 to vector<16xf32>
        %max3A_1388 = arith.maximumf %sub3A_1385, %max3A_1387 : vector<16xf32>
        %add3A_1389 = arith.addf %add3A_1365, %max3A_1388 : vector<16xf32>
        scf.yield %add3A_1376, %add3A_1389 : vector<16xf32>, vector<16xf32>
      }
      %scan3A_478 = arith.constant 512 : i32
      %scan3A_479 = arith.constant 0 : i32
      %scan3A_480 = arith.constant 511 : i32
      %scan3A_481 = arith.addi %scan3A_479, %scan3A_480 : i32
      %scan3A_482 = arith.constant 1 : i32
      %scan3A_483:2 = scf.for %scan3A_1289 = %scan3A_479 to %scan3A_481 step %scan3A_482 iter_args(%scan3A_1290 = %scan3A_477#0, %scan3A_1291 = %scan3A_477#1) -> (vector<16xf32>, vector<16xf32>)  : i32 {
        %mul3A_1292 = arith.constant 8 : i32
        %mul3A_1293 = arith.muli %scan3A_1289, %mul3A_1292 : i32
        %add3A_1294 = arith.constant 0 : i32
        %add3A_1295 = arith.addi %mul3A_1293, %add3A_1294 : i32
        %get3A_1296 = arith.index_cast %add3A_1295 : i32 to index
        %get3A_1297 = arith.constant 0 : index
        %get3A_1298 = tpu.vector_load %arg5[%get3A_1296, %get3A_1297] {strides = array<i32>} : memref<4095x16xf32, #tpu.memory_space<vmem>>, vector<1x16xf32>,
        %get3A_1299 = vector.shape_cast %get3A_1298 : vector<1x16xf32> to vector<16xf32>
        %sub3A_1300 = arith.subf %get3A_1299, %mul3A_466 : vector<16xf32>
        %max3A_1301 = arith.constant 0.000000e+00 : f32
        %max3A_1302 = vector.broadcast %max3A_1301 : f32 to vector<16xf32>
        %max3A_1303 = arith.maximumf %sub3A_1300, %max3A_1302 : vector<16xf32>
        %add3A_1304 = arith.addf %scan3A_1290, %max3A_1303 : vector<16xf32>
        %add3A_1305 = arith.constant 0 : i32
        %add3A_1306 = arith.addi %mul3A_1293, %add3A_1305 : i32
        %add3A_1307 = arith.constant 1 : i32
        %add3A_1308 = arith.addi %add3A_1306, %add3A_1307 : i32
        %get3A_1309 = arith.index_cast %add3A_1308 : i32 to index
        %get3A_1310 = arith.constant 0 : index
        %get3A_1311 = tpu.vector_load %arg5[%get3A_1309, %get3A_1310] {strides = array<i32>} : memref<4095x16xf32, #tpu.memory_space<vmem>>, vector<1x16xf32>,
        %get3A_1312 = vector.shape_cast %get3A_1311 : vector<1x16xf32> to vector<16xf32>
        %sub3A_1313 = arith.subf %get3A_1312, %mul3A_466 : vector<16xf32>
        %max3A_1314 = arith.constant 0.000000e+00 : f32
        %max3A_1315 = vector.broadcast %max3A_1314 : f32 to vector<16xf32>
        %max3A_1316 = arith.maximumf %sub3A_1313, %max3A_1315 : vector<16xf32>
        %add3A_1317 = arith.addf %scan3A_1291, %max3A_1316 : vector<16xf32>
        %add3A_1318 = arith.constant 2 : i32
        %add3A_1319 = arith.addi %mul3A_1293, %add3A_1318 : i32
        %get3A_1320 = arith.index_cast %add3A_1319 : i32 to index
        %get3A_1321 = arith.constant 0 : index
        %get3A_1322 = tpu.vector_load %arg5[%get3A_1320, %get3A_1321] {strides = array<i32>} : memref<4095x16xf32, #tpu.memory_space<vmem>>, vector<1x16xf32>,
        %get3A_1323 = vector.shape_cast %get3A_1322 : vector<1x16xf32> to vector<16xf32>
        %sub3A_1324 = arith.subf %get3A_1323, %mul3A_466 : vector<16xf32>
        %max3A_1325 = arith.constant 0.000000e+00 : f32
        %max3A_1326 = vector.broadcast %max3A_1325 : f32 to vector<16xf32>
        %max3A_1327 = arith.maximumf %sub3A_1324, %max3A_1326 : vector<16xf32>
        %add3A_1328 = arith.addf %add3A_1304, %max3A_1327 : vector<16xf32>
        %add3A_1329 = arith.constant 2 : i32
        %add3A_1330 = arith.addi %mul3A_1293, %add3A_1329 : i32
        %add3A_1331 = arith.constant 1 : i32
        %add3A_1332 = arith.addi %add3A_1330, %add3A_1331 : i32
        %get3A_1333 = arith.index_cast %add3A_1332 : i32 to index
        %get3A_1334 = arith.constant 0 : index
        %get3A_1335 = tpu.vector_load %arg5[%get3A_1333, %get3A_1334] {strides = array<i32>} : memref<4095x16xf32, #tpu.memory_space<vmem>>, vector<1x16xf32>,
        %get3A_1336 = vector.shape_cast %get3A_1335 : vector<1x16xf32> to vector<16xf32>
        %sub3A_1337 = arith.subf %get3A_1336, %mul3A_466 : vector<16xf32>
        %max3A_1338 = arith.constant 0.000000e+00 : f32
        %max3A_1339 = vector.broadcast %max3A_1338 : f32 to vector<16xf32>
        %max3A_1340 = arith.maximumf %sub3A_1337, %max3A_1339 : vector<16xf32>
        %add3A_1341 = arith.addf %add3A_1317, %max3A_1340 : vector<16xf32>
        %add3A_1342 = arith.constant 4 : i32
        %add3A_1343 = arith.addi %mul3A_1293, %add3A_1342 : i32
        %get3A_1344 = arith.index_cast %add3A_1343 : i32 to index
        %get3A_1345 = arith.constant 0 : index
        %get3A_1346 = tpu.vector_load %arg5[%get3A_1344, %get3A_1345] {strides = array<i32>} : memref<4095x16xf32, #tpu.memory_space<vmem>>, vector<1x16xf32>,
        %get3A_1347 = vector.shape_cast %get3A_1346 : vector<1x16xf32> to vector<16xf32>
        %sub3A_1348 = arith.subf %get3A_1347, %mul3A_466 : vector<16xf32>
        %max3A_1349 = arith.constant 0.000000e+00 : f32
        %max3A_1350 = vector.broadcast %max3A_1349 : f32 to vector<16xf32>
        %max3A_1351 = arith.maximumf %sub3A_1348, %max3A_1350 : vector<16xf32>
        %add3A_1352 = arith.addf %add3A_1328, %max3A_1351 : vector<16xf32>
        %add3A_1353 = arith.constant 4 : i32
        %add3A_1354 = arith.addi %mul3A_1293, %add3A_1353 : i32
        %add3A_1355 = arith.constant 1 : i32
        %add3A_1356 = arith.addi %add3A_1354, %add3A_1355 : i32
        %get3A_1357 = arith.index_cast %add3A_1356 : i32 to index
        %get3A_1358 = arith.constant 0 : index
        %get3A_1359 = tpu.vector_load %arg5[%get3A_1357, %get3A_1358] {strides = array<i32>} : memref<4095x16xf32, #tpu.memory_space<vmem>>, vector<1x16xf32>,
        %get3A_1360 = vector.shape_cast %get3A_1359 : vector<1x16xf32> to vector<16xf32>
        %sub3A_1361 = arith.subf %get3A_1360, %mul3A_466 : vector<16xf32>
        %max3A_1362 = arith.constant 0.000000e+00 : f32
        %max3A_1363 = vector.broadcast %max3A_1362 : f32 to vector<16xf32>
        %max3A_1364 = arith.maximumf %sub3A_1361, %max3A_1363 : vector<16xf32>
        %add3A_1365 = arith.addf %add3A_1341, %max3A_1364 : vector<16xf32>
        %add3A_1366 = arith.constant 6 : i32
        %add3A_1367 = arith.addi %mul3A_1293, %add3A_1366 : i32
        %get3A_1368 = arith.index_cast %add3A_1367 : i32 to index
        %get3A_1369 = arith.constant 0 : index
        %get3A_1370 = tpu.vector_load %arg5[%get3A_1368, %get3A_1369] {strides = array<i32>} : memref<4095x16xf32, #tpu.memory_space<vmem>>, vector<1x16xf32>,
        %get3A_1371 = vector.shape_cast %get3A_1370 : vector<1x16xf32> to vector<16xf32>
        %sub3A_1372 = arith.subf %get3A_1371, %mul3A_466 : vector<16xf32>
        %max3A_1373 = arith.constant 0.000000e+00 : f32
        %max3A_1374 = vector.broadcast %max3A_1373 : f32 to vector<16xf32>
        %max3A_1375 = arith.maximumf %sub3A_1372, %max3A_1374 : vector<16xf32>
        %add3A_1376 = arith.addf %add3A_1352, %max3A_1375 : vector<16xf32>
        %add3A_1377 = arith.constant 6 : i32
        %add3A_1378 = arith.addi %mul3A_1293, %add3A_1377 : i32
        %add3A_1379 = arith.constant 1 : i32
        %add3A_1380 = arith.addi %add3A_1378, %add3A_1379 : i32
        %get3A_1381 = arith.index_cast %add3A_1380 : i32 to index
        %get3A_1382 = arith.constant 0 : index
        %get3A_1383 = tpu.vector_load %arg5[%get3A_1381, %get3A_1382] {strides = array<i32>} : memref<4095x16xf32, #tpu.memory_space<vmem>>, vector<1x16xf32>,
        %get3A_1384 = vector.shape_cast %get3A_1383 : vector<1x16xf32> to vector<16xf32>
        %sub3A_1385 = arith.subf %get3A_1384, %mul3A_466 : vector<16xf32>
        %max3A_1386 = arith.constant 0.000000e+00 : f32
        %max3A_1387 = vector.broadcast %max3A_1386 : f32 to vector<16xf32>
        %max3A_1388 = arith.maximumf %sub3A_1385, %max3A_1387 : vector<16xf32>
        %add3A_1389 = arith.addf %add3A_1365, %max3A_1388 : vector<16xf32>
        scf.yield %add3A_1376, %add3A_1389 : vector<16xf32>, vector<16xf32>
      }
      %scan3A_484 = arith.constant 511 : i32
      %get3A_485 = arith.constant 4088 : i32
      %get3A_486 = arith.index_cast %get3A_485 : i32 to index
      %get3A_487 = arith.constant 0 : index
      %get3A_488 = tpu.vector_load %arg5[%get3A_486, %get3A_487] {strides = array<i32>} : memref<4095x16xf32, #tpu.memory_space<vmem>>, vector<1x16xf32>,
      %get3A_489 = vector.shape_cast %get3A_488 : vector<1x16xf32> to vector<16xf32>
      %sub3A_490 = arith.subf %get3A_489, %mul3A_466 : vector<16xf32>
      %max3A_491 = arith.constant 0.000000e+00 : f32
      %max3A_492 = vector.broadcast %max3A_491 : f32 to vector<16xf32>
      %max3A_493 = arith.maximumf %sub3A_490, %max3A_492 : vector<16xf32>
      %add3A_494 = arith.addf %scan3A_483#0, %max3A_493 : vector<16xf32>
      %get3A_495 = arith.constant 4089 : i32
      %get3A_496 = arith.index_cast %get3A_495 : i32 to index
      %get3A_497 = arith.constant 0 : index
      %get3A_498 = tpu.vector_load %arg5[%get3A_496, %get3A_497] {strides = array<i32>} : memref<4095x16xf32, #tpu.memory_space<vmem>>, vector<1x16xf32>,
      %get3A_499 = vector.shape_cast %get3A_498 : vector<1x16xf32> to vector<16xf32>
      %sub3A_500 = arith.subf %get3A_499, %mul3A_466 : vector<16xf32>
      %max3A_501 = arith.constant 0.000000e+00 : f32
      %max3A_502 = vector.broadcast %max3A_501 : f32 to vector<16xf32>
      %max3A_503 = arith.maximumf %sub3A_500, %max3A_502 : vector<16xf32>
      %add3A_504 = arith.addf %add3A_494, %max3A_503 : vector<16xf32>
      %get3A_505 = arith.constant 4090 : i32
      %get3A_506 = arith.index_cast %get3A_505 : i32 to index
      %get3A_507 = arith.constant 0 : index
      %get3A_508 = tpu.vector_load %arg5[%get3A_506, %get3A_507] {strides = array<i32>} : memref<4095x16xf32, #tpu.memory_space<vmem>>, vector<1x16xf32>,
      %get3A_509 = vector.shape_cast %get3A_508 : vector<1x16xf32> to vector<16xf32>
      %sub3A_510 = arith.subf %get3A_509, %mul3A_466 : vector<16xf32>
      %max3A_511 = arith.constant 0.000000e+00 : f32
      %max3A_512 = vector.broadcast %max3A_511 : f32 to vector<16xf32>
      %max3A_513 = arith.maximumf %sub3A_510, %max3A_512 : vector<16xf32>
      %add3A_514 = arith.addf %add3A_504, %max3A_513 : vector<16xf32>
      %get3A_515 = arith.constant 4091 : i32
      %get3A_516 = arith.index_cast %get3A_515 : i32 to index
      %get3A_517 = arith.constant 0 : index
      %get3A_518 = tpu.vector_load %arg5[%get3A_516, %get3A_517] {strides = array<i32>} : memref<4095x16xf32, #tpu.memory_space<vmem>>, vector<1x16xf32>,
      %get3A_519 = vector.shape_cast %get3A_518 : vector<1x16xf32> to vector<16xf32>
      %sub3A_520 = arith.subf %get3A_519, %mul3A_466 : vector<16xf32>
      %max3A_521 = arith.constant 0.000000e+00 : f32
      %max3A_522 = vector.broadcast %max3A_521 : f32 to vector<16xf32>
      %max3A_523 = arith.maximumf %sub3A_520, %max3A_522 : vector<16xf32>
      %add3A_524 = arith.addf %add3A_514, %max3A_523 : vector<16xf32>
      %get3A_525 = arith.constant 4092 : i32
      %get3A_526 = arith.index_cast %get3A_525 : i32 to index
      %get3A_527 = arith.constant 0 : index
      %get3A_528 = tpu.vector_load %arg5[%get3A_526, %get3A_527] {strides = array<i32>} : memref<4095x16xf32, #tpu.memory_space<vmem>>, vector<1x16xf32>,
      %get3A_529 = vector.shape_cast %get3A_528 : vector<1x16xf32> to vector<16xf32>
      %sub3A_530 = arith.subf %get3A_529, %mul3A_466 : vector<16xf32>
      %max3A_531 = arith.constant 0.000000e+00 : f32
      %max3A_532 = vector.broadcast %max3A_531 : f32 to vector<16xf32>
      %max3A_533 = arith.maximumf %sub3A_530, %max3A_532 : vector<16xf32>
      %add3A_534 = arith.addf %add3A_524, %max3A_533 : vector<16xf32>
      %get3A_535 = arith.constant 4093 : i32
      %get3A_536 = arith.index_cast %get3A_535 : i32 to index
      %get3A_537 = arith.constant 0 : index
      %get3A_538 = tpu.vector_load %arg5[%get3A_536, %get3A_537] {strides = array<i32>} : memref<4095x16xf32, #tpu.memory_space<vmem>>, vector<1x16xf32>,
      %get3A_539 = vector.shape_cast %get3A_538 : vector<1x16xf32> to vector<16xf32>
      %sub3A_540 = arith.subf %get3A_539, %mul3A_466 : vector<16xf32>
      %max3A_541 = arith.constant 0.000000e+00 : f32
      %max3A_542 = vector.broadcast %max3A_541 : f32 to vector<16xf32>
      %max3A_543 = arith.maximumf %sub3A_540, %max3A_542 : vector<16xf32>
      %add3A_544 = arith.addf %add3A_534, %max3A_543 : vector<16xf32>
      %get3A_545 = arith.constant 4094 : i32
      %get3A_546 = arith.index_cast %get3A_545 : i32 to index
      %get3A_547 = arith.constant 0 : index
      %get3A_548 = tpu.vector_load %arg5[%get3A_546, %get3A_547] {strides = array<i32>} : memref<4095x16xf32, #tpu.memory_space<vmem>>, vector<1x16xf32>,
      %get3A_549 = vector.shape_cast %get3A_548 : vector<1x16xf32> to vector<16xf32>
      %sub3A_550 = arith.subf %get3A_549, %mul3A_466 : vector<16xf32>
      %max3A_551 = arith.constant 0.000000e+00 : f32
      %max3A_552 = vector.broadcast %max3A_551 : f32 to vector<16xf32>
      %max3A_553 = arith.maximumf %sub3A_550, %max3A_552 : vector<16xf32>
      %add3A_554 = arith.addf %add3A_544, %max3A_553 : vector<16xf32>
      %add3A_555 = arith.addf %add3A_554, %scan3A_483#1 : vector<16xf32>
      %ge3A_556 = arith.constant 1.000000e+00 : f32
      %ge3A_557 = vector.broadcast %ge3A_556 : f32 to vector<16xf32>
      %ge3A_558 = arith.cmpf oge, %add3A_555, %ge3A_557 : vector<16xf32>
      %select_n3A_559 = arith.select %ge3A_558, %mul3A_466, %select_n3A_461 : vector<16xi1>, vector<16xf32>
      %select_n3A_560 = arith.select %ge3A_558, %select_n3A_462, %mul3A_466 : vector<16xi1>, vector<16xf32>
      %add3A_561 = arith.addf %select_n3A_559, %select_n3A_560 : vector<16xf32>
      %mul3A_562 = arith.constant 5.000000e-01 : f32
      %mul3A_563 = vector.broadcast %mul3A_562 : f32 to vector<16xf32>
      %mul3A_564 = arith.mulf %mul3A_563, %add3A_561 : vector<16xf32>
      %sub3A_565 = arith.subf %get3A_17, %mul3A_564 : vector<16xf32>
      %max3A_566 = arith.constant 0.000000e+00 : f32
      %max3A_567 = vector.broadcast %max3A_566 : f32 to vector<16xf32>
      %max3A_568 = arith.maximumf %sub3A_565, %max3A_567 : vector<16xf32>
      %broadcast_in_dim3A_569 = arith.constant 0.000000e+00 : f32
      %broadcast_in_dim3A_570 = vector.broadcast %broadcast_in_dim3A_569 : f32 to vector<16xf32>
      %scan3A_571 = arith.constant 0 : i32
      %scan3A_572 = arith.constant 512 : i32
      %scan3A_573 = arith.addi %scan3A_571, %scan3A_572 : i32
      %scan3A_574 = arith.constant 1 : i32
      %scan3A_575:2 = scf.for %scan3A_1289 = %scan3A_571 to %scan3A_573 step %scan3A_574 iter_args(%scan3A_1290 = %max3A_568, %scan3A_1291 = %broadcast_in_dim3A_570) -> (vector<16xf32>, vector<16xf32>)  : i32 {
        %mul3A_1292 = arith.constant 8 : i32
        %mul3A_1293 = arith.muli %scan3A_1289, %mul3A_1292 : i32
        %add3A_1294 = arith.constant 0 : i32
        %add3A_1295 = arith.addi %mul3A_1293, %add3A_1294 : i32
        %get3A_1296 = arith.index_cast %add3A_1295 : i32 to index
        %get3A_1297 = arith.constant 0 : index
        %get3A_1298 = tpu.vector_load %arg4[%get3A_1296, %get3A_1297] {strides = array<i32>} : memref<4096x16xf32, #tpu.memory_space<vmem>>, vector<1x16xf32>,
        %get3A_1299 = vector.shape_cast %get3A_1298 : vector<1x16xf32> to vector<16xf32>
        %sub3A_1300 = arith.subf %get3A_1299, %mul3A_564 : vector<16xf32>
        %max3A_1301 = arith.constant 0.000000e+00 : f32
        %max3A_1302 = vector.broadcast %max3A_1301 : f32 to vector<16xf32>
        %max3A_1303 = arith.maximumf %sub3A_1300, %max3A_1302 : vector<16xf32>
        %add3A_1304 = arith.addf %scan3A_1290, %max3A_1303 : vector<16xf32>
        %add3A_1305 = arith.constant 0 : i32
        %add3A_1306 = arith.addi %mul3A_1293, %add3A_1305 : i32
        %add3A_1307 = arith.constant 1 : i32
        %add3A_1308 = arith.addi %add3A_1306, %add3A_1307 : i32
        %get3A_1309 = arith.index_cast %add3A_1308 : i32 to index
        %get3A_1310 = arith.constant 0 : index
        %get3A_1311 = tpu.vector_load %arg4[%get3A_1309, %get3A_1310] {strides = array<i32>} : memref<4096x16xf32, #tpu.memory_space<vmem>>, vector<1x16xf32>,
        %get3A_1312 = vector.shape_cast %get3A_1311 : vector<1x16xf32> to vector<16xf32>
        %sub3A_1313 = arith.subf %get3A_1312, %mul3A_564 : vector<16xf32>
        %max3A_1314 = arith.constant 0.000000e+00 : f32
        %max3A_1315 = vector.broadcast %max3A_1314 : f32 to vector<16xf32>
        %max3A_1316 = arith.maximumf %sub3A_1313, %max3A_1315 : vector<16xf32>
        %add3A_1317 = arith.addf %scan3A_1291, %max3A_1316 : vector<16xf32>
        %add3A_1318 = arith.constant 2 : i32
        %add3A_1319 = arith.addi %mul3A_1293, %add3A_1318 : i32
        %get3A_1320 = arith.index_cast %add3A_1319 : i32 to index
        %get3A_1321 = arith.constant 0 : index
        %get3A_1322 = tpu.vector_load %arg4[%get3A_1320, %get3A_1321] {strides = array<i32>} : memref<4096x16xf32, #tpu.memory_space<vmem>>, vector<1x16xf32>,
        %get3A_1323 = vector.shape_cast %get3A_1322 : vector<1x16xf32> to vector<16xf32>
        %sub3A_1324 = arith.subf %get3A_1323, %mul3A_564 : vector<16xf32>
        %max3A_1325 = arith.constant 0.000000e+00 : f32
        %max3A_1326 = vector.broadcast %max3A_1325 : f32 to vector<16xf32>
        %max3A_1327 = arith.maximumf %sub3A_1324, %max3A_1326 : vector<16xf32>
        %add3A_1328 = arith.addf %add3A_1304, %max3A_1327 : vector<16xf32>
        %add3A_1329 = arith.constant 2 : i32
        %add3A_1330 = arith.addi %mul3A_1293, %add3A_1329 : i32
        %add3A_1331 = arith.constant 1 : i32
        %add3A_1332 = arith.addi %add3A_1330, %add3A_1331 : i32
        %get3A_1333 = arith.index_cast %add3A_1332 : i32 to index
        %get3A_1334 = arith.constant 0 : index
        %get3A_1335 = tpu.vector_load %arg4[%get3A_1333, %get3A_1334] {strides = array<i32>} : memref<4096x16xf32, #tpu.memory_space<vmem>>, vector<1x16xf32>,
        %get3A_1336 = vector.shape_cast %get3A_1335 : vector<1x16xf32> to vector<16xf32>
        %sub3A_1337 = arith.subf %get3A_1336, %mul3A_564 : vector<16xf32>
        %max3A_1338 = arith.constant 0.000000e+00 : f32
        %max3A_1339 = vector.broadcast %max3A_1338 : f32 to vector<16xf32>
        %max3A_1340 = arith.maximumf %sub3A_1337, %max3A_1339 : vector<16xf32>
        %add3A_1341 = arith.addf %add3A_1317, %max3A_1340 : vector<16xf32>
        %add3A_1342 = arith.constant 4 : i32
        %add3A_1343 = arith.addi %mul3A_1293, %add3A_1342 : i32
        %get3A_1344 = arith.index_cast %add3A_1343 : i32 to index
        %get3A_1345 = arith.constant 0 : index
        %get3A_1346 = tpu.vector_load %arg4[%get3A_1344, %get3A_1345] {strides = array<i32>} : memref<4096x16xf32, #tpu.memory_space<vmem>>, vector<1x16xf32>,
        %get3A_1347 = vector.shape_cast %get3A_1346 : vector<1x16xf32> to vector<16xf32>
        %sub3A_1348 = arith.subf %get3A_1347, %mul3A_564 : vector<16xf32>
        %max3A_1349 = arith.constant 0.000000e+00 : f32
        %max3A_1350 = vector.broadcast %max3A_1349 : f32 to vector<16xf32>
        %max3A_1351 = arith.maximumf %sub3A_1348, %max3A_1350 : vector<16xf32>
        %add3A_1352 = arith.addf %add3A_1328, %max3A_1351 : vector<16xf32>
        %add3A_1353 = arith.constant 4 : i32
        %add3A_1354 = arith.addi %mul3A_1293, %add3A_1353 : i32
        %add3A_1355 = arith.constant 1 : i32
        %add3A_1356 = arith.addi %add3A_1354, %add3A_1355 : i32
        %get3A_1357 = arith.index_cast %add3A_1356 : i32 to index
        %get3A_1358 = arith.constant 0 : index
        %get3A_1359 = tpu.vector_load %arg4[%get3A_1357, %get3A_1358] {strides = array<i32>} : memref<4096x16xf32, #tpu.memory_space<vmem>>, vector<1x16xf32>,
        %get3A_1360 = vector.shape_cast %get3A_1359 : vector<1x16xf32> to vector<16xf32>
        %sub3A_1361 = arith.subf %get3A_1360, %mul3A_564 : vector<16xf32>
        %max3A_1362 = arith.constant 0.000000e+00 : f32
        %max3A_1363 = vector.broadcast %max3A_1362 : f32 to vector<16xf32>
        %max3A_1364 = arith.maximumf %sub3A_1361, %max3A_1363 : vector<16xf32>
        %add3A_1365 = arith.addf %add3A_1341, %max3A_1364 : vector<16xf32>
        %add3A_1366 = arith.constant 6 : i32
        %add3A_1367 = arith.addi %mul3A_1293, %add3A_1366 : i32
        %get3A_1368 = arith.index_cast %add3A_1367 : i32 to index
        %get3A_1369 = arith.constant 0 : index
        %get3A_1370 = tpu.vector_load %arg4[%get3A_1368, %get3A_1369] {strides = array<i32>} : memref<4096x16xf32, #tpu.memory_space<vmem>>, vector<1x16xf32>,
        %get3A_1371 = vector.shape_cast %get3A_1370 : vector<1x16xf32> to vector<16xf32>
        %sub3A_1372 = arith.subf %get3A_1371, %mul3A_564 : vector<16xf32>
        %max3A_1373 = arith.constant 0.000000e+00 : f32
        %max3A_1374 = vector.broadcast %max3A_1373 : f32 to vector<16xf32>
        %max3A_1375 = arith.maximumf %sub3A_1372, %max3A_1374 : vector<16xf32>
        %add3A_1376 = arith.addf %add3A_1352, %max3A_1375 : vector<16xf32>
        %add3A_1377 = arith.constant 6 : i32
        %add3A_1378 = arith.addi %mul3A_1293, %add3A_1377 : i32
        %add3A_1379 = arith.constant 1 : i32
        %add3A_1380 = arith.addi %add3A_1378, %add3A_1379 : i32
        %get3A_1381 = arith.index_cast %add3A_1380 : i32 to index
        %get3A_1382 = arith.constant 0 : index
        %get3A_1383 = tpu.vector_load %arg4[%get3A_1381, %get3A_1382] {strides = array<i32>} : memref<4096x16xf32, #tpu.memory_space<vmem>>, vector<1x16xf32>,
        %get3A_1384 = vector.shape_cast %get3A_1383 : vector<1x16xf32> to vector<16xf32>
        %sub3A_1385 = arith.subf %get3A_1384, %mul3A_564 : vector<16xf32>
        %max3A_1386 = arith.constant 0.000000e+00 : f32
        %max3A_1387 = vector.broadcast %max3A_1386 : f32 to vector<16xf32>
        %max3A_1388 = arith.maximumf %sub3A_1385, %max3A_1387 : vector<16xf32>
        %add3A_1389 = arith.addf %add3A_1365, %max3A_1388 : vector<16xf32>
        scf.yield %add3A_1376, %add3A_1389 : vector<16xf32>, vector<16xf32>
      }
      %scan3A_576 = arith.constant 512 : i32
      %scan3A_577 = arith.constant 0 : i32
      %scan3A_578 = arith.constant 511 : i32
      %scan3A_579 = arith.addi %scan3A_577, %scan3A_578 : i32
      %scan3A_580 = arith.constant 1 : i32
      %scan3A_581:2 = scf.for %scan3A_1289 = %scan3A_577 to %scan3A_579 step %scan3A_580 iter_args(%scan3A_1290 = %scan3A_575#0, %scan3A_1291 = %scan3A_575#1) -> (vector<16xf32>, vector<16xf32>)  : i32 {
        %mul3A_1292 = arith.constant 8 : i32
        %mul3A_1293 = arith.muli %scan3A_1289, %mul3A_1292 : i32
        %add3A_1294 = arith.constant 0 : i32
        %add3A_1295 = arith.addi %mul3A_1293, %add3A_1294 : i32
        %get3A_1296 = arith.index_cast %add3A_1295 : i32 to index
        %get3A_1297 = arith.constant 0 : index
        %get3A_1298 = tpu.vector_load %arg5[%get3A_1296, %get3A_1297] {strides = array<i32>} : memref<4095x16xf32, #tpu.memory_space<vmem>>, vector<1x16xf32>,
        %get3A_1299 = vector.shape_cast %get3A_1298 : vector<1x16xf32> to vector<16xf32>
        %sub3A_1300 = arith.subf %get3A_1299, %mul3A_564 : vector<16xf32>
        %max3A_1301 = arith.constant 0.000000e+00 : f32
        %max3A_1302 = vector.broadcast %max3A_1301 : f32 to vector<16xf32>
        %max3A_1303 = arith.maximumf %sub3A_1300, %max3A_1302 : vector<16xf32>
        %add3A_1304 = arith.addf %scan3A_1290, %max3A_1303 : vector<16xf32>
        %add3A_1305 = arith.constant 0 : i32
        %add3A_1306 = arith.addi %mul3A_1293, %add3A_1305 : i32
        %add3A_1307 = arith.constant 1 : i32
        %add3A_1308 = arith.addi %add3A_1306, %add3A_1307 : i32
        %get3A_1309 = arith.index_cast %add3A_1308 : i32 to index
        %get3A_1310 = arith.constant 0 : index
        %get3A_1311 = tpu.vector_load %arg5[%get3A_1309, %get3A_1310] {strides = array<i32>} : memref<4095x16xf32, #tpu.memory_space<vmem>>, vector<1x16xf32>,
        %get3A_1312 = vector.shape_cast %get3A_1311 : vector<1x16xf32> to vector<16xf32>
        %sub3A_1313 = arith.subf %get3A_1312, %mul3A_564 : vector<16xf32>
        %max3A_1314 = arith.constant 0.000000e+00 : f32
        %max3A_1315 = vector.broadcast %max3A_1314 : f32 to vector<16xf32>
        %max3A_1316 = arith.maximumf %sub3A_1313, %max3A_1315 : vector<16xf32>
        %add3A_1317 = arith.addf %scan3A_1291, %max3A_1316 : vector<16xf32>
        %add3A_1318 = arith.constant 2 : i32
        %add3A_1319 = arith.addi %mul3A_1293, %add3A_1318 : i32
        %get3A_1320 = arith.index_cast %add3A_1319 : i32 to index
        %get3A_1321 = arith.constant 0 : index
        %get3A_1322 = tpu.vector_load %arg5[%get3A_1320, %get3A_1321] {strides = array<i32>} : memref<4095x16xf32, #tpu.memory_space<vmem>>, vector<1x16xf32>,
        %get3A_1323 = vector.shape_cast %get3A_1322 : vector<1x16xf32> to vector<16xf32>
        %sub3A_1324 = arith.subf %get3A_1323, %mul3A_564 : vector<16xf32>
        %max3A_1325 = arith.constant 0.000000e+00 : f32
        %max3A_1326 = vector.broadcast %max3A_1325 : f32 to vector<16xf32>
        %max3A_1327 = arith.maximumf %sub3A_1324, %max3A_1326 : vector<16xf32>
        %add3A_1328 = arith.addf %add3A_1304, %max3A_1327 : vector<16xf32>
        %add3A_1329 = arith.constant 2 : i32
        %add3A_1330 = arith.addi %mul3A_1293, %add3A_1329 : i32
        %add3A_1331 = arith.constant 1 : i32
        %add3A_1332 = arith.addi %add3A_1330, %add3A_1331 : i32
        %get3A_1333 = arith.index_cast %add3A_1332 : i32 to index
        %get3A_1334 = arith.constant 0 : index
        %get3A_1335 = tpu.vector_load %arg5[%get3A_1333, %get3A_1334] {strides = array<i32>} : memref<4095x16xf32, #tpu.memory_space<vmem>>, vector<1x16xf32>,
        %get3A_1336 = vector.shape_cast %get3A_1335 : vector<1x16xf32> to vector<16xf32>
        %sub3A_1337 = arith.subf %get3A_1336, %mul3A_564 : vector<16xf32>
        %max3A_1338 = arith.constant 0.000000e+00 : f32
        %max3A_1339 = vector.broadcast %max3A_1338 : f32 to vector<16xf32>
        %max3A_1340 = arith.maximumf %sub3A_1337, %max3A_1339 : vector<16xf32>
        %add3A_1341 = arith.addf %add3A_1317, %max3A_1340 : vector<16xf32>
        %add3A_1342 = arith.constant 4 : i32
        %add3A_1343 = arith.addi %mul3A_1293, %add3A_1342 : i32
        %get3A_1344 = arith.index_cast %add3A_1343 : i32 to index
        %get3A_1345 = arith.constant 0 : index
        %get3A_1346 = tpu.vector_load %arg5[%get3A_1344, %get3A_1345] {strides = array<i32>} : memref<4095x16xf32, #tpu.memory_space<vmem>>, vector<1x16xf32>,
        %get3A_1347 = vector.shape_cast %get3A_1346 : vector<1x16xf32> to vector<16xf32>
        %sub3A_1348 = arith.subf %get3A_1347, %mul3A_564 : vector<16xf32>
        %max3A_1349 = arith.constant 0.000000e+00 : f32
        %max3A_1350 = vector.broadcast %max3A_1349 : f32 to vector<16xf32>
        %max3A_1351 = arith.maximumf %sub3A_1348, %max3A_1350 : vector<16xf32>
        %add3A_1352 = arith.addf %add3A_1328, %max3A_1351 : vector<16xf32>
        %add3A_1353 = arith.constant 4 : i32
        %add3A_1354 = arith.addi %mul3A_1293, %add3A_1353 : i32
        %add3A_1355 = arith.constant 1 : i32
        %add3A_1356 = arith.addi %add3A_1354, %add3A_1355 : i32
        %get3A_1357 = arith.index_cast %add3A_1356 : i32 to index
        %get3A_1358 = arith.constant 0 : index
        %get3A_1359 = tpu.vector_load %arg5[%get3A_1357, %get3A_1358] {strides = array<i32>} : memref<4095x16xf32, #tpu.memory_space<vmem>>, vector<1x16xf32>,
        %get3A_1360 = vector.shape_cast %get3A_1359 : vector<1x16xf32> to vector<16xf32>
        %sub3A_1361 = arith.subf %get3A_1360, %mul3A_564 : vector<16xf32>
        %max3A_1362 = arith.constant 0.000000e+00 : f32
        %max3A_1363 = vector.broadcast %max3A_1362 : f32 to vector<16xf32>
        %max3A_1364 = arith.maximumf %sub3A_1361, %max3A_1363 : vector<16xf32>
        %add3A_1365 = arith.addf %add3A_1341, %max3A_1364 : vector<16xf32>
        %add3A_1366 = arith.constant 6 : i32
        %add3A_1367 = arith.addi %mul3A_1293, %add3A_1366 : i32
        %get3A_1368 = arith.index_cast %add3A_1367 : i32 to index
        %get3A_1369 = arith.constant 0 : index
        %get3A_1370 = tpu.vector_load %arg5[%get3A_1368, %get3A_1369] {strides = array<i32>} : memref<4095x16xf32, #tpu.memory_space<vmem>>, vector<1x16xf32>,
        %get3A_1371 = vector.shape_cast %get3A_1370 : vector<1x16xf32> to vector<16xf32>
        %sub3A_1372 = arith.subf %get3A_1371, %mul3A_564 : vector<16xf32>
        %max3A_1373 = arith.constant 0.000000e+00 : f32
        %max3A_1374 = vector.broadcast %max3A_1373 : f32 to vector<16xf32>
        %max3A_1375 = arith.maximumf %sub3A_1372, %max3A_1374 : vector<16xf32>
        %add3A_1376 = arith.addf %add3A_1352, %max3A_1375 : vector<16xf32>
        %add3A_1377 = arith.constant 6 : i32
        %add3A_1378 = arith.addi %mul3A_1293, %add3A_1377 : i32
        %add3A_1379 = arith.constant 1 : i32
        %add3A_1380 = arith.addi %add3A_1378, %add3A_1379 : i32
        %get3A_1381 = arith.index_cast %add3A_1380 : i32 to index
        %get3A_1382 = arith.constant 0 : index
        %get3A_1383 = tpu.vector_load %arg5[%get3A_1381, %get3A_1382] {strides = array<i32>} : memref<4095x16xf32, #tpu.memory_space<vmem>>, vector<1x16xf32>,
        %get3A_1384 = vector.shape_cast %get3A_1383 : vector<1x16xf32> to vector<16xf32>
        %sub3A_1385 = arith.subf %get3A_1384, %mul3A_564 : vector<16xf32>
        %max3A_1386 = arith.constant 0.000000e+00 : f32
        %max3A_1387 = vector.broadcast %max3A_1386 : f32 to vector<16xf32>
        %max3A_1388 = arith.maximumf %sub3A_1385, %max3A_1387 : vector<16xf32>
        %add3A_1389 = arith.addf %add3A_1365, %max3A_1388 : vector<16xf32>
        scf.yield %add3A_1376, %add3A_1389 : vector<16xf32>, vector<16xf32>
      }
      %scan3A_582 = arith.constant 511 : i32
      %get3A_583 = arith.constant 4088 : i32
      %get3A_584 = arith.index_cast %get3A_583 : i32 to index
      %get3A_585 = arith.constant 0 : index
      %get3A_586 = tpu.vector_load %arg5[%get3A_584, %get3A_585] {strides = array<i32>} : memref<4095x16xf32, #tpu.memory_space<vmem>>, vector<1x16xf32>,
      %get3A_587 = vector.shape_cast %get3A_586 : vector<1x16xf32> to vector<16xf32>
      %sub3A_588 = arith.subf %get3A_587, %mul3A_564 : vector<16xf32>
      %max3A_589 = arith.constant 0.000000e+00 : f32
      %max3A_590 = vector.broadcast %max3A_589 : f32 to vector<16xf32>
      %max3A_591 = arith.maximumf %sub3A_588, %max3A_590 : vector<16xf32>
      %add3A_592 = arith.addf %scan3A_581#0, %max3A_591 : vector<16xf32>
      %get3A_593 = arith.constant 4089 : i32
      %get3A_594 = arith.index_cast %get3A_593 : i32 to index
      %get3A_595 = arith.constant 0 : index
      %get3A_596 = tpu.vector_load %arg5[%get3A_594, %get3A_595] {strides = array<i32>} : memref<4095x16xf32, #tpu.memory_space<vmem>>, vector<1x16xf32>,
      %get3A_597 = vector.shape_cast %get3A_596 : vector<1x16xf32> to vector<16xf32>
      %sub3A_598 = arith.subf %get3A_597, %mul3A_564 : vector<16xf32>
      %max3A_599 = arith.constant 0.000000e+00 : f32
      %max3A_600 = vector.broadcast %max3A_599 : f32 to vector<16xf32>
      %max3A_601 = arith.maximumf %sub3A_598, %max3A_600 : vector<16xf32>
      %add3A_602 = arith.addf %add3A_592, %max3A_601 : vector<16xf32>
      %get3A_603 = arith.constant 4090 : i32
      %get3A_604 = arith.index_cast %get3A_603 : i32 to index
      %get3A_605 = arith.constant 0 : index
      %get3A_606 = tpu.vector_load %arg5[%get3A_604, %get3A_605] {strides = array<i32>} : memref<4095x16xf32, #tpu.memory_space<vmem>>, vector<1x16xf32>,
      %get3A_607 = vector.shape_cast %get3A_606 : vector<1x16xf32> to vector<16xf32>
      %sub3A_608 = arith.subf %get3A_607, %mul3A_564 : vector<16xf32>
      %max3A_609 = arith.constant 0.000000e+00 : f32
      %max3A_610 = vector.broadcast %max3A_609 : f32 to vector<16xf32>
      %max3A_611 = arith.maximumf %sub3A_608, %max3A_610 : vector<16xf32>
      %add3A_612 = arith.addf %add3A_602, %max3A_611 : vector<16xf32>
      %get3A_613 = arith.constant 4091 : i32
      %get3A_614 = arith.index_cast %get3A_613 : i32 to index
      %get3A_615 = arith.constant 0 : index
      %get3A_616 = tpu.vector_load %arg5[%get3A_614, %get3A_615] {strides = array<i32>} : memref<4095x16xf32, #tpu.memory_space<vmem>>, vector<1x16xf32>,
      %get3A_617 = vector.shape_cast %get3A_616 : vector<1x16xf32> to vector<16xf32>
      %sub3A_618 = arith.subf %get3A_617, %mul3A_564 : vector<16xf32>
      %max3A_619 = arith.constant 0.000000e+00 : f32
      %max3A_620 = vector.broadcast %max3A_619 : f32 to vector<16xf32>
      %max3A_621 = arith.maximumf %sub3A_618, %max3A_620 : vector<16xf32>
      %add3A_622 = arith.addf %add3A_612, %max3A_621 : vector<16xf32>
      %get3A_623 = arith.constant 4092 : i32
      %get3A_624 = arith.index_cast %get3A_623 : i32 to index
      %get3A_625 = arith.constant 0 : index
      %get3A_626 = tpu.vector_load %arg5[%get3A_624, %get3A_625] {strides = array<i32>} : memref<4095x16xf32, #tpu.memory_space<vmem>>, vector<1x16xf32>,
      %get3A_627 = vector.shape_cast %get3A_626 : vector<1x16xf32> to vector<16xf32>
      %sub3A_628 = arith.subf %get3A_627, %mul3A_564 : vector<16xf32>
      %max3A_629 = arith.constant 0.000000e+00 : f32
      %max3A_630 = vector.broadcast %max3A_629 : f32 to vector<16xf32>
      %max3A_631 = arith.maximumf %sub3A_628, %max3A_630 : vector<16xf32>
      %add3A_632 = arith.addf %add3A_622, %max3A_631 : vector<16xf32>
      %get3A_633 = arith.constant 4093 : i32
      %get3A_634 = arith.index_cast %get3A_633 : i32 to index
      %get3A_635 = arith.constant 0 : index
      %get3A_636 = tpu.vector_load %arg5[%get3A_634, %get3A_635] {strides = array<i32>} : memref<4095x16xf32, #tpu.memory_space<vmem>>, vector<1x16xf32>,
      %get3A_637 = vector.shape_cast %get3A_636 : vector<1x16xf32> to vector<16xf32>
      %sub3A_638 = arith.subf %get3A_637, %mul3A_564 : vector<16xf32>
      %max3A_639 = arith.constant 0.000000e+00 : f32
      %max3A_640 = vector.broadcast %max3A_639 : f32 to vector<16xf32>
      %max3A_641 = arith.maximumf %sub3A_638, %max3A_640 : vector<16xf32>
      %add3A_642 = arith.addf %add3A_632, %max3A_641 : vector<16xf32>
      %get3A_643 = arith.constant 4094 : i32
      %get3A_644 = arith.index_cast %get3A_643 : i32 to index
      %get3A_645 = arith.constant 0 : index
      %get3A_646 = tpu.vector_load %arg5[%get3A_644, %get3A_645] {strides = array<i32>} : memref<4095x16xf32, #tpu.memory_space<vmem>>, vector<1x16xf32>,
      %get3A_647 = vector.shape_cast %get3A_646 : vector<1x16xf32> to vector<16xf32>
      %sub3A_648 = arith.subf %get3A_647, %mul3A_564 : vector<16xf32>
      %max3A_649 = arith.constant 0.000000e+00 : f32
      %max3A_650 = vector.broadcast %max3A_649 : f32 to vector<16xf32>
      %max3A_651 = arith.maximumf %sub3A_648, %max3A_650 : vector<16xf32>
      %add3A_652 = arith.addf %add3A_642, %max3A_651 : vector<16xf32>
      %add3A_653 = arith.addf %add3A_652, %scan3A_581#1 : vector<16xf32>
      %ge3A_654 = arith.constant 1.000000e+00 : f32
      %ge3A_655 = vector.broadcast %ge3A_654 : f32 to vector<16xf32>
      %ge3A_656 = arith.cmpf oge, %add3A_653, %ge3A_655 : vector<16xf32>
      %select_n3A_657 = arith.select %ge3A_656, %mul3A_564, %select_n3A_559 : vector<16xi1>, vector<16xf32>
      %select_n3A_658 = arith.select %ge3A_656, %select_n3A_560, %mul3A_564 : vector<16xi1>, vector<16xf32>
      %broadcast_in_dim3A_659 = arith.constant 0.000000e+00 : f32
      %broadcast_in_dim3A_660 = vector.broadcast %broadcast_in_dim3A_659 : f32 to vector<16xf32>
      %sub3A_661 = arith.subf %get3A_17, %select_n3A_657 : vector<16xf32>
      %max3A_662 = arith.constant 0.000000e+00 : f32
      %max3A_663 = vector.broadcast %max3A_662 : f32 to vector<16xf32>
      %max3A_664 = arith.maximumf %sub3A_661, %max3A_663 : vector<16xf32>
      %add3A_665 = arith.addf %broadcast_in_dim3A_660, %max3A_664 : vector<16xf32>
      %gt3A = arith.constant 0.000000e+00 : f32
      %gt3A_666 = vector.broadcast %gt3A : f32 to vector<16xf32>
      %gt3A_667 = arith.cmpf ogt, %max3A_664, %gt3A_666 : vector<16xf32>
      %jit3A = arith.constant 1.000000e+00 : f32
      %jit3A_668 = arith.constant 0.000000e+00 : f32
      %broadcast_in_dim3A_669 = vector.broadcast %jit3A : f32 to vector<16xf32>
      %broadcast_in_dim3A_670 = vector.broadcast %jit3A_668 : f32 to vector<16xf32>
      %select_n3A_671 = arith.select %gt3A_667, %broadcast_in_dim3A_669, %broadcast_in_dim3A_670 : vector<16xi1>, vector<16xf32>
      %add3A_672 = arith.addf %broadcast_in_dim3A_660, %select_n3A_671 : vector<16xf32>
      %scan3A_673 = arith.constant 0 : i32
      %scan3A_674 = arith.constant 512 : i32
      %scan3A_675 = arith.addi %scan3A_673, %scan3A_674 : i32
      %scan3A_676 = arith.constant 1 : i32
      %scan3A_677:4 = scf.for %scan3A_1289 = %scan3A_673 to %scan3A_675 step %scan3A_676 iter_args(%scan3A_1290 = %add3A_665, %scan3A_1291 = %add3A_672, %scan3A_1292 = %broadcast_in_dim3A_660, %scan3A_1293 = %broadcast_in_dim3A_660) -> (vector<16xf32>, vector<16xf32>, vector<16xf32>, vector<16xf32>)  : i32 {
        %mul3A_1294 = arith.constant 8 : i32
        %mul3A_1295 = arith.muli %scan3A_1289, %mul3A_1294 : i32
        %add3A_1296 = arith.constant 0 : i32
        %add3A_1297 = arith.addi %mul3A_1295, %add3A_1296 : i32
        %get3A_1298 = arith.index_cast %add3A_1297 : i32 to index
        %get3A_1299 = arith.constant 0 : index
        %get3A_1300 = tpu.vector_load %arg4[%get3A_1298, %get3A_1299] {strides = array<i32>} : memref<4096x16xf32, #tpu.memory_space<vmem>>, vector<1x16xf32>,
        %get3A_1301 = vector.shape_cast %get3A_1300 : vector<1x16xf32> to vector<16xf32>
        %sub3A_1302 = arith.subf %get3A_1301, %select_n3A_657 : vector<16xf32>
        %max3A_1303 = arith.constant 0.000000e+00 : f32
        %max3A_1304 = vector.broadcast %max3A_1303 : f32 to vector<16xf32>
        %max3A_1305 = arith.maximumf %sub3A_1302, %max3A_1304 : vector<16xf32>
        %add3A_1306 = arith.addf %scan3A_1290, %max3A_1305 : vector<16xf32>
        %gt3A_1307 = arith.constant 0.000000e+00 : f32
        %gt3A_1308 = vector.broadcast %gt3A_1307 : f32 to vector<16xf32>
        %gt3A_1309 = arith.cmpf ogt, %max3A_1305, %gt3A_1308 : vector<16xf32>
        %jit3A_1310 = arith.constant 1.000000e+00 : f32
        %jit3A_1311 = arith.constant 0.000000e+00 : f32
        %broadcast_in_dim3A_1312 = vector.broadcast %jit3A_1310 : f32 to vector<16xf32>
        %broadcast_in_dim3A_1313 = vector.broadcast %jit3A_1311 : f32 to vector<16xf32>
        %select_n3A_1314 = arith.select %gt3A_1309, %broadcast_in_dim3A_1312, %broadcast_in_dim3A_1313 : vector<16xi1>, vector<16xf32>
        %add3A_1315 = arith.addf %scan3A_1291, %select_n3A_1314 : vector<16xf32>
        %add3A_1316 = arith.constant 0 : i32
        %add3A_1317 = arith.addi %mul3A_1295, %add3A_1316 : i32
        %add3A_1318 = arith.constant 1 : i32
        %add3A_1319 = arith.addi %add3A_1317, %add3A_1318 : i32
        %get3A_1320 = arith.index_cast %add3A_1319 : i32 to index
        %get3A_1321 = arith.constant 0 : index
        %get3A_1322 = tpu.vector_load %arg4[%get3A_1320, %get3A_1321] {strides = array<i32>} : memref<4096x16xf32, #tpu.memory_space<vmem>>, vector<1x16xf32>,
        %get3A_1323 = vector.shape_cast %get3A_1322 : vector<1x16xf32> to vector<16xf32>
        %sub3A_1324 = arith.subf %get3A_1323, %select_n3A_657 : vector<16xf32>
        %max3A_1325 = arith.constant 0.000000e+00 : f32
        %max3A_1326 = vector.broadcast %max3A_1325 : f32 to vector<16xf32>
        %max3A_1327 = arith.maximumf %sub3A_1324, %max3A_1326 : vector<16xf32>
        %add3A_1328 = arith.addf %scan3A_1292, %max3A_1327 : vector<16xf32>
        %gt3A_1329 = arith.constant 0.000000e+00 : f32
        %gt3A_1330 = vector.broadcast %gt3A_1329 : f32 to vector<16xf32>
        %gt3A_1331 = arith.cmpf ogt, %max3A_1327, %gt3A_1330 : vector<16xf32>
        %jit3A_1332 = arith.constant 1.000000e+00 : f32
        %jit3A_1333 = arith.constant 0.000000e+00 : f32
        %broadcast_in_dim3A_1334 = vector.broadcast %jit3A_1332 : f32 to vector<16xf32>
        %broadcast_in_dim3A_1335 = vector.broadcast %jit3A_1333 : f32 to vector<16xf32>
        %select_n3A_1336 = arith.select %gt3A_1331, %broadcast_in_dim3A_1334, %broadcast_in_dim3A_1335 : vector<16xi1>, vector<16xf32>
        %add3A_1337 = arith.addf %scan3A_1293, %select_n3A_1336 : vector<16xf32>
        %add3A_1338 = arith.constant 2 : i32
        %add3A_1339 = arith.addi %mul3A_1295, %add3A_1338 : i32
        %get3A_1340 = arith.index_cast %add3A_1339 : i32 to index
        %get3A_1341 = arith.constant 0 : index
        %get3A_1342 = tpu.vector_load %arg4[%get3A_1340, %get3A_1341] {strides = array<i32>} : memref<4096x16xf32, #tpu.memory_space<vmem>>, vector<1x16xf32>,
        %get3A_1343 = vector.shape_cast %get3A_1342 : vector<1x16xf32> to vector<16xf32>
        %sub3A_1344 = arith.subf %get3A_1343, %select_n3A_657 : vector<16xf32>
        %max3A_1345 = arith.constant 0.000000e+00 : f32
        %max3A_1346 = vector.broadcast %max3A_1345 : f32 to vector<16xf32>
        %max3A_1347 = arith.maximumf %sub3A_1344, %max3A_1346 : vector<16xf32>
        %add3A_1348 = arith.addf %add3A_1306, %max3A_1347 : vector<16xf32>
        %gt3A_1349 = arith.constant 0.000000e+00 : f32
        %gt3A_1350 = vector.broadcast %gt3A_1349 : f32 to vector<16xf32>
        %gt3A_1351 = arith.cmpf ogt, %max3A_1347, %gt3A_1350 : vector<16xf32>
        %jit3A_1352 = arith.constant 1.000000e+00 : f32
        %jit3A_1353 = arith.constant 0.000000e+00 : f32
        %broadcast_in_dim3A_1354 = vector.broadcast %jit3A_1352 : f32 to vector<16xf32>
        %broadcast_in_dim3A_1355 = vector.broadcast %jit3A_1353 : f32 to vector<16xf32>
        %select_n3A_1356 = arith.select %gt3A_1351, %broadcast_in_dim3A_1354, %broadcast_in_dim3A_1355 : vector<16xi1>, vector<16xf32>
        %add3A_1357 = arith.addf %add3A_1315, %select_n3A_1356 : vector<16xf32>
        %add3A_1358 = arith.constant 2 : i32
        %add3A_1359 = arith.addi %mul3A_1295, %add3A_1358 : i32
        %add3A_1360 = arith.constant 1 : i32
        %add3A_1361 = arith.addi %add3A_1359, %add3A_1360 : i32
        %get3A_1362 = arith.index_cast %add3A_1361 : i32 to index
        %get3A_1363 = arith.constant 0 : index
        %get3A_1364 = tpu.vector_load %arg4[%get3A_1362, %get3A_1363] {strides = array<i32>} : memref<4096x16xf32, #tpu.memory_space<vmem>>, vector<1x16xf32>,
        %get3A_1365 = vector.shape_cast %get3A_1364 : vector<1x16xf32> to vector<16xf32>
        %sub3A_1366 = arith.subf %get3A_1365, %select_n3A_657 : vector<16xf32>
        %max3A_1367 = arith.constant 0.000000e+00 : f32
        %max3A_1368 = vector.broadcast %max3A_1367 : f32 to vector<16xf32>
        %max3A_1369 = arith.maximumf %sub3A_1366, %max3A_1368 : vector<16xf32>
        %add3A_1370 = arith.addf %add3A_1328, %max3A_1369 : vector<16xf32>
        %gt3A_1371 = arith.constant 0.000000e+00 : f32
        %gt3A_1372 = vector.broadcast %gt3A_1371 : f32 to vector<16xf32>
        %gt3A_1373 = arith.cmpf ogt, %max3A_1369, %gt3A_1372 : vector<16xf32>
        %jit3A_1374 = arith.constant 1.000000e+00 : f32
        %jit3A_1375 = arith.constant 0.000000e+00 : f32
        %broadcast_in_dim3A_1376 = vector.broadcast %jit3A_1374 : f32 to vector<16xf32>
        %broadcast_in_dim3A_1377 = vector.broadcast %jit3A_1375 : f32 to vector<16xf32>
        %select_n3A_1378 = arith.select %gt3A_1373, %broadcast_in_dim3A_1376, %broadcast_in_dim3A_1377 : vector<16xi1>, vector<16xf32>
        %add3A_1379 = arith.addf %add3A_1337, %select_n3A_1378 : vector<16xf32>
        %add3A_1380 = arith.constant 4 : i32
        %add3A_1381 = arith.addi %mul3A_1295, %add3A_1380 : i32
        %get3A_1382 = arith.index_cast %add3A_1381 : i32 to index
        %get3A_1383 = arith.constant 0 : index
        %get3A_1384 = tpu.vector_load %arg4[%get3A_1382, %get3A_1383] {strides = array<i32>} : memref<4096x16xf32, #tpu.memory_space<vmem>>, vector<1x16xf32>,
        %get3A_1385 = vector.shape_cast %get3A_1384 : vector<1x16xf32> to vector<16xf32>
        %sub3A_1386 = arith.subf %get3A_1385, %select_n3A_657 : vector<16xf32>
        %max3A_1387 = arith.constant 0.000000e+00 : f32
        %max3A_1388 = vector.broadcast %max3A_1387 : f32 to vector<16xf32>
        %max3A_1389 = arith.maximumf %sub3A_1386, %max3A_1388 : vector<16xf32>
        %add3A_1390 = arith.addf %add3A_1348, %max3A_1389 : vector<16xf32>
        %gt3A_1391 = arith.constant 0.000000e+00 : f32
        %gt3A_1392 = vector.broadcast %gt3A_1391 : f32 to vector<16xf32>
        %gt3A_1393 = arith.cmpf ogt, %max3A_1389, %gt3A_1392 : vector<16xf32>
        %jit3A_1394 = arith.constant 1.000000e+00 : f32
        %jit3A_1395 = arith.constant 0.000000e+00 : f32
        %broadcast_in_dim3A_1396 = vector.broadcast %jit3A_1394 : f32 to vector<16xf32>
        %broadcast_in_dim3A_1397 = vector.broadcast %jit3A_1395 : f32 to vector<16xf32>
        %select_n3A_1398 = arith.select %gt3A_1393, %broadcast_in_dim3A_1396, %broadcast_in_dim3A_1397 : vector<16xi1>, vector<16xf32>
        %add3A_1399 = arith.addf %add3A_1357, %select_n3A_1398 : vector<16xf32>
        %add3A_1400 = arith.constant 4 : i32
        %add3A_1401 = arith.addi %mul3A_1295, %add3A_1400 : i32
        %add3A_1402 = arith.constant 1 : i32
        %add3A_1403 = arith.addi %add3A_1401, %add3A_1402 : i32
        %get3A_1404 = arith.index_cast %add3A_1403 : i32 to index
        %get3A_1405 = arith.constant 0 : index
        %get3A_1406 = tpu.vector_load %arg4[%get3A_1404, %get3A_1405] {strides = array<i32>} : memref<4096x16xf32, #tpu.memory_space<vmem>>, vector<1x16xf32>,
        %get3A_1407 = vector.shape_cast %get3A_1406 : vector<1x16xf32> to vector<16xf32>
        %sub3A_1408 = arith.subf %get3A_1407, %select_n3A_657 : vector<16xf32>
        %max3A_1409 = arith.constant 0.000000e+00 : f32
        %max3A_1410 = vector.broadcast %max3A_1409 : f32 to vector<16xf32>
        %max3A_1411 = arith.maximumf %sub3A_1408, %max3A_1410 : vector<16xf32>
        %add3A_1412 = arith.addf %add3A_1370, %max3A_1411 : vector<16xf32>
        %gt3A_1413 = arith.constant 0.000000e+00 : f32
        %gt3A_1414 = vector.broadcast %gt3A_1413 : f32 to vector<16xf32>
        %gt3A_1415 = arith.cmpf ogt, %max3A_1411, %gt3A_1414 : vector<16xf32>
        %jit3A_1416 = arith.constant 1.000000e+00 : f32
        %jit3A_1417 = arith.constant 0.000000e+00 : f32
        %broadcast_in_dim3A_1418 = vector.broadcast %jit3A_1416 : f32 to vector<16xf32>
        %broadcast_in_dim3A_1419 = vector.broadcast %jit3A_1417 : f32 to vector<16xf32>
        %select_n3A_1420 = arith.select %gt3A_1415, %broadcast_in_dim3A_1418, %broadcast_in_dim3A_1419 : vector<16xi1>, vector<16xf32>
        %add3A_1421 = arith.addf %add3A_1379, %select_n3A_1420 : vector<16xf32>
        %add3A_1422 = arith.constant 6 : i32
        %add3A_1423 = arith.addi %mul3A_1295, %add3A_1422 : i32
        %get3A_1424 = arith.index_cast %add3A_1423 : i32 to index
        %get3A_1425 = arith.constant 0 : index
        %get3A_1426 = tpu.vector_load %arg4[%get3A_1424, %get3A_1425] {strides = array<i32>} : memref<4096x16xf32, #tpu.memory_space<vmem>>, vector<1x16xf32>,
        %get3A_1427 = vector.shape_cast %get3A_1426 : vector<1x16xf32> to vector<16xf32>
        %sub3A_1428 = arith.subf %get3A_1427, %select_n3A_657 : vector<16xf32>
        %max3A_1429 = arith.constant 0.000000e+00 : f32
        %max3A_1430 = vector.broadcast %max3A_1429 : f32 to vector<16xf32>
        %max3A_1431 = arith.maximumf %sub3A_1428, %max3A_1430 : vector<16xf32>
        %add3A_1432 = arith.addf %add3A_1390, %max3A_1431 : vector<16xf32>
        %gt3A_1433 = arith.constant 0.000000e+00 : f32
        %gt3A_1434 = vector.broadcast %gt3A_1433 : f32 to vector<16xf32>
        %gt3A_1435 = arith.cmpf ogt, %max3A_1431, %gt3A_1434 : vector<16xf32>
        %jit3A_1436 = arith.constant 1.000000e+00 : f32
        %jit3A_1437 = arith.constant 0.000000e+00 : f32
        %broadcast_in_dim3A_1438 = vector.broadcast %jit3A_1436 : f32 to vector<16xf32>
        %broadcast_in_dim3A_1439 = vector.broadcast %jit3A_1437 : f32 to vector<16xf32>
        %select_n3A_1440 = arith.select %gt3A_1435, %broadcast_in_dim3A_1438, %broadcast_in_dim3A_1439 : vector<16xi1>, vector<16xf32>
        %add3A_1441 = arith.addf %add3A_1399, %select_n3A_1440 : vector<16xf32>
        %add3A_1442 = arith.constant 6 : i32
        %add3A_1443 = arith.addi %mul3A_1295, %add3A_1442 : i32
        %add3A_1444 = arith.constant 1 : i32
        %add3A_1445 = arith.addi %add3A_1443, %add3A_1444 : i32
        %get3A_1446 = arith.index_cast %add3A_1445 : i32 to index
        %get3A_1447 = arith.constant 0 : index
        %get3A_1448 = tpu.vector_load %arg4[%get3A_1446, %get3A_1447] {strides = array<i32>} : memref<4096x16xf32, #tpu.memory_space<vmem>>, vector<1x16xf32>,
        %get3A_1449 = vector.shape_cast %get3A_1448 : vector<1x16xf32> to vector<16xf32>
        %sub3A_1450 = arith.subf %get3A_1449, %select_n3A_657 : vector<16xf32>
        %max3A_1451 = arith.constant 0.000000e+00 : f32
        %max3A_1452 = vector.broadcast %max3A_1451 : f32 to vector<16xf32>
        %max3A_1453 = arith.maximumf %sub3A_1450, %max3A_1452 : vector<16xf32>
        %add3A_1454 = arith.addf %add3A_1412, %max3A_1453 : vector<16xf32>
        %gt3A_1455 = arith.constant 0.000000e+00 : f32
        %gt3A_1456 = vector.broadcast %gt3A_1455 : f32 to vector<16xf32>
        %gt3A_1457 = arith.cmpf ogt, %max3A_1453, %gt3A_1456 : vector<16xf32>
        %jit3A_1458 = arith.constant 1.000000e+00 : f32
        %jit3A_1459 = arith.constant 0.000000e+00 : f32
        %broadcast_in_dim3A_1460 = vector.broadcast %jit3A_1458 : f32 to vector<16xf32>
        %broadcast_in_dim3A_1461 = vector.broadcast %jit3A_1459 : f32 to vector<16xf32>
        %select_n3A_1462 = arith.select %gt3A_1457, %broadcast_in_dim3A_1460, %broadcast_in_dim3A_1461 : vector<16xi1>, vector<16xf32>
        %add3A_1463 = arith.addf %add3A_1421, %select_n3A_1462 : vector<16xf32>
        scf.yield %add3A_1432, %add3A_1441, %add3A_1454, %add3A_1463 : vector<16xf32>, vector<16xf32>, vector<16xf32>, vector<16xf32>
      }
      %scan3A_678 = arith.constant 512 : i32
      %scan3A_679 = arith.constant 0 : i32
      %scan3A_680 = arith.constant 511 : i32
      %scan3A_681 = arith.addi %scan3A_679, %scan3A_680 : i32
      %scan3A_682 = arith.constant 1 : i32
      %scan3A_683:4 = scf.for %scan3A_1289 = %scan3A_679 to %scan3A_681 step %scan3A_682 iter_args(%scan3A_1290 = %scan3A_677#0, %scan3A_1291 = %scan3A_677#1, %scan3A_1292 = %scan3A_677#2, %scan3A_1293 = %scan3A_677#3) -> (vector<16xf32>, vector<16xf32>, vector<16xf32>, vector<16xf32>)  : i32 {
        %mul3A_1294 = arith.constant 8 : i32
        %mul3A_1295 = arith.muli %scan3A_1289, %mul3A_1294 : i32
        %add3A_1296 = arith.constant 0 : i32
        %add3A_1297 = arith.addi %mul3A_1295, %add3A_1296 : i32
        %get3A_1298 = arith.index_cast %add3A_1297 : i32 to index
        %get3A_1299 = arith.constant 0 : index
        %get3A_1300 = tpu.vector_load %arg5[%get3A_1298, %get3A_1299] {strides = array<i32>} : memref<4095x16xf32, #tpu.memory_space<vmem>>, vector<1x16xf32>,
        %get3A_1301 = vector.shape_cast %get3A_1300 : vector<1x16xf32> to vector<16xf32>
        %sub3A_1302 = arith.subf %get3A_1301, %select_n3A_657 : vector<16xf32>
        %max3A_1303 = arith.constant 0.000000e+00 : f32
        %max3A_1304 = vector.broadcast %max3A_1303 : f32 to vector<16xf32>
        %max3A_1305 = arith.maximumf %sub3A_1302, %max3A_1304 : vector<16xf32>
        %add3A_1306 = arith.addf %scan3A_1290, %max3A_1305 : vector<16xf32>
        %gt3A_1307 = arith.constant 0.000000e+00 : f32
        %gt3A_1308 = vector.broadcast %gt3A_1307 : f32 to vector<16xf32>
        %gt3A_1309 = arith.cmpf ogt, %max3A_1305, %gt3A_1308 : vector<16xf32>
        %jit3A_1310 = arith.constant 1.000000e+00 : f32
        %jit3A_1311 = arith.constant 0.000000e+00 : f32
        %broadcast_in_dim3A_1312 = vector.broadcast %jit3A_1310 : f32 to vector<16xf32>
        %broadcast_in_dim3A_1313 = vector.broadcast %jit3A_1311 : f32 to vector<16xf32>
        %select_n3A_1314 = arith.select %gt3A_1309, %broadcast_in_dim3A_1312, %broadcast_in_dim3A_1313 : vector<16xi1>, vector<16xf32>
        %add3A_1315 = arith.addf %scan3A_1291, %select_n3A_1314 : vector<16xf32>
        %add3A_1316 = arith.constant 0 : i32
        %add3A_1317 = arith.addi %mul3A_1295, %add3A_1316 : i32
        %add3A_1318 = arith.constant 1 : i32
        %add3A_1319 = arith.addi %add3A_1317, %add3A_1318 : i32
        %get3A_1320 = arith.index_cast %add3A_1319 : i32 to index
        %get3A_1321 = arith.constant 0 : index
        %get3A_1322 = tpu.vector_load %arg5[%get3A_1320, %get3A_1321] {strides = array<i32>} : memref<4095x16xf32, #tpu.memory_space<vmem>>, vector<1x16xf32>,
        %get3A_1323 = vector.shape_cast %get3A_1322 : vector<1x16xf32> to vector<16xf32>
        %sub3A_1324 = arith.subf %get3A_1323, %select_n3A_657 : vector<16xf32>
        %max3A_1325 = arith.constant 0.000000e+00 : f32
        %max3A_1326 = vector.broadcast %max3A_1325 : f32 to vector<16xf32>
        %max3A_1327 = arith.maximumf %sub3A_1324, %max3A_1326 : vector<16xf32>
        %add3A_1328 = arith.addf %scan3A_1292, %max3A_1327 : vector<16xf32>
        %gt3A_1329 = arith.constant 0.000000e+00 : f32
        %gt3A_1330 = vector.broadcast %gt3A_1329 : f32 to vector<16xf32>
        %gt3A_1331 = arith.cmpf ogt, %max3A_1327, %gt3A_1330 : vector<16xf32>
        %jit3A_1332 = arith.constant 1.000000e+00 : f32
        %jit3A_1333 = arith.constant 0.000000e+00 : f32
        %broadcast_in_dim3A_1334 = vector.broadcast %jit3A_1332 : f32 to vector<16xf32>
        %broadcast_in_dim3A_1335 = vector.broadcast %jit3A_1333 : f32 to vector<16xf32>
        %select_n3A_1336 = arith.select %gt3A_1331, %broadcast_in_dim3A_1334, %broadcast_in_dim3A_1335 : vector<16xi1>, vector<16xf32>
        %add3A_1337 = arith.addf %scan3A_1293, %select_n3A_1336 : vector<16xf32>
        %add3A_1338 = arith.constant 2 : i32
        %add3A_1339 = arith.addi %mul3A_1295, %add3A_1338 : i32
        %get3A_1340 = arith.index_cast %add3A_1339 : i32 to index
        %get3A_1341 = arith.constant 0 : index
        %get3A_1342 = tpu.vector_load %arg5[%get3A_1340, %get3A_1341] {strides = array<i32>} : memref<4095x16xf32, #tpu.memory_space<vmem>>, vector<1x16xf32>,
        %get3A_1343 = vector.shape_cast %get3A_1342 : vector<1x16xf32> to vector<16xf32>
        %sub3A_1344 = arith.subf %get3A_1343, %select_n3A_657 : vector<16xf32>
        %max3A_1345 = arith.constant 0.000000e+00 : f32
        %max3A_1346 = vector.broadcast %max3A_1345 : f32 to vector<16xf32>
        %max3A_1347 = arith.maximumf %sub3A_1344, %max3A_1346 : vector<16xf32>
        %add3A_1348 = arith.addf %add3A_1306, %max3A_1347 : vector<16xf32>
        %gt3A_1349 = arith.constant 0.000000e+00 : f32
        %gt3A_1350 = vector.broadcast %gt3A_1349 : f32 to vector<16xf32>
        %gt3A_1351 = arith.cmpf ogt, %max3A_1347, %gt3A_1350 : vector<16xf32>
        %jit3A_1352 = arith.constant 1.000000e+00 : f32
        %jit3A_1353 = arith.constant 0.000000e+00 : f32
        %broadcast_in_dim3A_1354 = vector.broadcast %jit3A_1352 : f32 to vector<16xf32>
        %broadcast_in_dim3A_1355 = vector.broadcast %jit3A_1353 : f32 to vector<16xf32>
        %select_n3A_1356 = arith.select %gt3A_1351, %broadcast_in_dim3A_1354, %broadcast_in_dim3A_1355 : vector<16xi1>, vector<16xf32>
        %add3A_1357 = arith.addf %add3A_1315, %select_n3A_1356 : vector<16xf32>
        %add3A_1358 = arith.constant 2 : i32
        %add3A_1359 = arith.addi %mul3A_1295, %add3A_1358 : i32
        %add3A_1360 = arith.constant 1 : i32
        %add3A_1361 = arith.addi %add3A_1359, %add3A_1360 : i32
        %get3A_1362 = arith.index_cast %add3A_1361 : i32 to index
        %get3A_1363 = arith.constant 0 : index
        %get3A_1364 = tpu.vector_load %arg5[%get3A_1362, %get3A_1363] {strides = array<i32>} : memref<4095x16xf32, #tpu.memory_space<vmem>>, vector<1x16xf32>,
        %get3A_1365 = vector.shape_cast %get3A_1364 : vector<1x16xf32> to vector<16xf32>
        %sub3A_1366 = arith.subf %get3A_1365, %select_n3A_657 : vector<16xf32>
        %max3A_1367 = arith.constant 0.000000e+00 : f32
        %max3A_1368 = vector.broadcast %max3A_1367 : f32 to vector<16xf32>
        %max3A_1369 = arith.maximumf %sub3A_1366, %max3A_1368 : vector<16xf32>
        %add3A_1370 = arith.addf %add3A_1328, %max3A_1369 : vector<16xf32>
        %gt3A_1371 = arith.constant 0.000000e+00 : f32
        %gt3A_1372 = vector.broadcast %gt3A_1371 : f32 to vector<16xf32>
        %gt3A_1373 = arith.cmpf ogt, %max3A_1369, %gt3A_1372 : vector<16xf32>
        %jit3A_1374 = arith.constant 1.000000e+00 : f32
        %jit3A_1375 = arith.constant 0.000000e+00 : f32
        %broadcast_in_dim3A_1376 = vector.broadcast %jit3A_1374 : f32 to vector<16xf32>
        %broadcast_in_dim3A_1377 = vector.broadcast %jit3A_1375 : f32 to vector<16xf32>
        %select_n3A_1378 = arith.select %gt3A_1373, %broadcast_in_dim3A_1376, %broadcast_in_dim3A_1377 : vector<16xi1>, vector<16xf32>
        %add3A_1379 = arith.addf %add3A_1337, %select_n3A_1378 : vector<16xf32>
        %add3A_1380 = arith.constant 4 : i32
        %add3A_1381 = arith.addi %mul3A_1295, %add3A_1380 : i32
        %get3A_1382 = arith.index_cast %add3A_1381 : i32 to index
        %get3A_1383 = arith.constant 0 : index
        %get3A_1384 = tpu.vector_load %arg5[%get3A_1382, %get3A_1383] {strides = array<i32>} : memref<4095x16xf32, #tpu.memory_space<vmem>>, vector<1x16xf32>,
        %get3A_1385 = vector.shape_cast %get3A_1384 : vector<1x16xf32> to vector<16xf32>
        %sub3A_1386 = arith.subf %get3A_1385, %select_n3A_657 : vector<16xf32>
        %max3A_1387 = arith.constant 0.000000e+00 : f32
        %max3A_1388 = vector.broadcast %max3A_1387 : f32 to vector<16xf32>
        %max3A_1389 = arith.maximumf %sub3A_1386, %max3A_1388 : vector<16xf32>
        %add3A_1390 = arith.addf %add3A_1348, %max3A_1389 : vector<16xf32>
        %gt3A_1391 = arith.constant 0.000000e+00 : f32
        %gt3A_1392 = vector.broadcast %gt3A_1391 : f32 to vector<16xf32>
        %gt3A_1393 = arith.cmpf ogt, %max3A_1389, %gt3A_1392 : vector<16xf32>
        %jit3A_1394 = arith.constant 1.000000e+00 : f32
        %jit3A_1395 = arith.constant 0.000000e+00 : f32
        %broadcast_in_dim3A_1396 = vector.broadcast %jit3A_1394 : f32 to vector<16xf32>
        %broadcast_in_dim3A_1397 = vector.broadcast %jit3A_1395 : f32 to vector<16xf32>
        %select_n3A_1398 = arith.select %gt3A_1393, %broadcast_in_dim3A_1396, %broadcast_in_dim3A_1397 : vector<16xi1>, vector<16xf32>
        %add3A_1399 = arith.addf %add3A_1357, %select_n3A_1398 : vector<16xf32>
        %add3A_1400 = arith.constant 4 : i32
        %add3A_1401 = arith.addi %mul3A_1295, %add3A_1400 : i32
        %add3A_1402 = arith.constant 1 : i32
        %add3A_1403 = arith.addi %add3A_1401, %add3A_1402 : i32
        %get3A_1404 = arith.index_cast %add3A_1403 : i32 to index
        %get3A_1405 = arith.constant 0 : index
        %get3A_1406 = tpu.vector_load %arg5[%get3A_1404, %get3A_1405] {strides = array<i32>} : memref<4095x16xf32, #tpu.memory_space<vmem>>, vector<1x16xf32>,
        %get3A_1407 = vector.shape_cast %get3A_1406 : vector<1x16xf32> to vector<16xf32>
        %sub3A_1408 = arith.subf %get3A_1407, %select_n3A_657 : vector<16xf32>
        %max3A_1409 = arith.constant 0.000000e+00 : f32
        %max3A_1410 = vector.broadcast %max3A_1409 : f32 to vector<16xf32>
        %max3A_1411 = arith.maximumf %sub3A_1408, %max3A_1410 : vector<16xf32>
        %add3A_1412 = arith.addf %add3A_1370, %max3A_1411 : vector<16xf32>
        %gt3A_1413 = arith.constant 0.000000e+00 : f32
        %gt3A_1414 = vector.broadcast %gt3A_1413 : f32 to vector<16xf32>
        %gt3A_1415 = arith.cmpf ogt, %max3A_1411, %gt3A_1414 : vector<16xf32>
        %jit3A_1416 = arith.constant 1.000000e+00 : f32
        %jit3A_1417 = arith.constant 0.000000e+00 : f32
        %broadcast_in_dim3A_1418 = vector.broadcast %jit3A_1416 : f32 to vector<16xf32>
        %broadcast_in_dim3A_1419 = vector.broadcast %jit3A_1417 : f32 to vector<16xf32>
        %select_n3A_1420 = arith.select %gt3A_1415, %broadcast_in_dim3A_1418, %broadcast_in_dim3A_1419 : vector<16xi1>, vector<16xf32>
        %add3A_1421 = arith.addf %add3A_1379, %select_n3A_1420 : vector<16xf32>
        %add3A_1422 = arith.constant 6 : i32
        %add3A_1423 = arith.addi %mul3A_1295, %add3A_1422 : i32
        %get3A_1424 = arith.index_cast %add3A_1423 : i32 to index
        %get3A_1425 = arith.constant 0 : index
        %get3A_1426 = tpu.vector_load %arg5[%get3A_1424, %get3A_1425] {strides = array<i32>} : memref<4095x16xf32, #tpu.memory_space<vmem>>, vector<1x16xf32>,
        %get3A_1427 = vector.shape_cast %get3A_1426 : vector<1x16xf32> to vector<16xf32>
        %sub3A_1428 = arith.subf %get3A_1427, %select_n3A_657 : vector<16xf32>
        %max3A_1429 = arith.constant 0.000000e+00 : f32
        %max3A_1430 = vector.broadcast %max3A_1429 : f32 to vector<16xf32>
        %max3A_1431 = arith.maximumf %sub3A_1428, %max3A_1430 : vector<16xf32>
        %add3A_1432 = arith.addf %add3A_1390, %max3A_1431 : vector<16xf32>
        %gt3A_1433 = arith.constant 0.000000e+00 : f32
        %gt3A_1434 = vector.broadcast %gt3A_1433 : f32 to vector<16xf32>
        %gt3A_1435 = arith.cmpf ogt, %max3A_1431, %gt3A_1434 : vector<16xf32>
        %jit3A_1436 = arith.constant 1.000000e+00 : f32
        %jit3A_1437 = arith.constant 0.000000e+00 : f32
        %broadcast_in_dim3A_1438 = vector.broadcast %jit3A_1436 : f32 to vector<16xf32>
        %broadcast_in_dim3A_1439 = vector.broadcast %jit3A_1437 : f32 to vector<16xf32>
        %select_n3A_1440 = arith.select %gt3A_1435, %broadcast_in_dim3A_1438, %broadcast_in_dim3A_1439 : vector<16xi1>, vector<16xf32>
        %add3A_1441 = arith.addf %add3A_1399, %select_n3A_1440 : vector<16xf32>
        %add3A_1442 = arith.constant 6 : i32
        %add3A_1443 = arith.addi %mul3A_1295, %add3A_1442 : i32
        %add3A_1444 = arith.constant 1 : i32
        %add3A_1445 = arith.addi %add3A_1443, %add3A_1444 : i32
        %get3A_1446 = arith.index_cast %add3A_1445 : i32 to index
        %get3A_1447 = arith.constant 0 : index
        %get3A_1448 = tpu.vector_load %arg5[%get3A_1446, %get3A_1447] {strides = array<i32>} : memref<4095x16xf32, #tpu.memory_space<vmem>>, vector<1x16xf32>,
        %get3A_1449 = vector.shape_cast %get3A_1448 : vector<1x16xf32> to vector<16xf32>
        %sub3A_1450 = arith.subf %get3A_1449, %select_n3A_657 : vector<16xf32>
        %max3A_1451 = arith.constant 0.000000e+00 : f32
        %max3A_1452 = vector.broadcast %max3A_1451 : f32 to vector<16xf32>
        %max3A_1453 = arith.maximumf %sub3A_1450, %max3A_1452 : vector<16xf32>
        %add3A_1454 = arith.addf %add3A_1412, %max3A_1453 : vector<16xf32>
        %gt3A_1455 = arith.constant 0.000000e+00 : f32
        %gt3A_1456 = vector.broadcast %gt3A_1455 : f32 to vector<16xf32>
        %gt3A_1457 = arith.cmpf ogt, %max3A_1453, %gt3A_1456 : vector<16xf32>
        %jit3A_1458 = arith.constant 1.000000e+00 : f32
        %jit3A_1459 = arith.constant 0.000000e+00 : f32
        %broadcast_in_dim3A_1460 = vector.broadcast %jit3A_1458 : f32 to vector<16xf32>
        %broadcast_in_dim3A_1461 = vector.broadcast %jit3A_1459 : f32 to vector<16xf32>
        %select_n3A_1462 = arith.select %gt3A_1457, %broadcast_in_dim3A_1460, %broadcast_in_dim3A_1461 : vector<16xi1>, vector<16xf32>
        %add3A_1463 = arith.addf %add3A_1421, %select_n3A_1462 : vector<16xf32>
        scf.yield %add3A_1432, %add3A_1441, %add3A_1454, %add3A_1463 : vector<16xf32>, vector<16xf32>, vector<16xf32>, vector<16xf32>
      }
      %scan3A_684 = arith.constant 511 : i32
      %get3A_685 = arith.constant 4088 : i32
      %get3A_686 = arith.index_cast %get3A_685 : i32 to index
      %get3A_687 = arith.constant 0 : index
      %get3A_688 = tpu.vector_load %arg5[%get3A_686, %get3A_687] {strides = array<i32>} : memref<4095x16xf32, #tpu.memory_space<vmem>>, vector<1x16xf32>,
      %get3A_689 = vector.shape_cast %get3A_688 : vector<1x16xf32> to vector<16xf32>
      %sub3A_690 = arith.subf %get3A_689, %select_n3A_657 : vector<16xf32>
      %max3A_691 = arith.constant 0.000000e+00 : f32
      %max3A_692 = vector.broadcast %max3A_691 : f32 to vector<16xf32>
      %max3A_693 = arith.maximumf %sub3A_690, %max3A_692 : vector<16xf32>
      %add3A_694 = arith.addf %scan3A_683#0, %max3A_693 : vector<16xf32>
      %gt3A_695 = arith.constant 0.000000e+00 : f32
      %gt3A_696 = vector.broadcast %gt3A_695 : f32 to vector<16xf32>
      %gt3A_697 = arith.cmpf ogt, %max3A_693, %gt3A_696 : vector<16xf32>
      %jit3A_698 = arith.constant 1.000000e+00 : f32
      %jit3A_699 = arith.constant 0.000000e+00 : f32
      %broadcast_in_dim3A_700 = vector.broadcast %jit3A_698 : f32 to vector<16xf32>
      %broadcast_in_dim3A_701 = vector.broadcast %jit3A_699 : f32 to vector<16xf32>
      %select_n3A_702 = arith.select %gt3A_697, %broadcast_in_dim3A_700, %broadcast_in_dim3A_701 : vector<16xi1>, vector<16xf32>
      %add3A_703 = arith.addf %scan3A_683#1, %select_n3A_702 : vector<16xf32>
      %get3A_704 = arith.constant 4089 : i32
      %get3A_705 = arith.index_cast %get3A_704 : i32 to index
      %get3A_706 = arith.constant 0 : index
      %get3A_707 = tpu.vector_load %arg5[%get3A_705, %get3A_706] {strides = array<i32>} : memref<4095x16xf32, #tpu.memory_space<vmem>>, vector<1x16xf32>,
      %get3A_708 = vector.shape_cast %get3A_707 : vector<1x16xf32> to vector<16xf32>
      %sub3A_709 = arith.subf %get3A_708, %select_n3A_657 : vector<16xf32>
      %max3A_710 = arith.constant 0.000000e+00 : f32
      %max3A_711 = vector.broadcast %max3A_710 : f32 to vector<16xf32>
      %max3A_712 = arith.maximumf %sub3A_709, %max3A_711 : vector<16xf32>
      %add3A_713 = arith.addf %add3A_694, %max3A_712 : vector<16xf32>
      %gt3A_714 = arith.constant 0.000000e+00 : f32
      %gt3A_715 = vector.broadcast %gt3A_714 : f32 to vector<16xf32>
      %gt3A_716 = arith.cmpf ogt, %max3A_712, %gt3A_715 : vector<16xf32>
      %jit3A_717 = arith.constant 1.000000e+00 : f32
      %jit3A_718 = arith.constant 0.000000e+00 : f32
      %broadcast_in_dim3A_719 = vector.broadcast %jit3A_717 : f32 to vector<16xf32>
      %broadcast_in_dim3A_720 = vector.broadcast %jit3A_718 : f32 to vector<16xf32>
      %select_n3A_721 = arith.select %gt3A_716, %broadcast_in_dim3A_719, %broadcast_in_dim3A_720 : vector<16xi1>, vector<16xf32>
      %add3A_722 = arith.addf %add3A_703, %select_n3A_721 : vector<16xf32>
      %get3A_723 = arith.constant 4090 : i32
      %get3A_724 = arith.index_cast %get3A_723 : i32 to index
      %get3A_725 = arith.constant 0 : index
      %get3A_726 = tpu.vector_load %arg5[%get3A_724, %get3A_725] {strides = array<i32>} : memref<4095x16xf32, #tpu.memory_space<vmem>>, vector<1x16xf32>,
      %get3A_727 = vector.shape_cast %get3A_726 : vector<1x16xf32> to vector<16xf32>
      %sub3A_728 = arith.subf %get3A_727, %select_n3A_657 : vector<16xf32>
      %max3A_729 = arith.constant 0.000000e+00 : f32
      %max3A_730 = vector.broadcast %max3A_729 : f32 to vector<16xf32>
      %max3A_731 = arith.maximumf %sub3A_728, %max3A_730 : vector<16xf32>
      %add3A_732 = arith.addf %add3A_713, %max3A_731 : vector<16xf32>
      %gt3A_733 = arith.constant 0.000000e+00 : f32
      %gt3A_734 = vector.broadcast %gt3A_733 : f32 to vector<16xf32>
      %gt3A_735 = arith.cmpf ogt, %max3A_731, %gt3A_734 : vector<16xf32>
      %jit3A_736 = arith.constant 1.000000e+00 : f32
      %jit3A_737 = arith.constant 0.000000e+00 : f32
      %broadcast_in_dim3A_738 = vector.broadcast %jit3A_736 : f32 to vector<16xf32>
      %broadcast_in_dim3A_739 = vector.broadcast %jit3A_737 : f32 to vector<16xf32>
      %select_n3A_740 = arith.select %gt3A_735, %broadcast_in_dim3A_738, %broadcast_in_dim3A_739 : vector<16xi1>, vector<16xf32>
      %add3A_741 = arith.addf %add3A_722, %select_n3A_740 : vector<16xf32>
      %get3A_742 = arith.constant 4091 : i32
      %get3A_743 = arith.index_cast %get3A_742 : i32 to index
      %get3A_744 = arith.constant 0 : index
      %get3A_745 = tpu.vector_load %arg5[%get3A_743, %get3A_744] {strides = array<i32>} : memref<4095x16xf32, #tpu.memory_space<vmem>>, vector<1x16xf32>,
      %get3A_746 = vector.shape_cast %get3A_745 : vector<1x16xf32> to vector<16xf32>
      %sub3A_747 = arith.subf %get3A_746, %select_n3A_657 : vector<16xf32>
      %max3A_748 = arith.constant 0.000000e+00 : f32
      %max3A_749 = vector.broadcast %max3A_748 : f32 to vector<16xf32>
      %max3A_750 = arith.maximumf %sub3A_747, %max3A_749 : vector<16xf32>
      %add3A_751 = arith.addf %add3A_732, %max3A_750 : vector<16xf32>
      %gt3A_752 = arith.constant 0.000000e+00 : f32
      %gt3A_753 = vector.broadcast %gt3A_752 : f32 to vector<16xf32>
      %gt3A_754 = arith.cmpf ogt, %max3A_750, %gt3A_753 : vector<16xf32>
      %jit3A_755 = arith.constant 1.000000e+00 : f32
      %jit3A_756 = arith.constant 0.000000e+00 : f32
      %broadcast_in_dim3A_757 = vector.broadcast %jit3A_755 : f32 to vector<16xf32>
      %broadcast_in_dim3A_758 = vector.broadcast %jit3A_756 : f32 to vector<16xf32>
      %select_n3A_759 = arith.select %gt3A_754, %broadcast_in_dim3A_757, %broadcast_in_dim3A_758 : vector<16xi1>, vector<16xf32>
      %add3A_760 = arith.addf %add3A_741, %select_n3A_759 : vector<16xf32>
      %get3A_761 = arith.constant 4092 : i32
      %get3A_762 = arith.index_cast %get3A_761 : i32 to index
      %get3A_763 = arith.constant 0 : index
      %get3A_764 = tpu.vector_load %arg5[%get3A_762, %get3A_763] {strides = array<i32>} : memref<4095x16xf32, #tpu.memory_space<vmem>>, vector<1x16xf32>,
      %get3A_765 = vector.shape_cast %get3A_764 : vector<1x16xf32> to vector<16xf32>
      %sub3A_766 = arith.subf %get3A_765, %select_n3A_657 : vector<16xf32>
      %max3A_767 = arith.constant 0.000000e+00 : f32
      %max3A_768 = vector.broadcast %max3A_767 : f32 to vector<16xf32>
      %max3A_769 = arith.maximumf %sub3A_766, %max3A_768 : vector<16xf32>
      %add3A_770 = arith.addf %add3A_751, %max3A_769 : vector<16xf32>
      %gt3A_771 = arith.constant 0.000000e+00 : f32
      %gt3A_772 = vector.broadcast %gt3A_771 : f32 to vector<16xf32>
      %gt3A_773 = arith.cmpf ogt, %max3A_769, %gt3A_772 : vector<16xf32>
      %jit3A_774 = arith.constant 1.000000e+00 : f32
      %jit3A_775 = arith.constant 0.000000e+00 : f32
      %broadcast_in_dim3A_776 = vector.broadcast %jit3A_774 : f32 to vector<16xf32>
      %broadcast_in_dim3A_777 = vector.broadcast %jit3A_775 : f32 to vector<16xf32>
      %select_n3A_778 = arith.select %gt3A_773, %broadcast_in_dim3A_776, %broadcast_in_dim3A_777 : vector<16xi1>, vector<16xf32>
      %add3A_779 = arith.addf %add3A_760, %select_n3A_778 : vector<16xf32>
      %get3A_780 = arith.constant 4093 : i32
      %get3A_781 = arith.index_cast %get3A_780 : i32 to index
      %get3A_782 = arith.constant 0 : index
      %get3A_783 = tpu.vector_load %arg5[%get3A_781, %get3A_782] {strides = array<i32>} : memref<4095x16xf32, #tpu.memory_space<vmem>>, vector<1x16xf32>,
      %get3A_784 = vector.shape_cast %get3A_783 : vector<1x16xf32> to vector<16xf32>
      %sub3A_785 = arith.subf %get3A_784, %select_n3A_657 : vector<16xf32>
      %max3A_786 = arith.constant 0.000000e+00 : f32
      %max3A_787 = vector.broadcast %max3A_786 : f32 to vector<16xf32>
      %max3A_788 = arith.maximumf %sub3A_785, %max3A_787 : vector<16xf32>
      %add3A_789 = arith.addf %add3A_770, %max3A_788 : vector<16xf32>
      %gt3A_790 = arith.constant 0.000000e+00 : f32
      %gt3A_791 = vector.broadcast %gt3A_790 : f32 to vector<16xf32>
      %gt3A_792 = arith.cmpf ogt, %max3A_788, %gt3A_791 : vector<16xf32>
      %jit3A_793 = arith.constant 1.000000e+00 : f32
      %jit3A_794 = arith.constant 0.000000e+00 : f32
      %broadcast_in_dim3A_795 = vector.broadcast %jit3A_793 : f32 to vector<16xf32>
      %broadcast_in_dim3A_796 = vector.broadcast %jit3A_794 : f32 to vector<16xf32>
      %select_n3A_797 = arith.select %gt3A_792, %broadcast_in_dim3A_795, %broadcast_in_dim3A_796 : vector<16xi1>, vector<16xf32>
      %add3A_798 = arith.addf %add3A_779, %select_n3A_797 : vector<16xf32>
      %get3A_799 = arith.constant 4094 : i32
      %get3A_800 = arith.index_cast %get3A_799 : i32 to index
      %get3A_801 = arith.constant 0 : index
      %get3A_802 = tpu.vector_load %arg5[%get3A_800, %get3A_801] {strides = array<i32>} : memref<4095x16xf32, #tpu.memory_space<vmem>>, vector<1x16xf32>,
      %get3A_803 = vector.shape_cast %get3A_802 : vector<1x16xf32> to vector<16xf32>
      %sub3A_804 = arith.subf %get3A_803, %select_n3A_657 : vector<16xf32>
      %max3A_805 = arith.constant 0.000000e+00 : f32
      %max3A_806 = vector.broadcast %max3A_805 : f32 to vector<16xf32>
      %max3A_807 = arith.maximumf %sub3A_804, %max3A_806 : vector<16xf32>
      %add3A_808 = arith.addf %add3A_789, %max3A_807 : vector<16xf32>
      %gt3A_809 = arith.constant 0.000000e+00 : f32
      %gt3A_810 = vector.broadcast %gt3A_809 : f32 to vector<16xf32>
      %gt3A_811 = arith.cmpf ogt, %max3A_807, %gt3A_810 : vector<16xf32>
      %jit3A_812 = arith.constant 1.000000e+00 : f32
      %jit3A_813 = arith.constant 0.000000e+00 : f32
      %broadcast_in_dim3A_814 = vector.broadcast %jit3A_812 : f32 to vector<16xf32>
      %broadcast_in_dim3A_815 = vector.broadcast %jit3A_813 : f32 to vector<16xf32>
      %select_n3A_816 = arith.select %gt3A_811, %broadcast_in_dim3A_814, %broadcast_in_dim3A_815 : vector<16xi1>, vector<16xf32>
      %add3A_817 = arith.addf %add3A_798, %select_n3A_816 : vector<16xf32>
      %add3A_818 = arith.addf %add3A_808, %scan3A_683#2 : vector<16xf32>
      %add3A_819 = arith.addf %add3A_817, %scan3A_683#3 : vector<16xf32>
      %sub3A_820 = arith.constant 1.000000e+00 : f32
      %sub3A_821 = vector.broadcast %sub3A_820 : f32 to vector<16xf32>
      %sub3A_822 = arith.subf %add3A_818, %sub3A_821 : vector<16xf32>
      %div3A = arith.divf %sub3A_822, %add3A_819 : vector<16xf32>
      %add3A_823 = arith.addf %select_n3A_657, %div3A : vector<16xf32>
      %broadcast_in_dim3A_824 = arith.constant 0.000000e+00 : f32
      %broadcast_in_dim3A_825 = vector.broadcast %broadcast_in_dim3A_824 : f32 to vector<16xf32>
      %sub3A_826 = arith.subf %get3A_17, %add3A_823 : vector<16xf32>
      %max3A_827 = arith.constant 0.000000e+00 : f32
      %max3A_828 = vector.broadcast %max3A_827 : f32 to vector<16xf32>
      %max3A_829 = arith.maximumf %sub3A_826, %max3A_828 : vector<16xf32>
      %add3A_830 = arith.addf %broadcast_in_dim3A_825, %max3A_829 : vector<16xf32>
      %gt3A_831 = arith.constant 0.000000e+00 : f32
      %gt3A_832 = vector.broadcast %gt3A_831 : f32 to vector<16xf32>
      %gt3A_833 = arith.cmpf ogt, %max3A_829, %gt3A_832 : vector<16xf32>
      %jit3A_834 = arith.constant 1.000000e+00 : f32
      %jit3A_835 = arith.constant 0.000000e+00 : f32
      %broadcast_in_dim3A_836 = vector.broadcast %jit3A_834 : f32 to vector<16xf32>
      %broadcast_in_dim3A_837 = vector.broadcast %jit3A_835 : f32 to vector<16xf32>
      %select_n3A_838 = arith.select %gt3A_833, %broadcast_in_dim3A_836, %broadcast_in_dim3A_837 : vector<16xi1>, vector<16xf32>
      %add3A_839 = arith.addf %broadcast_in_dim3A_825, %select_n3A_838 : vector<16xf32>
      %scan3A_840 = arith.constant 0 : i32
      %scan3A_841 = arith.constant 512 : i32
      %scan3A_842 = arith.addi %scan3A_840, %scan3A_841 : i32
      %scan3A_843 = arith.constant 1 : i32
      %scan3A_844:4 = scf.for %scan3A_1289 = %scan3A_840 to %scan3A_842 step %scan3A_843 iter_args(%scan3A_1290 = %add3A_830, %scan3A_1291 = %add3A_839, %scan3A_1292 = %broadcast_in_dim3A_825, %scan3A_1293 = %broadcast_in_dim3A_825) -> (vector<16xf32>, vector<16xf32>, vector<16xf32>, vector<16xf32>)  : i32 {
        %mul3A_1294 = arith.constant 8 : i32
        %mul3A_1295 = arith.muli %scan3A_1289, %mul3A_1294 : i32
        %add3A_1296 = arith.constant 0 : i32
        %add3A_1297 = arith.addi %mul3A_1295, %add3A_1296 : i32
        %get3A_1298 = arith.index_cast %add3A_1297 : i32 to index
        %get3A_1299 = arith.constant 0 : index
        %get3A_1300 = tpu.vector_load %arg4[%get3A_1298, %get3A_1299] {strides = array<i32>} : memref<4096x16xf32, #tpu.memory_space<vmem>>, vector<1x16xf32>,
        %get3A_1301 = vector.shape_cast %get3A_1300 : vector<1x16xf32> to vector<16xf32>
        %sub3A_1302 = arith.subf %get3A_1301, %add3A_823 : vector<16xf32>
        %max3A_1303 = arith.constant 0.000000e+00 : f32
        %max3A_1304 = vector.broadcast %max3A_1303 : f32 to vector<16xf32>
        %max3A_1305 = arith.maximumf %sub3A_1302, %max3A_1304 : vector<16xf32>
        %add3A_1306 = arith.addf %scan3A_1290, %max3A_1305 : vector<16xf32>
        %gt3A_1307 = arith.constant 0.000000e+00 : f32
        %gt3A_1308 = vector.broadcast %gt3A_1307 : f32 to vector<16xf32>
        %gt3A_1309 = arith.cmpf ogt, %max3A_1305, %gt3A_1308 : vector<16xf32>
        %jit3A_1310 = arith.constant 1.000000e+00 : f32
        %jit3A_1311 = arith.constant 0.000000e+00 : f32
        %broadcast_in_dim3A_1312 = vector.broadcast %jit3A_1310 : f32 to vector<16xf32>
        %broadcast_in_dim3A_1313 = vector.broadcast %jit3A_1311 : f32 to vector<16xf32>
        %select_n3A_1314 = arith.select %gt3A_1309, %broadcast_in_dim3A_1312, %broadcast_in_dim3A_1313 : vector<16xi1>, vector<16xf32>
        %add3A_1315 = arith.addf %scan3A_1291, %select_n3A_1314 : vector<16xf32>
        %add3A_1316 = arith.constant 0 : i32
        %add3A_1317 = arith.addi %mul3A_1295, %add3A_1316 : i32
        %add3A_1318 = arith.constant 1 : i32
        %add3A_1319 = arith.addi %add3A_1317, %add3A_1318 : i32
        %get3A_1320 = arith.index_cast %add3A_1319 : i32 to index
        %get3A_1321 = arith.constant 0 : index
        %get3A_1322 = tpu.vector_load %arg4[%get3A_1320, %get3A_1321] {strides = array<i32>} : memref<4096x16xf32, #tpu.memory_space<vmem>>, vector<1x16xf32>,
        %get3A_1323 = vector.shape_cast %get3A_1322 : vector<1x16xf32> to vector<16xf32>
        %sub3A_1324 = arith.subf %get3A_1323, %add3A_823 : vector<16xf32>
        %max3A_1325 = arith.constant 0.000000e+00 : f32
        %max3A_1326 = vector.broadcast %max3A_1325 : f32 to vector<16xf32>
        %max3A_1327 = arith.maximumf %sub3A_1324, %max3A_1326 : vector<16xf32>
        %add3A_1328 = arith.addf %scan3A_1292, %max3A_1327 : vector<16xf32>
        %gt3A_1329 = arith.constant 0.000000e+00 : f32
        %gt3A_1330 = vector.broadcast %gt3A_1329 : f32 to vector<16xf32>
        %gt3A_1331 = arith.cmpf ogt, %max3A_1327, %gt3A_1330 : vector<16xf32>
        %jit3A_1332 = arith.constant 1.000000e+00 : f32
        %jit3A_1333 = arith.constant 0.000000e+00 : f32
        %broadcast_in_dim3A_1334 = vector.broadcast %jit3A_1332 : f32 to vector<16xf32>
        %broadcast_in_dim3A_1335 = vector.broadcast %jit3A_1333 : f32 to vector<16xf32>
        %select_n3A_1336 = arith.select %gt3A_1331, %broadcast_in_dim3A_1334, %broadcast_in_dim3A_1335 : vector<16xi1>, vector<16xf32>
        %add3A_1337 = arith.addf %scan3A_1293, %select_n3A_1336 : vector<16xf32>
        %add3A_1338 = arith.constant 2 : i32
        %add3A_1339 = arith.addi %mul3A_1295, %add3A_1338 : i32
        %get3A_1340 = arith.index_cast %add3A_1339 : i32 to index
        %get3A_1341 = arith.constant 0 : index
        %get3A_1342 = tpu.vector_load %arg4[%get3A_1340, %get3A_1341] {strides = array<i32>} : memref<4096x16xf32, #tpu.memory_space<vmem>>, vector<1x16xf32>,
        %get3A_1343 = vector.shape_cast %get3A_1342 : vector<1x16xf32> to vector<16xf32>
        %sub3A_1344 = arith.subf %get3A_1343, %add3A_823 : vector<16xf32>
        %max3A_1345 = arith.constant 0.000000e+00 : f32
        %max3A_1346 = vector.broadcast %max3A_1345 : f32 to vector<16xf32>
        %max3A_1347 = arith.maximumf %sub3A_1344, %max3A_1346 : vector<16xf32>
        %add3A_1348 = arith.addf %add3A_1306, %max3A_1347 : vector<16xf32>
        %gt3A_1349 = arith.constant 0.000000e+00 : f32
        %gt3A_1350 = vector.broadcast %gt3A_1349 : f32 to vector<16xf32>
        %gt3A_1351 = arith.cmpf ogt, %max3A_1347, %gt3A_1350 : vector<16xf32>
        %jit3A_1352 = arith.constant 1.000000e+00 : f32
        %jit3A_1353 = arith.constant 0.000000e+00 : f32
        %broadcast_in_dim3A_1354 = vector.broadcast %jit3A_1352 : f32 to vector<16xf32>
        %broadcast_in_dim3A_1355 = vector.broadcast %jit3A_1353 : f32 to vector<16xf32>
        %select_n3A_1356 = arith.select %gt3A_1351, %broadcast_in_dim3A_1354, %broadcast_in_dim3A_1355 : vector<16xi1>, vector<16xf32>
        %add3A_1357 = arith.addf %add3A_1315, %select_n3A_1356 : vector<16xf32>
        %add3A_1358 = arith.constant 2 : i32
        %add3A_1359 = arith.addi %mul3A_1295, %add3A_1358 : i32
        %add3A_1360 = arith.constant 1 : i32
        %add3A_1361 = arith.addi %add3A_1359, %add3A_1360 : i32
        %get3A_1362 = arith.index_cast %add3A_1361 : i32 to index
        %get3A_1363 = arith.constant 0 : index
        %get3A_1364 = tpu.vector_load %arg4[%get3A_1362, %get3A_1363] {strides = array<i32>} : memref<4096x16xf32, #tpu.memory_space<vmem>>, vector<1x16xf32>,
        %get3A_1365 = vector.shape_cast %get3A_1364 : vector<1x16xf32> to vector<16xf32>
        %sub3A_1366 = arith.subf %get3A_1365, %add3A_823 : vector<16xf32>
        %max3A_1367 = arith.constant 0.000000e+00 : f32
        %max3A_1368 = vector.broadcast %max3A_1367 : f32 to vector<16xf32>
        %max3A_1369 = arith.maximumf %sub3A_1366, %max3A_1368 : vector<16xf32>
        %add3A_1370 = arith.addf %add3A_1328, %max3A_1369 : vector<16xf32>
        %gt3A_1371 = arith.constant 0.000000e+00 : f32
        %gt3A_1372 = vector.broadcast %gt3A_1371 : f32 to vector<16xf32>
        %gt3A_1373 = arith.cmpf ogt, %max3A_1369, %gt3A_1372 : vector<16xf32>
        %jit3A_1374 = arith.constant 1.000000e+00 : f32
        %jit3A_1375 = arith.constant 0.000000e+00 : f32
        %broadcast_in_dim3A_1376 = vector.broadcast %jit3A_1374 : f32 to vector<16xf32>
        %broadcast_in_dim3A_1377 = vector.broadcast %jit3A_1375 : f32 to vector<16xf32>
        %select_n3A_1378 = arith.select %gt3A_1373, %broadcast_in_dim3A_1376, %broadcast_in_dim3A_1377 : vector<16xi1>, vector<16xf32>
        %add3A_1379 = arith.addf %add3A_1337, %select_n3A_1378 : vector<16xf32>
        %add3A_1380 = arith.constant 4 : i32
        %add3A_1381 = arith.addi %mul3A_1295, %add3A_1380 : i32
        %get3A_1382 = arith.index_cast %add3A_1381 : i32 to index
        %get3A_1383 = arith.constant 0 : index
        %get3A_1384 = tpu.vector_load %arg4[%get3A_1382, %get3A_1383] {strides = array<i32>} : memref<4096x16xf32, #tpu.memory_space<vmem>>, vector<1x16xf32>,
        %get3A_1385 = vector.shape_cast %get3A_1384 : vector<1x16xf32> to vector<16xf32>
        %sub3A_1386 = arith.subf %get3A_1385, %add3A_823 : vector<16xf32>
        %max3A_1387 = arith.constant 0.000000e+00 : f32
        %max3A_1388 = vector.broadcast %max3A_1387 : f32 to vector<16xf32>
        %max3A_1389 = arith.maximumf %sub3A_1386, %max3A_1388 : vector<16xf32>
        %add3A_1390 = arith.addf %add3A_1348, %max3A_1389 : vector<16xf32>
        %gt3A_1391 = arith.constant 0.000000e+00 : f32
        %gt3A_1392 = vector.broadcast %gt3A_1391 : f32 to vector<16xf32>
        %gt3A_1393 = arith.cmpf ogt, %max3A_1389, %gt3A_1392 : vector<16xf32>
        %jit3A_1394 = arith.constant 1.000000e+00 : f32
        %jit3A_1395 = arith.constant 0.000000e+00 : f32
        %broadcast_in_dim3A_1396 = vector.broadcast %jit3A_1394 : f32 to vector<16xf32>
        %broadcast_in_dim3A_1397 = vector.broadcast %jit3A_1395 : f32 to vector<16xf32>
        %select_n3A_1398 = arith.select %gt3A_1393, %broadcast_in_dim3A_1396, %broadcast_in_dim3A_1397 : vector<16xi1>, vector<16xf32>
        %add3A_1399 = arith.addf %add3A_1357, %select_n3A_1398 : vector<16xf32>
        %add3A_1400 = arith.constant 4 : i32
        %add3A_1401 = arith.addi %mul3A_1295, %add3A_1400 : i32
        %add3A_1402 = arith.constant 1 : i32
        %add3A_1403 = arith.addi %add3A_1401, %add3A_1402 : i32
        %get3A_1404 = arith.index_cast %add3A_1403 : i32 to index
        %get3A_1405 = arith.constant 0 : index
        %get3A_1406 = tpu.vector_load %arg4[%get3A_1404, %get3A_1405] {strides = array<i32>} : memref<4096x16xf32, #tpu.memory_space<vmem>>, vector<1x16xf32>,
        %get3A_1407 = vector.shape_cast %get3A_1406 : vector<1x16xf32> to vector<16xf32>
        %sub3A_1408 = arith.subf %get3A_1407, %add3A_823 : vector<16xf32>
        %max3A_1409 = arith.constant 0.000000e+00 : f32
        %max3A_1410 = vector.broadcast %max3A_1409 : f32 to vector<16xf32>
        %max3A_1411 = arith.maximumf %sub3A_1408, %max3A_1410 : vector<16xf32>
        %add3A_1412 = arith.addf %add3A_1370, %max3A_1411 : vector<16xf32>
        %gt3A_1413 = arith.constant 0.000000e+00 : f32
        %gt3A_1414 = vector.broadcast %gt3A_1413 : f32 to vector<16xf32>
        %gt3A_1415 = arith.cmpf ogt, %max3A_1411, %gt3A_1414 : vector<16xf32>
        %jit3A_1416 = arith.constant 1.000000e+00 : f32
        %jit3A_1417 = arith.constant 0.000000e+00 : f32
        %broadcast_in_dim3A_1418 = vector.broadcast %jit3A_1416 : f32 to vector<16xf32>
        %broadcast_in_dim3A_1419 = vector.broadcast %jit3A_1417 : f32 to vector<16xf32>
        %select_n3A_1420 = arith.select %gt3A_1415, %broadcast_in_dim3A_1418, %broadcast_in_dim3A_1419 : vector<16xi1>, vector<16xf32>
        %add3A_1421 = arith.addf %add3A_1379, %select_n3A_1420 : vector<16xf32>
        %add3A_1422 = arith.constant 6 : i32
        %add3A_1423 = arith.addi %mul3A_1295, %add3A_1422 : i32
        %get3A_1424 = arith.index_cast %add3A_1423 : i32 to index
        %get3A_1425 = arith.constant 0 : index
        %get3A_1426 = tpu.vector_load %arg4[%get3A_1424, %get3A_1425] {strides = array<i32>} : memref<4096x16xf32, #tpu.memory_space<vmem>>, vector<1x16xf32>,
        %get3A_1427 = vector.shape_cast %get3A_1426 : vector<1x16xf32> to vector<16xf32>
        %sub3A_1428 = arith.subf %get3A_1427, %add3A_823 : vector<16xf32>
        %max3A_1429 = arith.constant 0.000000e+00 : f32
        %max3A_1430 = vector.broadcast %max3A_1429 : f32 to vector<16xf32>
        %max3A_1431 = arith.maximumf %sub3A_1428, %max3A_1430 : vector<16xf32>
        %add3A_1432 = arith.addf %add3A_1390, %max3A_1431 : vector<16xf32>
        %gt3A_1433 = arith.constant 0.000000e+00 : f32
        %gt3A_1434 = vector.broadcast %gt3A_1433 : f32 to vector<16xf32>
        %gt3A_1435 = arith.cmpf ogt, %max3A_1431, %gt3A_1434 : vector<16xf32>
        %jit3A_1436 = arith.constant 1.000000e+00 : f32
        %jit3A_1437 = arith.constant 0.000000e+00 : f32
        %broadcast_in_dim3A_1438 = vector.broadcast %jit3A_1436 : f32 to vector<16xf32>
        %broadcast_in_dim3A_1439 = vector.broadcast %jit3A_1437 : f32 to vector<16xf32>
        %select_n3A_1440 = arith.select %gt3A_1435, %broadcast_in_dim3A_1438, %broadcast_in_dim3A_1439 : vector<16xi1>, vector<16xf32>
        %add3A_1441 = arith.addf %add3A_1399, %select_n3A_1440 : vector<16xf32>
        %add3A_1442 = arith.constant 6 : i32
        %add3A_1443 = arith.addi %mul3A_1295, %add3A_1442 : i32
        %add3A_1444 = arith.constant 1 : i32
        %add3A_1445 = arith.addi %add3A_1443, %add3A_1444 : i32
        %get3A_1446 = arith.index_cast %add3A_1445 : i32 to index
        %get3A_1447 = arith.constant 0 : index
        %get3A_1448 = tpu.vector_load %arg4[%get3A_1446, %get3A_1447] {strides = array<i32>} : memref<4096x16xf32, #tpu.memory_space<vmem>>, vector<1x16xf32>,
        %get3A_1449 = vector.shape_cast %get3A_1448 : vector<1x16xf32> to vector<16xf32>
        %sub3A_1450 = arith.subf %get3A_1449, %add3A_823 : vector<16xf32>
        %max3A_1451 = arith.constant 0.000000e+00 : f32
        %max3A_1452 = vector.broadcast %max3A_1451 : f32 to vector<16xf32>
        %max3A_1453 = arith.maximumf %sub3A_1450, %max3A_1452 : vector<16xf32>
        %add3A_1454 = arith.addf %add3A_1412, %max3A_1453 : vector<16xf32>
        %gt3A_1455 = arith.constant 0.000000e+00 : f32
        %gt3A_1456 = vector.broadcast %gt3A_1455 : f32 to vector<16xf32>
        %gt3A_1457 = arith.cmpf ogt, %max3A_1453, %gt3A_1456 : vector<16xf32>
        %jit3A_1458 = arith.constant 1.000000e+00 : f32
        %jit3A_1459 = arith.constant 0.000000e+00 : f32
        %broadcast_in_dim3A_1460 = vector.broadcast %jit3A_1458 : f32 to vector<16xf32>
        %broadcast_in_dim3A_1461 = vector.broadcast %jit3A_1459 : f32 to vector<16xf32>
        %select_n3A_1462 = arith.select %gt3A_1457, %broadcast_in_dim3A_1460, %broadcast_in_dim3A_1461 : vector<16xi1>, vector<16xf32>
        %add3A_1463 = arith.addf %add3A_1421, %select_n3A_1462 : vector<16xf32>
        scf.yield %add3A_1432, %add3A_1441, %add3A_1454, %add3A_1463 : vector<16xf32>, vector<16xf32>, vector<16xf32>, vector<16xf32>
      }
      %scan3A_845 = arith.constant 512 : i32
      %scan3A_846 = arith.constant 0 : i32
      %scan3A_847 = arith.constant 511 : i32
      %scan3A_848 = arith.addi %scan3A_846, %scan3A_847 : i32
      %scan3A_849 = arith.constant 1 : i32
      %scan3A_850:4 = scf.for %scan3A_1289 = %scan3A_846 to %scan3A_848 step %scan3A_849 iter_args(%scan3A_1290 = %scan3A_844#0, %scan3A_1291 = %scan3A_844#1, %scan3A_1292 = %scan3A_844#2, %scan3A_1293 = %scan3A_844#3) -> (vector<16xf32>, vector<16xf32>, vector<16xf32>, vector<16xf32>)  : i32 {
        %mul3A_1294 = arith.constant 8 : i32
        %mul3A_1295 = arith.muli %scan3A_1289, %mul3A_1294 : i32
        %add3A_1296 = arith.constant 0 : i32
        %add3A_1297 = arith.addi %mul3A_1295, %add3A_1296 : i32
        %get3A_1298 = arith.index_cast %add3A_1297 : i32 to index
        %get3A_1299 = arith.constant 0 : index
        %get3A_1300 = tpu.vector_load %arg5[%get3A_1298, %get3A_1299] {strides = array<i32>} : memref<4095x16xf32, #tpu.memory_space<vmem>>, vector<1x16xf32>,
        %get3A_1301 = vector.shape_cast %get3A_1300 : vector<1x16xf32> to vector<16xf32>
        %sub3A_1302 = arith.subf %get3A_1301, %add3A_823 : vector<16xf32>
        %max3A_1303 = arith.constant 0.000000e+00 : f32
        %max3A_1304 = vector.broadcast %max3A_1303 : f32 to vector<16xf32>
        %max3A_1305 = arith.maximumf %sub3A_1302, %max3A_1304 : vector<16xf32>
        %add3A_1306 = arith.addf %scan3A_1290, %max3A_1305 : vector<16xf32>
        %gt3A_1307 = arith.constant 0.000000e+00 : f32
        %gt3A_1308 = vector.broadcast %gt3A_1307 : f32 to vector<16xf32>
        %gt3A_1309 = arith.cmpf ogt, %max3A_1305, %gt3A_1308 : vector<16xf32>
        %jit3A_1310 = arith.constant 1.000000e+00 : f32
        %jit3A_1311 = arith.constant 0.000000e+00 : f32
        %broadcast_in_dim3A_1312 = vector.broadcast %jit3A_1310 : f32 to vector<16xf32>
        %broadcast_in_dim3A_1313 = vector.broadcast %jit3A_1311 : f32 to vector<16xf32>
        %select_n3A_1314 = arith.select %gt3A_1309, %broadcast_in_dim3A_1312, %broadcast_in_dim3A_1313 : vector<16xi1>, vector<16xf32>
        %add3A_1315 = arith.addf %scan3A_1291, %select_n3A_1314 : vector<16xf32>
        %add3A_1316 = arith.constant 0 : i32
        %add3A_1317 = arith.addi %mul3A_1295, %add3A_1316 : i32
        %add3A_1318 = arith.constant 1 : i32
        %add3A_1319 = arith.addi %add3A_1317, %add3A_1318 : i32
        %get3A_1320 = arith.index_cast %add3A_1319 : i32 to index
        %get3A_1321 = arith.constant 0 : index
        %get3A_1322 = tpu.vector_load %arg5[%get3A_1320, %get3A_1321] {strides = array<i32>} : memref<4095x16xf32, #tpu.memory_space<vmem>>, vector<1x16xf32>,
        %get3A_1323 = vector.shape_cast %get3A_1322 : vector<1x16xf32> to vector<16xf32>
        %sub3A_1324 = arith.subf %get3A_1323, %add3A_823 : vector<16xf32>
        %max3A_1325 = arith.constant 0.000000e+00 : f32
        %max3A_1326 = vector.broadcast %max3A_1325 : f32 to vector<16xf32>
        %max3A_1327 = arith.maximumf %sub3A_1324, %max3A_1326 : vector<16xf32>
        %add3A_1328 = arith.addf %scan3A_1292, %max3A_1327 : vector<16xf32>
        %gt3A_1329 = arith.constant 0.000000e+00 : f32
        %gt3A_1330 = vector.broadcast %gt3A_1329 : f32 to vector<16xf32>
        %gt3A_1331 = arith.cmpf ogt, %max3A_1327, %gt3A_1330 : vector<16xf32>
        %jit3A_1332 = arith.constant 1.000000e+00 : f32
        %jit3A_1333 = arith.constant 0.000000e+00 : f32
        %broadcast_in_dim3A_1334 = vector.broadcast %jit3A_1332 : f32 to vector<16xf32>
        %broadcast_in_dim3A_1335 = vector.broadcast %jit3A_1333 : f32 to vector<16xf32>
        %select_n3A_1336 = arith.select %gt3A_1331, %broadcast_in_dim3A_1334, %broadcast_in_dim3A_1335 : vector<16xi1>, vector<16xf32>
        %add3A_1337 = arith.addf %scan3A_1293, %select_n3A_1336 : vector<16xf32>
        %add3A_1338 = arith.constant 2 : i32
        %add3A_1339 = arith.addi %mul3A_1295, %add3A_1338 : i32
        %get3A_1340 = arith.index_cast %add3A_1339 : i32 to index
        %get3A_1341 = arith.constant 0 : index
        %get3A_1342 = tpu.vector_load %arg5[%get3A_1340, %get3A_1341] {strides = array<i32>} : memref<4095x16xf32, #tpu.memory_space<vmem>>, vector<1x16xf32>,
        %get3A_1343 = vector.shape_cast %get3A_1342 : vector<1x16xf32> to vector<16xf32>
        %sub3A_1344 = arith.subf %get3A_1343, %add3A_823 : vector<16xf32>
        %max3A_1345 = arith.constant 0.000000e+00 : f32
        %max3A_1346 = vector.broadcast %max3A_1345 : f32 to vector<16xf32>
        %max3A_1347 = arith.maximumf %sub3A_1344, %max3A_1346 : vector<16xf32>
        %add3A_1348 = arith.addf %add3A_1306, %max3A_1347 : vector<16xf32>
        %gt3A_1349 = arith.constant 0.000000e+00 : f32
        %gt3A_1350 = vector.broadcast %gt3A_1349 : f32 to vector<16xf32>
        %gt3A_1351 = arith.cmpf ogt, %max3A_1347, %gt3A_1350 : vector<16xf32>
        %jit3A_1352 = arith.constant 1.000000e+00 : f32
        %jit3A_1353 = arith.constant 0.000000e+00 : f32
        %broadcast_in_dim3A_1354 = vector.broadcast %jit3A_1352 : f32 to vector<16xf32>
        %broadcast_in_dim3A_1355 = vector.broadcast %jit3A_1353 : f32 to vector<16xf32>
        %select_n3A_1356 = arith.select %gt3A_1351, %broadcast_in_dim3A_1354, %broadcast_in_dim3A_1355 : vector<16xi1>, vector<16xf32>
        %add3A_1357 = arith.addf %add3A_1315, %select_n3A_1356 : vector<16xf32>
        %add3A_1358 = arith.constant 2 : i32
        %add3A_1359 = arith.addi %mul3A_1295, %add3A_1358 : i32
        %add3A_1360 = arith.constant 1 : i32
        %add3A_1361 = arith.addi %add3A_1359, %add3A_1360 : i32
        %get3A_1362 = arith.index_cast %add3A_1361 : i32 to index
        %get3A_1363 = arith.constant 0 : index
        %get3A_1364 = tpu.vector_load %arg5[%get3A_1362, %get3A_1363] {strides = array<i32>} : memref<4095x16xf32, #tpu.memory_space<vmem>>, vector<1x16xf32>,
        %get3A_1365 = vector.shape_cast %get3A_1364 : vector<1x16xf32> to vector<16xf32>
        %sub3A_1366 = arith.subf %get3A_1365, %add3A_823 : vector<16xf32>
        %max3A_1367 = arith.constant 0.000000e+00 : f32
        %max3A_1368 = vector.broadcast %max3A_1367 : f32 to vector<16xf32>
        %max3A_1369 = arith.maximumf %sub3A_1366, %max3A_1368 : vector<16xf32>
        %add3A_1370 = arith.addf %add3A_1328, %max3A_1369 : vector<16xf32>
        %gt3A_1371 = arith.constant 0.000000e+00 : f32
        %gt3A_1372 = vector.broadcast %gt3A_1371 : f32 to vector<16xf32>
        %gt3A_1373 = arith.cmpf ogt, %max3A_1369, %gt3A_1372 : vector<16xf32>
        %jit3A_1374 = arith.constant 1.000000e+00 : f32
        %jit3A_1375 = arith.constant 0.000000e+00 : f32
        %broadcast_in_dim3A_1376 = vector.broadcast %jit3A_1374 : f32 to vector<16xf32>
        %broadcast_in_dim3A_1377 = vector.broadcast %jit3A_1375 : f32 to vector<16xf32>
        %select_n3A_1378 = arith.select %gt3A_1373, %broadcast_in_dim3A_1376, %broadcast_in_dim3A_1377 : vector<16xi1>, vector<16xf32>
        %add3A_1379 = arith.addf %add3A_1337, %select_n3A_1378 : vector<16xf32>
        %add3A_1380 = arith.constant 4 : i32
        %add3A_1381 = arith.addi %mul3A_1295, %add3A_1380 : i32
        %get3A_1382 = arith.index_cast %add3A_1381 : i32 to index
        %get3A_1383 = arith.constant 0 : index
        %get3A_1384 = tpu.vector_load %arg5[%get3A_1382, %get3A_1383] {strides = array<i32>} : memref<4095x16xf32, #tpu.memory_space<vmem>>, vector<1x16xf32>,
        %get3A_1385 = vector.shape_cast %get3A_1384 : vector<1x16xf32> to vector<16xf32>
        %sub3A_1386 = arith.subf %get3A_1385, %add3A_823 : vector<16xf32>
        %max3A_1387 = arith.constant 0.000000e+00 : f32
        %max3A_1388 = vector.broadcast %max3A_1387 : f32 to vector<16xf32>
        %max3A_1389 = arith.maximumf %sub3A_1386, %max3A_1388 : vector<16xf32>
        %add3A_1390 = arith.addf %add3A_1348, %max3A_1389 : vector<16xf32>
        %gt3A_1391 = arith.constant 0.000000e+00 : f32
        %gt3A_1392 = vector.broadcast %gt3A_1391 : f32 to vector<16xf32>
        %gt3A_1393 = arith.cmpf ogt, %max3A_1389, %gt3A_1392 : vector<16xf32>
        %jit3A_1394 = arith.constant 1.000000e+00 : f32
        %jit3A_1395 = arith.constant 0.000000e+00 : f32
        %broadcast_in_dim3A_1396 = vector.broadcast %jit3A_1394 : f32 to vector<16xf32>
        %broadcast_in_dim3A_1397 = vector.broadcast %jit3A_1395 : f32 to vector<16xf32>
        %select_n3A_1398 = arith.select %gt3A_1393, %broadcast_in_dim3A_1396, %broadcast_in_dim3A_1397 : vector<16xi1>, vector<16xf32>
        %add3A_1399 = arith.addf %add3A_1357, %select_n3A_1398 : vector<16xf32>
        %add3A_1400 = arith.constant 4 : i32
        %add3A_1401 = arith.addi %mul3A_1295, %add3A_1400 : i32
        %add3A_1402 = arith.constant 1 : i32
        %add3A_1403 = arith.addi %add3A_1401, %add3A_1402 : i32
        %get3A_1404 = arith.index_cast %add3A_1403 : i32 to index
        %get3A_1405 = arith.constant 0 : index
        %get3A_1406 = tpu.vector_load %arg5[%get3A_1404, %get3A_1405] {strides = array<i32>} : memref<4095x16xf32, #tpu.memory_space<vmem>>, vector<1x16xf32>,
        %get3A_1407 = vector.shape_cast %get3A_1406 : vector<1x16xf32> to vector<16xf32>
        %sub3A_1408 = arith.subf %get3A_1407, %add3A_823 : vector<16xf32>
        %max3A_1409 = arith.constant 0.000000e+00 : f32
        %max3A_1410 = vector.broadcast %max3A_1409 : f32 to vector<16xf32>
        %max3A_1411 = arith.maximumf %sub3A_1408, %max3A_1410 : vector<16xf32>
        %add3A_1412 = arith.addf %add3A_1370, %max3A_1411 : vector<16xf32>
        %gt3A_1413 = arith.constant 0.000000e+00 : f32
        %gt3A_1414 = vector.broadcast %gt3A_1413 : f32 to vector<16xf32>
        %gt3A_1415 = arith.cmpf ogt, %max3A_1411, %gt3A_1414 : vector<16xf32>
        %jit3A_1416 = arith.constant 1.000000e+00 : f32
        %jit3A_1417 = arith.constant 0.000000e+00 : f32
        %broadcast_in_dim3A_1418 = vector.broadcast %jit3A_1416 : f32 to vector<16xf32>
        %broadcast_in_dim3A_1419 = vector.broadcast %jit3A_1417 : f32 to vector<16xf32>
        %select_n3A_1420 = arith.select %gt3A_1415, %broadcast_in_dim3A_1418, %broadcast_in_dim3A_1419 : vector<16xi1>, vector<16xf32>
        %add3A_1421 = arith.addf %add3A_1379, %select_n3A_1420 : vector<16xf32>
        %add3A_1422 = arith.constant 6 : i32
        %add3A_1423 = arith.addi %mul3A_1295, %add3A_1422 : i32
        %get3A_1424 = arith.index_cast %add3A_1423 : i32 to index
        %get3A_1425 = arith.constant 0 : index
        %get3A_1426 = tpu.vector_load %arg5[%get3A_1424, %get3A_1425] {strides = array<i32>} : memref<4095x16xf32, #tpu.memory_space<vmem>>, vector<1x16xf32>,
        %get3A_1427 = vector.shape_cast %get3A_1426 : vector<1x16xf32> to vector<16xf32>
        %sub3A_1428 = arith.subf %get3A_1427, %add3A_823 : vector<16xf32>
        %max3A_1429 = arith.constant 0.000000e+00 : f32
        %max3A_1430 = vector.broadcast %max3A_1429 : f32 to vector<16xf32>
        %max3A_1431 = arith.maximumf %sub3A_1428, %max3A_1430 : vector<16xf32>
        %add3A_1432 = arith.addf %add3A_1390, %max3A_1431 : vector<16xf32>
        %gt3A_1433 = arith.constant 0.000000e+00 : f32
        %gt3A_1434 = vector.broadcast %gt3A_1433 : f32 to vector<16xf32>
        %gt3A_1435 = arith.cmpf ogt, %max3A_1431, %gt3A_1434 : vector<16xf32>
        %jit3A_1436 = arith.constant 1.000000e+00 : f32
        %jit3A_1437 = arith.constant 0.000000e+00 : f32
        %broadcast_in_dim3A_1438 = vector.broadcast %jit3A_1436 : f32 to vector<16xf32>
        %broadcast_in_dim3A_1439 = vector.broadcast %jit3A_1437 : f32 to vector<16xf32>
        %select_n3A_1440 = arith.select %gt3A_1435, %broadcast_in_dim3A_1438, %broadcast_in_dim3A_1439 : vector<16xi1>, vector<16xf32>
        %add3A_1441 = arith.addf %add3A_1399, %select_n3A_1440 : vector<16xf32>
        %add3A_1442 = arith.constant 6 : i32
        %add3A_1443 = arith.addi %mul3A_1295, %add3A_1442 : i32
        %add3A_1444 = arith.constant 1 : i32
        %add3A_1445 = arith.addi %add3A_1443, %add3A_1444 : i32
        %get3A_1446 = arith.index_cast %add3A_1445 : i32 to index
        %get3A_1447 = arith.constant 0 : index
        %get3A_1448 = tpu.vector_load %arg5[%get3A_1446, %get3A_1447] {strides = array<i32>} : memref<4095x16xf32, #tpu.memory_space<vmem>>, vector<1x16xf32>,
        %get3A_1449 = vector.shape_cast %get3A_1448 : vector<1x16xf32> to vector<16xf32>
        %sub3A_1450 = arith.subf %get3A_1449, %add3A_823 : vector<16xf32>
        %max3A_1451 = arith.constant 0.000000e+00 : f32
        %max3A_1452 = vector.broadcast %max3A_1451 : f32 to vector<16xf32>
        %max3A_1453 = arith.maximumf %sub3A_1450, %max3A_1452 : vector<16xf32>
        %add3A_1454 = arith.addf %add3A_1412, %max3A_1453 : vector<16xf32>
        %gt3A_1455 = arith.constant 0.000000e+00 : f32
        %gt3A_1456 = vector.broadcast %gt3A_1455 : f32 to vector<16xf32>
        %gt3A_1457 = arith.cmpf ogt, %max3A_1453, %gt3A_1456 : vector<16xf32>
        %jit3A_1458 = arith.constant 1.000000e+00 : f32
        %jit3A_1459 = arith.constant 0.000000e+00 : f32
        %broadcast_in_dim3A_1460 = vector.broadcast %jit3A_1458 : f32 to vector<16xf32>
        %broadcast_in_dim3A_1461 = vector.broadcast %jit3A_1459 : f32 to vector<16xf32>
        %select_n3A_1462 = arith.select %gt3A_1457, %broadcast_in_dim3A_1460, %broadcast_in_dim3A_1461 : vector<16xi1>, vector<16xf32>
        %add3A_1463 = arith.addf %add3A_1421, %select_n3A_1462 : vector<16xf32>
        scf.yield %add3A_1432, %add3A_1441, %add3A_1454, %add3A_1463 : vector<16xf32>, vector<16xf32>, vector<16xf32>, vector<16xf32>
      }
      %scan3A_851 = arith.constant 511 : i32
      %get3A_852 = arith.constant 4088 : i32
      %get3A_853 = arith.index_cast %get3A_852 : i32 to index
      %get3A_854 = arith.constant 0 : index
      %get3A_855 = tpu.vector_load %arg5[%get3A_853, %get3A_854] {strides = array<i32>} : memref<4095x16xf32, #tpu.memory_space<vmem>>, vector<1x16xf32>,
      %get3A_856 = vector.shape_cast %get3A_855 : vector<1x16xf32> to vector<16xf32>
      %sub3A_857 = arith.subf %get3A_856, %add3A_823 : vector<16xf32>
      %max3A_858 = arith.constant 0.000000e+00 : f32
      %max3A_859 = vector.broadcast %max3A_858 : f32 to vector<16xf32>
      %max3A_860 = arith.maximumf %sub3A_857, %max3A_859 : vector<16xf32>
      %add3A_861 = arith.addf %scan3A_850#0, %max3A_860 : vector<16xf32>
      %gt3A_862 = arith.constant 0.000000e+00 : f32
      %gt3A_863 = vector.broadcast %gt3A_862 : f32 to vector<16xf32>
      %gt3A_864 = arith.cmpf ogt, %max3A_860, %gt3A_863 : vector<16xf32>
      %jit3A_865 = arith.constant 1.000000e+00 : f32
      %jit3A_866 = arith.constant 0.000000e+00 : f32
      %broadcast_in_dim3A_867 = vector.broadcast %jit3A_865 : f32 to vector<16xf32>
      %broadcast_in_dim3A_868 = vector.broadcast %jit3A_866 : f32 to vector<16xf32>
      %select_n3A_869 = arith.select %gt3A_864, %broadcast_in_dim3A_867, %broadcast_in_dim3A_868 : vector<16xi1>, vector<16xf32>
      %add3A_870 = arith.addf %scan3A_850#1, %select_n3A_869 : vector<16xf32>
      %get3A_871 = arith.constant 4089 : i32
      %get3A_872 = arith.index_cast %get3A_871 : i32 to index
      %get3A_873 = arith.constant 0 : index
      %get3A_874 = tpu.vector_load %arg5[%get3A_872, %get3A_873] {strides = array<i32>} : memref<4095x16xf32, #tpu.memory_space<vmem>>, vector<1x16xf32>,
      %get3A_875 = vector.shape_cast %get3A_874 : vector<1x16xf32> to vector<16xf32>
      %sub3A_876 = arith.subf %get3A_875, %add3A_823 : vector<16xf32>
      %max3A_877 = arith.constant 0.000000e+00 : f32
      %max3A_878 = vector.broadcast %max3A_877 : f32 to vector<16xf32>
      %max3A_879 = arith.maximumf %sub3A_876, %max3A_878 : vector<16xf32>
      %add3A_880 = arith.addf %add3A_861, %max3A_879 : vector<16xf32>
      %gt3A_881 = arith.constant 0.000000e+00 : f32
      %gt3A_882 = vector.broadcast %gt3A_881 : f32 to vector<16xf32>
      %gt3A_883 = arith.cmpf ogt, %max3A_879, %gt3A_882 : vector<16xf32>
      %jit3A_884 = arith.constant 1.000000e+00 : f32
      %jit3A_885 = arith.constant 0.000000e+00 : f32
      %broadcast_in_dim3A_886 = vector.broadcast %jit3A_884 : f32 to vector<16xf32>
      %broadcast_in_dim3A_887 = vector.broadcast %jit3A_885 : f32 to vector<16xf32>
      %select_n3A_888 = arith.select %gt3A_883, %broadcast_in_dim3A_886, %broadcast_in_dim3A_887 : vector<16xi1>, vector<16xf32>
      %add3A_889 = arith.addf %add3A_870, %select_n3A_888 : vector<16xf32>
      %get3A_890 = arith.constant 4090 : i32
      %get3A_891 = arith.index_cast %get3A_890 : i32 to index
      %get3A_892 = arith.constant 0 : index
      %get3A_893 = tpu.vector_load %arg5[%get3A_891, %get3A_892] {strides = array<i32>} : memref<4095x16xf32, #tpu.memory_space<vmem>>, vector<1x16xf32>,
      %get3A_894 = vector.shape_cast %get3A_893 : vector<1x16xf32> to vector<16xf32>
      %sub3A_895 = arith.subf %get3A_894, %add3A_823 : vector<16xf32>
      %max3A_896 = arith.constant 0.000000e+00 : f32
      %max3A_897 = vector.broadcast %max3A_896 : f32 to vector<16xf32>
      %max3A_898 = arith.maximumf %sub3A_895, %max3A_897 : vector<16xf32>
      %add3A_899 = arith.addf %add3A_880, %max3A_898 : vector<16xf32>
      %gt3A_900 = arith.constant 0.000000e+00 : f32
      %gt3A_901 = vector.broadcast %gt3A_900 : f32 to vector<16xf32>
      %gt3A_902 = arith.cmpf ogt, %max3A_898, %gt3A_901 : vector<16xf32>
      %jit3A_903 = arith.constant 1.000000e+00 : f32
      %jit3A_904 = arith.constant 0.000000e+00 : f32
      %broadcast_in_dim3A_905 = vector.broadcast %jit3A_903 : f32 to vector<16xf32>
      %broadcast_in_dim3A_906 = vector.broadcast %jit3A_904 : f32 to vector<16xf32>
      %select_n3A_907 = arith.select %gt3A_902, %broadcast_in_dim3A_905, %broadcast_in_dim3A_906 : vector<16xi1>, vector<16xf32>
      %add3A_908 = arith.addf %add3A_889, %select_n3A_907 : vector<16xf32>
      %get3A_909 = arith.constant 4091 : i32
      %get3A_910 = arith.index_cast %get3A_909 : i32 to index
      %get3A_911 = arith.constant 0 : index
      %get3A_912 = tpu.vector_load %arg5[%get3A_910, %get3A_911] {strides = array<i32>} : memref<4095x16xf32, #tpu.memory_space<vmem>>, vector<1x16xf32>,
      %get3A_913 = vector.shape_cast %get3A_912 : vector<1x16xf32> to vector<16xf32>
      %sub3A_914 = arith.subf %get3A_913, %add3A_823 : vector<16xf32>
      %max3A_915 = arith.constant 0.000000e+00 : f32
      %max3A_916 = vector.broadcast %max3A_915 : f32 to vector<16xf32>
      %max3A_917 = arith.maximumf %sub3A_914, %max3A_916 : vector<16xf32>
      %add3A_918 = arith.addf %add3A_899, %max3A_917 : vector<16xf32>
      %gt3A_919 = arith.constant 0.000000e+00 : f32
      %gt3A_920 = vector.broadcast %gt3A_919 : f32 to vector<16xf32>
      %gt3A_921 = arith.cmpf ogt, %max3A_917, %gt3A_920 : vector<16xf32>
      %jit3A_922 = arith.constant 1.000000e+00 : f32
      %jit3A_923 = arith.constant 0.000000e+00 : f32
      %broadcast_in_dim3A_924 = vector.broadcast %jit3A_922 : f32 to vector<16xf32>
      %broadcast_in_dim3A_925 = vector.broadcast %jit3A_923 : f32 to vector<16xf32>
      %select_n3A_926 = arith.select %gt3A_921, %broadcast_in_dim3A_924, %broadcast_in_dim3A_925 : vector<16xi1>, vector<16xf32>
      %add3A_927 = arith.addf %add3A_908, %select_n3A_926 : vector<16xf32>
      %get3A_928 = arith.constant 4092 : i32
      %get3A_929 = arith.index_cast %get3A_928 : i32 to index
      %get3A_930 = arith.constant 0 : index
      %get3A_931 = tpu.vector_load %arg5[%get3A_929, %get3A_930] {strides = array<i32>} : memref<4095x16xf32, #tpu.memory_space<vmem>>, vector<1x16xf32>,
      %get3A_932 = vector.shape_cast %get3A_931 : vector<1x16xf32> to vector<16xf32>
      %sub3A_933 = arith.subf %get3A_932, %add3A_823 : vector<16xf32>
      %max3A_934 = arith.constant 0.000000e+00 : f32
      %max3A_935 = vector.broadcast %max3A_934 : f32 to vector<16xf32>
      %max3A_936 = arith.maximumf %sub3A_933, %max3A_935 : vector<16xf32>
      %add3A_937 = arith.addf %add3A_918, %max3A_936 : vector<16xf32>
      %gt3A_938 = arith.constant 0.000000e+00 : f32
      %gt3A_939 = vector.broadcast %gt3A_938 : f32 to vector<16xf32>
      %gt3A_940 = arith.cmpf ogt, %max3A_936, %gt3A_939 : vector<16xf32>
      %jit3A_941 = arith.constant 1.000000e+00 : f32
      %jit3A_942 = arith.constant 0.000000e+00 : f32
      %broadcast_in_dim3A_943 = vector.broadcast %jit3A_941 : f32 to vector<16xf32>
      %broadcast_in_dim3A_944 = vector.broadcast %jit3A_942 : f32 to vector<16xf32>
      %select_n3A_945 = arith.select %gt3A_940, %broadcast_in_dim3A_943, %broadcast_in_dim3A_944 : vector<16xi1>, vector<16xf32>
      %add3A_946 = arith.addf %add3A_927, %select_n3A_945 : vector<16xf32>
      %get3A_947 = arith.constant 4093 : i32
      %get3A_948 = arith.index_cast %get3A_947 : i32 to index
      %get3A_949 = arith.constant 0 : index
      %get3A_950 = tpu.vector_load %arg5[%get3A_948, %get3A_949] {strides = array<i32>} : memref<4095x16xf32, #tpu.memory_space<vmem>>, vector<1x16xf32>,
      %get3A_951 = vector.shape_cast %get3A_950 : vector<1x16xf32> to vector<16xf32>
      %sub3A_952 = arith.subf %get3A_951, %add3A_823 : vector<16xf32>
      %max3A_953 = arith.constant 0.000000e+00 : f32
      %max3A_954 = vector.broadcast %max3A_953 : f32 to vector<16xf32>
      %max3A_955 = arith.maximumf %sub3A_952, %max3A_954 : vector<16xf32>
      %add3A_956 = arith.addf %add3A_937, %max3A_955 : vector<16xf32>
      %gt3A_957 = arith.constant 0.000000e+00 : f32
      %gt3A_958 = vector.broadcast %gt3A_957 : f32 to vector<16xf32>
      %gt3A_959 = arith.cmpf ogt, %max3A_955, %gt3A_958 : vector<16xf32>
      %jit3A_960 = arith.constant 1.000000e+00 : f32
      %jit3A_961 = arith.constant 0.000000e+00 : f32
      %broadcast_in_dim3A_962 = vector.broadcast %jit3A_960 : f32 to vector<16xf32>
      %broadcast_in_dim3A_963 = vector.broadcast %jit3A_961 : f32 to vector<16xf32>
      %select_n3A_964 = arith.select %gt3A_959, %broadcast_in_dim3A_962, %broadcast_in_dim3A_963 : vector<16xi1>, vector<16xf32>
      %add3A_965 = arith.addf %add3A_946, %select_n3A_964 : vector<16xf32>
      %get3A_966 = arith.constant 4094 : i32
      %get3A_967 = arith.index_cast %get3A_966 : i32 to index
      %get3A_968 = arith.constant 0 : index
      %get3A_969 = tpu.vector_load %arg5[%get3A_967, %get3A_968] {strides = array<i32>} : memref<4095x16xf32, #tpu.memory_space<vmem>>, vector<1x16xf32>,
      %get3A_970 = vector.shape_cast %get3A_969 : vector<1x16xf32> to vector<16xf32>
      %sub3A_971 = arith.subf %get3A_970, %add3A_823 : vector<16xf32>
      %max3A_972 = arith.constant 0.000000e+00 : f32
      %max3A_973 = vector.broadcast %max3A_972 : f32 to vector<16xf32>
      %max3A_974 = arith.maximumf %sub3A_971, %max3A_973 : vector<16xf32>
      %add3A_975 = arith.addf %add3A_956, %max3A_974 : vector<16xf32>
      %gt3A_976 = arith.constant 0.000000e+00 : f32
      %gt3A_977 = vector.broadcast %gt3A_976 : f32 to vector<16xf32>
      %gt3A_978 = arith.cmpf ogt, %max3A_974, %gt3A_977 : vector<16xf32>
      %jit3A_979 = arith.constant 1.000000e+00 : f32
      %jit3A_980 = arith.constant 0.000000e+00 : f32
      %broadcast_in_dim3A_981 = vector.broadcast %jit3A_979 : f32 to vector<16xf32>
      %broadcast_in_dim3A_982 = vector.broadcast %jit3A_980 : f32 to vector<16xf32>
      %select_n3A_983 = arith.select %gt3A_978, %broadcast_in_dim3A_981, %broadcast_in_dim3A_982 : vector<16xi1>, vector<16xf32>
      %add3A_984 = arith.addf %add3A_965, %select_n3A_983 : vector<16xf32>
      %add3A_985 = arith.addf %add3A_975, %scan3A_850#2 : vector<16xf32>
      %add3A_986 = arith.addf %add3A_984, %scan3A_850#3 : vector<16xf32>
      %sub3A_987 = arith.constant 1.000000e+00 : f32
      %sub3A_988 = vector.broadcast %sub3A_987 : f32 to vector<16xf32>
      %sub3A_989 = arith.subf %add3A_985, %sub3A_988 : vector<16xf32>
      %div3A_990 = arith.divf %sub3A_989, %add3A_986 : vector<16xf32>
      %add3A_991 = arith.addf %add3A_823, %div3A_990 : vector<16xf32>
      %broadcast_in_dim3A_992 = arith.constant 0.000000e+00 : f32
      %broadcast_in_dim3A_993 = vector.broadcast %broadcast_in_dim3A_992 : f32 to vector<16xf32>
      %sub3A_994 = arith.subf %get3A_17, %add3A_991 : vector<16xf32>
      %max3A_995 = arith.constant 0.000000e+00 : f32
      %max3A_996 = vector.broadcast %max3A_995 : f32 to vector<16xf32>
      %max3A_997 = arith.maximumf %sub3A_994, %max3A_996 : vector<16xf32>
      %add3A_998 = arith.addf %broadcast_in_dim3A_993, %max3A_997 : vector<16xf32>
      %gt3A_999 = arith.constant 0.000000e+00 : f32
      %gt3A_1000 = vector.broadcast %gt3A_999 : f32 to vector<16xf32>
      %gt3A_1001 = arith.cmpf ogt, %max3A_997, %gt3A_1000 : vector<16xf32>
      %jit3A_1002 = arith.constant 1.000000e+00 : f32
      %jit3A_1003 = arith.constant 0.000000e+00 : f32
      %broadcast_in_dim3A_1004 = vector.broadcast %jit3A_1002 : f32 to vector<16xf32>
      %broadcast_in_dim3A_1005 = vector.broadcast %jit3A_1003 : f32 to vector<16xf32>
      %select_n3A_1006 = arith.select %gt3A_1001, %broadcast_in_dim3A_1004, %broadcast_in_dim3A_1005 : vector<16xi1>, vector<16xf32>
      %add3A_1007 = arith.addf %broadcast_in_dim3A_993, %select_n3A_1006 : vector<16xf32>
      %scan3A_1008 = arith.constant 0 : i32
      %scan3A_1009 = arith.constant 512 : i32
      %scan3A_1010 = arith.addi %scan3A_1008, %scan3A_1009 : i32
      %scan3A_1011 = arith.constant 1 : i32
      %scan3A_1012:4 = scf.for %scan3A_1289 = %scan3A_1008 to %scan3A_1010 step %scan3A_1011 iter_args(%scan3A_1290 = %add3A_998, %scan3A_1291 = %add3A_1007, %scan3A_1292 = %broadcast_in_dim3A_993, %scan3A_1293 = %broadcast_in_dim3A_993) -> (vector<16xf32>, vector<16xf32>, vector<16xf32>, vector<16xf32>)  : i32 {
        %mul3A_1294 = arith.constant 8 : i32
        %mul3A_1295 = arith.muli %scan3A_1289, %mul3A_1294 : i32
        %add3A_1296 = arith.constant 0 : i32
        %add3A_1297 = arith.addi %mul3A_1295, %add3A_1296 : i32
        %get3A_1298 = arith.index_cast %add3A_1297 : i32 to index
        %get3A_1299 = arith.constant 0 : index
        %get3A_1300 = tpu.vector_load %arg4[%get3A_1298, %get3A_1299] {strides = array<i32>} : memref<4096x16xf32, #tpu.memory_space<vmem>>, vector<1x16xf32>,
        %get3A_1301 = vector.shape_cast %get3A_1300 : vector<1x16xf32> to vector<16xf32>
        %sub3A_1302 = arith.subf %get3A_1301, %add3A_991 : vector<16xf32>
        %max3A_1303 = arith.constant 0.000000e+00 : f32
        %max3A_1304 = vector.broadcast %max3A_1303 : f32 to vector<16xf32>
        %max3A_1305 = arith.maximumf %sub3A_1302, %max3A_1304 : vector<16xf32>
        %add3A_1306 = arith.addf %scan3A_1290, %max3A_1305 : vector<16xf32>
        %gt3A_1307 = arith.constant 0.000000e+00 : f32
        %gt3A_1308 = vector.broadcast %gt3A_1307 : f32 to vector<16xf32>
        %gt3A_1309 = arith.cmpf ogt, %max3A_1305, %gt3A_1308 : vector<16xf32>
        %jit3A_1310 = arith.constant 1.000000e+00 : f32
        %jit3A_1311 = arith.constant 0.000000e+00 : f32
        %broadcast_in_dim3A_1312 = vector.broadcast %jit3A_1310 : f32 to vector<16xf32>
        %broadcast_in_dim3A_1313 = vector.broadcast %jit3A_1311 : f32 to vector<16xf32>
        %select_n3A_1314 = arith.select %gt3A_1309, %broadcast_in_dim3A_1312, %broadcast_in_dim3A_1313 : vector<16xi1>, vector<16xf32>
        %add3A_1315 = arith.addf %scan3A_1291, %select_n3A_1314 : vector<16xf32>
        %add3A_1316 = arith.constant 0 : i32
        %add3A_1317 = arith.addi %mul3A_1295, %add3A_1316 : i32
        %add3A_1318 = arith.constant 1 : i32
        %add3A_1319 = arith.addi %add3A_1317, %add3A_1318 : i32
        %get3A_1320 = arith.index_cast %add3A_1319 : i32 to index
        %get3A_1321 = arith.constant 0 : index
        %get3A_1322 = tpu.vector_load %arg4[%get3A_1320, %get3A_1321] {strides = array<i32>} : memref<4096x16xf32, #tpu.memory_space<vmem>>, vector<1x16xf32>,
        %get3A_1323 = vector.shape_cast %get3A_1322 : vector<1x16xf32> to vector<16xf32>
        %sub3A_1324 = arith.subf %get3A_1323, %add3A_991 : vector<16xf32>
        %max3A_1325 = arith.constant 0.000000e+00 : f32
        %max3A_1326 = vector.broadcast %max3A_1325 : f32 to vector<16xf32>
        %max3A_1327 = arith.maximumf %sub3A_1324, %max3A_1326 : vector<16xf32>
        %add3A_1328 = arith.addf %scan3A_1292, %max3A_1327 : vector<16xf32>
        %gt3A_1329 = arith.constant 0.000000e+00 : f32
        %gt3A_1330 = vector.broadcast %gt3A_1329 : f32 to vector<16xf32>
        %gt3A_1331 = arith.cmpf ogt, %max3A_1327, %gt3A_1330 : vector<16xf32>
        %jit3A_1332 = arith.constant 1.000000e+00 : f32
        %jit3A_1333 = arith.constant 0.000000e+00 : f32
        %broadcast_in_dim3A_1334 = vector.broadcast %jit3A_1332 : f32 to vector<16xf32>
        %broadcast_in_dim3A_1335 = vector.broadcast %jit3A_1333 : f32 to vector<16xf32>
        %select_n3A_1336 = arith.select %gt3A_1331, %broadcast_in_dim3A_1334, %broadcast_in_dim3A_1335 : vector<16xi1>, vector<16xf32>
        %add3A_1337 = arith.addf %scan3A_1293, %select_n3A_1336 : vector<16xf32>
        %add3A_1338 = arith.constant 2 : i32
        %add3A_1339 = arith.addi %mul3A_1295, %add3A_1338 : i32
        %get3A_1340 = arith.index_cast %add3A_1339 : i32 to index
        %get3A_1341 = arith.constant 0 : index
        %get3A_1342 = tpu.vector_load %arg4[%get3A_1340, %get3A_1341] {strides = array<i32>} : memref<4096x16xf32, #tpu.memory_space<vmem>>, vector<1x16xf32>,
        %get3A_1343 = vector.shape_cast %get3A_1342 : vector<1x16xf32> to vector<16xf32>
        %sub3A_1344 = arith.subf %get3A_1343, %add3A_991 : vector<16xf32>
        %max3A_1345 = arith.constant 0.000000e+00 : f32
        %max3A_1346 = vector.broadcast %max3A_1345 : f32 to vector<16xf32>
        %max3A_1347 = arith.maximumf %sub3A_1344, %max3A_1346 : vector<16xf32>
        %add3A_1348 = arith.addf %add3A_1306, %max3A_1347 : vector<16xf32>
        %gt3A_1349 = arith.constant 0.000000e+00 : f32
        %gt3A_1350 = vector.broadcast %gt3A_1349 : f32 to vector<16xf32>
        %gt3A_1351 = arith.cmpf ogt, %max3A_1347, %gt3A_1350 : vector<16xf32>
        %jit3A_1352 = arith.constant 1.000000e+00 : f32
        %jit3A_1353 = arith.constant 0.000000e+00 : f32
        %broadcast_in_dim3A_1354 = vector.broadcast %jit3A_1352 : f32 to vector<16xf32>
        %broadcast_in_dim3A_1355 = vector.broadcast %jit3A_1353 : f32 to vector<16xf32>
        %select_n3A_1356 = arith.select %gt3A_1351, %broadcast_in_dim3A_1354, %broadcast_in_dim3A_1355 : vector<16xi1>, vector<16xf32>
        %add3A_1357 = arith.addf %add3A_1315, %select_n3A_1356 : vector<16xf32>
        %add3A_1358 = arith.constant 2 : i32
        %add3A_1359 = arith.addi %mul3A_1295, %add3A_1358 : i32
        %add3A_1360 = arith.constant 1 : i32
        %add3A_1361 = arith.addi %add3A_1359, %add3A_1360 : i32
        %get3A_1362 = arith.index_cast %add3A_1361 : i32 to index
        %get3A_1363 = arith.constant 0 : index
        %get3A_1364 = tpu.vector_load %arg4[%get3A_1362, %get3A_1363] {strides = array<i32>} : memref<4096x16xf32, #tpu.memory_space<vmem>>, vector<1x16xf32>,
        %get3A_1365 = vector.shape_cast %get3A_1364 : vector<1x16xf32> to vector<16xf32>
        %sub3A_1366 = arith.subf %get3A_1365, %add3A_991 : vector<16xf32>
        %max3A_1367 = arith.constant 0.000000e+00 : f32
        %max3A_1368 = vector.broadcast %max3A_1367 : f32 to vector<16xf32>
        %max3A_1369 = arith.maximumf %sub3A_1366, %max3A_1368 : vector<16xf32>
        %add3A_1370 = arith.addf %add3A_1328, %max3A_1369 : vector<16xf32>
        %gt3A_1371 = arith.constant 0.000000e+00 : f32
        %gt3A_1372 = vector.broadcast %gt3A_1371 : f32 to vector<16xf32>
        %gt3A_1373 = arith.cmpf ogt, %max3A_1369, %gt3A_1372 : vector<16xf32>
        %jit3A_1374 = arith.constant 1.000000e+00 : f32
        %jit3A_1375 = arith.constant 0.000000e+00 : f32
        %broadcast_in_dim3A_1376 = vector.broadcast %jit3A_1374 : f32 to vector<16xf32>
        %broadcast_in_dim3A_1377 = vector.broadcast %jit3A_1375 : f32 to vector<16xf32>
        %select_n3A_1378 = arith.select %gt3A_1373, %broadcast_in_dim3A_1376, %broadcast_in_dim3A_1377 : vector<16xi1>, vector<16xf32>
        %add3A_1379 = arith.addf %add3A_1337, %select_n3A_1378 : vector<16xf32>
        %add3A_1380 = arith.constant 4 : i32
        %add3A_1381 = arith.addi %mul3A_1295, %add3A_1380 : i32
        %get3A_1382 = arith.index_cast %add3A_1381 : i32 to index
        %get3A_1383 = arith.constant 0 : index
        %get3A_1384 = tpu.vector_load %arg4[%get3A_1382, %get3A_1383] {strides = array<i32>} : memref<4096x16xf32, #tpu.memory_space<vmem>>, vector<1x16xf32>,
        %get3A_1385 = vector.shape_cast %get3A_1384 : vector<1x16xf32> to vector<16xf32>
        %sub3A_1386 = arith.subf %get3A_1385, %add3A_991 : vector<16xf32>
        %max3A_1387 = arith.constant 0.000000e+00 : f32
        %max3A_1388 = vector.broadcast %max3A_1387 : f32 to vector<16xf32>
        %max3A_1389 = arith.maximumf %sub3A_1386, %max3A_1388 : vector<16xf32>
        %add3A_1390 = arith.addf %add3A_1348, %max3A_1389 : vector<16xf32>
        %gt3A_1391 = arith.constant 0.000000e+00 : f32
        %gt3A_1392 = vector.broadcast %gt3A_1391 : f32 to vector<16xf32>
        %gt3A_1393 = arith.cmpf ogt, %max3A_1389, %gt3A_1392 : vector<16xf32>
        %jit3A_1394 = arith.constant 1.000000e+00 : f32
        %jit3A_1395 = arith.constant 0.000000e+00 : f32
        %broadcast_in_dim3A_1396 = vector.broadcast %jit3A_1394 : f32 to vector<16xf32>
        %broadcast_in_dim3A_1397 = vector.broadcast %jit3A_1395 : f32 to vector<16xf32>
        %select_n3A_1398 = arith.select %gt3A_1393, %broadcast_in_dim3A_1396, %broadcast_in_dim3A_1397 : vector<16xi1>, vector<16xf32>
        %add3A_1399 = arith.addf %add3A_1357, %select_n3A_1398 : vector<16xf32>
        %add3A_1400 = arith.constant 4 : i32
        %add3A_1401 = arith.addi %mul3A_1295, %add3A_1400 : i32
        %add3A_1402 = arith.constant 1 : i32
        %add3A_1403 = arith.addi %add3A_1401, %add3A_1402 : i32
        %get3A_1404 = arith.index_cast %add3A_1403 : i32 to index
        %get3A_1405 = arith.constant 0 : index
        %get3A_1406 = tpu.vector_load %arg4[%get3A_1404, %get3A_1405] {strides = array<i32>} : memref<4096x16xf32, #tpu.memory_space<vmem>>, vector<1x16xf32>,
        %get3A_1407 = vector.shape_cast %get3A_1406 : vector<1x16xf32> to vector<16xf32>
        %sub3A_1408 = arith.subf %get3A_1407, %add3A_991 : vector<16xf32>
        %max3A_1409 = arith.constant 0.000000e+00 : f32
        %max3A_1410 = vector.broadcast %max3A_1409 : f32 to vector<16xf32>
        %max3A_1411 = arith.maximumf %sub3A_1408, %max3A_1410 : vector<16xf32>
        %add3A_1412 = arith.addf %add3A_1370, %max3A_1411 : vector<16xf32>
        %gt3A_1413 = arith.constant 0.000000e+00 : f32
        %gt3A_1414 = vector.broadcast %gt3A_1413 : f32 to vector<16xf32>
        %gt3A_1415 = arith.cmpf ogt, %max3A_1411, %gt3A_1414 : vector<16xf32>
        %jit3A_1416 = arith.constant 1.000000e+00 : f32
        %jit3A_1417 = arith.constant 0.000000e+00 : f32
        %broadcast_in_dim3A_1418 = vector.broadcast %jit3A_1416 : f32 to vector<16xf32>
        %broadcast_in_dim3A_1419 = vector.broadcast %jit3A_1417 : f32 to vector<16xf32>
        %select_n3A_1420 = arith.select %gt3A_1415, %broadcast_in_dim3A_1418, %broadcast_in_dim3A_1419 : vector<16xi1>, vector<16xf32>
        %add3A_1421 = arith.addf %add3A_1379, %select_n3A_1420 : vector<16xf32>
        %add3A_1422 = arith.constant 6 : i32
        %add3A_1423 = arith.addi %mul3A_1295, %add3A_1422 : i32
        %get3A_1424 = arith.index_cast %add3A_1423 : i32 to index
        %get3A_1425 = arith.constant 0 : index
        %get3A_1426 = tpu.vector_load %arg4[%get3A_1424, %get3A_1425] {strides = array<i32>} : memref<4096x16xf32, #tpu.memory_space<vmem>>, vector<1x16xf32>,
        %get3A_1427 = vector.shape_cast %get3A_1426 : vector<1x16xf32> to vector<16xf32>
        %sub3A_1428 = arith.subf %get3A_1427, %add3A_991 : vector<16xf32>
        %max3A_1429 = arith.constant 0.000000e+00 : f32
        %max3A_1430 = vector.broadcast %max3A_1429 : f32 to vector<16xf32>
        %max3A_1431 = arith.maximumf %sub3A_1428, %max3A_1430 : vector<16xf32>
        %add3A_1432 = arith.addf %add3A_1390, %max3A_1431 : vector<16xf32>
        %gt3A_1433 = arith.constant 0.000000e+00 : f32
        %gt3A_1434 = vector.broadcast %gt3A_1433 : f32 to vector<16xf32>
        %gt3A_1435 = arith.cmpf ogt, %max3A_1431, %gt3A_1434 : vector<16xf32>
        %jit3A_1436 = arith.constant 1.000000e+00 : f32
        %jit3A_1437 = arith.constant 0.000000e+00 : f32
        %broadcast_in_dim3A_1438 = vector.broadcast %jit3A_1436 : f32 to vector<16xf32>
        %broadcast_in_dim3A_1439 = vector.broadcast %jit3A_1437 : f32 to vector<16xf32>
        %select_n3A_1440 = arith.select %gt3A_1435, %broadcast_in_dim3A_1438, %broadcast_in_dim3A_1439 : vector<16xi1>, vector<16xf32>
        %add3A_1441 = arith.addf %add3A_1399, %select_n3A_1440 : vector<16xf32>
        %add3A_1442 = arith.constant 6 : i32
        %add3A_1443 = arith.addi %mul3A_1295, %add3A_1442 : i32
        %add3A_1444 = arith.constant 1 : i32
        %add3A_1445 = arith.addi %add3A_1443, %add3A_1444 : i32
        %get3A_1446 = arith.index_cast %add3A_1445 : i32 to index
        %get3A_1447 = arith.constant 0 : index
        %get3A_1448 = tpu.vector_load %arg4[%get3A_1446, %get3A_1447] {strides = array<i32>} : memref<4096x16xf32, #tpu.memory_space<vmem>>, vector<1x16xf32>,
        %get3A_1449 = vector.shape_cast %get3A_1448 : vector<1x16xf32> to vector<16xf32>
        %sub3A_1450 = arith.subf %get3A_1449, %add3A_991 : vector<16xf32>
        %max3A_1451 = arith.constant 0.000000e+00 : f32
        %max3A_1452 = vector.broadcast %max3A_1451 : f32 to vector<16xf32>
        %max3A_1453 = arith.maximumf %sub3A_1450, %max3A_1452 : vector<16xf32>
        %add3A_1454 = arith.addf %add3A_1412, %max3A_1453 : vector<16xf32>
        %gt3A_1455 = arith.constant 0.000000e+00 : f32
        %gt3A_1456 = vector.broadcast %gt3A_1455 : f32 to vector<16xf32>
        %gt3A_1457 = arith.cmpf ogt, %max3A_1453, %gt3A_1456 : vector<16xf32>
        %jit3A_1458 = arith.constant 1.000000e+00 : f32
        %jit3A_1459 = arith.constant 0.000000e+00 : f32
        %broadcast_in_dim3A_1460 = vector.broadcast %jit3A_1458 : f32 to vector<16xf32>
        %broadcast_in_dim3A_1461 = vector.broadcast %jit3A_1459 : f32 to vector<16xf32>
        %select_n3A_1462 = arith.select %gt3A_1457, %broadcast_in_dim3A_1460, %broadcast_in_dim3A_1461 : vector<16xi1>, vector<16xf32>
        %add3A_1463 = arith.addf %add3A_1421, %select_n3A_1462 : vector<16xf32>
        scf.yield %add3A_1432, %add3A_1441, %add3A_1454, %add3A_1463 : vector<16xf32>, vector<16xf32>, vector<16xf32>, vector<16xf32>
      }
      %scan3A_1013 = arith.constant 512 : i32
      %scan3A_1014 = arith.constant 0 : i32
      %scan3A_1015 = arith.constant 511 : i32
      %scan3A_1016 = arith.addi %scan3A_1014, %scan3A_1015 : i32
      %scan3A_1017 = arith.constant 1 : i32
      %scan3A_1018:4 = scf.for %scan3A_1289 = %scan3A_1014 to %scan3A_1016 step %scan3A_1017 iter_args(%scan3A_1290 = %scan3A_1012#0, %scan3A_1291 = %scan3A_1012#1, %scan3A_1292 = %scan3A_1012#2, %scan3A_1293 = %scan3A_1012#3) -> (vector<16xf32>, vector<16xf32>, vector<16xf32>, vector<16xf32>)  : i32 {
        %mul3A_1294 = arith.constant 8 : i32
        %mul3A_1295 = arith.muli %scan3A_1289, %mul3A_1294 : i32
        %add3A_1296 = arith.constant 0 : i32
        %add3A_1297 = arith.addi %mul3A_1295, %add3A_1296 : i32
        %get3A_1298 = arith.index_cast %add3A_1297 : i32 to index
        %get3A_1299 = arith.constant 0 : index
        %get3A_1300 = tpu.vector_load %arg5[%get3A_1298, %get3A_1299] {strides = array<i32>} : memref<4095x16xf32, #tpu.memory_space<vmem>>, vector<1x16xf32>,
        %get3A_1301 = vector.shape_cast %get3A_1300 : vector<1x16xf32> to vector<16xf32>
        %sub3A_1302 = arith.subf %get3A_1301, %add3A_991 : vector<16xf32>
        %max3A_1303 = arith.constant 0.000000e+00 : f32
        %max3A_1304 = vector.broadcast %max3A_1303 : f32 to vector<16xf32>
        %max3A_1305 = arith.maximumf %sub3A_1302, %max3A_1304 : vector<16xf32>
        %add3A_1306 = arith.addf %scan3A_1290, %max3A_1305 : vector<16xf32>
        %gt3A_1307 = arith.constant 0.000000e+00 : f32
        %gt3A_1308 = vector.broadcast %gt3A_1307 : f32 to vector<16xf32>
        %gt3A_1309 = arith.cmpf ogt, %max3A_1305, %gt3A_1308 : vector<16xf32>
        %jit3A_1310 = arith.constant 1.000000e+00 : f32
        %jit3A_1311 = arith.constant 0.000000e+00 : f32
        %broadcast_in_dim3A_1312 = vector.broadcast %jit3A_1310 : f32 to vector<16xf32>
        %broadcast_in_dim3A_1313 = vector.broadcast %jit3A_1311 : f32 to vector<16xf32>
        %select_n3A_1314 = arith.select %gt3A_1309, %broadcast_in_dim3A_1312, %broadcast_in_dim3A_1313 : vector<16xi1>, vector<16xf32>
        %add3A_1315 = arith.addf %scan3A_1291, %select_n3A_1314 : vector<16xf32>
        %add3A_1316 = arith.constant 0 : i32
        %add3A_1317 = arith.addi %mul3A_1295, %add3A_1316 : i32
        %add3A_1318 = arith.constant 1 : i32
        %add3A_1319 = arith.addi %add3A_1317, %add3A_1318 : i32
        %get3A_1320 = arith.index_cast %add3A_1319 : i32 to index
        %get3A_1321 = arith.constant 0 : index
        %get3A_1322 = tpu.vector_load %arg5[%get3A_1320, %get3A_1321] {strides = array<i32>} : memref<4095x16xf32, #tpu.memory_space<vmem>>, vector<1x16xf32>,
        %get3A_1323 = vector.shape_cast %get3A_1322 : vector<1x16xf32> to vector<16xf32>
        %sub3A_1324 = arith.subf %get3A_1323, %add3A_991 : vector<16xf32>
        %max3A_1325 = arith.constant 0.000000e+00 : f32
        %max3A_1326 = vector.broadcast %max3A_1325 : f32 to vector<16xf32>
        %max3A_1327 = arith.maximumf %sub3A_1324, %max3A_1326 : vector<16xf32>
        %add3A_1328 = arith.addf %scan3A_1292, %max3A_1327 : vector<16xf32>
        %gt3A_1329 = arith.constant 0.000000e+00 : f32
        %gt3A_1330 = vector.broadcast %gt3A_1329 : f32 to vector<16xf32>
        %gt3A_1331 = arith.cmpf ogt, %max3A_1327, %gt3A_1330 : vector<16xf32>
        %jit3A_1332 = arith.constant 1.000000e+00 : f32
        %jit3A_1333 = arith.constant 0.000000e+00 : f32
        %broadcast_in_dim3A_1334 = vector.broadcast %jit3A_1332 : f32 to vector<16xf32>
        %broadcast_in_dim3A_1335 = vector.broadcast %jit3A_1333 : f32 to vector<16xf32>
        %select_n3A_1336 = arith.select %gt3A_1331, %broadcast_in_dim3A_1334, %broadcast_in_dim3A_1335 : vector<16xi1>, vector<16xf32>
        %add3A_1337 = arith.addf %scan3A_1293, %select_n3A_1336 : vector<16xf32>
        %add3A_1338 = arith.constant 2 : i32
        %add3A_1339 = arith.addi %mul3A_1295, %add3A_1338 : i32
        %get3A_1340 = arith.index_cast %add3A_1339 : i32 to index
        %get3A_1341 = arith.constant 0 : index
        %get3A_1342 = tpu.vector_load %arg5[%get3A_1340, %get3A_1341] {strides = array<i32>} : memref<4095x16xf32, #tpu.memory_space<vmem>>, vector<1x16xf32>,
        %get3A_1343 = vector.shape_cast %get3A_1342 : vector<1x16xf32> to vector<16xf32>
        %sub3A_1344 = arith.subf %get3A_1343, %add3A_991 : vector<16xf32>
        %max3A_1345 = arith.constant 0.000000e+00 : f32
        %max3A_1346 = vector.broadcast %max3A_1345 : f32 to vector<16xf32>
        %max3A_1347 = arith.maximumf %sub3A_1344, %max3A_1346 : vector<16xf32>
        %add3A_1348 = arith.addf %add3A_1306, %max3A_1347 : vector<16xf32>
        %gt3A_1349 = arith.constant 0.000000e+00 : f32
        %gt3A_1350 = vector.broadcast %gt3A_1349 : f32 to vector<16xf32>
        %gt3A_1351 = arith.cmpf ogt, %max3A_1347, %gt3A_1350 : vector<16xf32>
        %jit3A_1352 = arith.constant 1.000000e+00 : f32
        %jit3A_1353 = arith.constant 0.000000e+00 : f32
        %broadcast_in_dim3A_1354 = vector.broadcast %jit3A_1352 : f32 to vector<16xf32>
        %broadcast_in_dim3A_1355 = vector.broadcast %jit3A_1353 : f32 to vector<16xf32>
        %select_n3A_1356 = arith.select %gt3A_1351, %broadcast_in_dim3A_1354, %broadcast_in_dim3A_1355 : vector<16xi1>, vector<16xf32>
        %add3A_1357 = arith.addf %add3A_1315, %select_n3A_1356 : vector<16xf32>
        %add3A_1358 = arith.constant 2 : i32
        %add3A_1359 = arith.addi %mul3A_1295, %add3A_1358 : i32
        %add3A_1360 = arith.constant 1 : i32
        %add3A_1361 = arith.addi %add3A_1359, %add3A_1360 : i32
        %get3A_1362 = arith.index_cast %add3A_1361 : i32 to index
        %get3A_1363 = arith.constant 0 : index
        %get3A_1364 = tpu.vector_load %arg5[%get3A_1362, %get3A_1363] {strides = array<i32>} : memref<4095x16xf32, #tpu.memory_space<vmem>>, vector<1x16xf32>,
        %get3A_1365 = vector.shape_cast %get3A_1364 : vector<1x16xf32> to vector<16xf32>
        %sub3A_1366 = arith.subf %get3A_1365, %add3A_991 : vector<16xf32>
        %max3A_1367 = arith.constant 0.000000e+00 : f32
        %max3A_1368 = vector.broadcast %max3A_1367 : f32 to vector<16xf32>
        %max3A_1369 = arith.maximumf %sub3A_1366, %max3A_1368 : vector<16xf32>
        %add3A_1370 = arith.addf %add3A_1328, %max3A_1369 : vector<16xf32>
        %gt3A_1371 = arith.constant 0.000000e+00 : f32
        %gt3A_1372 = vector.broadcast %gt3A_1371 : f32 to vector<16xf32>
        %gt3A_1373 = arith.cmpf ogt, %max3A_1369, %gt3A_1372 : vector<16xf32>
        %jit3A_1374 = arith.constant 1.000000e+00 : f32
        %jit3A_1375 = arith.constant 0.000000e+00 : f32
        %broadcast_in_dim3A_1376 = vector.broadcast %jit3A_1374 : f32 to vector<16xf32>
        %broadcast_in_dim3A_1377 = vector.broadcast %jit3A_1375 : f32 to vector<16xf32>
        %select_n3A_1378 = arith.select %gt3A_1373, %broadcast_in_dim3A_1376, %broadcast_in_dim3A_1377 : vector<16xi1>, vector<16xf32>
        %add3A_1379 = arith.addf %add3A_1337, %select_n3A_1378 : vector<16xf32>
        %add3A_1380 = arith.constant 4 : i32
        %add3A_1381 = arith.addi %mul3A_1295, %add3A_1380 : i32
        %get3A_1382 = arith.index_cast %add3A_1381 : i32 to index
        %get3A_1383 = arith.constant 0 : index
        %get3A_1384 = tpu.vector_load %arg5[%get3A_1382, %get3A_1383] {strides = array<i32>} : memref<4095x16xf32, #tpu.memory_space<vmem>>, vector<1x16xf32>,
        %get3A_1385 = vector.shape_cast %get3A_1384 : vector<1x16xf32> to vector<16xf32>
        %sub3A_1386 = arith.subf %get3A_1385, %add3A_991 : vector<16xf32>
        %max3A_1387 = arith.constant 0.000000e+00 : f32
        %max3A_1388 = vector.broadcast %max3A_1387 : f32 to vector<16xf32>
        %max3A_1389 = arith.maximumf %sub3A_1386, %max3A_1388 : vector<16xf32>
        %add3A_1390 = arith.addf %add3A_1348, %max3A_1389 : vector<16xf32>
        %gt3A_1391 = arith.constant 0.000000e+00 : f32
        %gt3A_1392 = vector.broadcast %gt3A_1391 : f32 to vector<16xf32>
        %gt3A_1393 = arith.cmpf ogt, %max3A_1389, %gt3A_1392 : vector<16xf32>
        %jit3A_1394 = arith.constant 1.000000e+00 : f32
        %jit3A_1395 = arith.constant 0.000000e+00 : f32
        %broadcast_in_dim3A_1396 = vector.broadcast %jit3A_1394 : f32 to vector<16xf32>
        %broadcast_in_dim3A_1397 = vector.broadcast %jit3A_1395 : f32 to vector<16xf32>
        %select_n3A_1398 = arith.select %gt3A_1393, %broadcast_in_dim3A_1396, %broadcast_in_dim3A_1397 : vector<16xi1>, vector<16xf32>
        %add3A_1399 = arith.addf %add3A_1357, %select_n3A_1398 : vector<16xf32>
        %add3A_1400 = arith.constant 4 : i32
        %add3A_1401 = arith.addi %mul3A_1295, %add3A_1400 : i32
        %add3A_1402 = arith.constant 1 : i32
        %add3A_1403 = arith.addi %add3A_1401, %add3A_1402 : i32
        %get3A_1404 = arith.index_cast %add3A_1403 : i32 to index
        %get3A_1405 = arith.constant 0 : index
        %get3A_1406 = tpu.vector_load %arg5[%get3A_1404, %get3A_1405] {strides = array<i32>} : memref<4095x16xf32, #tpu.memory_space<vmem>>, vector<1x16xf32>,
        %get3A_1407 = vector.shape_cast %get3A_1406 : vector<1x16xf32> to vector<16xf32>
        %sub3A_1408 = arith.subf %get3A_1407, %add3A_991 : vector<16xf32>
        %max3A_1409 = arith.constant 0.000000e+00 : f32
        %max3A_1410 = vector.broadcast %max3A_1409 : f32 to vector<16xf32>
        %max3A_1411 = arith.maximumf %sub3A_1408, %max3A_1410 : vector<16xf32>
        %add3A_1412 = arith.addf %add3A_1370, %max3A_1411 : vector<16xf32>
        %gt3A_1413 = arith.constant 0.000000e+00 : f32
        %gt3A_1414 = vector.broadcast %gt3A_1413 : f32 to vector<16xf32>
        %gt3A_1415 = arith.cmpf ogt, %max3A_1411, %gt3A_1414 : vector<16xf32>
        %jit3A_1416 = arith.constant 1.000000e+00 : f32
        %jit3A_1417 = arith.constant 0.000000e+00 : f32
        %broadcast_in_dim3A_1418 = vector.broadcast %jit3A_1416 : f32 to vector<16xf32>
        %broadcast_in_dim3A_1419 = vector.broadcast %jit3A_1417 : f32 to vector<16xf32>
        %select_n3A_1420 = arith.select %gt3A_1415, %broadcast_in_dim3A_1418, %broadcast_in_dim3A_1419 : vector<16xi1>, vector<16xf32>
        %add3A_1421 = arith.addf %add3A_1379, %select_n3A_1420 : vector<16xf32>
        %add3A_1422 = arith.constant 6 : i32
        %add3A_1423 = arith.addi %mul3A_1295, %add3A_1422 : i32
        %get3A_1424 = arith.index_cast %add3A_1423 : i32 to index
        %get3A_1425 = arith.constant 0 : index
        %get3A_1426 = tpu.vector_load %arg5[%get3A_1424, %get3A_1425] {strides = array<i32>} : memref<4095x16xf32, #tpu.memory_space<vmem>>, vector<1x16xf32>,
        %get3A_1427 = vector.shape_cast %get3A_1426 : vector<1x16xf32> to vector<16xf32>
        %sub3A_1428 = arith.subf %get3A_1427, %add3A_991 : vector<16xf32>
        %max3A_1429 = arith.constant 0.000000e+00 : f32
        %max3A_1430 = vector.broadcast %max3A_1429 : f32 to vector<16xf32>
        %max3A_1431 = arith.maximumf %sub3A_1428, %max3A_1430 : vector<16xf32>
        %add3A_1432 = arith.addf %add3A_1390, %max3A_1431 : vector<16xf32>
        %gt3A_1433 = arith.constant 0.000000e+00 : f32
        %gt3A_1434 = vector.broadcast %gt3A_1433 : f32 to vector<16xf32>
        %gt3A_1435 = arith.cmpf ogt, %max3A_1431, %gt3A_1434 : vector<16xf32>
        %jit3A_1436 = arith.constant 1.000000e+00 : f32
        %jit3A_1437 = arith.constant 0.000000e+00 : f32
        %broadcast_in_dim3A_1438 = vector.broadcast %jit3A_1436 : f32 to vector<16xf32>
        %broadcast_in_dim3A_1439 = vector.broadcast %jit3A_1437 : f32 to vector<16xf32>
        %select_n3A_1440 = arith.select %gt3A_1435, %broadcast_in_dim3A_1438, %broadcast_in_dim3A_1439 : vector<16xi1>, vector<16xf32>
        %add3A_1441 = arith.addf %add3A_1399, %select_n3A_1440 : vector<16xf32>
        %add3A_1442 = arith.constant 6 : i32
        %add3A_1443 = arith.addi %mul3A_1295, %add3A_1442 : i32
        %add3A_1444 = arith.constant 1 : i32
        %add3A_1445 = arith.addi %add3A_1443, %add3A_1444 : i32
        %get3A_1446 = arith.index_cast %add3A_1445 : i32 to index
        %get3A_1447 = arith.constant 0 : index
        %get3A_1448 = tpu.vector_load %arg5[%get3A_1446, %get3A_1447] {strides = array<i32>} : memref<4095x16xf32, #tpu.memory_space<vmem>>, vector<1x16xf32>,
        %get3A_1449 = vector.shape_cast %get3A_1448 : vector<1x16xf32> to vector<16xf32>
        %sub3A_1450 = arith.subf %get3A_1449, %add3A_991 : vector<16xf32>
        %max3A_1451 = arith.constant 0.000000e+00 : f32
        %max3A_1452 = vector.broadcast %max3A_1451 : f32 to vector<16xf32>
        %max3A_1453 = arith.maximumf %sub3A_1450, %max3A_1452 : vector<16xf32>
        %add3A_1454 = arith.addf %add3A_1412, %max3A_1453 : vector<16xf32>
        %gt3A_1455 = arith.constant 0.000000e+00 : f32
        %gt3A_1456 = vector.broadcast %gt3A_1455 : f32 to vector<16xf32>
        %gt3A_1457 = arith.cmpf ogt, %max3A_1453, %gt3A_1456 : vector<16xf32>
        %jit3A_1458 = arith.constant 1.000000e+00 : f32
        %jit3A_1459 = arith.constant 0.000000e+00 : f32
        %broadcast_in_dim3A_1460 = vector.broadcast %jit3A_1458 : f32 to vector<16xf32>
        %broadcast_in_dim3A_1461 = vector.broadcast %jit3A_1459 : f32 to vector<16xf32>
        %select_n3A_1462 = arith.select %gt3A_1457, %broadcast_in_dim3A_1460, %broadcast_in_dim3A_1461 : vector<16xi1>, vector<16xf32>
        %add3A_1463 = arith.addf %add3A_1421, %select_n3A_1462 : vector<16xf32>
        scf.yield %add3A_1432, %add3A_1441, %add3A_1454, %add3A_1463 : vector<16xf32>, vector<16xf32>, vector<16xf32>, vector<16xf32>
      }
      %scan3A_1019 = arith.constant 511 : i32
      %get3A_1020 = arith.constant 4088 : i32
      %get3A_1021 = arith.index_cast %get3A_1020 : i32 to index
      %get3A_1022 = arith.constant 0 : index
      %get3A_1023 = tpu.vector_load %arg5[%get3A_1021, %get3A_1022] {strides = array<i32>} : memref<4095x16xf32, #tpu.memory_space<vmem>>, vector<1x16xf32>,
      %get3A_1024 = vector.shape_cast %get3A_1023 : vector<1x16xf32> to vector<16xf32>
      %sub3A_1025 = arith.subf %get3A_1024, %add3A_991 : vector<16xf32>
      %max3A_1026 = arith.constant 0.000000e+00 : f32
      %max3A_1027 = vector.broadcast %max3A_1026 : f32 to vector<16xf32>
      %max3A_1028 = arith.maximumf %sub3A_1025, %max3A_1027 : vector<16xf32>
      %add3A_1029 = arith.addf %scan3A_1018#0, %max3A_1028 : vector<16xf32>
      %gt3A_1030 = arith.constant 0.000000e+00 : f32
      %gt3A_1031 = vector.broadcast %gt3A_1030 : f32 to vector<16xf32>
      %gt3A_1032 = arith.cmpf ogt, %max3A_1028, %gt3A_1031 : vector<16xf32>
      %jit3A_1033 = arith.constant 1.000000e+00 : f32
      %jit3A_1034 = arith.constant 0.000000e+00 : f32
      %broadcast_in_dim3A_1035 = vector.broadcast %jit3A_1033 : f32 to vector<16xf32>
      %broadcast_in_dim3A_1036 = vector.broadcast %jit3A_1034 : f32 to vector<16xf32>
      %select_n3A_1037 = arith.select %gt3A_1032, %broadcast_in_dim3A_1035, %broadcast_in_dim3A_1036 : vector<16xi1>, vector<16xf32>
      %add3A_1038 = arith.addf %scan3A_1018#1, %select_n3A_1037 : vector<16xf32>
      %get3A_1039 = arith.constant 4089 : i32
      %get3A_1040 = arith.index_cast %get3A_1039 : i32 to index
      %get3A_1041 = arith.constant 0 : index
      %get3A_1042 = tpu.vector_load %arg5[%get3A_1040, %get3A_1041] {strides = array<i32>} : memref<4095x16xf32, #tpu.memory_space<vmem>>, vector<1x16xf32>,
      %get3A_1043 = vector.shape_cast %get3A_1042 : vector<1x16xf32> to vector<16xf32>
      %sub3A_1044 = arith.subf %get3A_1043, %add3A_991 : vector<16xf32>
      %max3A_1045 = arith.constant 0.000000e+00 : f32
      %max3A_1046 = vector.broadcast %max3A_1045 : f32 to vector<16xf32>
      %max3A_1047 = arith.maximumf %sub3A_1044, %max3A_1046 : vector<16xf32>
      %add3A_1048 = arith.addf %add3A_1029, %max3A_1047 : vector<16xf32>
      %gt3A_1049 = arith.constant 0.000000e+00 : f32
      %gt3A_1050 = vector.broadcast %gt3A_1049 : f32 to vector<16xf32>
      %gt3A_1051 = arith.cmpf ogt, %max3A_1047, %gt3A_1050 : vector<16xf32>
      %jit3A_1052 = arith.constant 1.000000e+00 : f32
      %jit3A_1053 = arith.constant 0.000000e+00 : f32
      %broadcast_in_dim3A_1054 = vector.broadcast %jit3A_1052 : f32 to vector<16xf32>
      %broadcast_in_dim3A_1055 = vector.broadcast %jit3A_1053 : f32 to vector<16xf32>
      %select_n3A_1056 = arith.select %gt3A_1051, %broadcast_in_dim3A_1054, %broadcast_in_dim3A_1055 : vector<16xi1>, vector<16xf32>
      %add3A_1057 = arith.addf %add3A_1038, %select_n3A_1056 : vector<16xf32>
      %get3A_1058 = arith.constant 4090 : i32
      %get3A_1059 = arith.index_cast %get3A_1058 : i32 to index
      %get3A_1060 = arith.constant 0 : index
      %get3A_1061 = tpu.vector_load %arg5[%get3A_1059, %get3A_1060] {strides = array<i32>} : memref<4095x16xf32, #tpu.memory_space<vmem>>, vector<1x16xf32>,
      %get3A_1062 = vector.shape_cast %get3A_1061 : vector<1x16xf32> to vector<16xf32>
      %sub3A_1063 = arith.subf %get3A_1062, %add3A_991 : vector<16xf32>
      %max3A_1064 = arith.constant 0.000000e+00 : f32
      %max3A_1065 = vector.broadcast %max3A_1064 : f32 to vector<16xf32>
      %max3A_1066 = arith.maximumf %sub3A_1063, %max3A_1065 : vector<16xf32>
      %add3A_1067 = arith.addf %add3A_1048, %max3A_1066 : vector<16xf32>
      %gt3A_1068 = arith.constant 0.000000e+00 : f32
      %gt3A_1069 = vector.broadcast %gt3A_1068 : f32 to vector<16xf32>
      %gt3A_1070 = arith.cmpf ogt, %max3A_1066, %gt3A_1069 : vector<16xf32>
      %jit3A_1071 = arith.constant 1.000000e+00 : f32
      %jit3A_1072 = arith.constant 0.000000e+00 : f32
      %broadcast_in_dim3A_1073 = vector.broadcast %jit3A_1071 : f32 to vector<16xf32>
      %broadcast_in_dim3A_1074 = vector.broadcast %jit3A_1072 : f32 to vector<16xf32>
      %select_n3A_1075 = arith.select %gt3A_1070, %broadcast_in_dim3A_1073, %broadcast_in_dim3A_1074 : vector<16xi1>, vector<16xf32>
      %add3A_1076 = arith.addf %add3A_1057, %select_n3A_1075 : vector<16xf32>
      %get3A_1077 = arith.constant 4091 : i32
      %get3A_1078 = arith.index_cast %get3A_1077 : i32 to index
      %get3A_1079 = arith.constant 0 : index
      %get3A_1080 = tpu.vector_load %arg5[%get3A_1078, %get3A_1079] {strides = array<i32>} : memref<4095x16xf32, #tpu.memory_space<vmem>>, vector<1x16xf32>,
      %get3A_1081 = vector.shape_cast %get3A_1080 : vector<1x16xf32> to vector<16xf32>
      %sub3A_1082 = arith.subf %get3A_1081, %add3A_991 : vector<16xf32>
      %max3A_1083 = arith.constant 0.000000e+00 : f32
      %max3A_1084 = vector.broadcast %max3A_1083 : f32 to vector<16xf32>
      %max3A_1085 = arith.maximumf %sub3A_1082, %max3A_1084 : vector<16xf32>
      %add3A_1086 = arith.addf %add3A_1067, %max3A_1085 : vector<16xf32>
      %gt3A_1087 = arith.constant 0.000000e+00 : f32
      %gt3A_1088 = vector.broadcast %gt3A_1087 : f32 to vector<16xf32>
      %gt3A_1089 = arith.cmpf ogt, %max3A_1085, %gt3A_1088 : vector<16xf32>
      %jit3A_1090 = arith.constant 1.000000e+00 : f32
      %jit3A_1091 = arith.constant 0.000000e+00 : f32
      %broadcast_in_dim3A_1092 = vector.broadcast %jit3A_1090 : f32 to vector<16xf32>
      %broadcast_in_dim3A_1093 = vector.broadcast %jit3A_1091 : f32 to vector<16xf32>
      %select_n3A_1094 = arith.select %gt3A_1089, %broadcast_in_dim3A_1092, %broadcast_in_dim3A_1093 : vector<16xi1>, vector<16xf32>
      %add3A_1095 = arith.addf %add3A_1076, %select_n3A_1094 : vector<16xf32>
      %get3A_1096 = arith.constant 4092 : i32
      %get3A_1097 = arith.index_cast %get3A_1096 : i32 to index
      %get3A_1098 = arith.constant 0 : index
      %get3A_1099 = tpu.vector_load %arg5[%get3A_1097, %get3A_1098] {strides = array<i32>} : memref<4095x16xf32, #tpu.memory_space<vmem>>, vector<1x16xf32>,
      %get3A_1100 = vector.shape_cast %get3A_1099 : vector<1x16xf32> to vector<16xf32>
      %sub3A_1101 = arith.subf %get3A_1100, %add3A_991 : vector<16xf32>
      %max3A_1102 = arith.constant 0.000000e+00 : f32
      %max3A_1103 = vector.broadcast %max3A_1102 : f32 to vector<16xf32>
      %max3A_1104 = arith.maximumf %sub3A_1101, %max3A_1103 : vector<16xf32>
      %add3A_1105 = arith.addf %add3A_1086, %max3A_1104 : vector<16xf32>
      %gt3A_1106 = arith.constant 0.000000e+00 : f32
      %gt3A_1107 = vector.broadcast %gt3A_1106 : f32 to vector<16xf32>
      %gt3A_1108 = arith.cmpf ogt, %max3A_1104, %gt3A_1107 : vector<16xf32>
      %jit3A_1109 = arith.constant 1.000000e+00 : f32
      %jit3A_1110 = arith.constant 0.000000e+00 : f32
      %broadcast_in_dim3A_1111 = vector.broadcast %jit3A_1109 : f32 to vector<16xf32>
      %broadcast_in_dim3A_1112 = vector.broadcast %jit3A_1110 : f32 to vector<16xf32>
      %select_n3A_1113 = arith.select %gt3A_1108, %broadcast_in_dim3A_1111, %broadcast_in_dim3A_1112 : vector<16xi1>, vector<16xf32>
      %add3A_1114 = arith.addf %add3A_1095, %select_n3A_1113 : vector<16xf32>
      %get3A_1115 = arith.constant 4093 : i32
      %get3A_1116 = arith.index_cast %get3A_1115 : i32 to index
      %get3A_1117 = arith.constant 0 : index
      %get3A_1118 = tpu.vector_load %arg5[%get3A_1116, %get3A_1117] {strides = array<i32>} : memref<4095x16xf32, #tpu.memory_space<vmem>>, vector<1x16xf32>,
      %get3A_1119 = vector.shape_cast %get3A_1118 : vector<1x16xf32> to vector<16xf32>
      %sub3A_1120 = arith.subf %get3A_1119, %add3A_991 : vector<16xf32>
      %max3A_1121 = arith.constant 0.000000e+00 : f32
      %max3A_1122 = vector.broadcast %max3A_1121 : f32 to vector<16xf32>
      %max3A_1123 = arith.maximumf %sub3A_1120, %max3A_1122 : vector<16xf32>
      %add3A_1124 = arith.addf %add3A_1105, %max3A_1123 : vector<16xf32>
      %gt3A_1125 = arith.constant 0.000000e+00 : f32
      %gt3A_1126 = vector.broadcast %gt3A_1125 : f32 to vector<16xf32>
      %gt3A_1127 = arith.cmpf ogt, %max3A_1123, %gt3A_1126 : vector<16xf32>
      %jit3A_1128 = arith.constant 1.000000e+00 : f32
      %jit3A_1129 = arith.constant 0.000000e+00 : f32
      %broadcast_in_dim3A_1130 = vector.broadcast %jit3A_1128 : f32 to vector<16xf32>
      %broadcast_in_dim3A_1131 = vector.broadcast %jit3A_1129 : f32 to vector<16xf32>
      %select_n3A_1132 = arith.select %gt3A_1127, %broadcast_in_dim3A_1130, %broadcast_in_dim3A_1131 : vector<16xi1>, vector<16xf32>
      %add3A_1133 = arith.addf %add3A_1114, %select_n3A_1132 : vector<16xf32>
      %get3A_1134 = arith.constant 4094 : i32
      %get3A_1135 = arith.index_cast %get3A_1134 : i32 to index
      %get3A_1136 = arith.constant 0 : index
      %get3A_1137 = tpu.vector_load %arg5[%get3A_1135, %get3A_1136] {strides = array<i32>} : memref<4095x16xf32, #tpu.memory_space<vmem>>, vector<1x16xf32>,
      %get3A_1138 = vector.shape_cast %get3A_1137 : vector<1x16xf32> to vector<16xf32>
      %sub3A_1139 = arith.subf %get3A_1138, %add3A_991 : vector<16xf32>
      %max3A_1140 = arith.constant 0.000000e+00 : f32
      %max3A_1141 = vector.broadcast %max3A_1140 : f32 to vector<16xf32>
      %max3A_1142 = arith.maximumf %sub3A_1139, %max3A_1141 : vector<16xf32>
      %add3A_1143 = arith.addf %add3A_1124, %max3A_1142 : vector<16xf32>
      %gt3A_1144 = arith.constant 0.000000e+00 : f32
      %gt3A_1145 = vector.broadcast %gt3A_1144 : f32 to vector<16xf32>
      %gt3A_1146 = arith.cmpf ogt, %max3A_1142, %gt3A_1145 : vector<16xf32>
      %jit3A_1147 = arith.constant 1.000000e+00 : f32
      %jit3A_1148 = arith.constant 0.000000e+00 : f32
      %broadcast_in_dim3A_1149 = vector.broadcast %jit3A_1147 : f32 to vector<16xf32>
      %broadcast_in_dim3A_1150 = vector.broadcast %jit3A_1148 : f32 to vector<16xf32>
      %select_n3A_1151 = arith.select %gt3A_1146, %broadcast_in_dim3A_1149, %broadcast_in_dim3A_1150 : vector<16xi1>, vector<16xf32>
      %add3A_1152 = arith.addf %add3A_1133, %select_n3A_1151 : vector<16xf32>
      %add3A_1153 = arith.addf %add3A_1143, %scan3A_1018#2 : vector<16xf32>
      %add3A_1154 = arith.addf %add3A_1152, %scan3A_1018#3 : vector<16xf32>
      %sub3A_1155 = arith.constant 1.000000e+00 : f32
      %sub3A_1156 = vector.broadcast %sub3A_1155 : f32 to vector<16xf32>
      %sub3A_1157 = arith.subf %add3A_1153, %sub3A_1156 : vector<16xf32>
      %div3A_1158 = arith.divf %sub3A_1157, %add3A_1154 : vector<16xf32>
      %add3A_1159 = arith.addf %add3A_991, %div3A_1158 : vector<16xf32>
      %scan3A_1160 = arith.constant 0 : i32
      %scan3A_1161 = arith.constant 0 : i32
      %scan3A_1162 = arith.constant 512 : i32
      %scan3A_1163 = arith.addi %scan3A_1161, %scan3A_1162 : i32
      %scan3A_1164 = arith.constant 1 : i32
      %scan3A_1165 = scf.for %scan3A_1289 = %scan3A_1161 to %scan3A_1163 step %scan3A_1164 iter_args(%scan3A_1290 = %scan3A_1160) -> (i32)  : i32 {
        %mul3A_1291 = arith.constant 8 : i32
        %mul3A_1292 = arith.muli %scan3A_1289, %mul3A_1291 : i32
        %add3A_1293 = arith.constant 0 : i32
        %add3A_1294 = arith.addi %mul3A_1292, %add3A_1293 : i32
        %get3A_1295 = arith.index_cast %add3A_1294 : i32 to index
        %get3A_1296 = arith.constant 0 : index
        %get3A_1297 = tpu.vector_load %arg4[%get3A_1295, %get3A_1296] {strides = array<i32>} : memref<4096x16xf32, #tpu.memory_space<vmem>>, vector<1x16xf32>,
        %get3A_1298 = vector.shape_cast %get3A_1297 : vector<1x16xf32> to vector<16xf32>
        %sub3A_1299 = arith.subf %get3A_1298, %add3A_1159 : vector<16xf32>
        %max3A_1300 = arith.constant 0.000000e+00 : f32
        %max3A_1301 = vector.broadcast %max3A_1300 : f32 to vector<16xf32>
        %max3A_1302 = arith.maximumf %sub3A_1299, %max3A_1301 : vector<16xf32>
        %add3A_1303 = arith.constant 0 : i32
        %add3A_1304 = arith.addi %mul3A_1292, %add3A_1303 : i32
        %swap3A_1305 = arith.index_cast %add3A_1304 : i32 to index
        %swap3A_1306 = arith.constant 0 : index
        %swap3A_1307 = tpu.vector_load %arg4[%swap3A_1305, %swap3A_1306] {strides = array<i32>} : memref<4096x16xf32, #tpu.memory_space<vmem>>, vector<1x16xf32>,
        %swap3A_1308 = vector.shape_cast %swap3A_1307 : vector<1x16xf32> to vector<16xf32>
        %swap3A_1309 = vector.shape_cast %max3A_1302 : vector<16xf32> to vector<1x16xf32>
        tpu.vector_store %arg4[%swap3A_1305, %swap3A_1306], %swap3A_1309 {strides = array<i32>} : memref<4096x16xf32, #tpu.memory_space<vmem>>, vector<1x16xf32>,
        %add3A_1310 = arith.constant 1 : i32
        %add3A_1311 = arith.addi %mul3A_1292, %add3A_1310 : i32
        %get3A_1312 = arith.index_cast %add3A_1311 : i32 to index
        %get3A_1313 = arith.constant 0 : index
        %get3A_1314 = tpu.vector_load %arg4[%get3A_1312, %get3A_1313] {strides = array<i32>} : memref<4096x16xf32, #tpu.memory_space<vmem>>, vector<1x16xf32>,
        %get3A_1315 = vector.shape_cast %get3A_1314 : vector<1x16xf32> to vector<16xf32>
        %sub3A_1316 = arith.subf %get3A_1315, %add3A_1159 : vector<16xf32>
        %max3A_1317 = arith.constant 0.000000e+00 : f32
        %max3A_1318 = vector.broadcast %max3A_1317 : f32 to vector<16xf32>
        %max3A_1319 = arith.maximumf %sub3A_1316, %max3A_1318 : vector<16xf32>
        %add3A_1320 = arith.constant 1 : i32
        %add3A_1321 = arith.addi %mul3A_1292, %add3A_1320 : i32
        %swap3A_1322 = arith.index_cast %add3A_1321 : i32 to index
        %swap3A_1323 = arith.constant 0 : index
        %swap3A_1324 = tpu.vector_load %arg4[%swap3A_1322, %swap3A_1323] {strides = array<i32>} : memref<4096x16xf32, #tpu.memory_space<vmem>>, vector<1x16xf32>,
        %swap3A_1325 = vector.shape_cast %swap3A_1324 : vector<1x16xf32> to vector<16xf32>
        %swap3A_1326 = vector.shape_cast %max3A_1319 : vector<16xf32> to vector<1x16xf32>
        tpu.vector_store %arg4[%swap3A_1322, %swap3A_1323], %swap3A_1326 {strides = array<i32>} : memref<4096x16xf32, #tpu.memory_space<vmem>>, vector<1x16xf32>,
        %add3A_1327 = arith.constant 2 : i32
        %add3A_1328 = arith.addi %mul3A_1292, %add3A_1327 : i32
        %get3A_1329 = arith.index_cast %add3A_1328 : i32 to index
        %get3A_1330 = arith.constant 0 : index
        %get3A_1331 = tpu.vector_load %arg4[%get3A_1329, %get3A_1330] {strides = array<i32>} : memref<4096x16xf32, #tpu.memory_space<vmem>>, vector<1x16xf32>,
        %get3A_1332 = vector.shape_cast %get3A_1331 : vector<1x16xf32> to vector<16xf32>
        %sub3A_1333 = arith.subf %get3A_1332, %add3A_1159 : vector<16xf32>
        %max3A_1334 = arith.constant 0.000000e+00 : f32
        %max3A_1335 = vector.broadcast %max3A_1334 : f32 to vector<16xf32>
        %max3A_1336 = arith.maximumf %sub3A_1333, %max3A_1335 : vector<16xf32>
        %add3A_1337 = arith.constant 2 : i32
        %add3A_1338 = arith.addi %mul3A_1292, %add3A_1337 : i32
        %swap3A_1339 = arith.index_cast %add3A_1338 : i32 to index
        %swap3A_1340 = arith.constant 0 : index
        %swap3A_1341 = tpu.vector_load %arg4[%swap3A_1339, %swap3A_1340] {strides = array<i32>} : memref<4096x16xf32, #tpu.memory_space<vmem>>, vector<1x16xf32>,
        %swap3A_1342 = vector.shape_cast %swap3A_1341 : vector<1x16xf32> to vector<16xf32>
        %swap3A_1343 = vector.shape_cast %max3A_1336 : vector<16xf32> to vector<1x16xf32>
        tpu.vector_store %arg4[%swap3A_1339, %swap3A_1340], %swap3A_1343 {strides = array<i32>} : memref<4096x16xf32, #tpu.memory_space<vmem>>, vector<1x16xf32>,
        %add3A_1344 = arith.constant 3 : i32
        %add3A_1345 = arith.addi %mul3A_1292, %add3A_1344 : i32
        %get3A_1346 = arith.index_cast %add3A_1345 : i32 to index
        %get3A_1347 = arith.constant 0 : index
        %get3A_1348 = tpu.vector_load %arg4[%get3A_1346, %get3A_1347] {strides = array<i32>} : memref<4096x16xf32, #tpu.memory_space<vmem>>, vector<1x16xf32>,
        %get3A_1349 = vector.shape_cast %get3A_1348 : vector<1x16xf32> to vector<16xf32>
        %sub3A_1350 = arith.subf %get3A_1349, %add3A_1159 : vector<16xf32>
        %max3A_1351 = arith.constant 0.000000e+00 : f32
        %max3A_1352 = vector.broadcast %max3A_1351 : f32 to vector<16xf32>
        %max3A_1353 = arith.maximumf %sub3A_1350, %max3A_1352 : vector<16xf32>
        %add3A_1354 = arith.constant 3 : i32
        %add3A_1355 = arith.addi %mul3A_1292, %add3A_1354 : i32
        %swap3A_1356 = arith.index_cast %add3A_1355 : i32 to index
        %swap3A_1357 = arith.constant 0 : index
        %swap3A_1358 = tpu.vector_load %arg4[%swap3A_1356, %swap3A_1357] {strides = array<i32>} : memref<4096x16xf32, #tpu.memory_space<vmem>>, vector<1x16xf32>,
        %swap3A_1359 = vector.shape_cast %swap3A_1358 : vector<1x16xf32> to vector<16xf32>
        %swap3A_1360 = vector.shape_cast %max3A_1353 : vector<16xf32> to vector<1x16xf32>
        tpu.vector_store %arg4[%swap3A_1356, %swap3A_1357], %swap3A_1360 {strides = array<i32>} : memref<4096x16xf32, #tpu.memory_space<vmem>>, vector<1x16xf32>,
        %add3A_1361 = arith.constant 4 : i32
        %add3A_1362 = arith.addi %mul3A_1292, %add3A_1361 : i32
        %get3A_1363 = arith.index_cast %add3A_1362 : i32 to index
        %get3A_1364 = arith.constant 0 : index
        %get3A_1365 = tpu.vector_load %arg4[%get3A_1363, %get3A_1364] {strides = array<i32>} : memref<4096x16xf32, #tpu.memory_space<vmem>>, vector<1x16xf32>,
        %get3A_1366 = vector.shape_cast %get3A_1365 : vector<1x16xf32> to vector<16xf32>
        %sub3A_1367 = arith.subf %get3A_1366, %add3A_1159 : vector<16xf32>
        %max3A_1368 = arith.constant 0.000000e+00 : f32
        %max3A_1369 = vector.broadcast %max3A_1368 : f32 to vector<16xf32>
        %max3A_1370 = arith.maximumf %sub3A_1367, %max3A_1369 : vector<16xf32>
        %add3A_1371 = arith.constant 4 : i32
        %add3A_1372 = arith.addi %mul3A_1292, %add3A_1371 : i32
        %swap3A_1373 = arith.index_cast %add3A_1372 : i32 to index
        %swap3A_1374 = arith.constant 0 : index
        %swap3A_1375 = tpu.vector_load %arg4[%swap3A_1373, %swap3A_1374] {strides = array<i32>} : memref<4096x16xf32, #tpu.memory_space<vmem>>, vector<1x16xf32>,
        %swap3A_1376 = vector.shape_cast %swap3A_1375 : vector<1x16xf32> to vector<16xf32>
        %swap3A_1377 = vector.shape_cast %max3A_1370 : vector<16xf32> to vector<1x16xf32>
        tpu.vector_store %arg4[%swap3A_1373, %swap3A_1374], %swap3A_1377 {strides = array<i32>} : memref<4096x16xf32, #tpu.memory_space<vmem>>, vector<1x16xf32>,
        %add3A_1378 = arith.constant 5 : i32
        %add3A_1379 = arith.addi %mul3A_1292, %add3A_1378 : i32
        %get3A_1380 = arith.index_cast %add3A_1379 : i32 to index
        %get3A_1381 = arith.constant 0 : index
        %get3A_1382 = tpu.vector_load %arg4[%get3A_1380, %get3A_1381] {strides = array<i32>} : memref<4096x16xf32, #tpu.memory_space<vmem>>, vector<1x16xf32>,
        %get3A_1383 = vector.shape_cast %get3A_1382 : vector<1x16xf32> to vector<16xf32>
        %sub3A_1384 = arith.subf %get3A_1383, %add3A_1159 : vector<16xf32>
        %max3A_1385 = arith.constant 0.000000e+00 : f32
        %max3A_1386 = vector.broadcast %max3A_1385 : f32 to vector<16xf32>
        %max3A_1387 = arith.maximumf %sub3A_1384, %max3A_1386 : vector<16xf32>
        %add3A_1388 = arith.constant 5 : i32
        %add3A_1389 = arith.addi %mul3A_1292, %add3A_1388 : i32
        %swap3A_1390 = arith.index_cast %add3A_1389 : i32 to index
        %swap3A_1391 = arith.constant 0 : index
        %swap3A_1392 = tpu.vector_load %arg4[%swap3A_1390, %swap3A_1391] {strides = array<i32>} : memref<4096x16xf32, #tpu.memory_space<vmem>>, vector<1x16xf32>,
        %swap3A_1393 = vector.shape_cast %swap3A_1392 : vector<1x16xf32> to vector<16xf32>
        %swap3A_1394 = vector.shape_cast %max3A_1387 : vector<16xf32> to vector<1x16xf32>
        tpu.vector_store %arg4[%swap3A_1390, %swap3A_1391], %swap3A_1394 {strides = array<i32>} : memref<4096x16xf32, #tpu.memory_space<vmem>>, vector<1x16xf32>,
        %add3A_1395 = arith.constant 6 : i32
        %add3A_1396 = arith.addi %mul3A_1292, %add3A_1395 : i32
        %get3A_1397 = arith.index_cast %add3A_1396 : i32 to index
        %get3A_1398 = arith.constant 0 : index
        %get3A_1399 = tpu.vector_load %arg4[%get3A_1397, %get3A_1398] {strides = array<i32>} : memref<4096x16xf32, #tpu.memory_space<vmem>>, vector<1x16xf32>,
        %get3A_1400 = vector.shape_cast %get3A_1399 : vector<1x16xf32> to vector<16xf32>
        %sub3A_1401 = arith.subf %get3A_1400, %add3A_1159 : vector<16xf32>
        %max3A_1402 = arith.constant 0.000000e+00 : f32
        %max3A_1403 = vector.broadcast %max3A_1402 : f32 to vector<16xf32>
        %max3A_1404 = arith.maximumf %sub3A_1401, %max3A_1403 : vector<16xf32>
        %add3A_1405 = arith.constant 6 : i32
        %add3A_1406 = arith.addi %mul3A_1292, %add3A_1405 : i32
        %swap3A_1407 = arith.index_cast %add3A_1406 : i32 to index
        %swap3A_1408 = arith.constant 0 : index
        %swap3A_1409 = tpu.vector_load %arg4[%swap3A_1407, %swap3A_1408] {strides = array<i32>} : memref<4096x16xf32, #tpu.memory_space<vmem>>, vector<1x16xf32>,
        %swap3A_1410 = vector.shape_cast %swap3A_1409 : vector<1x16xf32> to vector<16xf32>
        %swap3A_1411 = vector.shape_cast %max3A_1404 : vector<16xf32> to vector<1x16xf32>
        tpu.vector_store %arg4[%swap3A_1407, %swap3A_1408], %swap3A_1411 {strides = array<i32>} : memref<4096x16xf32, #tpu.memory_space<vmem>>, vector<1x16xf32>,
        %add3A_1412 = arith.constant 7 : i32
        %add3A_1413 = arith.addi %mul3A_1292, %add3A_1412 : i32
        %get3A_1414 = arith.index_cast %add3A_1413 : i32 to index
        %get3A_1415 = arith.constant 0 : index
        %get3A_1416 = tpu.vector_load %arg4[%get3A_1414, %get3A_1415] {strides = array<i32>} : memref<4096x16xf32, #tpu.memory_space<vmem>>, vector<1x16xf32>,
        %get3A_1417 = vector.shape_cast %get3A_1416 : vector<1x16xf32> to vector<16xf32>
        %sub3A_1418 = arith.subf %get3A_1417, %add3A_1159 : vector<16xf32>
        %max3A_1419 = arith.constant 0.000000e+00 : f32
        %max3A_1420 = vector.broadcast %max3A_1419 : f32 to vector<16xf32>
        %max3A_1421 = arith.maximumf %sub3A_1418, %max3A_1420 : vector<16xf32>
        %add3A_1422 = arith.constant 7 : i32
        %add3A_1423 = arith.addi %mul3A_1292, %add3A_1422 : i32
        %swap3A_1424 = arith.index_cast %add3A_1423 : i32 to index
        %swap3A_1425 = arith.constant 0 : index
        %swap3A_1426 = tpu.vector_load %arg4[%swap3A_1424, %swap3A_1425] {strides = array<i32>} : memref<4096x16xf32, #tpu.memory_space<vmem>>, vector<1x16xf32>,
        %swap3A_1427 = vector.shape_cast %swap3A_1426 : vector<1x16xf32> to vector<16xf32>
        %swap3A_1428 = vector.shape_cast %max3A_1421 : vector<16xf32> to vector<1x16xf32>
        tpu.vector_store %arg4[%swap3A_1424, %swap3A_1425], %swap3A_1428 {strides = array<i32>} : memref<4096x16xf32, #tpu.memory_space<vmem>>, vector<1x16xf32>,
        %scan3A_1429 = arith.constant 0 : i32
        scf.yield %scan3A_1429 : i32
      }
      %scan3A_1166 = arith.constant 512 : i32
      %scan3A_1167 = arith.constant 0 : i32
      %scan3A_1168 = arith.constant 0 : i32
      %scan3A_1169 = arith.constant 511 : i32
      %scan3A_1170 = arith.addi %scan3A_1168, %scan3A_1169 : i32
      %scan3A_1171 = arith.constant 1 : i32
      %scan3A_1172 = scf.for %scan3A_1289 = %scan3A_1168 to %scan3A_1170 step %scan3A_1171 iter_args(%scan3A_1290 = %scan3A_1167) -> (i32)  : i32 {
        %mul3A_1291 = arith.constant 8 : i32
        %mul3A_1292 = arith.muli %scan3A_1289, %mul3A_1291 : i32
        %add3A_1293 = arith.constant 0 : i32
        %add3A_1294 = arith.addi %mul3A_1292, %add3A_1293 : i32
        %get3A_1295 = arith.index_cast %add3A_1294 : i32 to index
        %get3A_1296 = arith.constant 0 : index
        %get3A_1297 = tpu.vector_load %arg5[%get3A_1295, %get3A_1296] {strides = array<i32>} : memref<4095x16xf32, #tpu.memory_space<vmem>>, vector<1x16xf32>,
        %get3A_1298 = vector.shape_cast %get3A_1297 : vector<1x16xf32> to vector<16xf32>
        %sub3A_1299 = arith.subf %get3A_1298, %add3A_1159 : vector<16xf32>
        %max3A_1300 = arith.constant 0.000000e+00 : f32
        %max3A_1301 = vector.broadcast %max3A_1300 : f32 to vector<16xf32>
        %max3A_1302 = arith.maximumf %sub3A_1299, %max3A_1301 : vector<16xf32>
        %add3A_1303 = arith.constant 0 : i32
        %add3A_1304 = arith.addi %mul3A_1292, %add3A_1303 : i32
        %swap3A_1305 = arith.index_cast %add3A_1304 : i32 to index
        %swap3A_1306 = arith.constant 0 : index
        %swap3A_1307 = tpu.vector_load %arg5[%swap3A_1305, %swap3A_1306] {strides = array<i32>} : memref<4095x16xf32, #tpu.memory_space<vmem>>, vector<1x16xf32>,
        %swap3A_1308 = vector.shape_cast %swap3A_1307 : vector<1x16xf32> to vector<16xf32>
        %swap3A_1309 = vector.shape_cast %max3A_1302 : vector<16xf32> to vector<1x16xf32>
        tpu.vector_store %arg5[%swap3A_1305, %swap3A_1306], %swap3A_1309 {strides = array<i32>} : memref<4095x16xf32, #tpu.memory_space<vmem>>, vector<1x16xf32>,
        %add3A_1310 = arith.constant 1 : i32
        %add3A_1311 = arith.addi %mul3A_1292, %add3A_1310 : i32
        %get3A_1312 = arith.index_cast %add3A_1311 : i32 to index
        %get3A_1313 = arith.constant 0 : index
        %get3A_1314 = tpu.vector_load %arg5[%get3A_1312, %get3A_1313] {strides = array<i32>} : memref<4095x16xf32, #tpu.memory_space<vmem>>, vector<1x16xf32>,
        %get3A_1315 = vector.shape_cast %get3A_1314 : vector<1x16xf32> to vector<16xf32>
        %sub3A_1316 = arith.subf %get3A_1315, %add3A_1159 : vector<16xf32>
        %max3A_1317 = arith.constant 0.000000e+00 : f32
        %max3A_1318 = vector.broadcast %max3A_1317 : f32 to vector<16xf32>
        %max3A_1319 = arith.maximumf %sub3A_1316, %max3A_1318 : vector<16xf32>
        %add3A_1320 = arith.constant 1 : i32
        %add3A_1321 = arith.addi %mul3A_1292, %add3A_1320 : i32
        %swap3A_1322 = arith.index_cast %add3A_1321 : i32 to index
        %swap3A_1323 = arith.constant 0 : index
        %swap3A_1324 = tpu.vector_load %arg5[%swap3A_1322, %swap3A_1323] {strides = array<i32>} : memref<4095x16xf32, #tpu.memory_space<vmem>>, vector<1x16xf32>,
        %swap3A_1325 = vector.shape_cast %swap3A_1324 : vector<1x16xf32> to vector<16xf32>
        %swap3A_1326 = vector.shape_cast %max3A_1319 : vector<16xf32> to vector<1x16xf32>
        tpu.vector_store %arg5[%swap3A_1322, %swap3A_1323], %swap3A_1326 {strides = array<i32>} : memref<4095x16xf32, #tpu.memory_space<vmem>>, vector<1x16xf32>,
        %add3A_1327 = arith.constant 2 : i32
        %add3A_1328 = arith.addi %mul3A_1292, %add3A_1327 : i32
        %get3A_1329 = arith.index_cast %add3A_1328 : i32 to index
        %get3A_1330 = arith.constant 0 : index
        %get3A_1331 = tpu.vector_load %arg5[%get3A_1329, %get3A_1330] {strides = array<i32>} : memref<4095x16xf32, #tpu.memory_space<vmem>>, vector<1x16xf32>,
        %get3A_1332 = vector.shape_cast %get3A_1331 : vector<1x16xf32> to vector<16xf32>
        %sub3A_1333 = arith.subf %get3A_1332, %add3A_1159 : vector<16xf32>
        %max3A_1334 = arith.constant 0.000000e+00 : f32
        %max3A_1335 = vector.broadcast %max3A_1334 : f32 to vector<16xf32>
        %max3A_1336 = arith.maximumf %sub3A_1333, %max3A_1335 : vector<16xf32>
        %add3A_1337 = arith.constant 2 : i32
        %add3A_1338 = arith.addi %mul3A_1292, %add3A_1337 : i32
        %swap3A_1339 = arith.index_cast %add3A_1338 : i32 to index
        %swap3A_1340 = arith.constant 0 : index
        %swap3A_1341 = tpu.vector_load %arg5[%swap3A_1339, %swap3A_1340] {strides = array<i32>} : memref<4095x16xf32, #tpu.memory_space<vmem>>, vector<1x16xf32>,
        %swap3A_1342 = vector.shape_cast %swap3A_1341 : vector<1x16xf32> to vector<16xf32>
        %swap3A_1343 = vector.shape_cast %max3A_1336 : vector<16xf32> to vector<1x16xf32>
        tpu.vector_store %arg5[%swap3A_1339, %swap3A_1340], %swap3A_1343 {strides = array<i32>} : memref<4095x16xf32, #tpu.memory_space<vmem>>, vector<1x16xf32>,
        %add3A_1344 = arith.constant 3 : i32
        %add3A_1345 = arith.addi %mul3A_1292, %add3A_1344 : i32
        %get3A_1346 = arith.index_cast %add3A_1345 : i32 to index
        %get3A_1347 = arith.constant 0 : index
        %get3A_1348 = tpu.vector_load %arg5[%get3A_1346, %get3A_1347] {strides = array<i32>} : memref<4095x16xf32, #tpu.memory_space<vmem>>, vector<1x16xf32>,
        %get3A_1349 = vector.shape_cast %get3A_1348 : vector<1x16xf32> to vector<16xf32>
        %sub3A_1350 = arith.subf %get3A_1349, %add3A_1159 : vector<16xf32>
        %max3A_1351 = arith.constant 0.000000e+00 : f32
        %max3A_1352 = vector.broadcast %max3A_1351 : f32 to vector<16xf32>
        %max3A_1353 = arith.maximumf %sub3A_1350, %max3A_1352 : vector<16xf32>
        %add3A_1354 = arith.constant 3 : i32
        %add3A_1355 = arith.addi %mul3A_1292, %add3A_1354 : i32
        %swap3A_1356 = arith.index_cast %add3A_1355 : i32 to index
        %swap3A_1357 = arith.constant 0 : index
        %swap3A_1358 = tpu.vector_load %arg5[%swap3A_1356, %swap3A_1357] {strides = array<i32>} : memref<4095x16xf32, #tpu.memory_space<vmem>>, vector<1x16xf32>,
        %swap3A_1359 = vector.shape_cast %swap3A_1358 : vector<1x16xf32> to vector<16xf32>
        %swap3A_1360 = vector.shape_cast %max3A_1353 : vector<16xf32> to vector<1x16xf32>
        tpu.vector_store %arg5[%swap3A_1356, %swap3A_1357], %swap3A_1360 {strides = array<i32>} : memref<4095x16xf32, #tpu.memory_space<vmem>>, vector<1x16xf32>,
        %add3A_1361 = arith.constant 4 : i32
        %add3A_1362 = arith.addi %mul3A_1292, %add3A_1361 : i32
        %get3A_1363 = arith.index_cast %add3A_1362 : i32 to index
        %get3A_1364 = arith.constant 0 : index
        %get3A_1365 = tpu.vector_load %arg5[%get3A_1363, %get3A_1364] {strides = array<i32>} : memref<4095x16xf32, #tpu.memory_space<vmem>>, vector<1x16xf32>,
        %get3A_1366 = vector.shape_cast %get3A_1365 : vector<1x16xf32> to vector<16xf32>
        %sub3A_1367 = arith.subf %get3A_1366, %add3A_1159 : vector<16xf32>
        %max3A_1368 = arith.constant 0.000000e+00 : f32
        %max3A_1369 = vector.broadcast %max3A_1368 : f32 to vector<16xf32>
        %max3A_1370 = arith.maximumf %sub3A_1367, %max3A_1369 : vector<16xf32>
        %add3A_1371 = arith.constant 4 : i32
        %add3A_1372 = arith.addi %mul3A_1292, %add3A_1371 : i32
        %swap3A_1373 = arith.index_cast %add3A_1372 : i32 to index
        %swap3A_1374 = arith.constant 0 : index
        %swap3A_1375 = tpu.vector_load %arg5[%swap3A_1373, %swap3A_1374] {strides = array<i32>} : memref<4095x16xf32, #tpu.memory_space<vmem>>, vector<1x16xf32>,
        %swap3A_1376 = vector.shape_cast %swap3A_1375 : vector<1x16xf32> to vector<16xf32>
        %swap3A_1377 = vector.shape_cast %max3A_1370 : vector<16xf32> to vector<1x16xf32>
        tpu.vector_store %arg5[%swap3A_1373, %swap3A_1374], %swap3A_1377 {strides = array<i32>} : memref<4095x16xf32, #tpu.memory_space<vmem>>, vector<1x16xf32>,
        %add3A_1378 = arith.constant 5 : i32
        %add3A_1379 = arith.addi %mul3A_1292, %add3A_1378 : i32
        %get3A_1380 = arith.index_cast %add3A_1379 : i32 to index
        %get3A_1381 = arith.constant 0 : index
        %get3A_1382 = tpu.vector_load %arg5[%get3A_1380, %get3A_1381] {strides = array<i32>} : memref<4095x16xf32, #tpu.memory_space<vmem>>, vector<1x16xf32>,
        %get3A_1383 = vector.shape_cast %get3A_1382 : vector<1x16xf32> to vector<16xf32>
        %sub3A_1384 = arith.subf %get3A_1383, %add3A_1159 : vector<16xf32>
        %max3A_1385 = arith.constant 0.000000e+00 : f32
        %max3A_1386 = vector.broadcast %max3A_1385 : f32 to vector<16xf32>
        %max3A_1387 = arith.maximumf %sub3A_1384, %max3A_1386 : vector<16xf32>
        %add3A_1388 = arith.constant 5 : i32
        %add3A_1389 = arith.addi %mul3A_1292, %add3A_1388 : i32
        %swap3A_1390 = arith.index_cast %add3A_1389 : i32 to index
        %swap3A_1391 = arith.constant 0 : index
        %swap3A_1392 = tpu.vector_load %arg5[%swap3A_1390, %swap3A_1391] {strides = array<i32>} : memref<4095x16xf32, #tpu.memory_space<vmem>>, vector<1x16xf32>,
        %swap3A_1393 = vector.shape_cast %swap3A_1392 : vector<1x16xf32> to vector<16xf32>
        %swap3A_1394 = vector.shape_cast %max3A_1387 : vector<16xf32> to vector<1x16xf32>
        tpu.vector_store %arg5[%swap3A_1390, %swap3A_1391], %swap3A_1394 {strides = array<i32>} : memref<4095x16xf32, #tpu.memory_space<vmem>>, vector<1x16xf32>,
        %add3A_1395 = arith.constant 6 : i32
        %add3A_1396 = arith.addi %mul3A_1292, %add3A_1395 : i32
        %get3A_1397 = arith.index_cast %add3A_1396 : i32 to index
        %get3A_1398 = arith.constant 0 : index
        %get3A_1399 = tpu.vector_load %arg5[%get3A_1397, %get3A_1398] {strides = array<i32>} : memref<4095x16xf32, #tpu.memory_space<vmem>>, vector<1x16xf32>,
        %get3A_1400 = vector.shape_cast %get3A_1399 : vector<1x16xf32> to vector<16xf32>
        %sub3A_1401 = arith.subf %get3A_1400, %add3A_1159 : vector<16xf32>
        %max3A_1402 = arith.constant 0.000000e+00 : f32
        %max3A_1403 = vector.broadcast %max3A_1402 : f32 to vector<16xf32>
        %max3A_1404 = arith.maximumf %sub3A_1401, %max3A_1403 : vector<16xf32>
        %add3A_1405 = arith.constant 6 : i32
        %add3A_1406 = arith.addi %mul3A_1292, %add3A_1405 : i32
        %swap3A_1407 = arith.index_cast %add3A_1406 : i32 to index
        %swap3A_1408 = arith.constant 0 : index
        %swap3A_1409 = tpu.vector_load %arg5[%swap3A_1407, %swap3A_1408] {strides = array<i32>} : memref<4095x16xf32, #tpu.memory_space<vmem>>, vector<1x16xf32>,
        %swap3A_1410 = vector.shape_cast %swap3A_1409 : vector<1x16xf32> to vector<16xf32>
        %swap3A_1411 = vector.shape_cast %max3A_1404 : vector<16xf32> to vector<1x16xf32>
        tpu.vector_store %arg5[%swap3A_1407, %swap3A_1408], %swap3A_1411 {strides = array<i32>} : memref<4095x16xf32, #tpu.memory_space<vmem>>, vector<1x16xf32>,
        %add3A_1412 = arith.constant 7 : i32
        %add3A_1413 = arith.addi %mul3A_1292, %add3A_1412 : i32
        %get3A_1414 = arith.index_cast %add3A_1413 : i32 to index
        %get3A_1415 = arith.constant 0 : index
        %get3A_1416 = tpu.vector_load %arg5[%get3A_1414, %get3A_1415] {strides = array<i32>} : memref<4095x16xf32, #tpu.memory_space<vmem>>, vector<1x16xf32>,
        %get3A_1417 = vector.shape_cast %get3A_1416 : vector<1x16xf32> to vector<16xf32>
        %sub3A_1418 = arith.subf %get3A_1417, %add3A_1159 : vector<16xf32>
        %max3A_1419 = arith.constant 0.000000e+00 : f32
        %max3A_1420 = vector.broadcast %max3A_1419 : f32 to vector<16xf32>
        %max3A_1421 = arith.maximumf %sub3A_1418, %max3A_1420 : vector<16xf32>
        %add3A_1422 = arith.constant 7 : i32
        %add3A_1423 = arith.addi %mul3A_1292, %add3A_1422 : i32
        %swap3A_1424 = arith.index_cast %add3A_1423 : i32 to index
        %swap3A_1425 = arith.constant 0 : index
        %swap3A_1426 = tpu.vector_load %arg5[%swap3A_1424, %swap3A_1425] {strides = array<i32>} : memref<4095x16xf32, #tpu.memory_space<vmem>>, vector<1x16xf32>,
        %swap3A_1427 = vector.shape_cast %swap3A_1426 : vector<1x16xf32> to vector<16xf32>
        %swap3A_1428 = vector.shape_cast %max3A_1421 : vector<16xf32> to vector<1x16xf32>
        tpu.vector_store %arg5[%swap3A_1424, %swap3A_1425], %swap3A_1428 {strides = array<i32>} : memref<4095x16xf32, #tpu.memory_space<vmem>>, vector<1x16xf32>,
        %scan3A_1429 = arith.constant 0 : i32
        scf.yield %scan3A_1429 : i32
      }
      %scan3A_1173 = arith.constant 511 : i32
      %get3A_1174 = arith.constant 4088 : i32
      %get3A_1175 = arith.index_cast %get3A_1174 : i32 to index
      %get3A_1176 = arith.constant 0 : index
      %get3A_1177 = tpu.vector_load %arg5[%get3A_1175, %get3A_1176] {strides = array<i32>} : memref<4095x16xf32, #tpu.memory_space<vmem>>, vector<1x16xf32>,
      %get3A_1178 = vector.shape_cast %get3A_1177 : vector<1x16xf32> to vector<16xf32>
      %sub3A_1179 = arith.subf %get3A_1178, %add3A_1159 : vector<16xf32>
      %max3A_1180 = arith.constant 0.000000e+00 : f32
      %max3A_1181 = vector.broadcast %max3A_1180 : f32 to vector<16xf32>
      %max3A_1182 = arith.maximumf %sub3A_1179, %max3A_1181 : vector<16xf32>
      %swap3A = arith.constant 4088 : i32
      %swap3A_1183 = arith.index_cast %swap3A : i32 to index
      %swap3A_1184 = arith.constant 0 : index
      %swap3A_1185 = tpu.vector_load %arg5[%swap3A_1183, %swap3A_1184] {strides = array<i32>} : memref<4095x16xf32, #tpu.memory_space<vmem>>, vector<1x16xf32>,
      %swap3A_1186 = vector.shape_cast %swap3A_1185 : vector<1x16xf32> to vector<16xf32>
      %swap3A_1187 = vector.shape_cast %max3A_1182 : vector<16xf32> to vector<1x16xf32>
      tpu.vector_store %arg5[%swap3A_1183, %swap3A_1184], %swap3A_1187 {strides = array<i32>} : memref<4095x16xf32, #tpu.memory_space<vmem>>, vector<1x16xf32>,
      %get3A_1188 = arith.constant 4089 : i32
      %get3A_1189 = arith.index_cast %get3A_1188 : i32 to index
      %get3A_1190 = arith.constant 0 : index
      %get3A_1191 = tpu.vector_load %arg5[%get3A_1189, %get3A_1190] {strides = array<i32>} : memref<4095x16xf32, #tpu.memory_space<vmem>>, vector<1x16xf32>,
      %get3A_1192 = vector.shape_cast %get3A_1191 : vector<1x16xf32> to vector<16xf32>
      %sub3A_1193 = arith.subf %get3A_1192, %add3A_1159 : vector<16xf32>
      %max3A_1194 = arith.constant 0.000000e+00 : f32
      %max3A_1195 = vector.broadcast %max3A_1194 : f32 to vector<16xf32>
      %max3A_1196 = arith.maximumf %sub3A_1193, %max3A_1195 : vector<16xf32>
      %swap3A_1197 = arith.constant 4089 : i32
      %swap3A_1198 = arith.index_cast %swap3A_1197 : i32 to index
      %swap3A_1199 = arith.constant 0 : index
      %swap3A_1200 = tpu.vector_load %arg5[%swap3A_1198, %swap3A_1199] {strides = array<i32>} : memref<4095x16xf32, #tpu.memory_space<vmem>>, vector<1x16xf32>,
      %swap3A_1201 = vector.shape_cast %swap3A_1200 : vector<1x16xf32> to vector<16xf32>
      %swap3A_1202 = vector.shape_cast %max3A_1196 : vector<16xf32> to vector<1x16xf32>
      tpu.vector_store %arg5[%swap3A_1198, %swap3A_1199], %swap3A_1202 {strides = array<i32>} : memref<4095x16xf32, #tpu.memory_space<vmem>>, vector<1x16xf32>,
      %get3A_1203 = arith.constant 4090 : i32
      %get3A_1204 = arith.index_cast %get3A_1203 : i32 to index
      %get3A_1205 = arith.constant 0 : index
      %get3A_1206 = tpu.vector_load %arg5[%get3A_1204, %get3A_1205] {strides = array<i32>} : memref<4095x16xf32, #tpu.memory_space<vmem>>, vector<1x16xf32>,
      %get3A_1207 = vector.shape_cast %get3A_1206 : vector<1x16xf32> to vector<16xf32>
      %sub3A_1208 = arith.subf %get3A_1207, %add3A_1159 : vector<16xf32>
      %max3A_1209 = arith.constant 0.000000e+00 : f32
      %max3A_1210 = vector.broadcast %max3A_1209 : f32 to vector<16xf32>
      %max3A_1211 = arith.maximumf %sub3A_1208, %max3A_1210 : vector<16xf32>
      %swap3A_1212 = arith.constant 4090 : i32
      %swap3A_1213 = arith.index_cast %swap3A_1212 : i32 to index
      %swap3A_1214 = arith.constant 0 : index
      %swap3A_1215 = tpu.vector_load %arg5[%swap3A_1213, %swap3A_1214] {strides = array<i32>} : memref<4095x16xf32, #tpu.memory_space<vmem>>, vector<1x16xf32>,
      %swap3A_1216 = vector.shape_cast %swap3A_1215 : vector<1x16xf32> to vector<16xf32>
      %swap3A_1217 = vector.shape_cast %max3A_1211 : vector<16xf32> to vector<1x16xf32>
      tpu.vector_store %arg5[%swap3A_1213, %swap3A_1214], %swap3A_1217 {strides = array<i32>} : memref<4095x16xf32, #tpu.memory_space<vmem>>, vector<1x16xf32>,
      %get3A_1218 = arith.constant 4091 : i32
      %get3A_1219 = arith.index_cast %get3A_1218 : i32 to index
      %get3A_1220 = arith.constant 0 : index
      %get3A_1221 = tpu.vector_load %arg5[%get3A_1219, %get3A_1220] {strides = array<i32>} : memref<4095x16xf32, #tpu.memory_space<vmem>>, vector<1x16xf32>,
      %get3A_1222 = vector.shape_cast %get3A_1221 : vector<1x16xf32> to vector<16xf32>
      %sub3A_1223 = arith.subf %get3A_1222, %add3A_1159 : vector<16xf32>
      %max3A_1224 = arith.constant 0.000000e+00 : f32
      %max3A_1225 = vector.broadcast %max3A_1224 : f32 to vector<16xf32>
      %max3A_1226 = arith.maximumf %sub3A_1223, %max3A_1225 : vector<16xf32>
      %swap3A_1227 = arith.constant 4091 : i32
      %swap3A_1228 = arith.index_cast %swap3A_1227 : i32 to index
      %swap3A_1229 = arith.constant 0 : index
      %swap3A_1230 = tpu.vector_load %arg5[%swap3A_1228, %swap3A_1229] {strides = array<i32>} : memref<4095x16xf32, #tpu.memory_space<vmem>>, vector<1x16xf32>,
      %swap3A_1231 = vector.shape_cast %swap3A_1230 : vector<1x16xf32> to vector<16xf32>
      %swap3A_1232 = vector.shape_cast %max3A_1226 : vector<16xf32> to vector<1x16xf32>
      tpu.vector_store %arg5[%swap3A_1228, %swap3A_1229], %swap3A_1232 {strides = array<i32>} : memref<4095x16xf32, #tpu.memory_space<vmem>>, vector<1x16xf32>,
      %get3A_1233 = arith.constant 4092 : i32
      %get3A_1234 = arith.index_cast %get3A_1233 : i32 to index
      %get3A_1235 = arith.constant 0 : index
      %get3A_1236 = tpu.vector_load %arg5[%get3A_1234, %get3A_1235] {strides = array<i32>} : memref<4095x16xf32, #tpu.memory_space<vmem>>, vector<1x16xf32>,
      %get3A_1237 = vector.shape_cast %get3A_1236 : vector<1x16xf32> to vector<16xf32>
      %sub3A_1238 = arith.subf %get3A_1237, %add3A_1159 : vector<16xf32>
      %max3A_1239 = arith.constant 0.000000e+00 : f32
      %max3A_1240 = vector.broadcast %max3A_1239 : f32 to vector<16xf32>
      %max3A_1241 = arith.maximumf %sub3A_1238, %max3A_1240 : vector<16xf32>
      %swap3A_1242 = arith.constant 4092 : i32
      %swap3A_1243 = arith.index_cast %swap3A_1242 : i32 to index
      %swap3A_1244 = arith.constant 0 : index
      %swap3A_1245 = tpu.vector_load %arg5[%swap3A_1243, %swap3A_1244] {strides = array<i32>} : memref<4095x16xf32, #tpu.memory_space<vmem>>, vector<1x16xf32>,
      %swap3A_1246 = vector.shape_cast %swap3A_1245 : vector<1x16xf32> to vector<16xf32>
      %swap3A_1247 = vector.shape_cast %max3A_1241 : vector<16xf32> to vector<1x16xf32>
      tpu.vector_store %arg5[%swap3A_1243, %swap3A_1244], %swap3A_1247 {strides = array<i32>} : memref<4095x16xf32, #tpu.memory_space<vmem>>, vector<1x16xf32>,
      %get3A_1248 = arith.constant 4093 : i32
      %get3A_1249 = arith.index_cast %get3A_1248 : i32 to index
      %get3A_1250 = arith.constant 0 : index
      %get3A_1251 = tpu.vector_load %arg5[%get3A_1249, %get3A_1250] {strides = array<i32>} : memref<4095x16xf32, #tpu.memory_space<vmem>>, vector<1x16xf32>,
      %get3A_1252 = vector.shape_cast %get3A_1251 : vector<1x16xf32> to vector<16xf32>
      %sub3A_1253 = arith.subf %get3A_1252, %add3A_1159 : vector<16xf32>
      %max3A_1254 = arith.constant 0.000000e+00 : f32
      %max3A_1255 = vector.broadcast %max3A_1254 : f32 to vector<16xf32>
      %max3A_1256 = arith.maximumf %sub3A_1253, %max3A_1255 : vector<16xf32>
      %swap3A_1257 = arith.constant 4093 : i32
      %swap3A_1258 = arith.index_cast %swap3A_1257 : i32 to index
      %swap3A_1259 = arith.constant 0 : index
      %swap3A_1260 = tpu.vector_load %arg5[%swap3A_1258, %swap3A_1259] {strides = array<i32>} : memref<4095x16xf32, #tpu.memory_space<vmem>>, vector<1x16xf32>,
      %swap3A_1261 = vector.shape_cast %swap3A_1260 : vector<1x16xf32> to vector<16xf32>
      %swap3A_1262 = vector.shape_cast %max3A_1256 : vector<16xf32> to vector<1x16xf32>
      tpu.vector_store %arg5[%swap3A_1258, %swap3A_1259], %swap3A_1262 {strides = array<i32>} : memref<4095x16xf32, #tpu.memory_space<vmem>>, vector<1x16xf32>,
      %get3A_1263 = arith.constant 4094 : i32
      %get3A_1264 = arith.index_cast %get3A_1263 : i32 to index
      %get3A_1265 = arith.constant 0 : index
      %get3A_1266 = tpu.vector_load %arg5[%get3A_1264, %get3A_1265] {strides = array<i32>} : memref<4095x16xf32, #tpu.memory_space<vmem>>, vector<1x16xf32>,
      %get3A_1267 = vector.shape_cast %get3A_1266 : vector<1x16xf32> to vector<16xf32>
      %sub3A_1268 = arith.subf %get3A_1267, %add3A_1159 : vector<16xf32>
      %max3A_1269 = arith.constant 0.000000e+00 : f32
      %max3A_1270 = vector.broadcast %max3A_1269 : f32 to vector<16xf32>
      %max3A_1271 = arith.maximumf %sub3A_1268, %max3A_1270 : vector<16xf32>
      %swap3A_1272 = arith.constant 4094 : i32
      %swap3A_1273 = arith.index_cast %swap3A_1272 : i32 to index
      %swap3A_1274 = arith.constant 0 : index
      %swap3A_1275 = tpu.vector_load %arg5[%swap3A_1273, %swap3A_1274] {strides = array<i32>} : memref<4095x16xf32, #tpu.memory_space<vmem>>, vector<1x16xf32>,
      %swap3A_1276 = vector.shape_cast %swap3A_1275 : vector<1x16xf32> to vector<16xf32>
      %swap3A_1277 = vector.shape_cast %max3A_1271 : vector<16xf32> to vector<1x16xf32>
      tpu.vector_store %arg5[%swap3A_1273, %swap3A_1274], %swap3A_1277 {strides = array<i32>} : memref<4095x16xf32, #tpu.memory_space<vmem>>, vector<1x16xf32>,
      %sub3A_1278 = arith.subf %get3A_17, %add3A_1159 : vector<16xf32>
      %max3A_1279 = arith.constant 0.000000e+00 : f32
      %max3A_1280 = vector.broadcast %max3A_1279 : f32 to vector<16xf32>
      %max3A_1281 = arith.maximumf %sub3A_1278, %max3A_1280 : vector<16xf32>
      "tpu.region"() ({
        %run_scoped3A = tpu.sem_alloc : memref<!tpu.dma_semaphore, #tpu.memory_space<semaphore_mem>>
        %dma_start3A = arith.constant 0 : i32
        %dma_start3A_1289 = tpu.memref_slice %arg3[%dma_start3A, %mul3A_13] : memref<8192x2048xf32, #tpu.memory_space<hbm>> -> memref<4096x16xf32, #tpu.memory_space<hbm>>
        %dma_start3A_1290 = arith.constant 0 : i32
        %dma_start3A_1291 = tpu.memref_slice %arg3[%dma_start3A_1290, %mul3A_13] : memref<8192x2048xf32, #tpu.memory_space<hbm>> -> memref<4096x16xf32, #tpu.memory_space<hbm>>
        tpu.enqueue_dma source(%arg4 : memref<4096x16xf32, #tpu.memory_space<vmem>>) target(%dma_start3A_1291 : memref<4096x16xf32, #tpu.memory_space<hbm>>) target_semaphore(%run_scoped3A : memref<!tpu.dma_semaphore, #tpu.memory_space<semaphore_mem>>)
        %dma_wait3A = arith.constant 0 : i32
        %dma_wait3A_1292 = tpu.memref_slice %arg3[%dma_wait3A, %mul3A_13] : memref<8192x2048xf32, #tpu.memory_space<hbm>> -> memref<4096x16xf32, #tpu.memory_space<hbm>>
        %dma_wait3A_1293 = arith.constant 0 : i32
        %dma_wait3A_1294 = tpu.memref_slice %arg3[%dma_wait3A_1293, %mul3A_13] : memref<8192x2048xf32, #tpu.memory_space<hbm>> -> memref<4096x16xf32, #tpu.memory_space<hbm>>
        tpu.wait_dma2 semaphore(%run_scoped3A : memref<!tpu.dma_semaphore, #tpu.memory_space<semaphore_mem>>) src(%arg4 : memref<4096x16xf32, #tpu.memory_space<vmem>>) dst(%dma_wait3A_1294 : memref<4096x16xf32, #tpu.memory_space<hbm>>)
        tpu.yield
      }) : () -> ()
      "tpu.region"() ({
        %run_scoped3A = tpu.sem_alloc : memref<!tpu.dma_semaphore, #tpu.memory_space<semaphore_mem>>
        %dma_start3A = arith.constant 4096 : i32
        %dma_start3A_1289 = tpu.memref_slice %arg3[%dma_start3A, %mul3A_13] : memref<8192x2048xf32, #tpu.memory_space<hbm>> -> memref<4095x16xf32, #tpu.memory_space<hbm>>
        %dma_start3A_1290 = arith.constant 4096 : i32
        %dma_start3A_1291 = tpu.memref_slice %arg3[%dma_start3A_1290, %mul3A_13] : memref<8192x2048xf32, #tpu.memory_space<hbm>> -> memref<4095x16xf32, #tpu.memory_space<hbm>>
        tpu.enqueue_dma source(%arg5 : memref<4095x16xf32, #tpu.memory_space<vmem>>) target(%dma_start3A_1291 : memref<4095x16xf32, #tpu.memory_space<hbm>>) target_semaphore(%run_scoped3A : memref<!tpu.dma_semaphore, #tpu.memory_space<semaphore_mem>>)
        %dma_wait3A = arith.constant 4096 : i32
        %dma_wait3A_1292 = tpu.memref_slice %arg3[%dma_wait3A, %mul3A_13] : memref<8192x2048xf32, #tpu.memory_space<hbm>> -> memref<4095x16xf32, #tpu.memory_space<hbm>>
        %dma_wait3A_1293 = arith.constant 4096 : i32
        %dma_wait3A_1294 = tpu.memref_slice %arg3[%dma_wait3A_1293, %mul3A_13] : memref<8192x2048xf32, #tpu.memory_space<hbm>> -> memref<4095x16xf32, #tpu.memory_space<hbm>>
        tpu.wait_dma2 semaphore(%run_scoped3A : memref<!tpu.dma_semaphore, #tpu.memory_space<semaphore_mem>>) src(%arg5 : memref<4095x16xf32, #tpu.memory_space<vmem>>) dst(%dma_wait3A_1294 : memref<4095x16xf32, #tpu.memory_space<hbm>>)
        tpu.yield
      }) : () -> ()
      %swap3A_1282 = arith.constant 0 : i32
      %swap3A_1283 = arith.index_cast %swap3A_1282 : i32 to index
      %swap3A_1284 = arith.constant 0 : index
      %swap3A_1285 = tpu.vector_load %arg4[%swap3A_1283, %swap3A_1284] {strides = array<i32>} : memref<4096x16xf32, #tpu.memory_space<vmem>>, vector<1x16xf32>,
      %swap3A_1286 = vector.shape_cast %swap3A_1285 : vector<1x16xf32> to vector<16xf32>
      %swap3A_1287 = vector.shape_cast %max3A_1281 : vector<16xf32> to vector<1x16xf32>
      tpu.vector_store %arg4[%swap3A_1283, %swap3A_1284], %swap3A_1287 {strides = array<i32>} : memref<4096x16xf32, #tpu.memory_space<vmem>>, vector<1x16xf32>,
      "tpu.region"() ({
        %run_scoped3A = tpu.sem_alloc : memref<!tpu.dma_semaphore, #tpu.memory_space<semaphore_mem>>
        %dma_start3A = arith.constant 0 : i32
        %dma_start3A_1289 = arith.constant 0 : i32
        %dma_start3A_1290 = tpu.memref_slice %arg4[%dma_start3A, %dma_start3A_1289] : memref<4096x16xf32, #tpu.memory_space<vmem>> -> memref<1x16xf32, #tpu.memory_space<vmem>>
        %dma_start3A_1291 = arith.constant 8191 : i32
        %dma_start3A_1292 = tpu.memref_slice %arg3[%dma_start3A_1291, %mul3A_13] : memref<8192x2048xf32, #tpu.memory_space<hbm>> -> memref<1x16xf32, #tpu.memory_space<hbm>>
        %dma_start3A_1293 = arith.constant 8191 : i32
        %dma_start3A_1294 = tpu.memref_slice %arg3[%dma_start3A_1293, %mul3A_13] : memref<8192x2048xf32, #tpu.memory_space<hbm>> -> memref<1x16xf32, #tpu.memory_space<hbm>>
        %dma_start3A_1295 = arith.constant 0 : i32
        %dma_start3A_1296 = arith.constant 0 : i32
        %dma_start3A_1297 = tpu.memref_slice %arg4[%dma_start3A_1295, %dma_start3A_1296] : memref<4096x16xf32, #tpu.memory_space<vmem>> -> memref<1x16xf32, #tpu.memory_space<vmem>>
        tpu.enqueue_dma source(%dma_start3A_1297 : memref<1x16xf32, #tpu.memory_space<vmem>>) target(%dma_start3A_1294 : memref<1x16xf32, #tpu.memory_space<hbm>>) target_semaphore(%run_scoped3A : memref<!tpu.dma_semaphore, #tpu.memory_space<semaphore_mem>>)
        %dma_wait3A = arith.constant 0 : i32
        %dma_wait3A_1298 = arith.constant 0 : i32
        %dma_wait3A_1299 = tpu.memref_slice %arg4[%dma_wait3A, %dma_wait3A_1298] : memref<4096x16xf32, #tpu.memory_space<vmem>> -> memref<1x16xf32, #tpu.memory_space<vmem>>
        %dma_wait3A_1300 = arith.constant 8191 : i32
        %dma_wait3A_1301 = tpu.memref_slice %arg3[%dma_wait3A_1300, %mul3A_13] : memref<8192x2048xf32, #tpu.memory_space<hbm>> -> memref<1x16xf32, #tpu.memory_space<hbm>>
        %dma_wait3A_1302 = arith.constant 8191 : i32
        %dma_wait3A_1303 = tpu.memref_slice %arg3[%dma_wait3A_1302, %mul3A_13] : memref<8192x2048xf32, #tpu.memory_space<hbm>> -> memref<1x16xf32, #tpu.memory_space<hbm>>
        %dma_wait3A_1304 = arith.constant 0 : i32
        %dma_wait3A_1305 = arith.constant 0 : i32
        %dma_wait3A_1306 = tpu.memref_slice %arg4[%dma_wait3A_1304, %dma_wait3A_1305] : memref<4096x16xf32, #tpu.memory_space<vmem>> -> memref<1x16xf32, #tpu.memory_space<vmem>>
        tpu.wait_dma2 semaphore(%run_scoped3A : memref<!tpu.dma_semaphore, #tpu.memory_space<semaphore_mem>>) src(%dma_wait3A_1306 : memref<1x16xf32, #tpu.memory_space<vmem>>) dst(%dma_wait3A_1303 : memref<1x16xf32, #tpu.memory_space<hbm>>)
        tpu.yield
      }) : () -> ()
      %scan3A_1288 = arith.constant 0 : i32
      scf.yield %scan3A_1288 : i32
    }
    %scan3A_6 = arith.constant 4 : i32
    return
  }
}

</mosaic_0001>

<sc_bundles>
// kernel: kernel.3.cloned.1.call-start
scs
__scs_entry_jumppad:
0x0: {  	(pc) =	sbr.rel $0x88, $3  }
0x1: {  	(tag) =	ssettag $0x0;
	lr =	simm.s32 $0x1  }
0x2: {  	[smem:$0x3FA0] =	sst lr;
	_ =	strace $0xD0000000  }
0x3: {  	_ = 	snop  }
0x4: {  	_ = 	snop  }
0x5: {  	_ = 	snop  }
0x6: {  	_ = 	snop  }
0x7: {  	_ = 	snop  }
__scs_overlays_trampoline_lowered:
0x8: {  	[smem:$0x3FAF] =	sst s0  }
0x9: {  	[smem:$0x3FB0] =	sst s1  }
0xa: {  	[smem:$0x3FB1] =	sst s2  }
0xb: {  	[smem:$0x3FB2] =	sst s3  }
0xc: {  	[smem:$0x3FB3] =	sst s4  }
0xd: {  	[smem:$0x3FB4] =	sst s5  }
0xe: {  	[smem:$0x3FB5] =	sst s6  }
0xf: {  	[smem:$0x3FB6] =	sst s7  }
0x10: {  	[smem:$0x3FB7] =	sst s8  }
0x11: {  	[smem:$0x3FB8] =	sst s9;
	s0 =	simm.s32 @!p0 $0x0  }
0x12: {  	s1 =	sld [smem:$0x3F9E];
	s0 =	simm.s32 @p0 $0x1  }
0x13: {  	[smem:$0x3FB9] =	sst s0;
	s0 =	simm.s32 @!p1 $0x0  }
0x14: {  	s2 =	sld [smem:$0x3F9D];
	s0 =	simm.s32 @p1 $0x1  }
0x15: {  	[smem:$0x3FBA] =	sst s0;
	s0 =	simm.s32 @!p2 $0x0  }
0x16: {  	s3 =	sld [smem:$0x3FDB];
	s0 =	simm.s32 @p2 $0x1  }
0x17: {  	s4 =	simm.s32 $0x1BF5;
	[smem:$0x3FBC] =	sst s0  }
0x18: {  	s0 =	sld [smem:$0x3F9F];
	_ =	swait.ge [sflag:s4], $0x0  }
0x19: {  	s7 =	sld [smem:$0x3FA0]  }
0x1a: {  	s8 =	sadd.s32 $0xFFFFE003, lr  }
0x1b: {  	s9 =	sadd.s32 $0xFFFFFEF7, lr;
	s5 =	simm.s32 $0xFFFFFFFF;
	p2 =	slt.u32 s8, $0xFFFFF086  }
0x1c: {  	p1 =	slt.u32 s9, $0xF7A;
	s5 =	simm.s32 @!p2 $0x0  }
0x1d: {  	s5 =	simm.s32 @p1 $0x1;
	p0 =	seq.s32 s7, s2  }
0x1e: {  	s7 =	smul.u32 @!p0 $0xF7A, s2;
	p2 =	seq.s32 @!p0 s5, $0x0  }
0x1f: {  	s9 =	smul.u32 $0xF7A, s1;
	s8 =	simm.s32 @!p0 $0x1BF5;
	p2 =	por !p2, p0  }
0x20: {  	[sflag:s8] =	ssyncset.s32 @!p0 $0xFFFFF086;
	s6 =	sadd.s32 @!p0 s3, s7;
	s7 =	simm.s32 @!p0 $0x108  }
0x21: {  	s3 =	sadd.s32 s3, s9;
	s6 =	sadd.s32 @!p0 $0x88, s6;
	s7 =	simm.s32 @p2 $0x1082  }
0x22: {  	[simem:s7], [sflag:s8] =	dma.local @!p0 [hbm:s6], $0xF7A  }
0x23: {  	s9 =	sor.u32 $0xD0000000, s2;
	s6 =	simm.s32 $0x108;
	_ =	swait.ge @!p0 [sflag:s8], $0x0  }
0x24: {  	s3 =	sadd.s32 $0x88, s3;
	s6 =	simm.s32 @!p1 $0x1082;
	[sflag:s4] =	ssyncset.s32 $0xFFFFF086  }
0x25: {  	[simem:s6], [sflag:s4] =	dma.local [hbm:s3], $0xF7A  }
0x26: {  	[smem:$0x3FA0] =	sst s1;
	(tag) =	ssettag s2;
	_ =	strace s9  }
0x27: {  	s1 =	sld [smem:$0x3FB0]  }
0x28: {  	s2 =	sld [smem:$0x3FB1]  }
0x29: {  	s4 =	sld [smem:$0x3FB3]  }
0x2a: {  	p0 =	seq.s32 s5, $0x0;
	s5 =	sld [smem:$0x3FB4]  }
0x2b: {  	s6 =	sld [smem:$0x3FB5]  }
0x2c: {  	s7 =	sld [smem:$0x3FB6]  }
0x2d: {  	s3 =	simm.s32 $0x108;
	s8 =	sld [smem:$0x3FB7]  }
0x2e: {  	s3 =	simm.s32 @!p0 $0x1082;
	s9 =	sld [smem:$0x3FB8]  }
0x2f: {  	lr =	sadd.s32 s0, s3;
	s0 =	sld [smem:$0x3FAF]  }
0x30: {  	s3 =	sld [smem:$0x3FB2]  }
0x31: {  	[smem:$0x3FBB] =	sst s10  }
0x32: {  	s10 =	sld [smem:$0x3FB9];
	_ =	sdelay $0x3  }
0x33: {  	p0 =	seq.s32 s10, $0x1;
	s10 =	sld [smem:$0x3FBB];
	_ =	sdelay $0x3  }
0x34: {  	[smem:$0x3FBB] =	sst s10  }
0x35: {  	s10 =	sld [smem:$0x3FBA];
	_ =	sdelay $0x3  }
0x36: {  	p1 =	seq.s32 s10, $0x1;
	s10 =	sld [smem:$0x3FBB];
	_ =	sdelay $0x3  }
0x37: {  	[smem:$0x3FBB] =	sst s10  }
0x38: {  	s10 =	sld [smem:$0x3FBC]  }
0x39: {  	_ = 	snop;
	(pc) =	sbr.ind lr, $3  }
0x3a: {  	_ = 	snop  }
0x3b: {  	_ = 	snop  }
0x3c: {  	p2 =	seq.s32 s10, $0x1;
	s10 =	sld [smem:$0x3FBB]  }
0x3d: {  	_ =	shalt  }
0x3e: {  	_ =	shalt  }
0x3f: {  	_ =	shalt  }
0x40: {  	_ =	shalt  }
0x41: {  	_ =	shalt  }
0x42: {  	_ =	shalt  }
0x43: {  	_ =	shalt  }
0x44: {  	_ =	shalt  }
0x45: {  	_ =	shalt  }
0x46: {  	_ =	shalt  }
0x47: {  	_ =	shalt  }
0x48: {  	_ =	shalt  }
0x49: {  	_ =	shalt  }
0x4a: {  	_ =	shalt  }
0x4b: {  	_ =	shalt  }
0x4c: {  	_ =	shalt  }
0x4d: {  	_ =	shalt  }
0x4e: {  	_ =	shalt  }
0x4f: {  	_ =	shalt  }
0x50: {  	_ =	shalt  }
0x51: {  	_ =	shalt  }
0x52: {  	_ =	shalt  }
0x53: {  	_ =	shalt  }
0x54: {  	_ =	shalt  }
0x55: {  	_ =	shalt  }
0x56: {  	_ =	shalt  }
0x57: {  	_ =	shalt  }
0x58: {  	_ =	shalt  }
0x59: {  	_ =	shalt  }
0x5a: {  	_ =	shalt  }
0x5b: {  	_ =	shalt  }
0x5c: {  	_ =	shalt  }
0x5d: {  	_ =	shalt  }
0x5e: {  	_ =	shalt  }
0x5f: {  	_ =	shalt  }
0x60: {  	_ =	shalt  }
0x61: {  	_ =	shalt  }
0x62: {  	_ =	shalt  }
0x63: {  	_ =	shalt  }
0x64: {  	_ =	shalt  }
0x65: {  	_ =	shalt  }
0x66: {  	_ =	shalt  }
0x67: {  	_ =	shalt  }
0x68: {  	_ =	shalt  }
0x69: {  	_ =	shalt  }
0x6a: {  	_ =	shalt  }
0x6b: {  	_ =	shalt  }
0x6c: {  	_ =	shalt  }
0x6d: {  	_ =	shalt  }
0x6e: {  	_ =	shalt  }
0x6f: {  	_ =	shalt  }
0x70: {  	_ =	shalt  }
0x71: {  	_ =	shalt  }
0x72: {  	_ =	shalt  }
0x73: {  	_ =	shalt  }
0x74: {  	_ =	shalt  }
0x75: {  	_ =	shalt  }
0x76: {  	_ =	shalt  }
0x77: {  	_ =	shalt  }
0x78: {  	_ =	shalt  }
0x79: {  	_ =	shalt  }
0x7a: {  	_ =	shalt  }
0x7b: {  	_ =	shalt  }
0x7c: {  	_ =	shalt  }
0x7d: {  	_ =	shalt  }
0x7e: {  	_ =	shalt  }
0x7f: {  	_ =	shalt  }
0x80: {  	_ =	shalt  }
0x81: {  	_ =	shalt  }
0x82: {  	_ =	shalt  }
0x83: {  	_ =	shalt  }
0x84: {  	_ =	shalt  }
0x85: {  	_ =	shalt  }
0x86: {  	_ =	shalt  }
0x87: {  	_ =	shalt  }
.Lfunc_end0:
.L_simem_size_0:
called_computation.1_lowered:
.L_overlay_start_0:
0x88: {  	s2 =	sld [smem:$0x3FD9]  }
0x89: {  	s3 =	sld [smem:$0x3FFE];
	_ =	sdelay $0x1  }
0x8a: {  	s1 =	srdreg.scid  }
0x8b: {  	s0 =	sand.u32 $0x1, s1  }
0x8c: {  	s17 =	sshll.u32 s0, $0xA;
	s2 =	sadd.s32 s3, s2  }
0x8d: {  	s2 =	sadd.s32 s2, s17  }
0x8e: {  	[smem:$0x3FC7] =	sst s2  }
0x8f: {  	_ = 	snop  }
0x90: {  	s2 =	sld [smem:$0x3FD0];
	(tm) =	ssettm $0x1  }
0x91: {  	s18 =	sld [smem:$0x3FFB];
	_ =	sdelay $0x3  }
0x92: {  	_ =	strace s18  }
0x93: {  	s3 =	sld [smem:$0x3FFC];
	_ =	sdelay $0x3  }
0x94: {  	_ =	strace s3  }
0x95: {  	s3 =	sld [smem:$0x3FFD];
	_ =	sdelay $0x3  }
0x96: {  	_ =	strace s3  }
0x97: {  	_ =	strace $0x8FFFFFFF  }
0x98: {  	s19 =	sld [smem:$0x3FDB];
	_ =	sdelay $0x1  }
0x99: {  	s4 =	simm.s32 $_scs_section_size  }
0x9a: {  	s5 =	simm.s32 $_size__tile_overlayer_lowered;
	s6 =	simm.s32 $_tile_overlayer_lowered  }
0x9b: {  	s22 =	simm.s32 $0x1BFF;
	s21 =	sshll.u32 s6, $0x1;
	s3 =	sadd.s32 s4, s19  }
0x9c: {  	s7 =	simm.s32 $0x0;
	s20 =	sshll.u32 s5, $0x1;
	s5 =	sadd.s32 s21, s3  }
0x9d: {  	[timem:s7], [sflag:s22] =	dma.local [hbm:s5], s20  }
0x9e: {  	_ =	swait.ge [sflag:s22], s20  }
0x9f: {  	s4 =	ssub.s32 $0x0, s20;
	[sflag:s22] =	ssyncset.done $0x0  }
0xa0: {  	[sflag:s22] =	ssyncadd.s32 s4;
	_ =	sdelay $0x1  }
0xa1: {  	s23 =	simm.s32 $0x1B8B  }
0xa2: {  	_ =	swait.ge [sflag:s23], $0x1  }
0xa3: {  	[sflag:s23] =	ssyncset.done $0x0  }
0xa4: {  	s25 =	simm.s32 $0x1B8E;
	s24 =	sld [smem:$0x3FFE];
	[sflag:s23] =	ssyncadd.s32 $0xFFFFFFFF  }
0xa5: {  	s26 =	simm.s32 $execute0_lowered;
	[smem:$0x3FD2] =	sst s25  }
0xa6: {  	s5 =	sshll.u32 s26, $0x1;
	_ =	strace $0x80000049;
	[dreg:$0x1] =	wrdreg $0xFFFFFFFF  }
0xa7: {  	s28 =	simm.s32 $_size_execute0_lowered;
	s3 =	sadd.s32 s3, s5;
	[dreg:$0x0] =	wrdreg $0x0  }
0xa8: {  	s5 =	sshll.u32 s28, $0x1;
	[dreg:$0x2] =	wrdreg s3  }
0xa9: {  	[dreg:$0x3] =	wrdreg s5  }
0xaa: {  	[dreg:$0x4] =	wrdreg $0xC0  }
0xab: {  	_ =	task [dreg:s7], $0x5FFFF  }
0xac: {  	[dreg:$0x1] =	wrdreg $0xFFFFFFFF  }
0xad: {  	[dreg:$0x0] =	wrdreg $0x60  }
0xae: {  	[dreg:$0x2] =	wrdreg s2  }
0xaf: {  	[dreg:$0x3] =	wrdreg s24  }
0xb0: {  	[dreg:$0x4] =	wrdreg $0x9  }
0xb1: {  	_ =	task.clear_ibuf [dreg:s7], $0x5FFFF;
	_ =	strace $0x90000049  }
0xb2: {  	s29 =	simm.s32 $0x9;
	_ =	strace $0x8000004B  }
0xb3: {  	_ =	swait.ge [sflag:s29], $0x1  }
0xb4: {  	[sflag:s29] =	ssyncadd.s32 $0xFFFFFFFF  }
0xb5: {  	_ =	strace $0x9000004B  }
0xb6: {  	_ =	sfence  }
0xb7: {  	s30 =	sld [smem:$0x0];
	_ =	sdelay $0x2  }
0xb8: {  	s31 =	sshll.u32 s1, $0xD;
	s1 =	sshrl.u32 s1, $0x2  }
0xb9: {  	s3 =	sand.u32 $0x4000, s31;
	s1 =	sadd.s32 s1, s30  }
0xba: {  	s0 =	sor.u32 s3, s0;
	s1 =	sshll.u32 s1, $0x11  }
0xbb: {  	s0 =	sor.u32 s1, s0  }
0xbc: {  	s0 =	sadd.s32 $0x8F2B, s0  }
0xbd: {  	[sflag:s0] =	ssyncadd.remote.s32 $0x1  }
0xbe: {  	_ =	sfence.sel $0xFFFF  }
0xbf: {  	[dreg:$0x0] =	wrdreg $0xFFFFFFFF;
	(pc) =	sbr.abs _section_cstart, $3  }
0xc0: {  	[dreg:$0x1] =	wrdreg $0xFFFFFFFF  }
0xc1: {  	_ =	task.clear_ibuf [dreg:s7], $0x2FFFF;
	_ =	strace $0x9FFFFFFF  }
0xc2: {  	(tm) =	ssettm $0x7FFFFFFF  }
0xc3: {  	_ =	shalt  }
tec
execute0_lowered:
.L_overlay_start_1:
0x0: {  	(tag) =	ssettag $0x1  }
0x1: {  	s1 =	rddreg [dreg:$0x0]  }
0x2: {  	s4 =	rddreg [dreg:$0x1]  }
0x3: {  	s0 =	rddreg [dreg:$0x2];
	s2 =	simm.s32 $0x0  }
0x4: {  	s3 =	srdreg.scid;
	s9 =	simm.s32 $0x800;
	s10 =	simm.s32 $0x10000  }
0x5: {  	s11 =	simm.s32 $0x0;
	[smem:$0x7FF] =	sst s2;
	s5 =	sand.u32 $0x1, s3  }
0x6: {  	s3 =	stileid.u32;
	s4 =	sadd.s32 $0x800, s4;
	s6 =	ssub.s32 $0x2, s5  }
0x7: {  	s8 =	sshll.u32 s3, $0x3;
	s5 =	sshll.u32 s5, $0x2;
	s7 =	sshrl.u32 s6, $0x1  }
0x8: {  	_ =	strace $0x8000004A;
	s5 =	sor.u32 s5, s8;
	s6 =	ssub.s32 s6, s7  }
0x9: {  	v0 =	vimm.f32 $0.0e+00;
	s8 =	simm.s32 $0x10;
	s7 =	simm.s32 $0x1;
	s6 =	smax.u32 s6, $0x1  }
.LBB2_1:
0xa: {  	s12 =	simm.s32 $0x0  }
.LBB2_2:
0xb: {  	s13 =	sadd.s32 s5, s12  }
0xc: {  	s14 =	sshll.u32 s13, $0x1  }
0xd: {  	s13 =	sor.u32 $0x1FFF00, s14  }
0xe: {  	s16 =	simm.s32 $0x0;
	s15 =	sadd.s32 s1, s13  }
0xf: {  	[tilespmem:s16], [sflag:$0x1] =	stream.linear.gather [hbm4b:s15+s16], $0x10, $0x38;
	v63 =	vld [tilespmem:$0x0]  }
0x10: {  	_ =	swait.ge [sflag:s7], $0x10  }
0x11: {  	[sflag:s7] =	ssyncset.done $0x0  }
0x12: {  	s30 =	sadd.s32 s1, s14;
	[sflag:s7] =	ssyncadd.s32 $0xFFFFFFF0  }
0x13: {  	v1 =	vld [tilespmem:$0x0];
	[tilespmem:s16], [sflag:$0x1] =	stream.strided.gather [hbm4b:s30+s8], $0x10000, s9, s8, $0x38  }
0x14: {  	_ =	swait.ge [sflag:s7], $0x10000  }
0x15: {  	s15 =	sor.u32 $0x100000, s14;
	[sflag:s7] =	ssyncset.done $0x0  }
0x16: {  	s31 =	sadd.s32 s1, s15;
	[sflag:s7] =	ssyncadd.s32 $0xFFFF0000  }
0x17: {  	[tilespmem:s10], [sflag:$0x1] =	stream.strided.gather [hbm4b:s31+s8], $0xFFF0, s9, s8, $0x38;
	v63 =	vld [tilespmem:$0x0]  }
0x18: {  	_ =	swait.ge [sflag:s7], $0xFFF0  }
0x19: {  	[sflag:s7] =	ssyncset.done $0x0  }
0x1a: {  	s16 =	simm.s32 $0x0;
	[sflag:s7] =	ssyncadd.s32 $0xFFFF0010  }
0x1b: {  	v3 =	vld [tilespmem:s16+$0x60]  }
0x1c: {  	v2 =	vld [tilespmem:s16+$0x40]  }
0x1d: {  	v8 =	vld [tilespmem:s16+$0x20]  }
0x1e: {  	v6 =	vld [tilespmem:s16+$0x0]  }
0x1f: {  	v9 =	vld [tilespmem:s16+$0x10]  }
0x20: {  	v10 =	vld [tilespmem:s16+$0x30]  }
0x21: {  	v11 =	vld [tilespmem:s16+$0x50]  }
0x22: {  	s17 =	simm.s32 $0x80;
	v7 =	vld [tilespmem:s16+$0x70]  }
0x23: {  	v4 =	vld [tilespmem:s17+$0x60]  }
0x24: {  	v5 =	vld [tilespmem:s17+$0x40];
	v12 =	vmax.f32 v1, v6;
	v9 =	vmax.f32 v1, v9  }
0x25: {  	v6 =	vld [tilespmem:s17+$0x20];
	v12 =	vmax.f32 v12, v8;
	v10 =	vmax.f32 v9, v10  }
0x26: {  	s18 =	simm.s32 $0x400;
	v8 =	vld [tilespmem:s17+$0x0];
	v9 =	vmax.f32 v12, v2;
	v10 =	vmax.f32 v10, v11  }
.LBB2_3:
0x27: {  	p0 =	sne.s32 s18, $0x3FE00;
	v2 =	vld [tilespmem:s17+$0x10];
	v9 =	vmax.f32 v9, v3;
	v10 =	vmax.f32 v10, v7  }
0x28: {  	v11 =	vld [tilespmem:s17+$0x30];
	v3 =	vmov v4  }
0x29: {  	v12 =	vld [tilespmem:s17+$0x50];
	v13 =	vmov v5  }
.Ltmp0:
0x2a: {  	v7 =	vld [tilespmem:s17+$0x70];
	s17 =	sshra.s32 s18, $0x2;
	(pc) =	sbr.rel @p0 .LBB2_3-.Ltmp0, $4  }
0x2b: {  	v4 =	vld [tilespmem:s17+$0x60]  }
0x2c: {  	v8 =	vmax.f32 v9, v8;
	v5 =	vld [tilespmem:s17+$0x40];
	v2 =	vmax.f32 v10, v2  }
0x2d: {  	v9 =	vmax.f32 v8, v6;
	v6 =	vld [tilespmem:s17+$0x20];
	v2 =	vmax.f32 v2, v11  }
0x2e: {  	s18 =	sadd.s32 $0x200, s18;
	v9 =	vmax.f32 v9, v13;
	v8 =	vld [tilespmem:s17+$0x0];
	v10 =	vmax.f32 v2, v12  }
0x2f: {  	v11 =	vld [tilespmem:s17+$0x10]  }
0x30: {  	v12 =	vld [tilespmem:s17+$0x30]  }
0x31: {  	v13 =	vld [tilespmem:s17+$0x50]  }
0x32: {  	v14 =	vld [tilespmem:s17+$0x70]  }
0x33: {  	v2 =	vld [tilespmem:s16+$0x10060]  }
0x34: {  	v15 =	vld [tilespmem:s16+$0x10040]  }
0x35: {  	v16 =	vld [tilespmem:s16+$0x10020]  }
0x36: {  	v17 =	vld [tilespmem:s16+$0x10000]  }
0x37: {  	v3 =	vmax.f32 v9, v3;
	v7 =	vmax.f32 v10, v7;
	v10 =	vld [tilespmem:s16+$0x10010]  }
0x38: {  	v3 =	vmax.f32 v3, v8;
	v8 =	vld [tilespmem:s16+$0x10030];
	v7 =	vmax.f32 v7, v11  }
0x39: {  	v3 =	vmax.f32 v3, v6;
	v11 =	vld [tilespmem:s16+$0x10050];
	v6 =	vmax.f32 v7, v12  }
0x3a: {  	s17 =	simm.s32 $0x80;
	v9 =	vld [tilespmem:s16+$0x10070];
	v3 =	vmax.f32 v3, v5;
	v5 =	vmax.f32 v6, v13  }
0x3b: {  	v4 =	vmax.f32 v3, v4;
	v3 =	vld [tilespmem:s17+$0x10060];
	v6 =	vmax.f32 v5, v14  }
0x3c: {  	v5 =	vld [tilespmem:s17+$0x10040];
	v7 =	vmax.f32 v4, v17;
	v6 =	vmax.f32 v6, v10  }
0x3d: {  	v4 =	vld [tilespmem:s17+$0x10020];
	v7 =	vmax.f32 v7, v16;
	v8 =	vmax.f32 v6, v8  }
0x3e: {  	s16 =	simm.s32 $0x400;
	v6 =	vld [tilespmem:s17+$0x10000];
	v7 =	vmax.f32 v7, v15;
	v10 =	vmax.f32 v8, v11  }
.LBB2_5:
0x3f: {  	p0 =	sne.s32 s16, $0x3FC00;
	v8 =	vld [tilespmem:s17+$0x10010];
	v7 =	vmax.f32 v7, v2;
	v10 =	vmax.f32 v10, v9  }
0x40: {  	v11 =	vld [tilespmem:s17+$0x10030];
	v2 =	vmov v3  }
0x41: {  	v12 =	vld [tilespmem:s17+$0x10050];
	v13 =	vmov v5  }
.Ltmp1:
0x42: {  	v9 =	vld [tilespmem:s17+$0x10070];
	s17 =	sshra.s32 s16, $0x2;
	(pc) =	sbr.rel @p0 .LBB2_5-.Ltmp1, $4  }
0x43: {  	v3 =	vld [tilespmem:s17+$0x10060]  }
0x44: {  	v6 =	vmax.f32 v7, v6;
	v5 =	vld [tilespmem:s17+$0x10040];
	v7 =	vmax.f32 v10, v8  }
0x45: {  	v8 =	vmax.f32 v6, v4;
	v4 =	vld [tilespmem:s17+$0x10020];
	v10 =	vmax.f32 v7, v11  }
0x46: {  	s16 =	sadd.s32 $0x200, s16;
	v7 =	vmax.f32 v8, v13;
	v6 =	vld [tilespmem:s17+$0x10000];
	v10 =	vmax.f32 v10, v12  }
0x47: {  	v11 =	vld [tilespmem:s17+$0x10010]  }
0x48: {  	v12 =	vld [tilespmem:s17+$0x10030]  }
0x49: {  	v13 =	vld [tilespmem:s17+$0x10050]  }
0x4a: {  	v14 =	vld [tilespmem:s17+$0x10070]  }
0x4b: {  	v2 =	vmax.f32 v7, v2;
	v8 =	vld [tilespmem:$0x1FF80]  }
0x4c: {  	v7 =	vld [tilespmem:$0x1FF90];
	v2 =	vmax.f32 v2, v6  }
0x4d: {  	v6 =	vld [tilespmem:$0x1FFA0];
	v2 =	vmax.f32 v2, v4  }
0x4e: {  	v2 =	vmax.f32 v2, v5;
	v5 =	vld [tilespmem:$0x1FFB0]  }
0x4f: {  	v4 =	vld [tilespmem:$0x1FFC0];
	v2 =	vmax.f32 v2, v3  }
0x50: {  	v3 =	vld [tilespmem:$0x1FFD0];
	v2 =	vmax.f32 v2, v8  }
0x51: {  	v15 =	vmax.f32 v2, v7;
	v2 =	vld [tilespmem:$0x1FFE0]  }
0x52: {  	v9 =	vmax.f32 v10, v9;
	v10 =	vmax.f32 v15, v6  }
0x53: {  	v9 =	vmax.f32 v9, v11;
	v10 =	vmax.f32 v10, v5  }
0x54: {  	v9 =	vmax.f32 v9, v12;
	v10 =	vmax.f32 v10, v4  }
0x55: {  	v9 =	vmax.f32 v9, v13;
	v10 =	vmax.f32 v10, v3  }
0x56: {  	v9 =	vmax.f32 v9, v14;
	v10 =	vmax.f32 v10, v2  }
0x57: {  	s16 =	simm.s32 $0x0;
	v9 =	vmax.f32 v10, v9  }
0x58: {  	v16 =	vld [tilespmem:s16+$0x30];
	v10 =	vadd.f32 $-1.000000000e+00, v9  }
0x59: {  	v12 =	vld [tilespmem:s16+$0x20]  }
0x5a: {  	v13 =	vld [tilespmem:s16+$0x0];
	v11 =	vadd.f32 v10, v9  }
0x5b: {  	v14 =	vld [tilespmem:s16+$0x10]  }
0x5c: {  	v15 =	vld [tilespmem:s16+$0x40];
	v11 =	vmul.f32 $5.000000000e-01, v11  }
0x5d: {  	v18 =	vld [tilespmem:s16+$0x50]  }
0x5e: {  	v17 =	vsub.f32 v1, v11  }
0x5f: {  	v22 =	vld [tilespmem:s16+$0x60];
	v13 =	vsub.f32 v13, v11;
	v21 =	vsub.f32 v12, v11  }
0x60: {  	v19 =	vimm.f32 $0.0e+00;
	s17 =	simm.s32 $0x80;
	v20 =	vld [tilespmem:s16+$0x70];
	v14 =	vsub.f32 v14, v11;
	v16 =	vsub.f32 v16, v11  }
0x61: {  	v12 =	vld [tilespmem:s17+$0x20];
	v23 =	vsub.f32 v15, v11;
	v17 =	vmax.f32 v17, $0.0e+00;
	v13 =	vmax.f32 v13, $0.0e+00  }
0x62: {  	v15 =	vld [tilespmem:s17+$0x0];
	v26 =	vsub.f32 v18, v11;
	v17 =	vadd.f32 v13, v17;
	v13 =	vmax.f32 v14, $0.0e+00  }
0x63: {  	v21 =	vmax.f32 v21, $0.0e+00;
	v25 =	vmax.f32 v16, $0.0e+00;
	v16 =	vld [tilespmem:s17+$0x30];
	v24 =	vadd.f32 v13, v19  }
0x64: {  	v22 =	vsub.f32 v22, v11;
	v14 =	vld [tilespmem:s17+$0x10];
	v19 =	vmax.f32 v23, $0.0e+00;
	v18 =	vadd.f32 v21, v17  }
0x65: {  	s18 =	simm.s32 $0x400;
	v13 =	vld [tilespmem:s17+$0x40];
	v17 =	vsub.f32 v20, v11;
	v21 =	vmax.f32 v26, $0.0e+00;
	v20 =	vadd.f32 v25, v24  }
.LBB2_7:
0x66: {  	p0 =	sne.s32 s18, $0x3FE00;
	v23 =	vld [tilespmem:s17+$0x50];
	v18 =	vadd.f32 v19, v18;
	s19 =	smov.u32 s18;
	s18 =	sadd.s32 $0x200, s18  }
0x67: {  	v19 =	vsub.f32 v12, v11;
	v24 =	vld [tilespmem:s17+$0x60];
	v12 =	vadd.f32 v21, v20;
	v20 =	vmax.f32 v22, $0.0e+00  }
0x68: {  	v17 =	vmax.f32 v17, $0.0e+00;
	v15 =	vsub.f32 v15, v11;
	v21 =	vld [tilespmem:s17+$0x70];
	v18 =	vadd.f32 v20, v18  }
0x69: {  	s17 =	sshra.s32 s19, $0x2;
	v14 =	vsub.f32 v14, v11;
	v17 =	vadd.f32 v17, v12  }
.Ltmp2:
0x6a: {  	v20 =	vmax.f32 v15, $0.0e+00;
	v22 =	vsub.f32 v13, v11;
	v12 =	vld [tilespmem:s17+$0x20];
	v16 =	vsub.f32 v16, v11;
	(pc) =	sbr.rel @p0 .LBB2_7-.Ltmp2, $4  }
0x6b: {  	v19 =	vmax.f32 v19, $0.0e+00;
	v18 =	vadd.f32 v20, v18;
	v13 =	vmax.f32 v14, $0.0e+00;
	v15 =	vld [tilespmem:s17+$0x0]  }
0x6c: {  	v20 =	vadd.f32 v13, v17;
	v23 =	vsub.f32 v23, v11;
	v14 =	vld [tilespmem:s17+$0x10];
	v25 =	vmax.f32 v16, $0.0e+00  }
0x6d: {  	v18 =	vadd.f32 v19, v18;
	v19 =	vmax.f32 v22, $0.0e+00;
	v13 =	vld [tilespmem:s17+$0x40];
	v17 =	vsub.f32 v21, v11  }
0x6e: {  	v22 =	vsub.f32 v24, v11;
	v20 =	vadd.f32 v25, v20;
	v21 =	vmax.f32 v23, $0.0e+00;
	v16 =	vld [tilespmem:s17+$0x30]  }
0x6f: {  	v18 =	vadd.f32 v19, v18  }
0x70: {  	v19 =	vld [tilespmem:s17+$0x50];
	v20 =	vadd.f32 v21, v20;
	v21 =	vmax.f32 v22, $0.0e+00;
	v15 =	vsub.f32 v15, v11  }
0x71: {  	v17 =	vmax.f32 v17, $0.0e+00;
	v22 =	vld [tilespmem:s17+$0x60];
	v18 =	vadd.f32 v21, v18;
	v14 =	vsub.f32 v14, v11  }
0x72: {  	v12 =	vsub.f32 v12, v11;
	v21 =	vld [tilespmem:s17+$0x70];
	v17 =	vadd.f32 v17, v20;
	v15 =	vmax.f32 v15, $0.0e+00  }
0x73: {  	v20 =	vld [tilespmem:s16+$0x10040];
	v16 =	vsub.f32 v16, v11;
	v15 =	vadd.f32 v15, v18;
	v14 =	vmax.f32 v14, $0.0e+00  }
0x74: {  	v12 =	vmax.f32 v12, $0.0e+00;
	v13 =	vsub.f32 v13, v11;
	v18 =	vld [tilespmem:s16+$0x10020];
	v14 =	vadd.f32 v14, v17  }
0x75: {  	v17 =	vld [tilespmem:s16+$0x10000];
	v19 =	vsub.f32 v19, v11;
	v16 =	vmax.f32 v16, $0.0e+00;
	v12 =	vadd.f32 v12, v15  }
0x76: {  	v13 =	vmax.f32 v13, $0.0e+00;
	v15 =	vld [tilespmem:s16+$0x10010];
	v14 =	vadd.f32 v16, v14;
	v16 =	vsub.f32 v22, v11  }
0x77: {  	v21 =	vsub.f32 v21, v11;
	v19 =	vmax.f32 v19, $0.0e+00;
	v12 =	vadd.f32 v13, v12;
	v13 =	vld [tilespmem:s16+$0x10030]  }
0x78: {  	v14 =	vadd.f32 v19, v14;
	v16 =	vmax.f32 v16, $0.0e+00  }
0x79: {  	v19 =	vld [tilespmem:s16+$0x10050];
	v12 =	vadd.f32 v16, v12;
	v16 =	vmax.f32 v21, $0.0e+00  }
0x7a: {  	v22 =	vld [tilespmem:s16+$0x10070];
	v21 =	vadd.f32 v16, v14;
	v16 =	vsub.f32 v17, v11  }
0x7b: {  	v23 =	vld [tilespmem:s16+$0x10060];
	s16 =	simm.s32 $0x80;
	v17 =	vsub.f32 v18, v11;
	v15 =	vsub.f32 v15, v11  }
0x7c: {  	v24 =	vsub.f32 v20, v11;
	v14 =	vld [tilespmem:s16+$0x10020];
	v18 =	vmax.f32 v16, $0.0e+00;
	v13 =	vsub.f32 v13, v11  }
0x7d: {  	v16 =	vld [tilespmem:s16+$0x10000];
	v15 =	vmax.f32 v15, $0.0e+00;
	v20 =	vmax.f32 v17, $0.0e+00;
	v18 =	vadd.f32 v18, v12  }
0x7e: {  	v17 =	vld [tilespmem:s16+$0x10040];
	v25 =	vadd.f32 v15, v21;
	v19 =	vsub.f32 v19, v11;
	v21 =	vmax.f32 v24, $0.0e+00  }
0x7f: {  	v12 =	vld [tilespmem:s16+$0x10010];
	v15 =	vsub.f32 v22, v11;
	v26 =	vmax.f32 v13, $0.0e+00;
	v20 =	vadd.f32 v20, v18  }
0x80: {  	s17 =	simm.s32 $0x400;
	v22 =	vsub.f32 v23, v11;
	v13 =	vld [tilespmem:s16+$0x10030];
	v18 =	vadd.f32 v26, v25;
	v19 =	vmax.f32 v19, $0.0e+00  }
.LBB2_9:
0x81: {  	p0 =	sne.s32 s17, $0x3FC00;
	v23 =	vld [tilespmem:s16+$0x10050];
	v20 =	vadd.f32 v21, v20;
	s18 =	smov.u32 s17;
	s17 =	sadd.s32 $0x200, s17  }
0x82: {  	v21 =	vsub.f32 v14, v11;
	v24 =	vld [tilespmem:s16+$0x10060];
	v14 =	vadd.f32 v19, v18;
	v18 =	vmax.f32 v22, $0.0e+00  }
0x83: {  	v15 =	vmax.f32 v15, $0.0e+00;
	v16 =	vsub.f32 v16, v11;
	v19 =	vld [tilespmem:s16+$0x10070];
	v18 =	vadd.f32 v18, v20  }
0x84: {  	s16 =	sshra.s32 s18, $0x2;
	v12 =	vsub.f32 v12, v11;
	v15 =	vadd.f32 v15, v14  }
.Ltmp3:
0x85: {  	v20 =	vmax.f32 v16, $0.0e+00;
	v22 =	vsub.f32 v17, v11;
	v14 =	vld [tilespmem:s16+$0x10020];
	v13 =	vsub.f32 v13, v11;
	(pc) =	sbr.rel @p0 .LBB2_9-.Ltmp3, $4  }
0x86: {  	v18 =	vadd.f32 v20, v18;
	v17 =	vmax.f32 v12, $0.0e+00;
	v20 =	vmax.f32 v21, $0.0e+00;
	v16 =	vld [tilespmem:s16+$0x10000]  }
0x87: {  	v25 =	vadd.f32 v17, v15;
	v23 =	vsub.f32 v23, v11;
	v12 =	vld [tilespmem:s16+$0x10010];
	v26 =	vmax.f32 v13, $0.0e+00  }
0x88: {  	v21 =	vmax.f32 v22, $0.0e+00;
	v20 =	vadd.f32 v20, v18;
	v17 =	vld [tilespmem:s16+$0x10040];
	v15 =	vsub.f32 v19, v11  }
0x89: {  	v22 =	vsub.f32 v24, v11;
	v18 =	vadd.f32 v26, v25;
	v19 =	vmax.f32 v23, $0.0e+00;
	v13 =	vld [tilespmem:s16+$0x10030]  }
0x8a: {  	v20 =	vadd.f32 v21, v20  }
0x8b: {  	v21 =	vmax.f32 v22, $0.0e+00;
	v16 =	vsub.f32 v16, v11  }
0x8c: {  	v22 =	vld [tilespmem:s16+$0x10060];
	v20 =	vadd.f32 v21, v20  }
0x8d: {  	v14 =	vsub.f32 v14, v11;
	v16 =	vmax.f32 v16, $0.0e+00  }
0x8e: {  	v16 =	vadd.f32 v16, v20  }
0x8f: {  	v14 =	vmax.f32 v14, $0.0e+00;
	v17 =	vsub.f32 v17, v11  }
0x90: {  	v14 =	vadd.f32 v14, v16  }
0x91: {  	v16 =	vmax.f32 v17, $0.0e+00;
	v17 =	vsub.f32 v22, v11  }
0x92: {  	v14 =	vadd.f32 v16, v14  }
0x93: {  	v16 =	vmax.f32 v17, $0.0e+00;
	v17 =	vsub.f32 v8, v11  }
0x94: {  	v14 =	vadd.f32 v16, v14  }
0x95: {  	v16 =	vmax.f32 v17, $0.0e+00;
	v17 =	vsub.f32 v7, v11  }
0x96: {  	v14 =	vadd.f32 v14, v16  }
0x97: {  	v18 =	vadd.f32 v19, v18;
	v19 =	vsub.f32 v6, v11;
	v17 =	vmax.f32 v17, $0.0e+00  }
0x98: {  	v15 =	vmax.f32 v15, $0.0e+00;
	v12 =	vsub.f32 v12, v11;
	v16 =	vld [tilespmem:s16+$0x10050];
	v14 =	vadd.f32 v14, v17  }
0x99: {  	v15 =	vadd.f32 v15, v18;
	v18 =	vsub.f32 v5, v11;
	v20 =	vld [tilespmem:s16+$0x10070];
	v17 =	vmax.f32 v19, $0.0e+00  }
0x9a: {  	v13 =	vsub.f32 v13, v11;
	v12 =	vmax.f32 v12, $0.0e+00;
	v14 =	vadd.f32 v14, v17  }
0x9b: {  	v12 =	vadd.f32 v12, v15;
	v15 =	vmax.f32 v18, $0.0e+00;
	v17 =	vsub.f32 v4, v11  }
0x9c: {  	v18 =	vsub.f32 v3, v11;
	v13 =	vmax.f32 v13, $0.0e+00;
	v14 =	vadd.f32 v14, v15  }
0x9d: {  	v12 =	vadd.f32 v13, v12;
	v16 =	vsub.f32 v16, v11;
	v17 =	vmax.f32 v17, $0.0e+00  }
0x9e: {  	v15 =	vsub.f32 v20, v11;
	v13 =	vadd.f32 v14, v17  }
0x9f: {  	v14 =	vmax.f32 v16, $0.0e+00;
	v16 =	vmax.f32 v18, $0.0e+00;
	v17 =	vsub.f32 v2, v11  }
0xa0: {  	v12 =	vadd.f32 v14, v12;
	v13 =	vadd.f32 v13, v16  }
0xa1: {  	v14 =	vmax.f32 v15, $0.0e+00;
	v15 =	vmax.f32 v17, $0.0e+00  }
0xa2: {  	v12 =	vadd.f32 v14, v12;
	v13 =	vadd.f32 v13, v15;
	_ =	sdelay $0x1  }
0xa3: {  	v12 =	vadd.f32 v13, v12  }
0xa4: {  	s16 =	simm.s32 $0x0  }
0xa5: {  	v16 =	vld [tilespmem:s16+$0x30];
	vm0 =	vge.f32 v12, $1.000000000e+00  }
0xa6: {  	v13 =	vld [tilespmem:s16+$0x0];
	v10 =	vsel vm0, v11, v10;
	v9 =	vsel vm0, v9, v11  }
0xa7: {  	v12 =	vld [tilespmem:s16+$0x20];
	v11 =	vadd.f32 v9, v10  }
0xa8: {  	v14 =	vld [tilespmem:s16+$0x10]  }
0xa9: {  	v15 =	vld [tilespmem:s16+$0x40];
	v11 =	vmul.f32 $5.000000000e-01, v11  }
0xaa: {  	v18 =	vld [tilespmem:s16+$0x50]  }
0xab: {  	v17 =	vsub.f32 v1, v11  }
0xac: {  	v22 =	vld [tilespmem:s16+$0x60];
	v13 =	vsub.f32 v13, v11;
	v21 =	vsub.f32 v12, v11  }
0xad: {  	s17 =	simm.s32 $0x80;
	v19 =	vimm.f32 $0.0e+00;
	v20 =	vld [tilespmem:s16+$0x70];
	v14 =	vsub.f32 v14, v11;
	v16 =	vsub.f32 v16, v11  }
0xae: {  	v12 =	vld [tilespmem:s17+$0x20];
	v23 =	vsub.f32 v15, v11;
	v17 =	vmax.f32 v17, $0.0e+00;
	v13 =	vmax.f32 v13, $0.0e+00  }
0xaf: {  	v15 =	vld [tilespmem:s17+$0x0];
	v26 =	vsub.f32 v18, v11;
	v17 =	vadd.f32 v13, v17;
	v13 =	vmax.f32 v14, $0.0e+00  }
0xb0: {  	v21 =	vmax.f32 v21, $0.0e+00;
	v25 =	vmax.f32 v16, $0.0e+00;
	v16 =	vld [tilespmem:s17+$0x30];
	v24 =	vadd.f32 v13, v19  }
0xb1: {  	v22 =	vsub.f32 v22, v11;
	v14 =	vld [tilespmem:s17+$0x10];
	v19 =	vmax.f32 v23, $0.0e+00;
	v18 =	vadd.f32 v21, v17  }
0xb2: {  	s18 =	simm.s32 $0x400;
	v13 =	vld [tilespmem:s17+$0x40];
	v17 =	vsub.f32 v20, v11;
	v21 =	vmax.f32 v26, $0.0e+00;
	v20 =	vadd.f32 v25, v24  }
.LBB2_11:
0xb3: {  	p0 =	sne.s32 s18, $0x3FE00;
	v23 =	vld [tilespmem:s17+$0x50];
	v18 =	vadd.f32 v19, v18;
	s19 =	smov.u32 s18;
	s18 =	sadd.s32 $0x200, s18  }
0xb4: {  	v19 =	vsub.f32 v12, v11;
	v24 =	vld [tilespmem:s17+$0x60];
	v12 =	vadd.f32 v21, v20;
	v20 =	vmax.f32 v22, $0.0e+00  }
0xb5: {  	v17 =	vmax.f32 v17, $0.0e+00;
	v15 =	vsub.f32 v15, v11;
	v21 =	vld [tilespmem:s17+$0x70];
	v18 =	vadd.f32 v20, v18  }
0xb6: {  	s17 =	sshra.s32 s19, $0x2;
	v14 =	vsub.f32 v14, v11;
	v17 =	vadd.f32 v17, v12  }
.Ltmp4:
0xb7: {  	v20 =	vmax.f32 v15, $0.0e+00;
	v22 =	vsub.f32 v13, v11;
	v12 =	vld [tilespmem:s17+$0x20];
	v16 =	vsub.f32 v16, v11;
	(pc) =	sbr.rel @p0 .LBB2_11-.Ltmp4, $4  }
0xb8: {  	v19 =	vmax.f32 v19, $0.0e+00;
	v18 =	vadd.f32 v20, v18;
	v13 =	vmax.f32 v14, $0.0e+00;
	v15 =	vld [tilespmem:s17+$0x0]  }
0xb9: {  	v20 =	vadd.f32 v13, v17;
	v23 =	vsub.f32 v23, v11;
	v14 =	vld [tilespmem:s17+$0x10];
	v25 =	vmax.f32 v16, $0.0e+00  }
0xba: {  	v18 =	vadd.f32 v19, v18;
	v19 =	vmax.f32 v22, $0.0e+00;
	v13 =	vld [tilespmem:s17+$0x40];
	v17 =	vsub.f32 v21, v11  }
0xbb: {  	v22 =	vsub.f32 v24, v11;
	v20 =	vadd.f32 v25, v20;
	v21 =	vmax.f32 v23, $0.0e+00;
	v16 =	vld [tilespmem:s17+$0x30]  }
0xbc: {  	v18 =	vadd.f32 v19, v18  }
0xbd: {  	v19 =	vld [tilespmem:s17+$0x50];
	v20 =	vadd.f32 v21, v20;
	v21 =	vmax.f32 v22, $0.0e+00;
	v15 =	vsub.f32 v15, v11  }
0xbe: {  	v17 =	vmax.f32 v17, $0.0e+00;
	v22 =	vld [tilespmem:s17+$0x60];
	v18 =	vadd.f32 v21, v18;
	v14 =	vsub.f32 v14, v11  }
0xbf: {  	v12 =	vsub.f32 v12, v11;
	v21 =	vld [tilespmem:s17+$0x70];
	v17 =	vadd.f32 v17, v20;
	v15 =	vmax.f32 v15, $0.0e+00  }
0xc0: {  	v20 =	vld [tilespmem:s16+$0x10040];
	v16 =	vsub.f32 v16, v11;
	v15 =	vadd.f32 v15, v18;
	v14 =	vmax.f32 v14, $0.0e+00  }
0xc1: {  	v12 =	vmax.f32 v12, $0.0e+00;
	v13 =	vsub.f32 v13, v11;
	v18 =	vld [tilespmem:s16+$0x10020];
	v14 =	vadd.f32 v14, v17  }
0xc2: {  	v17 =	vld [tilespmem:s16+$0x10000];
	v19 =	vsub.f32 v19, v11;
	v16 =	vmax.f32 v16, $0.0e+00;
	v12 =	vadd.f32 v12, v15  }
0xc3: {  	v13 =	vmax.f32 v13, $0.0e+00;
	v15 =	vld [tilespmem:s16+$0x10010];
	v14 =	vadd.f32 v16, v14;
	v16 =	vsub.f32 v22, v11  }
0xc4: {  	v21 =	vsub.f32 v21, v11;
	v19 =	vmax.f32 v19, $0.0e+00;
	v12 =	vadd.f32 v13, v12;
	v13 =	vld [tilespmem:s16+$0x10030]  }
0xc5: {  	v14 =	vadd.f32 v19, v14;
	v16 =	vmax.f32 v16, $0.0e+00  }
0xc6: {  	v19 =	vld [tilespmem:s16+$0x10050];
	v12 =	vadd.f32 v16, v12;
	v16 =	vmax.f32 v21, $0.0e+00  }
0xc7: {  	v22 =	vld [tilespmem:s16+$0x10070];
	v21 =	vadd.f32 v16, v14;
	v16 =	vsub.f32 v17, v11  }
0xc8: {  	v23 =	vld [tilespmem:s16+$0x10060];
	s16 =	simm.s32 $0x80;
	v17 =	vsub.f32 v18, v11;
	v15 =	vsub.f32 v15, v11  }
0xc9: {  	v24 =	vsub.f32 v20, v11;
	v14 =	vld [tilespmem:s16+$0x10020];
	v18 =	vmax.f32 v16, $0.0e+00;
	v13 =	vsub.f32 v13, v11  }
0xca: {  	v16 =	vld [tilespmem:s16+$0x10000];
	v15 =	vmax.f32 v15, $0.0e+00;
	v20 =	vmax.f32 v17, $0.0e+00;
	v18 =	vadd.f32 v18, v12  }
0xcb: {  	v17 =	vld [tilespmem:s16+$0x10040];
	v25 =	vadd.f32 v15, v21;
	v19 =	vsub.f32 v19, v11;
	v21 =	vmax.f32 v24, $0.0e+00  }
0xcc: {  	v12 =	vld [tilespmem:s16+$0x10010];
	v15 =	vsub.f32 v22, v11;
	v26 =	vmax.f32 v13, $0.0e+00;
	v20 =	vadd.f32 v20, v18  }
0xcd: {  	s17 =	simm.s32 $0x400;
	v22 =	vsub.f32 v23, v11;
	v13 =	vld [tilespmem:s16+$0x10030];
	v18 =	vadd.f32 v26, v25;
	v19 =	vmax.f32 v19, $0.0e+00  }
.LBB2_13:
0xce: {  	p0 =	sne.s32 s17, $0x3FC00;
	v23 =	vld [tilespmem:s16+$0x10050];
	v20 =	vadd.f32 v21, v20;
	s18 =	smov.u32 s17;
	s17 =	sadd.s32 $0x200, s17  }
0xcf: {  	v21 =	vsub.f32 v14, v11;
	v24 =	vld [tilespmem:s16+$0x10060];
	v14 =	vadd.f32 v19, v18;
	v18 =	vmax.f32 v22, $0.0e+00  }
0xd0: {  	v15 =	vmax.f32 v15, $0.0e+00;
	v16 =	vsub.f32 v16, v11;
	v19 =	vld [tilespmem:s16+$0x10070];
	v18 =	vadd.f32 v18, v20  }
0xd1: {  	s16 =	sshra.s32 s18, $0x2;
	v12 =	vsub.f32 v12, v11;
	v15 =	vadd.f32 v15, v14  }
.Ltmp5:
0xd2: {  	v20 =	vmax.f32 v16, $0.0e+00;
	v22 =	vsub.f32 v17, v11;
	v14 =	vld [tilespmem:s16+$0x10020];
	v13 =	vsub.f32 v13, v11;
	(pc) =	sbr.rel @p0 .LBB2_13-.Ltmp5, $4  }
0xd3: {  	v18 =	vadd.f32 v20, v18;
	v17 =	vmax.f32 v12, $0.0e+00;
	v20 =	vmax.f32 v21, $0.0e+00;
	v16 =	vld [tilespmem:s16+$0x10000]  }
0xd4: {  	v25 =	vadd.f32 v17, v15;
	v23 =	vsub.f32 v23, v11;
	v12 =	vld [tilespmem:s16+$0x10010];
	v26 =	vmax.f32 v13, $0.0e+00  }
0xd5: {  	v21 =	vmax.f32 v22, $0.0e+00;
	v20 =	vadd.f32 v20, v18;
	v17 =	vld [tilespmem:s16+$0x10040];
	v15 =	vsub.f32 v19, v11  }
0xd6: {  	v22 =	vsub.f32 v24, v11;
	v18 =	vadd.f32 v26, v25;
	v19 =	vmax.f32 v23, $0.0e+00;
	v13 =	vld [tilespmem:s16+$0x10030]  }
0xd7: {  	v20 =	vadd.f32 v21, v20  }
0xd8: {  	v21 =	vmax.f32 v22, $0.0e+00;
	v16 =	vsub.f32 v16, v11  }
0xd9: {  	v22 =	vld [tilespmem:s16+$0x10060];
	v20 =	vadd.f32 v21, v20  }
0xda: {  	v14 =	vsub.f32 v14, v11;
	v16 =	vmax.f32 v16, $0.0e+00  }
0xdb: {  	v16 =	vadd.f32 v16, v20  }
0xdc: {  	v14 =	vmax.f32 v14, $0.0e+00;
	v17 =	vsub.f32 v17, v11  }
0xdd: {  	v14 =	vadd.f32 v14, v16  }
0xde: {  	v16 =	vmax.f32 v17, $0.0e+00;
	v17 =	vsub.f32 v22, v11  }
0xdf: {  	v14 =	vadd.f32 v16, v14  }
0xe0: {  	v16 =	vmax.f32 v17, $0.0e+00;
	v17 =	vsub.f32 v8, v11  }
0xe1: {  	v14 =	vadd.f32 v16, v14  }
0xe2: {  	v16 =	vmax.f32 v17, $0.0e+00;
	v17 =	vsub.f32 v7, v11  }
0xe3: {  	v14 =	vadd.f32 v14, v16  }
0xe4: {  	v18 =	vadd.f32 v19, v18;
	v19 =	vsub.f32 v6, v11;
	v17 =	vmax.f32 v17, $0.0e+00  }
0xe5: {  	v15 =	vmax.f32 v15, $0.0e+00;
	v12 =	vsub.f32 v12, v11;
	v16 =	vld [tilespmem:s16+$0x10050];
	v14 =	vadd.f32 v14, v17  }
0xe6: {  	v15 =	vadd.f32 v15, v18;
	v18 =	vsub.f32 v5, v11;
	v20 =	vld [tilespmem:s16+$0x10070];
	v17 =	vmax.f32 v19, $0.0e+00  }
0xe7: {  	v13 =	vsub.f32 v13, v11;
	v12 =	vmax.f32 v12, $0.0e+00;
	v14 =	vadd.f32 v14, v17  }
0xe8: {  	v12 =	vadd.f32 v12, v15;
	v15 =	vmax.f32 v18, $0.0e+00;
	v17 =	vsub.f32 v4, v11  }
0xe9: {  	v18 =	vsub.f32 v3, v11;
	v13 =	vmax.f32 v13, $0.0e+00;
	v14 =	vadd.f32 v14, v15  }
0xea: {  	v12 =	vadd.f32 v13, v12;
	v16 =	vsub.f32 v16, v11;
	v17 =	vmax.f32 v17, $0.0e+00  }
0xeb: {  	v15 =	vsub.f32 v20, v11;
	v13 =	vadd.f32 v14, v17  }
0xec: {  	v14 =	vmax.f32 v16, $0.0e+00;
	v16 =	vmax.f32 v18, $0.0e+00;
	v17 =	vsub.f32 v2, v11  }
0xed: {  	v12 =	vadd.f32 v14, v12;
	v13 =	vadd.f32 v13, v16  }
0xee: {  	v14 =	vmax.f32 v15, $0.0e+00;
	v15 =	vmax.f32 v17, $0.0e+00  }
0xef: {  	v12 =	vadd.f32 v14, v12;
	v13 =	vadd.f32 v13, v15;
	_ =	sdelay $0x1  }
0xf0: {  	v12 =	vadd.f32 v13, v12  }
0xf1: {  	s16 =	simm.s32 $0x0  }
0xf2: {  	v16 =	vld [tilespmem:s16+$0x30];
	vm0 =	vge.f32 v12, $1.000000000e+00  }
0xf3: {  	v13 =	vld [tilespmem:s16+$0x0];
	v10 =	vsel vm0, v11, v10;
	v9 =	vsel vm0, v9, v11  }
0xf4: {  	v12 =	vld [tilespmem:s16+$0x20];
	v11 =	vadd.f32 v9, v10  }
0xf5: {  	v14 =	vld [tilespmem:s16+$0x10]  }
0xf6: {  	v15 =	vld [tilespmem:s16+$0x40];
	v11 =	vmul.f32 $5.000000000e-01, v11  }
0xf7: {  	v18 =	vld [tilespmem:s16+$0x50]  }
0xf8: {  	v17 =	vsub.f32 v1, v11  }
0xf9: {  	v22 =	vld [tilespmem:s16+$0x60];
	v13 =	vsub.f32 v13, v11;
	v21 =	vsub.f32 v12, v11  }
0xfa: {  	s17 =	simm.s32 $0x80;
	v19 =	vimm.f32 $0.0e+00;
	v20 =	vld [tilespmem:s16+$0x70];
	v14 =	vsub.f32 v14, v11;
	v16 =	vsub.f32 v16, v11  }
0xfb: {  	v12 =	vld [tilespmem:s17+$0x20];
	v23 =	vsub.f32 v15, v11;
	v17 =	vmax.f32 v17, $0.0e+00;
	v13 =	vmax.f32 v13, $0.0e+00  }
0xfc: {  	v15 =	vld [tilespmem:s17+$0x0];
	v26 =	vsub.f32 v18, v11;
	v17 =	vadd.f32 v13, v17;
	v13 =	vmax.f32 v14, $0.0e+00  }
0xfd: {  	v21 =	vmax.f32 v21, $0.0e+00;
	v25 =	vmax.f32 v16, $0.0e+00;
	v16 =	vld [tilespmem:s17+$0x30];
	v24 =	vadd.f32 v13, v19  }
0xfe: {  	v22 =	vsub.f32 v22, v11;
	v14 =	vld [tilespmem:s17+$0x10];
	v19 =	vmax.f32 v23, $0.0e+00;
	v18 =	vadd.f32 v21, v17  }
0xff: {  	s18 =	simm.s32 $0x400;
	v13 =	vld [tilespmem:s17+$0x40];
	v17 =	vsub.f32 v20, v11;
	v21 =	vmax.f32 v26, $0.0e+00;
	v20 =	vadd.f32 v25, v24  }
.LBB2_15:
0x100: {  	p0 =	sne.s32 s18, $0x3FE00;
	v23 =	vld [tilespmem:s17+$0x50];
	v18 =	vadd.f32 v19, v18;
	s19 =	smov.u32 s18;
	s18 =	sadd.s32 $0x200, s18  }
0x101: {  	v19 =	vsub.f32 v12, v11;
	v24 =	vld [tilespmem:s17+$0x60];
	v12 =	vadd.f32 v21, v20;
	v20 =	vmax.f32 v22, $0.0e+00  }
0x102: {  	v17 =	vmax.f32 v17, $0.0e+00;
	v15 =	vsub.f32 v15, v11;
	v21 =	vld [tilespmem:s17+$0x70];
	v18 =	vadd.f32 v20, v18  }
0x103: {  	s17 =	sshra.s32 s19, $0x2;
	v14 =	vsub.f32 v14, v11;
	v17 =	vadd.f32 v17, v12  }
.Ltmp6:
0x104: {  	v20 =	vmax.f32 v15, $0.0e+00;
	v22 =	vsub.f32 v13, v11;
	v12 =	vld [tilespmem:s17+$0x20];
	v16 =	vsub.f32 v16, v11;
	(pc) =	sbr.rel @p0 .LBB2_15-.Ltmp6, $4  }
0x105: {  	v19 =	vmax.f32 v19, $0.0e+00;
	v18 =	vadd.f32 v20, v18;
	v13 =	vmax.f32 v14, $0.0e+00;
	v15 =	vld [tilespmem:s17+$0x0]  }
0x106: {  	v20 =	vadd.f32 v13, v17;
	v23 =	vsub.f32 v23, v11;
	v14 =	vld [tilespmem:s17+$0x10];
	v25 =	vmax.f32 v16, $0.0e+00  }
0x107: {  	v18 =	vadd.f32 v19, v18;
	v19 =	vmax.f32 v22, $0.0e+00;
	v13 =	vld [tilespmem:s17+$0x40];
	v17 =	vsub.f32 v21, v11  }
0x108: {  	v22 =	vsub.f32 v24, v11;
	v20 =	vadd.f32 v25, v20;
	v21 =	vmax.f32 v23, $0.0e+00;
	v16 =	vld [tilespmem:s17+$0x30]  }
0x109: {  	v18 =	vadd.f32 v19, v18  }
0x10a: {  	v19 =	vld [tilespmem:s17+$0x50];
	v20 =	vadd.f32 v21, v20;
	v21 =	vmax.f32 v22, $0.0e+00;
	v15 =	vsub.f32 v15, v11  }
0x10b: {  	v17 =	vmax.f32 v17, $0.0e+00;
	v22 =	vld [tilespmem:s17+$0x60];
	v18 =	vadd.f32 v21, v18;
	v14 =	vsub.f32 v14, v11  }
0x10c: {  	v12 =	vsub.f32 v12, v11;
	v21 =	vld [tilespmem:s17+$0x70];
	v17 =	vadd.f32 v17, v20;
	v15 =	vmax.f32 v15, $0.0e+00  }
0x10d: {  	v20 =	vld [tilespmem:s16+$0x10040];
	v16 =	vsub.f32 v16, v11;
	v15 =	vadd.f32 v15, v18;
	v14 =	vmax.f32 v14, $0.0e+00  }
0x10e: {  	v12 =	vmax.f32 v12, $0.0e+00;
	v13 =	vsub.f32 v13, v11;
	v18 =	vld [tilespmem:s16+$0x10020];
	v14 =	vadd.f32 v14, v17  }
0x10f: {  	v17 =	vld [tilespmem:s16+$0x10000];
	v19 =	vsub.f32 v19, v11;
	v16 =	vmax.f32 v16, $0.0e+00;
	v12 =	vadd.f32 v12, v15  }
0x110: {  	v13 =	vmax.f32 v13, $0.0e+00;
	v15 =	vld [tilespmem:s16+$0x10010];
	v14 =	vadd.f32 v16, v14;
	v16 =	vsub.f32 v22, v11  }
0x111: {  	v21 =	vsub.f32 v21, v11;
	v19 =	vmax.f32 v19, $0.0e+00;
	v12 =	vadd.f32 v13, v12;
	v13 =	vld [tilespmem:s16+$0x10030]  }
0x112: {  	v14 =	vadd.f32 v19, v14;
	v16 =	vmax.f32 v16, $0.0e+00  }
0x113: {  	v19 =	vld [tilespmem:s16+$0x10050];
	v12 =	vadd.f32 v16, v12;
	v16 =	vmax.f32 v21, $0.0e+00  }
0x114: {  	v22 =	vld [tilespmem:s16+$0x10070];
	v21 =	vadd.f32 v16, v14;
	v16 =	vsub.f32 v17, v11  }
0x115: {  	v23 =	vld [tilespmem:s16+$0x10060];
	s16 =	simm.s32 $0x80;
	v17 =	vsub.f32 v18, v11;
	v15 =	vsub.f32 v15, v11  }
0x116: {  	v24 =	vsub.f32 v20, v11;
	v14 =	vld [tilespmem:s16+$0x10020];
	v18 =	vmax.f32 v16, $0.0e+00;
	v13 =	vsub.f32 v13, v11  }
0x117: {  	v16 =	vld [tilespmem:s16+$0x10000];
	v15 =	vmax.f32 v15, $0.0e+00;
	v20 =	vmax.f32 v17, $0.0e+00;
	v18 =	vadd.f32 v18, v12  }
0x118: {  	v17 =	vld [tilespmem:s16+$0x10040];
	v25 =	vadd.f32 v15, v21;
	v19 =	vsub.f32 v19, v11;
	v21 =	vmax.f32 v24, $0.0e+00  }
0x119: {  	v12 =	vld [tilespmem:s16+$0x10010];
	v15 =	vsub.f32 v22, v11;
	v26 =	vmax.f32 v13, $0.0e+00;
	v20 =	vadd.f32 v20, v18  }
0x11a: {  	s17 =	simm.s32 $0x400;
	v22 =	vsub.f32 v23, v11;
	v13 =	vld [tilespmem:s16+$0x10030];
	v18 =	vadd.f32 v26, v25;
	v19 =	vmax.f32 v19, $0.0e+00  }
.LBB2_17:
0x11b: {  	p0 =	sne.s32 s17, $0x3FC00;
	v23 =	vld [tilespmem:s16+$0x10050];
	v20 =	vadd.f32 v21, v20;
	s18 =	smov.u32 s17;
	s17 =	sadd.s32 $0x200, s17  }
0x11c: {  	v21 =	vsub.f32 v14, v11;
	v24 =	vld [tilespmem:s16+$0x10060];
	v14 =	vadd.f32 v19, v18;
	v18 =	vmax.f32 v22, $0.0e+00  }
0x11d: {  	v15 =	vmax.f32 v15, $0.0e+00;
	v16 =	vsub.f32 v16, v11;
	v19 =	vld [tilespmem:s16+$0x10070];
	v18 =	vadd.f32 v18, v20  }
0x11e: {  	s16 =	sshra.s32 s18, $0x2;
	v12 =	vsub.f32 v12, v11;
	v15 =	vadd.f32 v15, v14  }
.Ltmp7:
0x11f: {  	v20 =	vmax.f32 v16, $0.0e+00;
	v22 =	vsub.f32 v17, v11;
	v14 =	vld [tilespmem:s16+$0x10020];
	v13 =	vsub.f32 v13, v11;
	(pc) =	sbr.rel @p0 .LBB2_17-.Ltmp7, $4  }
0x120: {  	v18 =	vadd.f32 v20, v18;
	v17 =	vmax.f32 v12, $0.0e+00;
	v20 =	vmax.f32 v21, $0.0e+00;
	v16 =	vld [tilespmem:s16+$0x10000]  }
0x121: {  	v25 =	vadd.f32 v17, v15;
	v23 =	vsub.f32 v23, v11;
	v12 =	vld [tilespmem:s16+$0x10010];
	v26 =	vmax.f32 v13, $0.0e+00  }
0x122: {  	v21 =	vmax.f32 v22, $0.0e+00;
	v20 =	vadd.f32 v20, v18;
	v17 =	vld [tilespmem:s16+$0x10040];
	v15 =	vsub.f32 v19, v11  }
0x123: {  	v22 =	vsub.f32 v24, v11;
	v18 =	vadd.f32 v26, v25;
	v19 =	vmax.f32 v23, $0.0e+00;
	v13 =	vld [tilespmem:s16+$0x10030]  }
0x124: {  	v20 =	vadd.f32 v21, v20  }
0x125: {  	v21 =	vmax.f32 v22, $0.0e+00;
	v16 =	vsub.f32 v16, v11  }
0x126: {  	v22 =	vld [tilespmem:s16+$0x10060];
	v20 =	vadd.f32 v21, v20  }
0x127: {  	v14 =	vsub.f32 v14, v11;
	v16 =	vmax.f32 v16, $0.0e+00  }
0x128: {  	v16 =	vadd.f32 v16, v20  }
0x129: {  	v14 =	vmax.f32 v14, $0.0e+00;
	v17 =	vsub.f32 v17, v11  }
0x12a: {  	v14 =	vadd.f32 v14, v16  }
0x12b: {  	v16 =	vmax.f32 v17, $0.0e+00;
	v17 =	vsub.f32 v22, v11  }
0x12c: {  	v14 =	vadd.f32 v16, v14  }
0x12d: {  	v16 =	vmax.f32 v17, $0.0e+00;
	v17 =	vsub.f32 v8, v11  }
0x12e: {  	v14 =	vadd.f32 v16, v14  }
0x12f: {  	v16 =	vmax.f32 v17, $0.0e+00;
	v17 =	vsub.f32 v7, v11  }
0x130: {  	v14 =	vadd.f32 v14, v16  }
0x131: {  	v18 =	vadd.f32 v19, v18;
	v19 =	vsub.f32 v6, v11;
	v17 =	vmax.f32 v17, $0.0e+00  }
0x132: {  	v15 =	vmax.f32 v15, $0.0e+00;
	v12 =	vsub.f32 v12, v11;
	v16 =	vld [tilespmem:s16+$0x10050];
	v14 =	vadd.f32 v14, v17  }
0x133: {  	v15 =	vadd.f32 v15, v18;
	v18 =	vsub.f32 v5, v11;
	v20 =	vld [tilespmem:s16+$0x10070];
	v17 =	vmax.f32 v19, $0.0e+00  }
0x134: {  	v13 =	vsub.f32 v13, v11;
	v12 =	vmax.f32 v12, $0.0e+00;
	v14 =	vadd.f32 v14, v17  }
0x135: {  	v12 =	vadd.f32 v12, v15;
	v15 =	vmax.f32 v18, $0.0e+00;
	v17 =	vsub.f32 v4, v11  }
0x136: {  	v18 =	vsub.f32 v3, v11;
	v13 =	vmax.f32 v13, $0.0e+00;
	v14 =	vadd.f32 v14, v15  }
0x137: {  	v12 =	vadd.f32 v13, v12;
	v16 =	vsub.f32 v16, v11;
	v17 =	vmax.f32 v17, $0.0e+00  }
0x138: {  	v15 =	vsub.f32 v20, v11;
	v13 =	vadd.f32 v14, v17  }
0x139: {  	v14 =	vmax.f32 v16, $0.0e+00;
	v16 =	vmax.f32 v18, $0.0e+00;
	v17 =	vsub.f32 v2, v11  }
0x13a: {  	v12 =	vadd.f32 v14, v12;
	v13 =	vadd.f32 v13, v16  }
0x13b: {  	v14 =	vmax.f32 v15, $0.0e+00;
	v15 =	vmax.f32 v17, $0.0e+00  }
0x13c: {  	v12 =	vadd.f32 v14, v12;
	v13 =	vadd.f32 v13, v15;
	_ =	sdelay $0x1  }
0x13d: {  	v12 =	vadd.f32 v13, v12  }
0x13e: {  	s16 =	simm.s32 $0x0  }
0x13f: {  	v16 =	vld [tilespmem:s16+$0x30];
	vm0 =	vge.f32 v12, $1.000000000e+00  }
0x140: {  	v13 =	vld [tilespmem:s16+$0x0];
	v10 =	vsel vm0, v11, v10;
	v9 =	vsel vm0, v9, v11  }
0x141: {  	v12 =	vld [tilespmem:s16+$0x20];
	v11 =	vadd.f32 v9, v10  }
0x142: {  	v14 =	vld [tilespmem:s16+$0x10]  }
0x143: {  	v15 =	vld [tilespmem:s16+$0x40];
	v11 =	vmul.f32 $5.000000000e-01, v11  }
0x144: {  	v18 =	vld [tilespmem:s16+$0x50]  }
0x145: {  	v17 =	vsub.f32 v1, v11  }
0x146: {  	v22 =	vld [tilespmem:s16+$0x60];
	v13 =	vsub.f32 v13, v11;
	v21 =	vsub.f32 v12, v11  }
0x147: {  	s17 =	simm.s32 $0x80;
	v19 =	vimm.f32 $0.0e+00;
	v20 =	vld [tilespmem:s16+$0x70];
	v14 =	vsub.f32 v14, v11;
	v16 =	vsub.f32 v16, v11  }
0x148: {  	v12 =	vld [tilespmem:s17+$0x20];
	v23 =	vsub.f32 v15, v11;
	v17 =	vmax.f32 v17, $0.0e+00;
	v13 =	vmax.f32 v13, $0.0e+00  }
0x149: {  	v15 =	vld [tilespmem:s17+$0x0];
	v26 =	vsub.f32 v18, v11;
	v17 =	vadd.f32 v13, v17;
	v13 =	vmax.f32 v14, $0.0e+00  }
0x14a: {  	v21 =	vmax.f32 v21, $0.0e+00;
	v25 =	vmax.f32 v16, $0.0e+00;
	v16 =	vld [tilespmem:s17+$0x30];
	v24 =	vadd.f32 v13, v19  }
0x14b: {  	v22 =	vsub.f32 v22, v11;
	v14 =	vld [tilespmem:s17+$0x10];
	v19 =	vmax.f32 v23, $0.0e+00;
	v18 =	vadd.f32 v21, v17  }
0x14c: {  	s18 =	simm.s32 $0x400;
	v13 =	vld [tilespmem:s17+$0x40];
	v17 =	vsub.f32 v20, v11;
	v21 =	vmax.f32 v26, $0.0e+00;
	v20 =	vadd.f32 v25, v24  }
.LBB2_19:
0x14d: {  	p0 =	sne.s32 s18, $0x3FE00;
	v23 =	vld [tilespmem:s17+$0x50];
	v18 =	vadd.f32 v19, v18;
	s19 =	smov.u32 s18;
	s18 =	sadd.s32 $0x200, s18  }
0x14e: {  	v19 =	vsub.f32 v12, v11;
	v24 =	vld [tilespmem:s17+$0x60];
	v12 =	vadd.f32 v21, v20;
	v20 =	vmax.f32 v22, $0.0e+00  }
0x14f: {  	v17 =	vmax.f32 v17, $0.0e+00;
	v15 =	vsub.f32 v15, v11;
	v21 =	vld [tilespmem:s17+$0x70];
	v18 =	vadd.f32 v20, v18  }
0x150: {  	s17 =	sshra.s32 s19, $0x2;
	v14 =	vsub.f32 v14, v11;
	v17 =	vadd.f32 v17, v12  }
.Ltmp8:
0x151: {  	v20 =	vmax.f32 v15, $0.0e+00;
	v22 =	vsub.f32 v13, v11;
	v12 =	vld [tilespmem:s17+$0x20];
	v16 =	vsub.f32 v16, v11;
	(pc) =	sbr.rel @p0 .LBB2_19-.Ltmp8, $4  }
0x152: {  	v19 =	vmax.f32 v19, $0.0e+00;
	v18 =	vadd.f32 v20, v18;
	v13 =	vmax.f32 v14, $0.0e+00;
	v15 =	vld [tilespmem:s17+$0x0]  }
0x153: {  	v20 =	vadd.f32 v13, v17;
	v23 =	vsub.f32 v23, v11;
	v14 =	vld [tilespmem:s17+$0x10];
	v25 =	vmax.f32 v16, $0.0e+00  }
0x154: {  	v18 =	vadd.f32 v19, v18;
	v19 =	vmax.f32 v22, $0.0e+00;
	v13 =	vld [tilespmem:s17+$0x40];
	v17 =	vsub.f32 v21, v11  }
0x155: {  	v22 =	vsub.f32 v24, v11;
	v20 =	vadd.f32 v25, v20;
	v21 =	vmax.f32 v23, $0.0e+00;
	v16 =	vld [tilespmem:s17+$0x30]  }
0x156: {  	v18 =	vadd.f32 v19, v18  }
0x157: {  	v19 =	vld [tilespmem:s17+$0x50];
	v20 =	vadd.f32 v21, v20;
	v21 =	vmax.f32 v22, $0.0e+00;
	v15 =	vsub.f32 v15, v11  }
0x158: {  	v17 =	vmax.f32 v17, $0.0e+00;
	v22 =	vld [tilespmem:s17+$0x60];
	v18 =	vadd.f32 v21, v18;
	v14 =	vsub.f32 v14, v11  }
0x159: {  	v12 =	vsub.f32 v12, v11;
	v21 =	vld [tilespmem:s17+$0x70];
	v17 =	vadd.f32 v17, v20;
	v15 =	vmax.f32 v15, $0.0e+00  }
0x15a: {  	v20 =	vld [tilespmem:s16+$0x10040];
	v16 =	vsub.f32 v16, v11;
	v15 =	vadd.f32 v15, v18;
	v14 =	vmax.f32 v14, $0.0e+00  }
0x15b: {  	v12 =	vmax.f32 v12, $0.0e+00;
	v13 =	vsub.f32 v13, v11;
	v18 =	vld [tilespmem:s16+$0x10020];
	v14 =	vadd.f32 v14, v17  }
0x15c: {  	v17 =	vld [tilespmem:s16+$0x10000];
	v19 =	vsub.f32 v19, v11;
	v16 =	vmax.f32 v16, $0.0e+00;
	v12 =	vadd.f32 v12, v15  }
0x15d: {  	v13 =	vmax.f32 v13, $0.0e+00;
	v15 =	vld [tilespmem:s16+$0x10010];
	v14 =	vadd.f32 v16, v14;
	v16 =	vsub.f32 v22, v11  }
0x15e: {  	v21 =	vsub.f32 v21, v11;
	v19 =	vmax.f32 v19, $0.0e+00;
	v12 =	vadd.f32 v13, v12;
	v13 =	vld [tilespmem:s16+$0x10030]  }
0x15f: {  	v14 =	vadd.f32 v19, v14;
	v16 =	vmax.f32 v16, $0.0e+00  }
0x160: {  	v19 =	vld [tilespmem:s16+$0x10050];
	v12 =	vadd.f32 v16, v12;
	v16 =	vmax.f32 v21, $0.0e+00  }
0x161: {  	v22 =	vld [tilespmem:s16+$0x10070];
	v21 =	vadd.f32 v16, v14;
	v16 =	vsub.f32 v17, v11  }
0x162: {  	v23 =	vld [tilespmem:s16+$0x10060];
	s16 =	simm.s32 $0x80;
	v17 =	vsub.f32 v18, v11;
	v15 =	vsub.f32 v15, v11  }
0x163: {  	v24 =	vsub.f32 v20, v11;
	v14 =	vld [tilespmem:s16+$0x10020];
	v18 =	vmax.f32 v16, $0.0e+00;
	v13 =	vsub.f32 v13, v11  }
0x164: {  	v16 =	vld [tilespmem:s16+$0x10000];
	v15 =	vmax.f32 v15, $0.0e+00;
	v20 =	vmax.f32 v17, $0.0e+00;
	v18 =	vadd.f32 v18, v12  }
0x165: {  	v17 =	vld [tilespmem:s16+$0x10040];
	v25 =	vadd.f32 v15, v21;
	v19 =	vsub.f32 v19, v11;
	v21 =	vmax.f32 v24, $0.0e+00  }
0x166: {  	v12 =	vld [tilespmem:s16+$0x10010];
	v15 =	vsub.f32 v22, v11;
	v26 =	vmax.f32 v13, $0.0e+00;
	v20 =	vadd.f32 v20, v18  }
0x167: {  	s17 =	simm.s32 $0x400;
	v22 =	vsub.f32 v23, v11;
	v13 =	vld [tilespmem:s16+$0x10030];
	v18 =	vadd.f32 v26, v25;
	v19 =	vmax.f32 v19, $0.0e+00  }
.LBB2_21:
0x168: {  	p0 =	sne.s32 s17, $0x3FC00;
	v23 =	vld [tilespmem:s16+$0x10050];
	v20 =	vadd.f32 v21, v20;
	s18 =	smov.u32 s17;
	s17 =	sadd.s32 $0x200, s17  }
0x169: {  	v21 =	vsub.f32 v14, v11;
	v24 =	vld [tilespmem:s16+$0x10060];
	v14 =	vadd.f32 v19, v18;
	v18 =	vmax.f32 v22, $0.0e+00  }
0x16a: {  	v15 =	vmax.f32 v15, $0.0e+00;
	v16 =	vsub.f32 v16, v11;
	v19 =	vld [tilespmem:s16+$0x10070];
	v18 =	vadd.f32 v18, v20  }
0x16b: {  	s16 =	sshra.s32 s18, $0x2;
	v12 =	vsub.f32 v12, v11;
	v15 =	vadd.f32 v15, v14  }
.Ltmp9:
0x16c: {  	v20 =	vmax.f32 v16, $0.0e+00;
	v22 =	vsub.f32 v17, v11;
	v14 =	vld [tilespmem:s16+$0x10020];
	v13 =	vsub.f32 v13, v11;
	(pc) =	sbr.rel @p0 .LBB2_21-.Ltmp9, $4  }
0x16d: {  	v18 =	vadd.f32 v20, v18;
	v17 =	vmax.f32 v12, $0.0e+00;
	v20 =	vmax.f32 v21, $0.0e+00;
	v16 =	vld [tilespmem:s16+$0x10000]  }
0x16e: {  	v25 =	vadd.f32 v17, v15;
	v23 =	vsub.f32 v23, v11;
	v12 =	vld [tilespmem:s16+$0x10010];
	v26 =	vmax.f32 v13, $0.0e+00  }
0x16f: {  	v21 =	vmax.f32 v22, $0.0e+00;
	v20 =	vadd.f32 v20, v18;
	v17 =	vld [tilespmem:s16+$0x10040];
	v15 =	vsub.f32 v19, v11  }
0x170: {  	v22 =	vsub.f32 v24, v11;
	v18 =	vadd.f32 v26, v25;
	v19 =	vmax.f32 v23, $0.0e+00;
	v13 =	vld [tilespmem:s16+$0x10030]  }
0x171: {  	v20 =	vadd.f32 v21, v20  }
0x172: {  	v21 =	vmax.f32 v22, $0.0e+00;
	v16 =	vsub.f32 v16, v11  }
0x173: {  	v22 =	vld [tilespmem:s16+$0x10060];
	v20 =	vadd.f32 v21, v20  }
0x174: {  	v14 =	vsub.f32 v14, v11;
	v16 =	vmax.f32 v16, $0.0e+00  }
0x175: {  	v16 =	vadd.f32 v16, v20  }
0x176: {  	v14 =	vmax.f32 v14, $0.0e+00;
	v17 =	vsub.f32 v17, v11  }
0x177: {  	v14 =	vadd.f32 v14, v16  }
0x178: {  	v16 =	vmax.f32 v17, $0.0e+00;
	v17 =	vsub.f32 v22, v11  }
0x179: {  	v14 =	vadd.f32 v16, v14  }
0x17a: {  	v16 =	vmax.f32 v17, $0.0e+00;
	v17 =	vsub.f32 v8, v11  }
0x17b: {  	v14 =	vadd.f32 v16, v14  }
0x17c: {  	v16 =	vmax.f32 v17, $0.0e+00;
	v17 =	vsub.f32 v7, v11  }
0x17d: {  	v14 =	vadd.f32 v14, v16  }
0x17e: {  	v18 =	vadd.f32 v19, v18;
	v19 =	vsub.f32 v6, v11;
	v17 =	vmax.f32 v17, $0.0e+00  }
0x17f: {  	v15 =	vmax.f32 v15, $0.0e+00;
	v12 =	vsub.f32 v12, v11;
	v16 =	vld [tilespmem:s16+$0x10050];
	v14 =	vadd.f32 v14, v17  }
0x180: {  	v15 =	vadd.f32 v15, v18;
	v18 =	vsub.f32 v5, v11;
	v20 =	vld [tilespmem:s16+$0x10070];
	v17 =	vmax.f32 v19, $0.0e+00  }
0x181: {  	v13 =	vsub.f32 v13, v11;
	v12 =	vmax.f32 v12, $0.0e+00;
	v14 =	vadd.f32 v14, v17  }
0x182: {  	v12 =	vadd.f32 v12, v15;
	v15 =	vmax.f32 v18, $0.0e+00;
	v17 =	vsub.f32 v4, v11  }
0x183: {  	v18 =	vsub.f32 v3, v11;
	v13 =	vmax.f32 v13, $0.0e+00;
	v14 =	vadd.f32 v14, v15  }
0x184: {  	v12 =	vadd.f32 v13, v12;
	v16 =	vsub.f32 v16, v11;
	v17 =	vmax.f32 v17, $0.0e+00  }
0x185: {  	v15 =	vsub.f32 v20, v11;
	v13 =	vadd.f32 v14, v17  }
0x186: {  	v14 =	vmax.f32 v16, $0.0e+00;
	v16 =	vmax.f32 v18, $0.0e+00;
	v17 =	vsub.f32 v2, v11  }
0x187: {  	v12 =	vadd.f32 v14, v12;
	v13 =	vadd.f32 v13, v16  }
0x188: {  	v14 =	vmax.f32 v15, $0.0e+00;
	v15 =	vmax.f32 v17, $0.0e+00  }
0x189: {  	v12 =	vadd.f32 v14, v12;
	v13 =	vadd.f32 v13, v15;
	_ =	sdelay $0x1  }
0x18a: {  	v12 =	vadd.f32 v13, v12  }
0x18b: {  	s16 =	simm.s32 $0x0  }
0x18c: {  	v16 =	vld [tilespmem:s16+$0x30];
	vm0 =	vge.f32 v12, $1.000000000e+00  }
0x18d: {  	v13 =	vld [tilespmem:s16+$0x20];
	v10 =	vsel vm0, v11, v10;
	v11 =	vsel vm0, v9, v11  }
0x18e: {  	v9 =	vld [tilespmem:s16+$0x0];
	v12 =	vadd.f32 v11, v10  }
0x18f: {  	v14 =	vld [tilespmem:s16+$0x10]  }
0x190: {  	v15 =	vld [tilespmem:s16+$0x40];
	v12 =	vmul.f32 $5.000000000e-01, v12  }
0x191: {  	v18 =	vld [tilespmem:s16+$0x50]  }
0x192: {  	v22 =	vld [tilespmem:s16+$0x60];
	v17 =	vsub.f32 v1, v12  }
0x193: {  	v20 =	vsub.f32 v9, v12;
	v13 =	vsub.f32 v13, v12  }
0x194: {  	s17 =	simm.s32 $0x80;
	v21 =	vld [tilespmem:s16+$0x70];
	v19 =	vimm.f32 $0.0e+00;
	v14 =	vsub.f32 v14, v12;
	v16 =	vsub.f32 v16, v12  }
0x195: {  	v9 =	vld [tilespmem:s17+$0x20];
	v23 =	vsub.f32 v15, v12;
	v17 =	vmax.f32 v17, $0.0e+00;
	v20 =	vmax.f32 v20, $0.0e+00  }
0x196: {  	v15 =	vld [tilespmem:s17+$0x0];
	v26 =	vsub.f32 v18, v12;
	v17 =	vadd.f32 v20, v17;
	v20 =	vmax.f32 v14, $0.0e+00  }
0x197: {  	v22 =	vsub.f32 v22, v12;
	v24 =	vmax.f32 v13, $0.0e+00;
	v13 =	vld [tilespmem:s17+$0x40];
	v20 =	vadd.f32 v20, v19  }
0x198: {  	v25 =	vmax.f32 v16, $0.0e+00;
	v14 =	vld [tilespmem:s17+$0x10];
	v19 =	vmax.f32 v23, $0.0e+00;
	v18 =	vadd.f32 v24, v17  }
0x199: {  	s18 =	simm.s32 $0x400;
	v16 =	vld [tilespmem:s17+$0x30];
	v17 =	vsub.f32 v21, v12;
	v21 =	vmax.f32 v26, $0.0e+00;
	v20 =	vadd.f32 v25, v20  }
.LBB2_23:
0x19a: {  	p0 =	sne.s32 s18, $0x3FE00;
	v23 =	vld [tilespmem:s17+$0x50];
	v18 =	vadd.f32 v19, v18;
	s19 =	smov.u32 s18;
	s18 =	sadd.s32 $0x200, s18  }
0x19b: {  	v19 =	vsub.f32 v9, v12;
	v24 =	vld [tilespmem:s17+$0x60];
	v9 =	vadd.f32 v21, v20;
	v20 =	vmax.f32 v22, $0.0e+00  }
0x19c: {  	v17 =	vmax.f32 v17, $0.0e+00;
	v15 =	vsub.f32 v15, v12;
	v21 =	vld [tilespmem:s17+$0x70];
	v18 =	vadd.f32 v20, v18  }
0x19d: {  	s17 =	sshra.s32 s19, $0x2;
	v14 =	vsub.f32 v14, v12;
	v17 =	vadd.f32 v17, v9  }
.Ltmp10:
0x19e: {  	v20 =	vmax.f32 v15, $0.0e+00;
	v22 =	vsub.f32 v13, v12;
	v9 =	vld [tilespmem:s17+$0x20];
	v16 =	vsub.f32 v16, v12;
	(pc) =	sbr.rel @p0 .LBB2_23-.Ltmp10, $4  }
0x19f: {  	v19 =	vmax.f32 v19, $0.0e+00;
	v18 =	vadd.f32 v20, v18;
	v13 =	vmax.f32 v14, $0.0e+00;
	v15 =	vld [tilespmem:s17+$0x0]  }
0x1a0: {  	v20 =	vadd.f32 v13, v17;
	v23 =	vsub.f32 v23, v12;
	v14 =	vld [tilespmem:s17+$0x10];
	v25 =	vmax.f32 v16, $0.0e+00  }
0x1a1: {  	v18 =	vadd.f32 v19, v18;
	v19 =	vmax.f32 v22, $0.0e+00;
	v13 =	vld [tilespmem:s17+$0x40];
	v17 =	vsub.f32 v21, v12  }
0x1a2: {  	v22 =	vsub.f32 v24, v12;
	v20 =	vadd.f32 v25, v20;
	v21 =	vmax.f32 v23, $0.0e+00;
	v16 =	vld [tilespmem:s17+$0x30]  }
0x1a3: {  	v18 =	vadd.f32 v19, v18  }
0x1a4: {  	v19 =	vld [tilespmem:s17+$0x50];
	v20 =	vadd.f32 v21, v20;
	v21 =	vmax.f32 v22, $0.0e+00;
	v15 =	vsub.f32 v15, v12  }
0x1a5: {  	v17 =	vmax.f32 v17, $0.0e+00;
	v22 =	vld [tilespmem:s17+$0x60];
	v18 =	vadd.f32 v21, v18;
	v14 =	vsub.f32 v14, v12  }
0x1a6: {  	v9 =	vsub.f32 v9, v12;
	v21 =	vld [tilespmem:s17+$0x70];
	v17 =	vadd.f32 v17, v20;
	v15 =	vmax.f32 v15, $0.0e+00  }
0x1a7: {  	v20 =	vld [tilespmem:s16+$0x10040];
	v16 =	vsub.f32 v16, v12;
	v15 =	vadd.f32 v15, v18;
	v14 =	vmax.f32 v14, $0.0e+00  }
0x1a8: {  	v9 =	vmax.f32 v9, $0.0e+00;
	v13 =	vsub.f32 v13, v12;
	v18 =	vld [tilespmem:s16+$0x10020];
	v14 =	vadd.f32 v14, v17  }
0x1a9: {  	v17 =	vld [tilespmem:s16+$0x10000];
	v19 =	vsub.f32 v19, v12;
	v16 =	vmax.f32 v16, $0.0e+00;
	v9 =	vadd.f32 v9, v15  }
0x1aa: {  	v13 =	vmax.f32 v13, $0.0e+00;
	v15 =	vld [tilespmem:s16+$0x10010];
	v14 =	vadd.f32 v16, v14;
	v16 =	vsub.f32 v22, v12  }
0x1ab: {  	v21 =	vsub.f32 v21, v12;
	v19 =	vmax.f32 v19, $0.0e+00;
	v9 =	vadd.f32 v13, v9;
	v13 =	vld [tilespmem:s16+$0x10030]  }
0x1ac: {  	v14 =	vadd.f32 v19, v14;
	v16 =	vmax.f32 v16, $0.0e+00  }
0x1ad: {  	v19 =	vld [tilespmem:s16+$0x10050];
	v9 =	vadd.f32 v16, v9;
	v16 =	vmax.f32 v21, $0.0e+00  }
0x1ae: {  	v22 =	vld [tilespmem:s16+$0x10070];
	v21 =	vadd.f32 v16, v14;
	v16 =	vsub.f32 v17, v12  }
0x1af: {  	v23 =	vld [tilespmem:s16+$0x10060];
	s16 =	simm.s32 $0x80;
	v17 =	vsub.f32 v18, v12;
	v15 =	vsub.f32 v15, v12  }
0x1b0: {  	v24 =	vsub.f32 v20, v12;
	v14 =	vld [tilespmem:s16+$0x10020];
	v18 =	vmax.f32 v16, $0.0e+00;
	v13 =	vsub.f32 v13, v12  }
0x1b1: {  	v16 =	vld [tilespmem:s16+$0x10000];
	v15 =	vmax.f32 v15, $0.0e+00;
	v20 =	vmax.f32 v17, $0.0e+00;
	v18 =	vadd.f32 v18, v9  }
0x1b2: {  	v17 =	vld [tilespmem:s16+$0x10040];
	v25 =	vadd.f32 v15, v21;
	v19 =	vsub.f32 v19, v12;
	v21 =	vmax.f32 v24, $0.0e+00  }
0x1b3: {  	v9 =	vld [tilespmem:s16+$0x10010];
	v15 =	vsub.f32 v22, v12;
	v26 =	vmax.f32 v13, $0.0e+00;
	v20 =	vadd.f32 v20, v18  }
0x1b4: {  	s17 =	simm.s32 $0x400;
	v22 =	vsub.f32 v23, v12;
	v13 =	vld [tilespmem:s16+$0x10030];
	v18 =	vadd.f32 v26, v25;
	v19 =	vmax.f32 v19, $0.0e+00  }
.LBB2_25:
0x1b5: {  	p0 =	sne.s32 s17, $0x3FC00;
	v23 =	vld [tilespmem:s16+$0x10050];
	v20 =	vadd.f32 v21, v20;
	s18 =	smov.u32 s17;
	s17 =	sadd.s32 $0x200, s17  }
0x1b6: {  	v21 =	vsub.f32 v14, v12;
	v24 =	vld [tilespmem:s16+$0x10060];
	v14 =	vadd.f32 v19, v18;
	v18 =	vmax.f32 v22, $0.0e+00  }
0x1b7: {  	v15 =	vmax.f32 v15, $0.0e+00;
	v16 =	vsub.f32 v16, v12;
	v19 =	vld [tilespmem:s16+$0x10070];
	v18 =	vadd.f32 v18, v20  }
0x1b8: {  	s16 =	sshra.s32 s18, $0x2;
	v9 =	vsub.f32 v9, v12;
	v15 =	vadd.f32 v15, v14  }
.Ltmp11:
0x1b9: {  	v20 =	vmax.f32 v16, $0.0e+00;
	v22 =	vsub.f32 v17, v12;
	v14 =	vld [tilespmem:s16+$0x10020];
	v13 =	vsub.f32 v13, v12;
	(pc) =	sbr.rel @p0 .LBB2_25-.Ltmp11, $4  }
0x1ba: {  	v18 =	vadd.f32 v20, v18;
	v17 =	vmax.f32 v9, $0.0e+00;
	v20 =	vmax.f32 v21, $0.0e+00;
	v16 =	vld [tilespmem:s16+$0x10000]  }
0x1bb: {  	v25 =	vadd.f32 v17, v15;
	v23 =	vsub.f32 v23, v12;
	v9 =	vld [tilespmem:s16+$0x10010];
	v26 =	vmax.f32 v13, $0.0e+00  }
0x1bc: {  	v21 =	vmax.f32 v22, $0.0e+00;
	v20 =	vadd.f32 v20, v18;
	v17 =	vld [tilespmem:s16+$0x10040];
	v15 =	vsub.f32 v19, v12  }
0x1bd: {  	v22 =	vsub.f32 v24, v12;
	v18 =	vadd.f32 v26, v25;
	v19 =	vmax.f32 v23, $0.0e+00;
	v13 =	vld [tilespmem:s16+$0x10030]  }
0x1be: {  	v20 =	vadd.f32 v21, v20  }
0x1bf: {  	v21 =	vmax.f32 v22, $0.0e+00;
	v16 =	vsub.f32 v16, v12  }
0x1c0: {  	v22 =	vld [tilespmem:s16+$0x10060];
	v20 =	vadd.f32 v21, v20  }
0x1c1: {  	v14 =	vsub.f32 v14, v12;
	v16 =	vmax.f32 v16, $0.0e+00  }
0x1c2: {  	v16 =	vadd.f32 v16, v20  }
0x1c3: {  	v14 =	vmax.f32 v14, $0.0e+00;
	v17 =	vsub.f32 v17, v12  }
0x1c4: {  	v14 =	vadd.f32 v14, v16  }
0x1c5: {  	v16 =	vmax.f32 v17, $0.0e+00;
	v17 =	vsub.f32 v22, v12  }
0x1c6: {  	v14 =	vadd.f32 v16, v14  }
0x1c7: {  	v16 =	vmax.f32 v17, $0.0e+00;
	v17 =	vsub.f32 v8, v12  }
0x1c8: {  	v14 =	vadd.f32 v16, v14  }
0x1c9: {  	v16 =	vmax.f32 v17, $0.0e+00;
	v17 =	vsub.f32 v7, v12  }
0x1ca: {  	v14 =	vadd.f32 v14, v16  }
0x1cb: {  	v18 =	vadd.f32 v19, v18;
	v19 =	vsub.f32 v6, v12;
	v17 =	vmax.f32 v17, $0.0e+00  }
0x1cc: {  	v15 =	vmax.f32 v15, $0.0e+00;
	v9 =	vsub.f32 v9, v12;
	v16 =	vld [tilespmem:s16+$0x10050];
	v14 =	vadd.f32 v14, v17  }
0x1cd: {  	v15 =	vadd.f32 v15, v18;
	v18 =	vsub.f32 v5, v12;
	v20 =	vld [tilespmem:s16+$0x10070];
	v17 =	vmax.f32 v19, $0.0e+00  }
0x1ce: {  	v13 =	vsub.f32 v13, v12;
	v9 =	vmax.f32 v9, $0.0e+00;
	v14 =	vadd.f32 v14, v17  }
0x1cf: {  	v9 =	vadd.f32 v9, v15;
	v15 =	vmax.f32 v18, $0.0e+00;
	v17 =	vsub.f32 v4, v12  }
0x1d0: {  	v18 =	vsub.f32 v3, v12;
	v13 =	vmax.f32 v13, $0.0e+00;
	v14 =	vadd.f32 v14, v15  }
0x1d1: {  	v9 =	vadd.f32 v13, v9;
	v16 =	vsub.f32 v16, v12;
	v17 =	vmax.f32 v17, $0.0e+00  }
0x1d2: {  	v15 =	vsub.f32 v20, v12;
	v13 =	vadd.f32 v14, v17  }
0x1d3: {  	v14 =	vmax.f32 v16, $0.0e+00;
	v16 =	vmax.f32 v18, $0.0e+00;
	v17 =	vsub.f32 v2, v12  }
0x1d4: {  	v9 =	vadd.f32 v14, v9;
	v13 =	vadd.f32 v13, v16  }
0x1d5: {  	v14 =	vmax.f32 v15, $0.0e+00;
	v15 =	vmax.f32 v17, $0.0e+00  }
0x1d6: {  	v9 =	vadd.f32 v14, v9;
	v13 =	vadd.f32 v13, v15;
	_ =	sdelay $0x1  }
0x1d7: {  	v9 =	vadd.f32 v13, v9  }
0x1d8: {  	s16 =	simm.s32 $0x0  }
0x1d9: {  	v15 =	vld [tilespmem:s16+$0x30];
	vm0 =	vge.f32 v9, $1.000000000e+00  }
0x1da: {  	v13 =	vld [tilespmem:s16+$0x20];
	v9 =	vsel vm0, v12, v10;
	v10 =	vsel vm0, v11, v12  }
0x1db: {  	v11 =	vld [tilespmem:s16+$0x0];
	v10 =	vadd.f32 v10, v9  }
0x1dc: {  	v12 =	vld [tilespmem:s16+$0x10]  }
0x1dd: {  	v14 =	vld [tilespmem:s16+$0x40];
	v10 =	vmul.f32 $5.000000000e-01, v10  }
0x1de: {  	v17 =	vld [tilespmem:s16+$0x50]  }
0x1df: {  	v16 =	vsub.f32 v1, v10  }
0x1e0: {  	v21 =	vld [tilespmem:s16+$0x60];
	v19 =	vsub.f32 v11, v10;
	v13 =	vsub.f32 v13, v10  }
0x1e1: {  	s17 =	simm.s32 $0x80;
	v20 =	vld [tilespmem:s16+$0x70];
	v18 =	vimm.f32 $0.0e+00;
	v12 =	vsub.f32 v12, v10;
	v15 =	vsub.f32 v15, v10  }
0x1e2: {  	v11 =	vld [tilespmem:s17+$0x20];
	v22 =	vsub.f32 v14, v10;
	v16 =	vmax.f32 v16, $0.0e+00;
	v19 =	vmax.f32 v19, $0.0e+00  }
0x1e3: {  	v14 =	vld [tilespmem:s17+$0x0];
	v25 =	vsub.f32 v17, v10;
	v12 =	vmax.f32 v12, $0.0e+00;
	v16 =	vadd.f32 v19, v16  }
0x1e4: {  	v24 =	vmax.f32 v15, $0.0e+00;
	v15 =	vld [tilespmem:s17+$0x30];
	v19 =	vmax.f32 v13, $0.0e+00;
	v23 =	vadd.f32 v12, v18  }
0x1e5: {  	v21 =	vsub.f32 v21, v10;
	v13 =	vld [tilespmem:s17+$0x10];
	v18 =	vmax.f32 v22, $0.0e+00;
	v17 =	vadd.f32 v19, v16  }
0x1e6: {  	s18 =	simm.s32 $0x400;
	v12 =	vld [tilespmem:s17+$0x40];
	v16 =	vsub.f32 v20, v10;
	v19 =	vadd.f32 v24, v23;
	v20 =	vmax.f32 v25, $0.0e+00  }
.LBB2_27:
0x1e7: {  	p0 =	sne.s32 s18, $0x3FE00;
	v22 =	vld [tilespmem:s17+$0x50];
	v17 =	vadd.f32 v18, v17;
	s19 =	smov.u32 s18;
	s18 =	sadd.s32 $0x200, s18  }
0x1e8: {  	v18 =	vsub.f32 v11, v10;
	v23 =	vld [tilespmem:s17+$0x60];
	v11 =	vadd.f32 v20, v19;
	v19 =	vmax.f32 v21, $0.0e+00  }
0x1e9: {  	v16 =	vmax.f32 v16, $0.0e+00;
	v14 =	vsub.f32 v14, v10;
	v20 =	vld [tilespmem:s17+$0x70];
	v17 =	vadd.f32 v19, v17  }
0x1ea: {  	s17 =	sshra.s32 s19, $0x2;
	v13 =	vsub.f32 v13, v10;
	v16 =	vadd.f32 v16, v11  }
.Ltmp12:
0x1eb: {  	v19 =	vmax.f32 v14, $0.0e+00;
	v21 =	vsub.f32 v12, v10;
	v11 =	vld [tilespmem:s17+$0x20];
	v15 =	vsub.f32 v15, v10;
	(pc) =	sbr.rel @p0 .LBB2_27-.Ltmp12, $4  }
0x1ec: {  	v18 =	vmax.f32 v18, $0.0e+00;
	v17 =	vadd.f32 v19, v17;
	v12 =	vmax.f32 v13, $0.0e+00;
	v14 =	vld [tilespmem:s17+$0x0]  }
0x1ed: {  	v19 =	vadd.f32 v12, v16;
	v22 =	vsub.f32 v22, v10;
	v13 =	vld [tilespmem:s17+$0x10];
	v24 =	vmax.f32 v15, $0.0e+00  }
0x1ee: {  	v17 =	vadd.f32 v18, v17;
	v18 =	vmax.f32 v21, $0.0e+00;
	v12 =	vld [tilespmem:s17+$0x40];
	v16 =	vsub.f32 v20, v10  }
0x1ef: {  	v21 =	vsub.f32 v23, v10;
	v19 =	vadd.f32 v24, v19;
	v20 =	vmax.f32 v22, $0.0e+00;
	v15 =	vld [tilespmem:s17+$0x30]  }
0x1f0: {  	v17 =	vadd.f32 v18, v17  }
0x1f1: {  	v18 =	vld [tilespmem:s17+$0x50];
	v19 =	vadd.f32 v20, v19;
	v20 =	vmax.f32 v21, $0.0e+00;
	v14 =	vsub.f32 v14, v10  }
0x1f2: {  	v16 =	vmax.f32 v16, $0.0e+00;
	v21 =	vld [tilespmem:s17+$0x60];
	v17 =	vadd.f32 v20, v17;
	v13 =	vsub.f32 v13, v10  }
0x1f3: {  	v11 =	vsub.f32 v11, v10;
	v20 =	vld [tilespmem:s17+$0x70];
	v16 =	vadd.f32 v16, v19;
	v14 =	vmax.f32 v14, $0.0e+00  }
0x1f4: {  	v19 =	vld [tilespmem:s16+$0x10040];
	v15 =	vsub.f32 v15, v10;
	v14 =	vadd.f32 v14, v17;
	v13 =	vmax.f32 v13, $0.0e+00  }
0x1f5: {  	v11 =	vmax.f32 v11, $0.0e+00;
	v12 =	vsub.f32 v12, v10;
	v17 =	vld [tilespmem:s16+$0x10020];
	v13 =	vadd.f32 v13, v16  }
0x1f6: {  	v16 =	vld [tilespmem:s16+$0x10000];
	v18 =	vsub.f32 v18, v10;
	v15 =	vmax.f32 v15, $0.0e+00;
	v11 =	vadd.f32 v11, v14  }
0x1f7: {  	v12 =	vmax.f32 v12, $0.0e+00;
	v14 =	vld [tilespmem:s16+$0x10010];
	v13 =	vadd.f32 v15, v13;
	v15 =	vsub.f32 v21, v10  }
0x1f8: {  	v20 =	vsub.f32 v20, v10;
	v18 =	vmax.f32 v18, $0.0e+00;
	v11 =	vadd.f32 v12, v11;
	v12 =	vld [tilespmem:s16+$0x10030]  }
0x1f9: {  	v13 =	vadd.f32 v18, v13;
	v15 =	vmax.f32 v15, $0.0e+00  }
0x1fa: {  	v18 =	vld [tilespmem:s16+$0x10050];
	v11 =	vadd.f32 v15, v11;
	v15 =	vmax.f32 v20, $0.0e+00  }
0x1fb: {  	v21 =	vld [tilespmem:s16+$0x10070];
	v20 =	vadd.f32 v15, v13;
	v15 =	vsub.f32 v16, v10  }
0x1fc: {  	v22 =	vld [tilespmem:s16+$0x10060];
	s16 =	simm.s32 $0x80;
	v16 =	vsub.f32 v17, v10;
	v14 =	vsub.f32 v14, v10  }
0x1fd: {  	v23 =	vsub.f32 v19, v10;
	v13 =	vld [tilespmem:s16+$0x10020];
	v17 =	vmax.f32 v15, $0.0e+00;
	v12 =	vsub.f32 v12, v10  }
0x1fe: {  	v15 =	vld [tilespmem:s16+$0x10000];
	v14 =	vmax.f32 v14, $0.0e+00;
	v19 =	vmax.f32 v16, $0.0e+00;
	v17 =	vadd.f32 v17, v11  }
0x1ff: {  	v16 =	vld [tilespmem:s16+$0x10040];
	v24 =	vadd.f32 v14, v20;
	v18 =	vsub.f32 v18, v10;
	v20 =	vmax.f32 v23, $0.0e+00  }
0x200: {  	v11 =	vld [tilespmem:s16+$0x10010];
	v14 =	vsub.f32 v21, v10;
	v25 =	vmax.f32 v12, $0.0e+00;
	v19 =	vadd.f32 v19, v17  }
0x201: {  	s17 =	simm.s32 $0x400;
	v21 =	vsub.f32 v22, v10;
	v12 =	vld [tilespmem:s16+$0x10030];
	v17 =	vadd.f32 v25, v24;
	v18 =	vmax.f32 v18, $0.0e+00  }
.LBB2_29:
0x202: {  	p0 =	sne.s32 s17, $0x3FC00;
	v22 =	vld [tilespmem:s16+$0x10050];
	v19 =	vadd.f32 v20, v19;
	s18 =	smov.u32 s17;
	s17 =	sadd.s32 $0x200, s17  }
0x203: {  	v20 =	vsub.f32 v13, v10;
	v23 =	vld [tilespmem:s16+$0x10060];
	v13 =	vadd.f32 v18, v17;
	v17 =	vmax.f32 v21, $0.0e+00  }
0x204: {  	v14 =	vmax.f32 v14, $0.0e+00;
	v15 =	vsub.f32 v15, v10;
	v18 =	vld [tilespmem:s16+$0x10070];
	v17 =	vadd.f32 v17, v19  }
0x205: {  	s16 =	sshra.s32 s18, $0x2;
	v11 =	vsub.f32 v11, v10;
	v14 =	vadd.f32 v14, v13  }
.Ltmp13:
0x206: {  	v19 =	vmax.f32 v15, $0.0e+00;
	v21 =	vsub.f32 v16, v10;
	v13 =	vld [tilespmem:s16+$0x10020];
	v12 =	vsub.f32 v12, v10;
	(pc) =	sbr.rel @p0 .LBB2_29-.Ltmp13, $4  }
0x207: {  	v17 =	vadd.f32 v19, v17;
	v16 =	vmax.f32 v11, $0.0e+00;
	v19 =	vmax.f32 v20, $0.0e+00;
	v15 =	vld [tilespmem:s16+$0x10000]  }
0x208: {  	v24 =	vadd.f32 v16, v14;
	v22 =	vsub.f32 v22, v10;
	v11 =	vld [tilespmem:s16+$0x10010];
	v25 =	vmax.f32 v12, $0.0e+00  }
0x209: {  	v20 =	vmax.f32 v21, $0.0e+00;
	v19 =	vadd.f32 v19, v17;
	v16 =	vld [tilespmem:s16+$0x10040];
	v14 =	vsub.f32 v18, v10  }
0x20a: {  	v21 =	vsub.f32 v23, v10;
	v17 =	vadd.f32 v25, v24;
	v18 =	vmax.f32 v22, $0.0e+00;
	v12 =	vld [tilespmem:s16+$0x10030]  }
0x20b: {  	v19 =	vadd.f32 v20, v19  }
0x20c: {  	v20 =	vmax.f32 v21, $0.0e+00;
	v15 =	vsub.f32 v15, v10  }
0x20d: {  	v21 =	vld [tilespmem:s16+$0x10060];
	v19 =	vadd.f32 v20, v19  }
0x20e: {  	v13 =	vsub.f32 v13, v10;
	v15 =	vmax.f32 v15, $0.0e+00  }
0x20f: {  	v15 =	vadd.f32 v15, v19  }
0x210: {  	v13 =	vmax.f32 v13, $0.0e+00;
	v16 =	vsub.f32 v16, v10  }
0x211: {  	v13 =	vadd.f32 v13, v15  }
0x212: {  	v15 =	vmax.f32 v16, $0.0e+00;
	v16 =	vsub.f32 v21, v10  }
0x213: {  	v13 =	vadd.f32 v15, v13  }
0x214: {  	v15 =	vmax.f32 v16, $0.0e+00;
	v16 =	vsub.f32 v8, v10  }
0x215: {  	v13 =	vadd.f32 v15, v13  }
0x216: {  	v15 =	vmax.f32 v16, $0.0e+00;
	v16 =	vsub.f32 v7, v10  }
0x217: {  	v13 =	vadd.f32 v13, v15  }
0x218: {  	v17 =	vadd.f32 v18, v17;
	v18 =	vsub.f32 v6, v10;
	v16 =	vmax.f32 v16, $0.0e+00  }
0x219: {  	v14 =	vmax.f32 v14, $0.0e+00;
	v11 =	vsub.f32 v11, v10;
	v15 =	vld [tilespmem:s16+$0x10050];
	v13 =	vadd.f32 v13, v16  }
0x21a: {  	v14 =	vadd.f32 v14, v17;
	v17 =	vsub.f32 v5, v10;
	v19 =	vld [tilespmem:s16+$0x10070];
	v16 =	vmax.f32 v18, $0.0e+00  }
0x21b: {  	v12 =	vsub.f32 v12, v10;
	v11 =	vmax.f32 v11, $0.0e+00;
	v13 =	vadd.f32 v13, v16  }
0x21c: {  	v11 =	vadd.f32 v11, v14;
	v14 =	vmax.f32 v17, $0.0e+00;
	v16 =	vsub.f32 v4, v10  }
0x21d: {  	v17 =	vsub.f32 v3, v10;
	v12 =	vmax.f32 v12, $0.0e+00;
	v13 =	vadd.f32 v13, v14  }
0x21e: {  	v11 =	vadd.f32 v12, v11;
	v15 =	vsub.f32 v15, v10;
	v16 =	vmax.f32 v16, $0.0e+00  }
0x21f: {  	v14 =	vsub.f32 v19, v10;
	v12 =	vadd.f32 v13, v16  }
0x220: {  	v13 =	vmax.f32 v15, $0.0e+00;
	v15 =	vmax.f32 v17, $0.0e+00;
	v16 =	vsub.f32 v2, v10  }
0x221: {  	v11 =	vadd.f32 v13, v11;
	v12 =	vadd.f32 v12, v15  }
0x222: {  	v13 =	vmax.f32 v14, $0.0e+00;
	v14 =	vmax.f32 v16, $0.0e+00  }
0x223: {  	v11 =	vadd.f32 v13, v11;
	v12 =	vadd.f32 v12, v14;
	_ =	sdelay $0x1  }
0x224: {  	s17 =	simm.s32 $0x0;
	v11 =	vadd.f32 v12, v11  }
0x225: {  	v14 =	vld [tilespmem:s17+$0x10]  }
0x226: {  	v12 =	vld [tilespmem:s17+$0x30];
	vm0 =	vge.f32 v11, $1.000000000e+00  }
0x227: {  	v9 =	vsel vm0, v10, v9;
	v10 =	vld [tilespmem:s17+$0x0]  }
0x228: {  	v11 =	vld [tilespmem:s17+$0x20];
	_ =	sdelay $0x1  }
0x229: {  	v13 =	vsub.f32 v1, v9  }
0x22a: {  	v16 =	vimm.f32 $0.0e+00;
	v14 =	vsub.f32 v14, v9  }
0x22b: {  	v12 =	vsub.f32 v12, v9;
	v13 =	vmax.f32 v13, $0.0e+00;
	v10 =	vsub.f32 v10, v9  }
0x22c: {  	v15 =	vld [tilespmem:s17+$0x50];
	v17 =	vadd.f32 $0.0e+00, v13;
	vm0 =	vgt.f32 v13, $0.0e+00;
	v11 =	vsub.f32 v11, v9  }
0x22d: {  	v19 =	vld [tilespmem:s17+$0x70];
	v12 =	vmax.f32 v12, $0.0e+00;
	v18 =	vsel vm0, $0x3F800000, v16;
	v10 =	vmax.f32 v10, $0.0e+00  }
0x22e: {  	v13 =	vld [tilespmem:s17+$0x60];
	v11 =	vmax.f32 v11, $0.0e+00;
	v17 =	vadd.f32 v10, v17;
	vm0 =	vgt.f32 v10, $0.0e+00  }
0x22f: {  	vm1 =	vgt.f32 v11, $0.0e+00;
	v10 =	vmax.f32 v14, $0.0e+00;
	v14 =	vsel vm0, $0x3F800000, v0  }
0x230: {  	s16 =	simm.s32 $0x80;
	vm0 =	vgt.f32 v10, $0.0e+00;
	v10 =	vadd.f32 v10, v16;
	v17 =	vadd.f32 v11, v17;
	v11 =	vld [tilespmem:s17+$0x40]  }
0x231: {  	v21 =	vld [tilespmem:s16+$0x30];
	v15 =	vsub.f32 v15, v9;
	vm2 =	vgt.f32 v12, $0.0e+00  }
0x232: {  	v19 =	vsub.f32 v19, v9;
	v22 =	vsel vm2, $0x3F800000, v0;
	v10 =	vadd.f32 v12, v10  }
0x233: {  	v23 =	vld [tilespmem:s16+$0x0];
	v13 =	vsub.f32 v13, v9;
	v20 =	vsel vm0, $0x3F800000, v0;
	v12 =	vmax.f32 v15, $0.0e+00  }
0x234: {  	v15 =	vmax.f32 v19, $0.0e+00;
	v19 =	vld [tilespmem:s16+$0x20];
	v20 =	vadd.f32 v20, v16;
	v10 =	vadd.f32 v12, v10  }
0x235: {  	v16 =	vld [tilespmem:s16+$0x10];
	vm0 =	vgt.f32 v12, $0.0e+00;
	v12 =	vadd.f32 v14, v18;
	v11 =	vsub.f32 v11, v9  }
0x236: {  	v13 =	vmax.f32 v13, $0.0e+00;
	v18 =	vadd.f32 v15, v10;
	v10 =	vsub.f32 v21, v9  }
0x237: {  	vm2 =	vgt.f32 v15, $0.0e+00;
	vm3 =	vgt.f32 v13, $0.0e+00;
	v21 =	vld [tilespmem:s16+$0x50];
	v15 =	vsel vm1, $0x3F800000, v0  }
0x238: {  	v24 =	vadd.f32 v15, v12;
	v11 =	vmax.f32 v11, $0.0e+00;
	v12 =	vmax.f32 v10, $0.0e+00  }
0x239: {  	v15 =	vadd.f32 v11, v17;
	vm1 =	vgt.f32 v11, $0.0e+00;
	v11 =	vsub.f32 v19, v9  }
0x23a: {  	v17 =	vsub.f32 v23, v9;
	v19 =	vsub.f32 v16, v9;
	v10 =	vsel vm1, $0x3F800000, v0  }
0x23b: {  	v14 =	vsel vm3, $0x3F800000, v0;
	v13 =	vadd.f32 v13, v15;
	v10 =	vadd.f32 v10, v24  }
0x23c: {  	v17 =	vmax.f32 v17, $0.0e+00;
	v16 =	vsub.f32 v21, v9;
	v21 =	vadd.f32 v22, v20  }
0x23d: {  	v20 =	vadd.f32 v17, v13;
	v13 =	vadd.f32 v14, v10;
	v10 =	vld [tilespmem:s16+$0x60]  }
0x23e: {  	v23 =	vsel vm0, $0x3F800000, v0;
	vm0 =	vgt.f32 v17, $0.0e+00;
	v17 =	vmax.f32 v19, $0.0e+00;
	v19 =	vld [tilespmem:s16+$0x70];
	_ =	sdelay $0x1  }
0x23f: {  	v15 =	vsel vm2, $0x3F800000, v0;
	v22 =	vmax.f32 v11, $0.0e+00;
	v14 =	vsel vm0, $0x3F800000, v0  }
0x240: {  	vm0 =	vgt.f32 v22, $0.0e+00;
	v21 =	vadd.f32 v23, v21;
	vm1 =	vgt.f32 v17, $0.0e+00  }
0x241: {  	s18 =	simm.s32 $0x400;
	v11 =	vadd.f32 v22, v20;
	v20 =	vadd.f32 v17, v18;
	v17 =	vsel vm1, $0x3F800000, v0;
	v18 =	vld [tilespmem:s16+$0x40]  }
.LBB2_31:
0x242: {  	s19 =	sshra.s32 s18, $0x2;
	p0 =	sne.s32 s18, $0x3FE00;
	s18 =	sadd.s32 $0x200, s18;
	vm1 =	vgt.f32 v12, $0.0e+00;
	v22 =	vsub.f32 v10, v9;
	v19 =	vsub.f32 v19, v9  }
0x243: {  	v23 =	vld [tilespmem:s19+$0x30];
	v12 =	vadd.f32 v12, v20;
	v20 =	vsel vm1, $0x3F800000, v0;
	v15 =	vadd.f32 v15, v21  }
0x244: {  	v16 =	vmax.f32 v16, $0.0e+00;
	v10 =	vld [tilespmem:s19+$0x60];
	v21 =	vmax.f32 v22, $0.0e+00;
	v19 =	vmax.f32 v19, $0.0e+00  }
0x245: {  	vm1 =	vgt.f32 v16, $0.0e+00;
	v22 =	vld [tilespmem:s19+$0x20];
	v12 =	vadd.f32 v16, v12;
	vm2 =	vgt.f32 v19, $0.0e+00  }
0x246: {  	v17 =	vadd.f32 v17, v15;
	vm3 =	vgt.f32 v21, $0.0e+00;
	v16 =	vld [tilespmem:s19+$0x0];
	v15 =	vsub.f32 v18, v9  }
0x247: {  	v13 =	vadd.f32 v14, v13;
	v14 =	vsel vm3, $0x3F800000, v0;
	v18 =	vld [tilespmem:s19+$0x10];
	v24 =	vadd.f32 v19, v12  }
0x248: {  	v12 =	vsub.f32 v23, v9;
	v19 =	vld [tilespmem:s19+$0x50];
	v23 =	vsel vm0, $0x3F800000, v0;
	v15 =	vmax.f32 v15, $0.0e+00  }
0x249: {  	v13 =	vadd.f32 v23, v13;
	v11 =	vadd.f32 v15, v11;
	vm0 =	vgt.f32 v15, $0.0e+00  }
0x24a: {  	v22 =	vsub.f32 v22, v9;
	v12 =	vmax.f32 v12, $0.0e+00;
	v23 =	vsel vm0, $0x3F800000, v0  }
0x24b: {  	v15 =	vsel vm2, $0x3F800000, v0;
	v16 =	vsub.f32 v16, v9;
	v11 =	vadd.f32 v21, v11  }
0x24c: {  	v13 =	vadd.f32 v23, v13;
	v21 =	vsel vm1, $0x3F800000, v0;
	v18 =	vsub.f32 v18, v9  }
.Ltmp14:
0x24d: {  	v25 =	vadd.f32 v20, v17;
	v23 =	vmax.f32 v16, $0.0e+00;
	v16 =	vsub.f32 v19, v9;
	v19 =	vld [tilespmem:s19+$0x70];
	(pc) =	sbr.rel @p0 .LBB2_31-.Ltmp14, $4  }
0x24e: {  	v13 =	vadd.f32 v14, v13;
	v11 =	vadd.f32 v23, v11;
	vm0 =	vgt.f32 v23, $0.0e+00  }
0x24f: {  	v17 =	vmax.f32 v18, $0.0e+00;
	v18 =	vmax.f32 v22, $0.0e+00;
	v14 =	vsel vm0, $0x3F800000, v0  }
0x250: {  	vm1 =	vgt.f32 v17, $0.0e+00;
	vm0 =	vgt.f32 v18, $0.0e+00;
	v11 =	vadd.f32 v18, v11  }
0x251: {  	v21 =	vadd.f32 v21, v25;
	v20 =	vadd.f32 v17, v24;
	v17 =	vsel vm1, $0x3F800000, v0;
	v18 =	vld [tilespmem:s19+$0x40]  }
0x252: {  	vm1 =	vgt.f32 v12, $0.0e+00;
	v10 =	vsub.f32 v10, v9  }
0x253: {  	v19 =	vsub.f32 v19, v9;
	v16 =	vmax.f32 v16, $0.0e+00;
	v13 =	vadd.f32 v14, v13  }
0x254: {  	v14 =	vld [tilespmem:s17+$0x10030];
	v12 =	vadd.f32 v12, v20;
	v20 =	vsel vm1, $0x3F800000, v0;
	v15 =	vadd.f32 v15, v21  }
0x255: {  	vm1 =	vgt.f32 v16, $0.0e+00;
	v21 =	vld [tilespmem:s17+$0x10010];
	v10 =	vmax.f32 v10, $0.0e+00;
	v19 =	vmax.f32 v19, $0.0e+00  }
0x256: {  	v12 =	vadd.f32 v16, v12;
	v15 =	vadd.f32 v17, v15;
	v17 =	vsel vm0, $0x3F800000, v0  }
0x257: {  	vm3 =	vgt.f32 v10, $0.0e+00;
	v16 =	vsub.f32 v18, v9;
	v13 =	vadd.f32 v17, v13;
	v17 =	vld [tilespmem:s17+$0x10000]  }
0x258: {  	vm2 =	vgt.f32 v19, $0.0e+00;
	v18 =	vld [tilespmem:s17+$0x10020];
	v22 =	vsel vm3, $0x3F800000, v0;
	v15 =	vadd.f32 v20, v15  }
0x259: {  	v20 =	vsel vm1, $0x3F800000, v0;
	v12 =	vadd.f32 v19, v12;
	v16 =	vmax.f32 v16, $0.0e+00  }
0x25a: {  	v14 =	vsub.f32 v14, v9;
	v19 =	vsub.f32 v21, v9;
	vm0 =	vgt.f32 v16, $0.0e+00  }
0x25b: {  	v11 =	vadd.f32 v16, v11;
	v15 =	vadd.f32 v20, v15;
	v16 =	vsel vm0, $0x3F800000, v0  }
0x25c: {  	v14 =	vmax.f32 v14, $0.0e+00;
	v13 =	vadd.f32 v16, v13;
	v17 =	vsub.f32 v17, v9  }
0x25d: {  	v16 =	vld [tilespmem:s17+$0x10050];
	v10 =	vadd.f32 v10, v11;
	v11 =	vsel vm2, $0x3F800000, v0;
	v18 =	vsub.f32 v18, v9  }
0x25e: {  	v20 =	vld [tilespmem:s17+$0x10070];
	vm2 =	vgt.f32 v14, $0.0e+00;
	v11 =	vadd.f32 v11, v15;
	v17 =	vmax.f32 v17, $0.0e+00  }
0x25f: {  	v15 =	vld [tilespmem:s17+$0x10060];
	v13 =	vadd.f32 v22, v13;
	v18 =	vmax.f32 v18, $0.0e+00;
	v10 =	vadd.f32 v17, v10  }
0x260: {  	vm0 =	vgt.f32 v17, $0.0e+00;
	v17 =	vmax.f32 v19, $0.0e+00;
	vm1 =	vgt.f32 v18, $0.0e+00  }
0x261: {  	v19 =	vsel vm0, $0x3F800000, v0;
	vm0 =	vgt.f32 v17, $0.0e+00;
	v12 =	vadd.f32 v17, v12;
	v17 =	vld [tilespmem:s17+$0x10040]  }
0x262: {  	v21 =	vld [tilespmem:s16+$0x10030];
	v23 =	vsel vm1, $0x3F800000, v0;
	v16 =	vsub.f32 v16, v9;
	v10 =	vadd.f32 v18, v10  }
0x263: {  	v18 =	vsub.f32 v20, v9;
	v20 =	vsel vm0, $0x3F800000, v0;
	v12 =	vadd.f32 v14, v12  }
0x264: {  	v22 =	vld [tilespmem:s16+$0x10020];
	v13 =	vadd.f32 v19, v13;
	v15 =	vsub.f32 v15, v9;
	v16 =	vmax.f32 v16, $0.0e+00  }
0x265: {  	v14 =	vsel vm2, $0x3F800000, v0;
	v11 =	vadd.f32 v20, v11;
	v20 =	vld [tilespmem:s16+$0x10010];
	v12 =	vadd.f32 v16, v12  }
0x266: {  	v18 =	vmax.f32 v18, $0.0e+00;
	vm0 =	vgt.f32 v16, $0.0e+00;
	v16 =	vld [tilespmem:s16+$0x10000];
	v17 =	vsub.f32 v17, v9  }
0x267: {  	vm2 =	vgt.f32 v18, $0.0e+00;
	v18 =	vadd.f32 v18, v12;
	v12 =	vsub.f32 v21, v9;
	v21 =	vld [tilespmem:s16+$0x10050]  }
0x268: {  	v13 =	vadd.f32 v23, v13;
	v17 =	vmax.f32 v17, $0.0e+00  }
0x269: {  	v22 =	vsub.f32 v22, v9;
	v15 =	vmax.f32 v15, $0.0e+00;
	vm1 =	vgt.f32 v17, $0.0e+00  }
0x26a: {  	v23 =	vadd.f32 v17, v10;
	v10 =	vmax.f32 v12, $0.0e+00;
	v12 =	vsel vm1, $0x3F800000, v0  }
0x26b: {  	vm3 =	vgt.f32 v15, $0.0e+00;
	v20 =	vsub.f32 v20, v9;
	v12 =	vadd.f32 v12, v13  }
0x26c: {  	v19 =	vsel vm3, $0x3F800000, v0;
	v16 =	vsub.f32 v16, v9;
	v17 =	vsub.f32 v21, v9  }
0x26d: {  	v21 =	vadd.f32 v14, v11;
	v14 =	vadd.f32 v19, v12;
	v12 =	vld [tilespmem:s16+$0x10060]  }
0x26e: {  	v24 =	vsel vm0, $0x3F800000, v0;
	v22 =	vmax.f32 v22, $0.0e+00;
	v23 =	vadd.f32 v15, v23;
	v19 =	vld [tilespmem:s16+$0x10070]  }
0x26f: {  	v20 =	vmax.f32 v20, $0.0e+00;
	v15 =	vsel vm2, $0x3F800000, v0;
	v13 =	vmax.f32 v16, $0.0e+00  }
0x270: {  	vm1 =	vgt.f32 v20, $0.0e+00;
	v11 =	vadd.f32 v13, v23;
	vm0 =	vgt.f32 v13, $0.0e+00  }
0x271: {  	v16 =	vsel vm0, $0x3F800000, v0;
	vm0 =	vgt.f32 v22, $0.0e+00;
	v21 =	vadd.f32 v24, v21  }
0x272: {  	s17 =	simm.s32 $0x400;
	v13 =	vadd.f32 v22, v11;
	v11 =	vadd.f32 v20, v18;
	v18 =	vsel vm1, $0x3F800000, v0;
	v20 =	vld [tilespmem:s16+$0x10040]  }
.LBB2_33:
0x273: {  	s16 =	sshra.s32 s17, $0x2;
	p0 =	sne.s32 s17, $0x3FC00;
	s17 =	sadd.s32 $0x200, s17;
	vm1 =	vgt.f32 v10, $0.0e+00;
	v22 =	vsub.f32 v12, v9;
	v19 =	vsub.f32 v19, v9  }
0x274: {  	v23 =	vld [tilespmem:s16+$0x10030];
	v10 =	vadd.f32 v10, v11;
	v11 =	vsel vm1, $0x3F800000, v0;
	v15 =	vadd.f32 v15, v21  }
0x275: {  	v17 =	vmax.f32 v17, $0.0e+00;
	v12 =	vld [tilespmem:s16+$0x10060];
	v21 =	vmax.f32 v22, $0.0e+00;
	v19 =	vmax.f32 v19, $0.0e+00  }
0x276: {  	vm1 =	vgt.f32 v17, $0.0e+00;
	v22 =	vld [tilespmem:s16+$0x10020];
	v10 =	vadd.f32 v17, v10;
	vm2 =	vgt.f32 v19, $0.0e+00  }
0x277: {  	v18 =	vadd.f32 v18, v15;
	vm3 =	vgt.f32 v21, $0.0e+00;
	v17 =	vld [tilespmem:s16+$0x10000];
	v15 =	vsub.f32 v20, v9  }
0x278: {  	v14 =	vadd.f32 v16, v14;
	v16 =	vsel vm3, $0x3F800000, v0;
	v20 =	vld [tilespmem:s16+$0x10010];
	v24 =	vadd.f32 v19, v10  }
0x279: {  	v10 =	vsub.f32 v23, v9;
	v19 =	vld [tilespmem:s16+$0x10050];
	v23 =	vsel vm0, $0x3F800000, v0;
	v15 =	vmax.f32 v15, $0.0e+00  }
0x27a: {  	v14 =	vadd.f32 v23, v14;
	v13 =	vadd.f32 v15, v13;
	vm0 =	vgt.f32 v15, $0.0e+00  }
0x27b: {  	v22 =	vsub.f32 v22, v9;
	v10 =	vmax.f32 v10, $0.0e+00;
	v23 =	vsel vm0, $0x3F800000, v0  }
0x27c: {  	v15 =	vsel vm2, $0x3F800000, v0;
	v17 =	vsub.f32 v17, v9;
	v13 =	vadd.f32 v21, v13  }
0x27d: {  	v14 =	vadd.f32 v23, v14;
	v21 =	vsel vm1, $0x3F800000, v0;
	v20 =	vsub.f32 v20, v9  }
.Ltmp15:
0x27e: {  	v25 =	vadd.f32 v11, v18;
	v23 =	vmax.f32 v17, $0.0e+00;
	v17 =	vsub.f32 v19, v9;
	v19 =	vld [tilespmem:s16+$0x10070];
	(pc) =	sbr.rel @p0 .LBB2_33-.Ltmp15, $4  }
0x27f: {  	v14 =	vadd.f32 v16, v14;
	v11 =	vadd.f32 v23, v13;
	vm0 =	vgt.f32 v23, $0.0e+00  }
0x280: {  	v18 =	vmax.f32 v20, $0.0e+00;
	v20 =	vmax.f32 v22, $0.0e+00;
	v16 =	vsel vm0, $0x3F800000, v0  }
0x281: {  	vm1 =	vgt.f32 v18, $0.0e+00;
	vm0 =	vgt.f32 v20, $0.0e+00;
	v13 =	vadd.f32 v20, v11  }
0x282: {  	v21 =	vadd.f32 v21, v25;
	v11 =	vadd.f32 v18, v24;
	v18 =	vsel vm1, $0x3F800000, v0;
	v20 =	vld [tilespmem:s16+$0x10040]  }
0x283: {  	_ =	sdelay $0x1  }
0x284: {  	v12 =	vsub.f32 v12, v9  }
0x285: {  	vm1 =	vgt.f32 v10, $0.0e+00;
	v19 =	vsub.f32 v19, v9;
	v14 =	vadd.f32 v16, v14  }
0x286: {  	v17 =	vmax.f32 v17, $0.0e+00;
	v24 =	vsub.f32 v5, v9;
	v20 =	vsub.f32 v20, v9  }
0x287: {  	v16 =	vsel vm0, $0x3F800000, v0;
	v58 =	vsub.f32 v4, v9;
	v59 =	vsub.f32 v3, v9  }
0x288: {  	v15 =	vadd.f32 v15, v21;
	v12 =	vmax.f32 v12, $0.0e+00;
	v20 =	vmax.f32 v20, $0.0e+00  }
0x289: {  	v14 =	vadd.f32 v16, v14;
	vm0 =	vgt.f32 v12, $0.0e+00;
	vm2 =	vgt.f32 v20, $0.0e+00  }
0x28a: {  	v13 =	vadd.f32 v20, v13;
	v20 =	vsub.f32 v8, v9;
	v16 =	vsel vm2, $0x3F800000, v0  }
0x28b: {  	v15 =	vadd.f32 v18, v15;
	v18 =	vsel vm0, $0x3F800000, v0;
	v14 =	vadd.f32 v16, v14  }
0x28c: {  	v12 =	vadd.f32 v12, v13;
	v13 =	vmax.f32 v20, $0.0e+00;
	v16 =	vsub.f32 v7, v9  }
0x28d: {  	vm0 =	vgt.f32 v13, $0.0e+00;
	v14 =	vadd.f32 v18, v14;
	v18 =	vimm.f32 $0.0e+00  }
0x28e: {  	v21 =	vsub.f32 v6, v9;
	v16 =	vmax.f32 v16, $0.0e+00;
	v20 =	vsel vm0, $0x3F800000, v18  }
0x28f: {  	v60 =	vsub.f32 v2, v9;
	vm0 =	vgt.f32 v16, $0.0e+00;
	v14 =	vadd.f32 v14, v20  }
0x290: {  	v22 =	vsel vm1, $0x3F800000, v0;
	v21 =	vmax.f32 v21, $0.0e+00;
	v20 =	vsel vm0, $0x3F800000, v18  }
0x291: {  	vm1 =	vgt.f32 v17, $0.0e+00;
	vm0 =	vgt.f32 v21, $0.0e+00;
	v14 =	vadd.f32 v14, v20  }
0x292: {  	v15 =	vadd.f32 v22, v15;
	v22 =	vmax.f32 v24, $0.0e+00;
	v20 =	vsel vm0, $0x3F800000, v18  }
0x293: {  	v23 =	vsel vm1, $0x3F800000, v0;
	vm0 =	vgt.f32 v22, $0.0e+00;
	v14 =	vadd.f32 v14, v20  }
0x294: {  	v15 =	vadd.f32 v23, v15;
	v23 =	vmax.f32 v58, $0.0e+00;
	v20 =	vsel vm0, $0x3F800000, v18  }
0x295: {  	v12 =	vadd.f32 v12, v13;
	vm0 =	vgt.f32 v23, $0.0e+00;
	v13 =	vadd.f32 v14, v20  }
0x296: {  	v19 =	vmax.f32 v19, $0.0e+00;
	v14 =	vsel vm0, $0x3F800000, v18;
	v20 =	vmax.f32 v59, $0.0e+00  }
0x297: {  	v12 =	vadd.f32 v12, v16;
	vm1 =	vgt.f32 v20, $0.0e+00;
	v13 =	vadd.f32 v13, v14  }
0x298: {  	v16 =	vmax.f32 v60, $0.0e+00;
	vm0 =	vgt.f32 v19, $0.0e+00;
	v14 =	vsel vm1, $0x3F800000, v18  }
0x299: {  	v61 =	vsel vm0, $0x3F800000, v0;
	vm0 =	vgt.f32 v16, $0.0e+00;
	v13 =	vadd.f32 v13, v14  }
0x29a: {  	v14 =	vadd.f32 v61, v15;
	v15 =	vsel vm0, $0x3F800000, v18  }
0x29b: {  	v12 =	vadd.f32 v12, v21;
	v13 =	vadd.f32 v13, v15;
	_ =	sdelay $0x1  }
0x29c: {  	v12 =	vadd.f32 v12, v22;
	v13 =	vadd.f32 v13, v14;
	_ =	sdelay $0x1  }
0x29d: {  	v10 =	vadd.f32 v10, v11;
	v11 =	vadd.f32 v12, v23;
	(erf) = vrcp.f32 v13;
	_ =	sdelay $0x1  }
0x29e: {  	v10 =	vadd.f32 v17, v10;
	v11 =	vadd.f32 v11, v20;
	_ =	sdelay $0x1  }
0x29f: {  	v10 =	vadd.f32 v19, v10;
	v11 =	vadd.f32 v11, v16;
	_ =	sdelay $0x1  }
0x2a0: {  	s17 =	simm.s32 $0x0;
	v10 =	vadd.f32 v11, v10  }
0x2a1: {  	v12 =	vld [tilespmem:s17+$0x0]  }
0x2a2: {  	v19 =	vld [tilespmem:s17+$0x70];
	v10 =	vadd.f32 $-1.000000000e+00, v10  }
0x2a3: {  	v15 =	vld [tilespmem:s17+$0x50];
	v11 =	vpop (erf)  }
0x2a4: {  	v14 =	vld [tilespmem:s17+$0x10];
	v10 =	vmul.f32 v11, v10  }
0x2a5: {  	v11 =	vld [tilespmem:s17+$0x30]  }
0x2a6: {  	v9 =	vadd.f32 v10, v9  }
0x2a7: {  	v10 =	vld [tilespmem:s17+$0x20]  }
0x2a8: {  	v13 =	vsub.f32 v1, v9;
	v12 =	vsub.f32 v12, v9  }
0x2a9: {  	v14 =	vsub.f32 v14, v9;
	v15 =	vsub.f32 v15, v9  }
0x2aa: {  	v19 =	vsub.f32 v19, v9;
	v11 =	vsub.f32 v11, v9;
	v13 =	vmax.f32 v13, $0.0e+00  }
0x2ab: {  	v12 =	vmax.f32 v12, $0.0e+00;
	v16 =	vadd.f32 $0.0e+00, v13;
	vm0 =	vgt.f32 v13, $0.0e+00;
	v13 =	vld [tilespmem:s17+$0x60]  }
0x2ac: {  	v15 =	vmax.f32 v15, $0.0e+00;
	v10 =	vsub.f32 v10, v9;
	v17 =	vsel vm0, $0x3F800000, v18  }
0x2ad: {  	vm0 =	vgt.f32 v12, $0.0e+00;
	v16 =	vadd.f32 v12, v16;
	v12 =	vmax.f32 v14, $0.0e+00  }
0x2ae: {  	v14 =	vsel vm0, $0x3F800000, v0;
	v10 =	vmax.f32 v10, $0.0e+00;
	vm0 =	vgt.f32 v12, $0.0e+00  }
0x2af: {  	s16 =	simm.s32 $0x80;
	vm1 =	vgt.f32 v10, $0.0e+00;
	v16 =	vadd.f32 v10, v16;
	v10 =	vadd.f32 v12, v18;
	v12 =	vld [tilespmem:s17+$0x40]  }
0x2b0: {  	v21 =	vld [tilespmem:s16+$0x30];
	v11 =	vmax.f32 v11, $0.0e+00;
	v20 =	vsel vm0, $0x3F800000, v0;
	v13 =	vsub.f32 v13, v9  }
0x2b1: {  	v19 =	vmax.f32 v19, $0.0e+00;
	v18 =	vadd.f32 v20, v18;
	v20 =	vld [tilespmem:s16+$0x10];
	v10 =	vadd.f32 v11, v10  }
0x2b2: {  	v22 =	vld [tilespmem:s16+$0x20];
	vm2 =	vgt.f32 v11, $0.0e+00;
	v14 =	vadd.f32 v14, v17;
	vm0 =	vgt.f32 v15, $0.0e+00  }
0x2b3: {  	v11 =	vsel vm2, $0x3F800000, v0;
	v13 =	vmax.f32 v13, $0.0e+00;
	v10 =	vadd.f32 v15, v10;
	v15 =	vld [tilespmem:s16+$0x0]  }
0x2b4: {  	vm2 =	vgt.f32 v19, $0.0e+00;
	vm3 =	vgt.f32 v13, $0.0e+00;
	v12 =	vsub.f32 v12, v9  }
0x2b5: {  	v23 =	vadd.f32 v19, v10;
	v10 =	vsub.f32 v21, v9;
	v19 =	vld [tilespmem:s16+$0x50];
	v21 =	vsel vm1, $0x3F800000, v0  }
0x2b6: {  	v20 =	vsub.f32 v20, v9;
	v12 =	vmax.f32 v12, $0.0e+00;
	v14 =	vadd.f32 v21, v14  }
0x2b7: {  	v21 =	vsub.f32 v22, v9;
	v16 =	vadd.f32 v12, v16;
	vm1 =	vgt.f32 v12, $0.0e+00  }
0x2b8: {  	v12 =	vmax.f32 v10, $0.0e+00;
	v10 =	vsel vm1, $0x3F800000, v0;
	v22 =	vsub.f32 v15, v9  }
0x2b9: {  	v17 =	vsel vm3, $0x3F800000, v0;
	v13 =	vadd.f32 v13, v16;
	v10 =	vadd.f32 v10, v14  }
0x2ba: {  	v14 =	vmax.f32 v22, $0.0e+00;
	v16 =	vsub.f32 v19, v9;
	v22 =	vadd.f32 v11, v18;
	v19 =	vld [tilespmem:s16+$0x70]  }
0x2bb: {  	v11 =	vadd.f32 v14, v13;
	v13 =	vadd.f32 v17, v10;
	v10 =	vld [tilespmem:s16+$0x60]  }
0x2bc: {  	v62 =	vsel vm0, $0x3F800000, v0;
	v15 =	vsel vm2, $0x3F800000, v0;
	vm0 =	vgt.f32 v14, $0.0e+00  }
0x2bd: {  	v18 =	vmax.f32 v21, $0.0e+00;
	v17 =	vmax.f32 v20, $0.0e+00;
	v14 =	vsel vm0, $0x3F800000, v0  }
0x2be: {  	vm1 =	vgt.f32 v17, $0.0e+00;
	vm0 =	vgt.f32 v18, $0.0e+00;
	v20 =	vadd.f32 v17, v23  }
0x2bf: {  	s18 =	simm.s32 $0x400;
	v21 =	vadd.f32 v62, v22;
	v11 =	vadd.f32 v18, v11;
	v17 =	vsel vm1, $0x3F800000, v0;
	v18 =	vld [tilespmem:s16+$0x40]  }
.LBB2_35:
0x2c0: {  	s19 =	sshra.s32 s18, $0x2;
	p0 =	sne.s32 s18, $0x3FE00;
	s18 =	sadd.s32 $0x200, s18;
	vm1 =	vgt.f32 v12, $0.0e+00;
	v22 =	vsub.f32 v10, v9;
	v19 =	vsub.f32 v19, v9  }
0x2c1: {  	v23 =	vld [tilespmem:s19+$0x30];
	v12 =	vadd.f32 v12, v20;
	v20 =	vsel vm1, $0x3F800000, v0;
	v15 =	vadd.f32 v15, v21  }
0x2c2: {  	v16 =	vmax.f32 v16, $0.0e+00;
	v10 =	vld [tilespmem:s19+$0x60];
	v21 =	vmax.f32 v22, $0.0e+00;
	v19 =	vmax.f32 v19, $0.0e+00  }
0x2c3: {  	vm1 =	vgt.f32 v16, $0.0e+00;
	v22 =	vld [tilespmem:s19+$0x20];
	v12 =	vadd.f32 v16, v12;
	vm2 =	vgt.f32 v19, $0.0e+00  }
0x2c4: {  	v17 =	vadd.f32 v17, v15;
	vm3 =	vgt.f32 v21, $0.0e+00;
	v16 =	vld [tilespmem:s19+$0x0];
	v15 =	vsub.f32 v18, v9  }
0x2c5: {  	v13 =	vadd.f32 v14, v13;
	v14 =	vsel vm3, $0x3F800000, v0;
	v18 =	vld [tilespmem:s19+$0x10];
	v24 =	vadd.f32 v19, v12  }
0x2c6: {  	v12 =	vsub.f32 v23, v9;
	v19 =	vld [tilespmem:s19+$0x50];
	v23 =	vsel vm0, $0x3F800000, v0;
	v15 =	vmax.f32 v15, $0.0e+00  }
0x2c7: {  	v13 =	vadd.f32 v23, v13;
	v11 =	vadd.f32 v15, v11;
	vm0 =	vgt.f32 v15, $0.0e+00  }
0x2c8: {  	v22 =	vsub.f32 v22, v9;
	v12 =	vmax.f32 v12, $0.0e+00;
	v23 =	vsel vm0, $0x3F800000, v0  }
0x2c9: {  	v15 =	vsel vm2, $0x3F800000, v0;
	v16 =	vsub.f32 v16, v9;
	v11 =	vadd.f32 v21, v11  }
0x2ca: {  	v13 =	vadd.f32 v23, v13;
	v21 =	vsel vm1, $0x3F800000, v0;
	v18 =	vsub.f32 v18, v9  }
.Ltmp16:
0x2cb: {  	v25 =	vadd.f32 v20, v17;
	v23 =	vmax.f32 v16, $0.0e+00;
	v16 =	vsub.f32 v19, v9;
	v19 =	vld [tilespmem:s19+$0x70];
	(pc) =	sbr.rel @p0 .LBB2_35-.Ltmp16, $4  }
0x2cc: {  	v13 =	vadd.f32 v14, v13;
	v11 =	vadd.f32 v23, v11;
	vm0 =	vgt.f32 v23, $0.0e+00  }
0x2cd: {  	v17 =	vmax.f32 v18, $0.0e+00;
	v18 =	vmax.f32 v22, $0.0e+00;
	v14 =	vsel vm0, $0x3F800000, v0  }
0x2ce: {  	vm1 =	vgt.f32 v17, $0.0e+00;
	vm0 =	vgt.f32 v18, $0.0e+00;
	v11 =	vadd.f32 v18, v11  }
0x2cf: {  	v21 =	vadd.f32 v21, v25;
	v20 =	vadd.f32 v17, v24;
	v17 =	vsel vm1, $0x3F800000, v0;
	v18 =	vld [tilespmem:s19+$0x40]  }
0x2d0: {  	vm1 =	vgt.f32 v12, $0.0e+00;
	v10 =	vsub.f32 v10, v9  }
0x2d1: {  	v19 =	vsub.f32 v19, v9;
	v16 =	vmax.f32 v16, $0.0e+00;
	v13 =	vadd.f32 v14, v13  }
0x2d2: {  	v14 =	vld [tilespmem:s17+$0x10030];
	v12 =	vadd.f32 v12, v20;
	v20 =	vsel vm1, $0x3F800000, v0;
	v15 =	vadd.f32 v15, v21  }
0x2d3: {  	vm1 =	vgt.f32 v16, $0.0e+00;
	v21 =	vld [tilespmem:s17+$0x10010];
	v10 =	vmax.f32 v10, $0.0e+00;
	v19 =	vmax.f32 v19, $0.0e+00  }
0x2d4: {  	v12 =	vadd.f32 v16, v12;
	v15 =	vadd.f32 v17, v15;
	v17 =	vsel vm0, $0x3F800000, v0  }
0x2d5: {  	vm3 =	vgt.f32 v10, $0.0e+00;
	v16 =	vsub.f32 v18, v9;
	v13 =	vadd.f32 v17, v13;
	v17 =	vld [tilespmem:s17+$0x10000]  }
0x2d6: {  	vm2 =	vgt.f32 v19, $0.0e+00;
	v18 =	vld [tilespmem:s17+$0x10020];
	v22 =	vsel vm3, $0x3F800000, v0;
	v15 =	vadd.f32 v20, v15  }
0x2d7: {  	v20 =	vsel vm1, $0x3F800000, v0;
	v12 =	vadd.f32 v19, v12;
	v16 =	vmax.f32 v16, $0.0e+00  }
0x2d8: {  	v14 =	vsub.f32 v14, v9;
	v19 =	vsub.f32 v21, v9;
	vm0 =	vgt.f32 v16, $0.0e+00  }
0x2d9: {  	v11 =	vadd.f32 v16, v11;
	v15 =	vadd.f32 v20, v15;
	v16 =	vsel vm0, $0x3F800000, v0  }
0x2da: {  	v14 =	vmax.f32 v14, $0.0e+00;
	v13 =	vadd.f32 v16, v13;
	v17 =	vsub.f32 v17, v9  }
0x2db: {  	v16 =	vld [tilespmem:s17+$0x10050];
	v10 =	vadd.f32 v10, v11;
	v11 =	vsel vm2, $0x3F800000, v0;
	v18 =	vsub.f32 v18, v9  }
0x2dc: {  	v20 =	vld [tilespmem:s17+$0x10070];
	vm2 =	vgt.f32 v14, $0.0e+00;
	v11 =	vadd.f32 v11, v15;
	v17 =	vmax.f32 v17, $0.0e+00  }
0x2dd: {  	v15 =	vld [tilespmem:s17+$0x10060];
	v13 =	vadd.f32 v22, v13;
	v18 =	vmax.f32 v18, $0.0e+00;
	v10 =	vadd.f32 v17, v10  }
0x2de: {  	vm0 =	vgt.f32 v17, $0.0e+00;
	v17 =	vmax.f32 v19, $0.0e+00;
	vm1 =	vgt.f32 v18, $0.0e+00  }
0x2df: {  	v19 =	vsel vm0, $0x3F800000, v0;
	vm0 =	vgt.f32 v17, $0.0e+00;
	v12 =	vadd.f32 v17, v12;
	v17 =	vld [tilespmem:s17+$0x10040]  }
0x2e0: {  	v21 =	vld [tilespmem:s16+$0x10030];
	v23 =	vsel vm1, $0x3F800000, v0;
	v16 =	vsub.f32 v16, v9;
	v10 =	vadd.f32 v18, v10  }
0x2e1: {  	v18 =	vsub.f32 v20, v9;
	v20 =	vsel vm0, $0x3F800000, v0;
	v12 =	vadd.f32 v14, v12  }
0x2e2: {  	v22 =	vld [tilespmem:s16+$0x10020];
	v13 =	vadd.f32 v19, v13;
	v15 =	vsub.f32 v15, v9;
	v16 =	vmax.f32 v16, $0.0e+00  }
0x2e3: {  	v14 =	vsel vm2, $0x3F800000, v0;
	v11 =	vadd.f32 v20, v11;
	v20 =	vld [tilespmem:s16+$0x10010];
	v12 =	vadd.f32 v16, v12  }
0x2e4: {  	v18 =	vmax.f32 v18, $0.0e+00;
	vm0 =	vgt.f32 v16, $0.0e+00;
	v16 =	vld [tilespmem:s16+$0x10000];
	v17 =	vsub.f32 v17, v9  }
0x2e5: {  	vm2 =	vgt.f32 v18, $0.0e+00;
	v18 =	vadd.f32 v18, v12;
	v12 =	vsub.f32 v21, v9;
	v21 =	vld [tilespmem:s16+$0x10050]  }
0x2e6: {  	v13 =	vadd.f32 v23, v13;
	v17 =	vmax.f32 v17, $0.0e+00  }
0x2e7: {  	v22 =	vsub.f32 v22, v9;
	v15 =	vmax.f32 v15, $0.0e+00;
	vm1 =	vgt.f32 v17, $0.0e+00  }
0x2e8: {  	v23 =	vadd.f32 v17, v10;
	v10 =	vmax.f32 v12, $0.0e+00;
	v12 =	vsel vm1, $0x3F800000, v0  }
0x2e9: {  	vm3 =	vgt.f32 v15, $0.0e+00;
	v20 =	vsub.f32 v20, v9;
	v12 =	vadd.f32 v12, v13  }
0x2ea: {  	v19 =	vsel vm3, $0x3F800000, v0;
	v16 =	vsub.f32 v16, v9;
	v17 =	vsub.f32 v21, v9  }
0x2eb: {  	v21 =	vadd.f32 v14, v11;
	v14 =	vadd.f32 v19, v12;
	v12 =	vld [tilespmem:s16+$0x10060]  }
0x2ec: {  	v24 =	vsel vm0, $0x3F800000, v0;
	v22 =	vmax.f32 v22, $0.0e+00;
	v23 =	vadd.f32 v15, v23;
	v19 =	vld [tilespmem:s16+$0x10070]  }
0x2ed: {  	v20 =	vmax.f32 v20, $0.0e+00;
	v15 =	vsel vm2, $0x3F800000, v0;
	v13 =	vmax.f32 v16, $0.0e+00  }
0x2ee: {  	vm1 =	vgt.f32 v20, $0.0e+00;
	v11 =	vadd.f32 v13, v23;
	vm0 =	vgt.f32 v13, $0.0e+00  }
0x2ef: {  	v16 =	vsel vm0, $0x3F800000, v0;
	vm0 =	vgt.f32 v22, $0.0e+00;
	v21 =	vadd.f32 v24, v21  }
0x2f0: {  	s17 =	simm.s32 $0x400;
	v13 =	vadd.f32 v22, v11;
	v11 =	vadd.f32 v20, v18;
	v18 =	vsel vm1, $0x3F800000, v0;
	v20 =	vld [tilespmem:s16+$0x10040]  }
.LBB2_37:
0x2f1: {  	s16 =	sshra.s32 s17, $0x2;
	p0 =	sne.s32 s17, $0x3FC00;
	s17 =	sadd.s32 $0x200, s17;
	vm1 =	vgt.f32 v10, $0.0e+00;
	v22 =	vsub.f32 v12, v9;
	v19 =	vsub.f32 v19, v9  }
0x2f2: {  	v23 =	vld [tilespmem:s16+$0x10030];
	v10 =	vadd.f32 v10, v11;
	v11 =	vsel vm1, $0x3F800000, v0;
	v15 =	vadd.f32 v15, v21  }
0x2f3: {  	v17 =	vmax.f32 v17, $0.0e+00;
	v12 =	vld [tilespmem:s16+$0x10060];
	v21 =	vmax.f32 v22, $0.0e+00;
	v19 =	vmax.f32 v19, $0.0e+00  }
0x2f4: {  	vm1 =	vgt.f32 v17, $0.0e+00;
	v22 =	vld [tilespmem:s16+$0x10020];
	v10 =	vadd.f32 v17, v10;
	vm2 =	vgt.f32 v19, $0.0e+00  }
0x2f5: {  	v18 =	vadd.f32 v18, v15;
	vm3 =	vgt.f32 v21, $0.0e+00;
	v17 =	vld [tilespmem:s16+$0x10000];
	v15 =	vsub.f32 v20, v9  }
0x2f6: {  	v14 =	vadd.f32 v16, v14;
	v16 =	vsel vm3, $0x3F800000, v0;
	v20 =	vld [tilespmem:s16+$0x10010];
	v24 =	vadd.f32 v19, v10  }
0x2f7: {  	v10 =	vsub.f32 v23, v9;
	v19 =	vld [tilespmem:s16+$0x10050];
	v23 =	vsel vm0, $0x3F800000, v0;
	v15 =	vmax.f32 v15, $0.0e+00  }
0x2f8: {  	v14 =	vadd.f32 v23, v14;
	v13 =	vadd.f32 v15, v13;
	vm0 =	vgt.f32 v15, $0.0e+00  }
0x2f9: {  	v22 =	vsub.f32 v22, v9;
	v10 =	vmax.f32 v10, $0.0e+00;
	v23 =	vsel vm0, $0x3F800000, v0  }
0x2fa: {  	v15 =	vsel vm2, $0x3F800000, v0;
	v17 =	vsub.f32 v17, v9;
	v13 =	vadd.f32 v21, v13  }
0x2fb: {  	v14 =	vadd.f32 v23, v14;
	v21 =	vsel vm1, $0x3F800000, v0;
	v20 =	vsub.f32 v20, v9  }
.Ltmp17:
0x2fc: {  	v25 =	vadd.f32 v11, v18;
	v23 =	vmax.f32 v17, $0.0e+00;
	v17 =	vsub.f32 v19, v9;
	v19 =	vld [tilespmem:s16+$0x10070];
	(pc) =	sbr.rel @p0 .LBB2_37-.Ltmp17, $4  }
0x2fd: {  	v14 =	vadd.f32 v16, v14;
	v11 =	vadd.f32 v23, v13;
	vm0 =	vgt.f32 v23, $0.0e+00  }
0x2fe: {  	v18 =	vmax.f32 v20, $0.0e+00;
	v20 =	vmax.f32 v22, $0.0e+00;
	v16 =	vsel vm0, $0x3F800000, v0  }
0x2ff: {  	vm1 =	vgt.f32 v18, $0.0e+00;
	vm0 =	vgt.f32 v20, $0.0e+00;
	v13 =	vadd.f32 v20, v11  }
0x300: {  	v21 =	vadd.f32 v21, v25;
	v11 =	vadd.f32 v18, v24;
	v18 =	vsel vm1, $0x3F800000, v0;
	v20 =	vld [tilespmem:s16+$0x10040]  }
0x301: {  	_ =	sdelay $0x1  }
0x302: {  	v12 =	vsub.f32 v12, v9  }
0x303: {  	vm1 =	vgt.f32 v10, $0.0e+00;
	v19 =	vsub.f32 v19, v9;
	v14 =	vadd.f32 v16, v14  }
0x304: {  	v17 =	vmax.f32 v17, $0.0e+00;
	v24 =	vsub.f32 v5, v9;
	v20 =	vsub.f32 v20, v9  }
0x305: {  	v16 =	vsel vm0, $0x3F800000, v0;
	v58 =	vsub.f32 v4, v9;
	v59 =	vsub.f32 v3, v9  }
0x306: {  	v15 =	vadd.f32 v15, v21;
	v12 =	vmax.f32 v12, $0.0e+00;
	v20 =	vmax.f32 v20, $0.0e+00  }
0x307: {  	v14 =	vadd.f32 v16, v14;
	vm0 =	vgt.f32 v12, $0.0e+00;
	vm2 =	vgt.f32 v20, $0.0e+00  }
0x308: {  	v13 =	vadd.f32 v20, v13;
	v20 =	vsub.f32 v8, v9;
	v16 =	vsel vm2, $0x3F800000, v0  }
0x309: {  	v15 =	vadd.f32 v18, v15;
	v18 =	vsel vm0, $0x3F800000, v0;
	v14 =	vadd.f32 v16, v14  }
0x30a: {  	v12 =	vadd.f32 v12, v13;
	v13 =	vmax.f32 v20, $0.0e+00;
	v16 =	vsub.f32 v7, v9  }
0x30b: {  	vm0 =	vgt.f32 v13, $0.0e+00;
	v14 =	vadd.f32 v18, v14;
	v18 =	vimm.f32 $0.0e+00  }
0x30c: {  	v21 =	vsub.f32 v6, v9;
	v16 =	vmax.f32 v16, $0.0e+00;
	v20 =	vsel vm0, $0x3F800000, v18  }
0x30d: {  	v60 =	vsub.f32 v2, v9;
	vm0 =	vgt.f32 v16, $0.0e+00;
	v14 =	vadd.f32 v14, v20  }
0x30e: {  	v22 =	vsel vm1, $0x3F800000, v0;
	v21 =	vmax.f32 v21, $0.0e+00;
	v20 =	vsel vm0, $0x3F800000, v18  }
0x30f: {  	vm1 =	vgt.f32 v17, $0.0e+00;
	vm0 =	vgt.f32 v21, $0.0e+00;
	v14 =	vadd.f32 v14, v20  }
0x310: {  	v15 =	vadd.f32 v22, v15;
	v22 =	vmax.f32 v24, $0.0e+00;
	v20 =	vsel vm0, $0x3F800000, v18  }
0x311: {  	v23 =	vsel vm1, $0x3F800000, v0;
	vm0 =	vgt.f32 v22, $0.0e+00;
	v14 =	vadd.f32 v14, v20  }
0x312: {  	v15 =	vadd.f32 v23, v15;
	v23 =	vmax.f32 v58, $0.0e+00;
	v20 =	vsel vm0, $0x3F800000, v18  }
0x313: {  	v12 =	vadd.f32 v12, v13;
	vm0 =	vgt.f32 v23, $0.0e+00;
	v13 =	vadd.f32 v14, v20  }
0x314: {  	v19 =	vmax.f32 v19, $0.0e+00;
	v14 =	vsel vm0, $0x3F800000, v18;
	v20 =	vmax.f32 v59, $0.0e+00  }
0x315: {  	v12 =	vadd.f32 v12, v16;
	vm1 =	vgt.f32 v20, $0.0e+00;
	v13 =	vadd.f32 v13, v14  }
0x316: {  	v16 =	vmax.f32 v60, $0.0e+00;
	vm0 =	vgt.f32 v19, $0.0e+00;
	v14 =	vsel vm1, $0x3F800000, v18  }
0x317: {  	v61 =	vsel vm0, $0x3F800000, v0;
	vm0 =	vgt.f32 v16, $0.0e+00;
	v13 =	vadd.f32 v13, v14  }
0x318: {  	v14 =	vadd.f32 v61, v15;
	v15 =	vsel vm0, $0x3F800000, v18  }
0x319: {  	v12 =	vadd.f32 v12, v21;
	v13 =	vadd.f32 v13, v15;
	_ =	sdelay $0x1  }
0x31a: {  	v12 =	vadd.f32 v12, v22;
	v13 =	vadd.f32 v13, v14;
	_ =	sdelay $0x1  }
0x31b: {  	v10 =	vadd.f32 v10, v11;
	v11 =	vadd.f32 v12, v23;
	(erf) = vrcp.f32 v13;
	_ =	sdelay $0x1  }
0x31c: {  	v10 =	vadd.f32 v17, v10;
	v11 =	vadd.f32 v11, v20;
	_ =	sdelay $0x1  }
0x31d: {  	v10 =	vadd.f32 v19, v10;
	v11 =	vadd.f32 v11, v16;
	_ =	sdelay $0x1  }
0x31e: {  	s17 =	simm.s32 $0x0;
	v10 =	vadd.f32 v11, v10  }
0x31f: {  	v12 =	vld [tilespmem:s17+$0x0]  }
0x320: {  	v19 =	vld [tilespmem:s17+$0x70];
	v10 =	vadd.f32 $-1.000000000e+00, v10  }
0x321: {  	v15 =	vld [tilespmem:s17+$0x50];
	v11 =	vpop (erf)  }
0x322: {  	v14 =	vld [tilespmem:s17+$0x10];
	v10 =	vmul.f32 v11, v10  }
0x323: {  	v11 =	vld [tilespmem:s17+$0x30]  }
0x324: {  	v9 =	vadd.f32 v10, v9  }
0x325: {  	v10 =	vld [tilespmem:s17+$0x20]  }
0x326: {  	v13 =	vsub.f32 v1, v9;
	v12 =	vsub.f32 v12, v9  }
0x327: {  	v14 =	vsub.f32 v14, v9;
	v15 =	vsub.f32 v15, v9  }
0x328: {  	v19 =	vsub.f32 v19, v9;
	v11 =	vsub.f32 v11, v9;
	v13 =	vmax.f32 v13, $0.0e+00  }
0x329: {  	v12 =	vmax.f32 v12, $0.0e+00;
	v16 =	vadd.f32 $0.0e+00, v13;
	vm0 =	vgt.f32 v13, $0.0e+00;
	v13 =	vld [tilespmem:s17+$0x60]  }
0x32a: {  	v15 =	vmax.f32 v15, $0.0e+00;
	v10 =	vsub.f32 v10, v9;
	v17 =	vsel vm0, $0x3F800000, v18  }
0x32b: {  	vm0 =	vgt.f32 v12, $0.0e+00;
	v16 =	vadd.f32 v12, v16;
	v12 =	vmax.f32 v14, $0.0e+00  }
0x32c: {  	v14 =	vsel vm0, $0x3F800000, v0;
	v10 =	vmax.f32 v10, $0.0e+00;
	vm0 =	vgt.f32 v12, $0.0e+00  }
0x32d: {  	s16 =	simm.s32 $0x80;
	vm1 =	vgt.f32 v10, $0.0e+00;
	v16 =	vadd.f32 v10, v16;
	v10 =	vadd.f32 v12, v18;
	v12 =	vld [tilespmem:s17+$0x40]  }
0x32e: {  	v21 =	vld [tilespmem:s16+$0x30];
	v11 =	vmax.f32 v11, $0.0e+00;
	v20 =	vsel vm0, $0x3F800000, v0;
	v13 =	vsub.f32 v13, v9  }
0x32f: {  	v19 =	vmax.f32 v19, $0.0e+00;
	v18 =	vadd.f32 v20, v18;
	v20 =	vld [tilespmem:s16+$0x10];
	v10 =	vadd.f32 v11, v10  }
0x330: {  	v22 =	vld [tilespmem:s16+$0x20];
	vm2 =	vgt.f32 v11, $0.0e+00;
	v14 =	vadd.f32 v14, v17;
	vm0 =	vgt.f32 v15, $0.0e+00  }
0x331: {  	v11 =	vsel vm2, $0x3F800000, v0;
	v13 =	vmax.f32 v13, $0.0e+00;
	v10 =	vadd.f32 v15, v10;
	v15 =	vld [tilespmem:s16+$0x0]  }
0x332: {  	vm2 =	vgt.f32 v19, $0.0e+00;
	vm3 =	vgt.f32 v13, $0.0e+00;
	v12 =	vsub.f32 v12, v9  }
0x333: {  	v23 =	vadd.f32 v19, v10;
	v10 =	vsub.f32 v21, v9;
	v19 =	vld [tilespmem:s16+$0x50];
	v21 =	vsel vm1, $0x3F800000, v0  }
0x334: {  	v20 =	vsub.f32 v20, v9;
	v12 =	vmax.f32 v12, $0.0e+00;
	v14 =	vadd.f32 v21, v14  }
0x335: {  	v21 =	vsub.f32 v22, v9;
	v16 =	vadd.f32 v12, v16;
	vm1 =	vgt.f32 v12, $0.0e+00  }
0x336: {  	v12 =	vmax.f32 v10, $0.0e+00;
	v10 =	vsel vm1, $0x3F800000, v0;
	v22 =	vsub.f32 v15, v9  }
0x337: {  	v17 =	vsel vm3, $0x3F800000, v0;
	v13 =	vadd.f32 v13, v16;
	v10 =	vadd.f32 v10, v14  }
0x338: {  	v14 =	vmax.f32 v22, $0.0e+00;
	v16 =	vsub.f32 v19, v9;
	v22 =	vadd.f32 v11, v18;
	v19 =	vld [tilespmem:s16+$0x70]  }
0x339: {  	v11 =	vadd.f32 v14, v13;
	v13 =	vadd.f32 v17, v10;
	v10 =	vld [tilespmem:s16+$0x60]  }
0x33a: {  	v62 =	vsel vm0, $0x3F800000, v0;
	v15 =	vsel vm2, $0x3F800000, v0;
	vm0 =	vgt.f32 v14, $0.0e+00  }
0x33b: {  	v18 =	vmax.f32 v21, $0.0e+00;
	v17 =	vmax.f32 v20, $0.0e+00;
	v14 =	vsel vm0, $0x3F800000, v0  }
0x33c: {  	vm1 =	vgt.f32 v17, $0.0e+00;
	vm0 =	vgt.f32 v18, $0.0e+00;
	v20 =	vadd.f32 v17, v23  }
0x33d: {  	s18 =	simm.s32 $0x400;
	v21 =	vadd.f32 v62, v22;
	v11 =	vadd.f32 v18, v11;
	v17 =	vsel vm1, $0x3F800000, v0;
	v18 =	vld [tilespmem:s16+$0x40]  }
.LBB2_39:
0x33e: {  	s19 =	sshra.s32 s18, $0x2;
	p0 =	sne.s32 s18, $0x3FE00;
	s18 =	sadd.s32 $0x200, s18;
	vm1 =	vgt.f32 v12, $0.0e+00;
	v22 =	vsub.f32 v10, v9;
	v19 =	vsub.f32 v19, v9  }
0x33f: {  	v23 =	vld [tilespmem:s19+$0x30];
	v12 =	vadd.f32 v12, v20;
	v20 =	vsel vm1, $0x3F800000, v0;
	v15 =	vadd.f32 v15, v21  }
0x340: {  	v16 =	vmax.f32 v16, $0.0e+00;
	v10 =	vld [tilespmem:s19+$0x60];
	v21 =	vmax.f32 v22, $0.0e+00;
	v19 =	vmax.f32 v19, $0.0e+00  }
0x341: {  	vm1 =	vgt.f32 v16, $0.0e+00;
	v22 =	vld [tilespmem:s19+$0x20];
	v12 =	vadd.f32 v16, v12;
	vm2 =	vgt.f32 v19, $0.0e+00  }
0x342: {  	v17 =	vadd.f32 v17, v15;
	vm3 =	vgt.f32 v21, $0.0e+00;
	v16 =	vld [tilespmem:s19+$0x0];
	v15 =	vsub.f32 v18, v9  }
0x343: {  	v13 =	vadd.f32 v14, v13;
	v14 =	vsel vm3, $0x3F800000, v0;
	v18 =	vld [tilespmem:s19+$0x10];
	v24 =	vadd.f32 v19, v12  }
0x344: {  	v12 =	vsub.f32 v23, v9;
	v19 =	vld [tilespmem:s19+$0x50];
	v23 =	vsel vm0, $0x3F800000, v0;
	v15 =	vmax.f32 v15, $0.0e+00  }
0x345: {  	v13 =	vadd.f32 v23, v13;
	v11 =	vadd.f32 v15, v11;
	vm0 =	vgt.f32 v15, $0.0e+00  }
0x346: {  	v22 =	vsub.f32 v22, v9;
	v12 =	vmax.f32 v12, $0.0e+00;
	v23 =	vsel vm0, $0x3F800000, v0  }
0x347: {  	v15 =	vsel vm2, $0x3F800000, v0;
	v16 =	vsub.f32 v16, v9;
	v11 =	vadd.f32 v21, v11  }
0x348: {  	v13 =	vadd.f32 v23, v13;
	v21 =	vsel vm1, $0x3F800000, v0;
	v18 =	vsub.f32 v18, v9  }
.Ltmp18:
0x349: {  	v25 =	vadd.f32 v20, v17;
	v23 =	vmax.f32 v16, $0.0e+00;
	v16 =	vsub.f32 v19, v9;
	v19 =	vld [tilespmem:s19+$0x70];
	(pc) =	sbr.rel @p0 .LBB2_39-.Ltmp18, $4  }
0x34a: {  	v13 =	vadd.f32 v14, v13;
	v11 =	vadd.f32 v23, v11;
	vm0 =	vgt.f32 v23, $0.0e+00  }
0x34b: {  	v17 =	vmax.f32 v18, $0.0e+00;
	v18 =	vmax.f32 v22, $0.0e+00;
	v14 =	vsel vm0, $0x3F800000, v0  }
0x34c: {  	vm1 =	vgt.f32 v17, $0.0e+00;
	vm0 =	vgt.f32 v18, $0.0e+00;
	v11 =	vadd.f32 v18, v11  }
0x34d: {  	v21 =	vadd.f32 v21, v25;
	v20 =	vadd.f32 v17, v24;
	v17 =	vsel vm1, $0x3F800000, v0;
	v18 =	vld [tilespmem:s19+$0x40]  }
0x34e: {  	vm1 =	vgt.f32 v12, $0.0e+00;
	v10 =	vsub.f32 v10, v9  }
0x34f: {  	v19 =	vsub.f32 v19, v9;
	v16 =	vmax.f32 v16, $0.0e+00;
	v13 =	vadd.f32 v14, v13  }
0x350: {  	v14 =	vld [tilespmem:s17+$0x10030];
	v12 =	vadd.f32 v12, v20;
	v20 =	vsel vm1, $0x3F800000, v0;
	v15 =	vadd.f32 v15, v21  }
0x351: {  	vm1 =	vgt.f32 v16, $0.0e+00;
	v21 =	vld [tilespmem:s17+$0x10010];
	v10 =	vmax.f32 v10, $0.0e+00;
	v19 =	vmax.f32 v19, $0.0e+00  }
0x352: {  	v12 =	vadd.f32 v16, v12;
	v15 =	vadd.f32 v17, v15;
	v17 =	vsel vm0, $0x3F800000, v0  }
0x353: {  	vm3 =	vgt.f32 v10, $0.0e+00;
	v16 =	vsub.f32 v18, v9;
	v13 =	vadd.f32 v17, v13;
	v17 =	vld [tilespmem:s17+$0x10000]  }
0x354: {  	vm2 =	vgt.f32 v19, $0.0e+00;
	v18 =	vld [tilespmem:s17+$0x10020];
	v22 =	vsel vm3, $0x3F800000, v0;
	v15 =	vadd.f32 v20, v15  }
0x355: {  	v20 =	vsel vm1, $0x3F800000, v0;
	v12 =	vadd.f32 v19, v12;
	v16 =	vmax.f32 v16, $0.0e+00  }
0x356: {  	v14 =	vsub.f32 v14, v9;
	v19 =	vsub.f32 v21, v9;
	vm0 =	vgt.f32 v16, $0.0e+00  }
0x357: {  	v11 =	vadd.f32 v16, v11;
	v15 =	vadd.f32 v20, v15;
	v16 =	vsel vm0, $0x3F800000, v0  }
0x358: {  	v14 =	vmax.f32 v14, $0.0e+00;
	v13 =	vadd.f32 v16, v13;
	v17 =	vsub.f32 v17, v9  }
0x359: {  	v16 =	vld [tilespmem:s17+$0x10050];
	v10 =	vadd.f32 v10, v11;
	v11 =	vsel vm2, $0x3F800000, v0;
	v18 =	vsub.f32 v18, v9  }
0x35a: {  	v20 =	vld [tilespmem:s17+$0x10070];
	vm2 =	vgt.f32 v14, $0.0e+00;
	v11 =	vadd.f32 v11, v15;
	v17 =	vmax.f32 v17, $0.0e+00  }
0x35b: {  	v15 =	vld [tilespmem:s17+$0x10060];
	v13 =	vadd.f32 v22, v13;
	v18 =	vmax.f32 v18, $0.0e+00;
	v10 =	vadd.f32 v17, v10  }
0x35c: {  	vm0 =	vgt.f32 v17, $0.0e+00;
	v17 =	vmax.f32 v19, $0.0e+00;
	vm1 =	vgt.f32 v18, $0.0e+00  }
0x35d: {  	v19 =	vsel vm0, $0x3F800000, v0;
	vm0 =	vgt.f32 v17, $0.0e+00;
	v12 =	vadd.f32 v17, v12;
	v17 =	vld [tilespmem:s17+$0x10040]  }
0x35e: {  	v21 =	vld [tilespmem:s16+$0x10030];
	v23 =	vsel vm1, $0x3F800000, v0;
	v16 =	vsub.f32 v16, v9;
	v10 =	vadd.f32 v18, v10  }
0x35f: {  	v18 =	vsub.f32 v20, v9;
	v20 =	vsel vm0, $0x3F800000, v0;
	v12 =	vadd.f32 v14, v12  }
0x360: {  	v22 =	vld [tilespmem:s16+$0x10020];
	v13 =	vadd.f32 v19, v13;
	v15 =	vsub.f32 v15, v9;
	v16 =	vmax.f32 v16, $0.0e+00  }
0x361: {  	v14 =	vsel vm2, $0x3F800000, v0;
	v11 =	vadd.f32 v20, v11;
	v20 =	vld [tilespmem:s16+$0x10010];
	v12 =	vadd.f32 v16, v12  }
0x362: {  	v18 =	vmax.f32 v18, $0.0e+00;
	vm0 =	vgt.f32 v16, $0.0e+00;
	v16 =	vld [tilespmem:s16+$0x10000];
	v17 =	vsub.f32 v17, v9  }
0x363: {  	vm2 =	vgt.f32 v18, $0.0e+00;
	v18 =	vadd.f32 v18, v12;
	v12 =	vsub.f32 v21, v9;
	v21 =	vld [tilespmem:s16+$0x10050]  }
0x364: {  	v13 =	vadd.f32 v23, v13;
	v17 =	vmax.f32 v17, $0.0e+00  }
0x365: {  	v22 =	vsub.f32 v22, v9;
	v15 =	vmax.f32 v15, $0.0e+00;
	vm1 =	vgt.f32 v17, $0.0e+00  }
0x366: {  	v23 =	vadd.f32 v17, v10;
	v10 =	vmax.f32 v12, $0.0e+00;
	v12 =	vsel vm1, $0x3F800000, v0  }
0x367: {  	vm3 =	vgt.f32 v15, $0.0e+00;
	v20 =	vsub.f32 v20, v9;
	v12 =	vadd.f32 v12, v13  }
0x368: {  	v19 =	vsel vm3, $0x3F800000, v0;
	v16 =	vsub.f32 v16, v9;
	v17 =	vsub.f32 v21, v9  }
0x369: {  	v21 =	vadd.f32 v14, v11;
	v14 =	vadd.f32 v19, v12;
	v12 =	vld [tilespmem:s16+$0x10060]  }
0x36a: {  	v24 =	vsel vm0, $0x3F800000, v0;
	v22 =	vmax.f32 v22, $0.0e+00;
	v23 =	vadd.f32 v15, v23;
	v19 =	vld [tilespmem:s16+$0x10070]  }
0x36b: {  	v20 =	vmax.f32 v20, $0.0e+00;
	v15 =	vsel vm2, $0x3F800000, v0;
	v13 =	vmax.f32 v16, $0.0e+00  }
0x36c: {  	vm1 =	vgt.f32 v20, $0.0e+00;
	v11 =	vadd.f32 v13, v23;
	vm0 =	vgt.f32 v13, $0.0e+00  }
0x36d: {  	v16 =	vsel vm0, $0x3F800000, v0;
	vm0 =	vgt.f32 v22, $0.0e+00;
	v21 =	vadd.f32 v24, v21  }
0x36e: {  	s17 =	simm.s32 $0x400;
	v13 =	vadd.f32 v22, v11;
	v11 =	vadd.f32 v20, v18;
	v18 =	vsel vm1, $0x3F800000, v0;
	v20 =	vld [tilespmem:s16+$0x10040]  }
.LBB2_41:
0x36f: {  	s16 =	sshra.s32 s17, $0x2;
	p0 =	sne.s32 s17, $0x3FC00;
	s17 =	sadd.s32 $0x200, s17;
	vm1 =	vgt.f32 v10, $0.0e+00;
	v22 =	vsub.f32 v12, v9;
	v19 =	vsub.f32 v19, v9  }
0x370: {  	v23 =	vld [tilespmem:s16+$0x10030];
	v10 =	vadd.f32 v10, v11;
	v11 =	vsel vm1, $0x3F800000, v0;
	v15 =	vadd.f32 v15, v21  }
0x371: {  	v17 =	vmax.f32 v17, $0.0e+00;
	v12 =	vld [tilespmem:s16+$0x10060];
	v21 =	vmax.f32 v22, $0.0e+00;
	v19 =	vmax.f32 v19, $0.0e+00  }
0x372: {  	vm1 =	vgt.f32 v17, $0.0e+00;
	v22 =	vld [tilespmem:s16+$0x10020];
	v10 =	vadd.f32 v17, v10;
	vm2 =	vgt.f32 v19, $0.0e+00  }
0x373: {  	v18 =	vadd.f32 v18, v15;
	vm3 =	vgt.f32 v21, $0.0e+00;
	v17 =	vld [tilespmem:s16+$0x10000];
	v15 =	vsub.f32 v20, v9  }
0x374: {  	v14 =	vadd.f32 v16, v14;
	v16 =	vsel vm3, $0x3F800000, v0;
	v20 =	vld [tilespmem:s16+$0x10010];
	v24 =	vadd.f32 v19, v10  }
0x375: {  	v10 =	vsub.f32 v23, v9;
	v19 =	vld [tilespmem:s16+$0x10050];
	v23 =	vsel vm0, $0x3F800000, v0;
	v15 =	vmax.f32 v15, $0.0e+00  }
0x376: {  	v14 =	vadd.f32 v23, v14;
	v13 =	vadd.f32 v15, v13;
	vm0 =	vgt.f32 v15, $0.0e+00  }
0x377: {  	v22 =	vsub.f32 v22, v9;
	v10 =	vmax.f32 v10, $0.0e+00;
	v23 =	vsel vm0, $0x3F800000, v0  }
0x378: {  	v15 =	vsel vm2, $0x3F800000, v0;
	v17 =	vsub.f32 v17, v9;
	v13 =	vadd.f32 v21, v13  }
0x379: {  	v14 =	vadd.f32 v23, v14;
	v21 =	vsel vm1, $0x3F800000, v0;
	v20 =	vsub.f32 v20, v9  }
.Ltmp19:
0x37a: {  	v25 =	vadd.f32 v11, v18;
	v23 =	vmax.f32 v17, $0.0e+00;
	v17 =	vsub.f32 v19, v9;
	v19 =	vld [tilespmem:s16+$0x10070];
	(pc) =	sbr.rel @p0 .LBB2_41-.Ltmp19, $4  }
0x37b: {  	v14 =	vadd.f32 v16, v14;
	v11 =	vadd.f32 v23, v13;
	vm0 =	vgt.f32 v23, $0.0e+00  }
0x37c: {  	v18 =	vmax.f32 v20, $0.0e+00;
	v20 =	vmax.f32 v22, $0.0e+00;
	v16 =	vsel vm0, $0x3F800000, v0  }
0x37d: {  	vm1 =	vgt.f32 v18, $0.0e+00;
	vm0 =	vgt.f32 v20, $0.0e+00;
	v13 =	vadd.f32 v20, v11  }
0x37e: {  	v21 =	vadd.f32 v21, v25;
	v11 =	vadd.f32 v18, v24;
	v18 =	vsel vm1, $0x3F800000, v0;
	v20 =	vld [tilespmem:s16+$0x10040]  }
0x37f: {  	_ =	sdelay $0x2  }
0x380: {  	vm1 =	vgt.f32 v10, $0.0e+00;
	v12 =	vsub.f32 v12, v9;
	v19 =	vsub.f32 v19, v9  }
0x381: {  	v17 =	vmax.f32 v17, $0.0e+00;
	v14 =	vadd.f32 v16, v14;
	v20 =	vsub.f32 v20, v9  }
0x382: {  	v47 =	vsel vm0, $0x3F800000, v0;
	v8 =	vsub.f32 v8, v9;
	v7 =	vsub.f32 v7, v9  }
0x383: {  	v6 =	vsub.f32 v6, v9;
	v5 =	vsub.f32 v5, v9;
	v20 =	vmax.f32 v20, $0.0e+00  }
0x384: {  	v4 =	vsub.f32 v4, v9;
	v14 =	vadd.f32 v47, v14;
	vm7 =	vgt.f32 v20, $0.0e+00  }
0x385: {  	v3 =	vsub.f32 v3, v9;
	v12 =	vmax.f32 v12, $0.0e+00;
	v48 =	vsel vm7, $0x3F800000, v0  }
0x386: {  	v2 =	vsub.f32 v2, v9;
	vm8 =	vgt.f32 v12, $0.0e+00;
	v14 =	vadd.f32 v48, v14  }
0x387: {  	v15 =	vadd.f32 v15, v21;
	v8 =	vmax.f32 v8, $0.0e+00;
	v49 =	vsel vm8, $0x3F800000, v0  }
0x388: {  	v45 =	vsel vm1, $0x3F800000, v0;
	vm9 =	vgt.f32 v8, $0.0e+00;
	v14 =	vadd.f32 v49, v14  }
0x389: {  	vm6 =	vgt.f32 v17, $0.0e+00;
	v7 =	vmax.f32 v7, $0.0e+00;
	v50 =	vsel vm9, $0x3F800000, v0  }
0x38a: {  	vm10 =	vgt.f32 v7, $0.0e+00;
	v13 =	vadd.f32 v20, v13;
	v51 =	vadd.f32 v14, v50  }
0x38b: {  	v46 =	vmax.f32 v19, $0.0e+00;
	v6 =	vmax.f32 v6, $0.0e+00;
	v52 =	vsel vm10, $0x3F800000, v0  }
0x38c: {  	vm11 =	vgt.f32 v6, $0.0e+00;
	v12 =	vadd.f32 v12, v13;
	v13 =	vadd.f32 v51, v52  }
0x38d: {  	v5 =	vmax.f32 v5, $0.0e+00;
	v55 =	vsel vm6, $0x3F800000, v0;
	v54 =	vsel vm11, $0x3F800000, v0  }
0x38e: {  	v4 =	vmax.f32 v4, $0.0e+00;
	vm12 =	vgt.f32 v5, $0.0e+00;
	v13 =	vadd.f32 v13, v54  }
0x38f: {  	v3 =	vmax.f32 v3, $0.0e+00;
	v15 =	vadd.f32 v18, v15;
	v56 =	vsel vm12, $0x3F800000, v0  }
0x390: {  	v2 =	vmax.f32 v2, $0.0e+00;
	vm13 =	vgt.f32 v4, $0.0e+00;
	v13 =	vadd.f32 v13, v56  }
0x391: {  	vm2 =	vgt.f32 v46, $0.0e+00;
	v57 =	vsel vm13, $0x3F800000, v0;
	v15 =	vadd.f32 v45, v15  }
0x392: {  	vm14 =	vgt.f32 v3, $0.0e+00;
	v8 =	vadd.f32 v12, v8;
	v58 =	vadd.f32 v13, v57  }
0x393: {  	vm15 =	vgt.f32 v2, $0.0e+00;
	v60 =	vsel vm14, $0x3F800000, v0;
	v59 =	vadd.f32 v55, v15  }
0x394: {  	v53 =	vsel vm2, $0x3F800000, v0;
	v7 =	vadd.f32 v8, v7;
	v8 =	vadd.f32 v58, v60  }
0x395: {  	v62 =	vsel vm15, $0x3F800000, v0;
	v61 =	vadd.f32 v53, v59  }
0x396: {  	v6 =	vadd.f32 v7, v6;
	v7 =	vadd.f32 v8, v62;
	_ =	sdelay $0x1  }
0x397: {  	v5 =	vadd.f32 v6, v5;
	v6 =	vadd.f32 v7, v61;
	_ =	sdelay $0x1  }
0x398: {  	v4 =	vadd.f32 v5, v4;
	v7 =	vadd.f32 v10, v11;
	(erf) = vrcp.f32 v6;
	_ =	sdelay $0x1  }
0x399: {  	v3 =	vadd.f32 v4, v3;
	v5 =	vadd.f32 v17, v7;
	_ =	sdelay $0x1  }
0x39a: {  	v2 =	vadd.f32 v3, v2;
	v4 =	vadd.f32 v46, v5;
	_ =	sdelay $0x1  }
0x39b: {  	v2 =	vadd.f32 v2, v4;
	_ =	sdelay $0x1  }
0x39c: {  	s16 =	simm.s32 $0x0;
	v2 =	vadd.f32 $-1.000000000e+00, v2  }
0x39d: {  	v4 =	vld [tilespmem:s16+$0x0];
	v3 =	vpop (erf)  }
0x39e: {  	v8 =	vld [tilespmem:s16+$0x10];
	v2 =	vmul.f32 v3, v2  }
0x39f: {  	v7 =	vld [tilespmem:s16+$0x20]  }
0x3a0: {  	v6 =	vld [tilespmem:s16+$0x30];
	v2 =	vadd.f32 v2, v9  }
0x3a1: {  	v5 =	vld [tilespmem:s16+$0x40]  }
0x3a2: {  	v3 =	vld [tilespmem:s16+$0x50];
	v9 =	vsub.f32 v4, v2  }
0x3a3: {  	s18 =	simm.s32 $0x200;
	s17 =	simm.s32 $0x0;
	v8 =	vsub.f32 v8, v2;
	v4 =	vld [tilespmem:s16+$0x60]  }
.LBB2_43:
0x3a4: {  	p0 =	sne.s32 s18, $0x3FE00;
	v9 =	vmax.f32 v9, $0.0e+00;
	v7 =	vsub.f32 v7, v2;
	v10 =	vld [tilespmem:s17+$0x70]  }
0x3a5: {  	s19 =	sshra.s32 s18, $0x2;
	[tilespmem:s17+$0x0] =	vst v9;
	v8 =	vmax.f32 v8, $0.0e+00;
	v6 =	vsub.f32 v6, v2  }
0x3a6: {  	v9 =	vld [tilespmem:s19+$0x0];
	[tilespmem:s17+$0x10] =	vst v8;
	v7 =	vmax.f32 v7, $0.0e+00;
	v5 =	vsub.f32 v5, v2  }
0x3a7: {  	v8 =	vld [tilespmem:s19+$0x10];
	[tilespmem:s17+$0x20] =	vst v7;
	v6 =	vmax.f32 v6, $0.0e+00;
	v3 =	vsub.f32 v3, v2  }
.Ltmp20:
0x3a8: {  	v7 =	vld [tilespmem:s19+$0x20];
	[tilespmem:s17+$0x30] =	vst v6;
	v5 =	vmax.f32 v5, $0.0e+00;
	v4 =	vsub.f32 v4, v2;
	(pc) =	sbr.rel @p0 .LBB2_43-.Ltmp20, $4  }
0x3a9: {  	v6 =	vld [tilespmem:s19+$0x30];
	[tilespmem:s17+$0x40] =	vst v5;
	v3 =	vmax.f32 v3, $0.0e+00;
	v10 =	vsub.f32 v10, v2  }
0x3aa: {  	v5 =	vld [tilespmem:s19+$0x40];
	[tilespmem:s17+$0x50] =	vst v3;
	v4 =	vmax.f32 v4, $0.0e+00  }
0x3ab: {  	v9 =	vsub.f32 v9, v2;
	v3 =	vld [tilespmem:s19+$0x50];
	[tilespmem:s17+$0x60] =	vst v4;
	v10 =	vmax.f32 v10, $0.0e+00  }
0x3ac: {  	s18 =	sadd.s32 $0x200, s18;
	v8 =	vsub.f32 v8, v2;
	v4 =	vld [tilespmem:s19+$0x60];
	[tilespmem:s17+$0x70] =	vst v10;
	s17 =	smov.u32 s19  }
0x3ad: {  	v9 =	vmax.f32 v9, $0.0e+00;
	v7 =	vsub.f32 v7, v2;
	v10 =	vld [tilespmem:s17+$0x70]  }
0x3ae: {  	[tilespmem:s17+$0x0] =	vst v9;
	v8 =	vmax.f32 v8, $0.0e+00;
	v6 =	vsub.f32 v6, v2  }
0x3af: {  	[tilespmem:s17+$0x10] =	vst v8;
	v7 =	vmax.f32 v7, $0.0e+00;
	v5 =	vsub.f32 v5, v2  }
0x3b0: {  	[tilespmem:s17+$0x20] =	vst v7;
	v6 =	vmax.f32 v6, $0.0e+00;
	v3 =	vsub.f32 v3, v2  }
0x3b1: {  	[tilespmem:s17+$0x30] =	vst v6;
	v5 =	vmax.f32 v5, $0.0e+00;
	v4 =	vsub.f32 v4, v2  }
0x3b2: {  	[tilespmem:s17+$0x40] =	vst v5;
	v3 =	vmax.f32 v3, $0.0e+00;
	v5 =	vsub.f32 v10, v2  }
0x3b3: {  	[tilespmem:s17+$0x50] =	vst v3;
	v3 =	vmax.f32 v4, $0.0e+00  }
0x3b4: {  	[tilespmem:s17+$0x60] =	vst v3;
	v3 =	vmax.f32 v5, $0.0e+00  }
0x3b5: {  	[tilespmem:s17+$0x70] =	vst v3  }
0x3b6: {  	v4 =	vld [tilespmem:s16+$0x10000]  }
0x3b7: {  	v8 =	vld [tilespmem:s16+$0x10010]  }
0x3b8: {  	v7 =	vld [tilespmem:s16+$0x10020]  }
0x3b9: {  	v6 =	vld [tilespmem:s16+$0x10030]  }
0x3ba: {  	v5 =	vld [tilespmem:s16+$0x10040]  }
0x3bb: {  	v3 =	vld [tilespmem:s16+$0x10050];
	v9 =	vsub.f32 v4, v2  }
0x3bc: {  	s17 =	simm.s32 $0x200;
	v8 =	vsub.f32 v8, v2;
	v4 =	vld [tilespmem:s16+$0x10060]  }
.LBB2_45:
0x3bd: {  	p0 =	sne.s32 s17, $0x3FC00;
	v9 =	vmax.f32 v9, $0.0e+00;
	v7 =	vsub.f32 v7, v2;
	v10 =	vld [tilespmem:s16+$0x10070]  }
0x3be: {  	s18 =	sshra.s32 s17, $0x2;
	[tilespmem:s16+$0x10000] =	vst v9;
	v8 =	vmax.f32 v8, $0.0e+00;
	v6 =	vsub.f32 v6, v2  }
0x3bf: {  	v9 =	vld [tilespmem:s18+$0x10000];
	[tilespmem:s16+$0x10010] =	vst v8;
	v7 =	vmax.f32 v7, $0.0e+00;
	v5 =	vsub.f32 v5, v2  }
0x3c0: {  	v8 =	vld [tilespmem:s18+$0x10010];
	[tilespmem:s16+$0x10020] =	vst v7;
	v6 =	vmax.f32 v6, $0.0e+00;
	v3 =	vsub.f32 v3, v2  }
.Ltmp21:
0x3c1: {  	v7 =	vld [tilespmem:s18+$0x10020];
	[tilespmem:s16+$0x10030] =	vst v6;
	v5 =	vmax.f32 v5, $0.0e+00;
	v4 =	vsub.f32 v4, v2;
	(pc) =	sbr.rel @p0 .LBB2_45-.Ltmp21, $4  }
0x3c2: {  	v6 =	vld [tilespmem:s18+$0x10030];
	[tilespmem:s16+$0x10040] =	vst v5;
	v3 =	vmax.f32 v3, $0.0e+00;
	v10 =	vsub.f32 v10, v2  }
0x3c3: {  	v5 =	vld [tilespmem:s18+$0x10040];
	[tilespmem:s16+$0x10050] =	vst v3;
	v4 =	vmax.f32 v4, $0.0e+00  }
0x3c4: {  	v9 =	vsub.f32 v9, v2;
	v3 =	vld [tilespmem:s18+$0x10050];
	[tilespmem:s16+$0x10060] =	vst v4;
	v10 =	vmax.f32 v10, $0.0e+00  }
0x3c5: {  	s17 =	sadd.s32 $0x200, s17;
	v8 =	vsub.f32 v8, v2;
	v4 =	vld [tilespmem:s18+$0x10060];
	[tilespmem:s16+$0x10070] =	vst v10;
	s16 =	smov.u32 s18  }
0x3c6: {  	v10 =	vld [tilespmem:s16+$0x10070]  }
0x3c7: {  	v9 =	vmax.f32 v9, $0.0e+00;
	v7 =	vsub.f32 v7, v2  }
0x3c8: {  	[tilespmem:s16+$0x10000] =	vst v9;
	v8 =	vmax.f32 v8, $0.0e+00;
	v6 =	vsub.f32 v6, v2  }
0x3c9: {  	[tilespmem:s16+$0x10010] =	vst v8;
	v7 =	vmax.f32 v7, $0.0e+00;
	v3 =	vsub.f32 v3, v2  }
0x3ca: {  	[tilespmem:s16+$0x10020] =	vst v7;
	v6 =	vmax.f32 v6, $0.0e+00;
	v4 =	vsub.f32 v4, v2  }
0x3cb: {  	[tilespmem:s16+$0x10030] =	vst v6;
	v3 =	vmax.f32 v3, $0.0e+00;
	v56 =	vsub.f32 v10, v2  }
0x3cc: {  	v5 =	vsub.f32 v5, v2;
	[tilespmem:s16+$0x10050] =	vst v3;
	v3 =	vmax.f32 v4, $0.0e+00  }
0x3cd: {  	[tilespmem:s16+$0x10060] =	vst v3;
	v3 =	vmax.f32 v56, $0.0e+00  }
0x3ce: {  	v5 =	vmax.f32 v5, $0.0e+00;
	[tilespmem:s16+$0x10070] =	vst v3  }
0x3cf: {  	[tilespmem:s16+$0x10040] =	vst v5;
	v3 =	vld [tilespmem:$0x1FF80]  }
0x3d0: {  	v57 =	vld [tilespmem:$0x1FF90]  }
0x3d1: {  	v58 =	vld [tilespmem:$0x1FFA0]  }
0x3d2: {  	v6 =	vld [tilespmem:$0x1FFB0]  }
0x3d3: {  	v7 =	vld [tilespmem:$0x1FFC0]  }
0x3d4: {  	v8 =	vld [tilespmem:$0x1FFD0];
	v3 =	vsub.f32 v3, v2  }
0x3d5: {  	v9 =	vld [tilespmem:$0x1FFE0];
	v4 =	vsub.f32 v57, v2  }
0x3d6: {  	v5 =	vsub.f32 v58, v2;
	v3 =	vmax.f32 v3, $0.0e+00  }
0x3d7: {  	v59 =	vsub.f32 v6, v2;
	[tilespmem:$0x1FF80] =	vst v3;
	v3 =	vmax.f32 v4, $0.0e+00  }
0x3d8: {  	v60 =	vsub.f32 v7, v2;
	[tilespmem:$0x1FF90] =	vst v3;
	v3 =	vmax.f32 v5, $0.0e+00  }
0x3d9: {  	v61 =	vsub.f32 v8, v2;
	[tilespmem:$0x1FFA0] =	vst v3;
	v3 =	vmax.f32 v59, $0.0e+00  }
0x3da: {  	v62 =	vsub.f32 v9, v2;
	[tilespmem:$0x1FFB0] =	vst v3;
	v3 =	vmax.f32 v60, $0.0e+00  }
0x3db: {  	[tilespmem:$0x1FFC0] =	vst v3;
	v3 =	vmax.f32 v61, $0.0e+00  }
0x3dc: {  	[tilespmem:$0x1FFD0] =	vst v3;
	v3 =	vmax.f32 v62, $0.0e+00  }
0x3dd: {  	s14 =	sadd.s32 s4, s14;
	[tilespmem:$0x1FFE0] =	vst v3  }
0x3de: {  	[hbm4b:s14+s8] =	stream.strided.scatter [tilespmem:s2], [sflag:$0x1], $0x10000, s9, s8, $0x38;
	v63 =	vld [tilespmem:$0x0]  }
0x3df: {  	_ =	swait.ge [sflag:s7], $0x10000  }
0x3e0: {  	[sflag:s7] =	ssyncset.done $0x0  }
0x3e1: {  	s31 =	sadd.s32 s4, s15;
	[sflag:s7] =	ssyncadd.s32 $0xFFFF0000  }
0x3e2: {  	[hbm4b:s31+s8] =	stream.strided.scatter [tilespmem:s10], [sflag:$0x1], $0xFFF0, s9, s8, $0x38;
	v63 =	vld [tilespmem:$0x0]  }
0x3e3: {  	v1 =	vsub.f32 v1, v2;
	_ =	swait.ge [sflag:s7], $0xFFF0  }
0x3e4: {  	s12 =	sadd.s32 $0x1, s12;
	[sflag:s7] =	ssyncset.done $0x0  }
0x3e5: {  	p0 =	sne.s32 s12, $0x4;
	v1 =	vmax.f32 v1, $0.0e+00;
	[sflag:s7] =	ssyncadd.s32 $0xFFFF0010  }
.Ltmp22:
0x3e6: {  	s13 =	sadd.s32 s4, s13;
	[tilespmem:$0x0] =	vst v1;
	(pc) =	sbr.rel @p0 .LBB2_2-.Ltmp22, $4  }
0x3e7: {  	[hbm4b:s13+s2] =	stream.linear.scatter [tilespmem:s2], [sflag:$0x1], $0x10, $0x38;
	v63 =	vld [tilespmem:$0x0]  }
0x3e8: {  	_ =	swait.ge [sflag:s7], $0x10  }
0x3e9: {  	[sflag:s7] =	ssyncset.done $0x0  }
0x3ea: {  	[sflag:s7] =	ssyncadd.s32 $0xFFFFFFF0  }
0x3eb: {  	s11 =	sadd.s32 $0x1, s11  }
0x3ec: {  	p0 =	sne.s32 s11, s6  }
.Ltmp23:
0x3ed: {  	_ = 	snop;
	(pc) =	sbr.rel @p0 .LBB2_1-.Ltmp23, $1  }
0x3ee: {  	_ =	sdelay $0x3  }
0x3ef: {  	_ =	sfence.sel $0x180000  }
0x3f0: {  	[bflag:$0x0] =	sbarrier.arrive $0xFFFF  }
0x3f1: {  	p0 =	sne.s32 s3, $0x0;
	_ =	strace $0x9000004A  }
0x3f2: {  	s0 =	sadd.s32 @!p0 $0x100000, s0;
	[bflag:$0x2] =	sbarrier.arrive $0xFFFF  }
0x3f3: {  	[sflag:s0] =	ssyncadd.tile.s32 @!p0 $0x1;
	_ =	shalt  }
.Lfunc_end2:
_tile_overlayer_lowered:
.L_overlay_start_2:
0x3f4: {  	(tag) =	ssettag $0x2  }
0x3f5: {  	s0 =	rddreg [dreg:$0x0];
	s2 =	stileid.u32  }
0x3f6: {  	s1 =	rddreg [dreg:$0x1];
	p0 =	sne.s32 s2, $0x0  }
0x3f7: {  	s3 =	rddreg [dreg:$0x2];
	[bflag:$0x3] =	sbarrier.arrive $0xFFFF;
	s2 =	simm.s32 @!p0 $0x1C01  }
0x3f8: {  	[timem:s3], [sflag:s2] =	dma.local @!p0 [hbm:s0], s1  }
0x3f9: {  	s0 =	simm.s32 @!p0 $0x1  }
0x3fa: {  	_ =	swait.ge @!p0 [sflag:s0], s1  }
0x3fb: {  	s1 =	ssub.s32 @!p0 $0x0, s1;
	[sflag:s0] =	ssyncset.done @!p0 $0x0  }
0x3fc: {  	[sflag:s0] =	ssyncadd.s32 @!p0 s1  }
0x3fd: {  	[bflag:$0x3] =	sbarrier.arrive $0xFFFF  }
0x3fe: {  	_ =	shalt  }

// kernel: sparse-core-data-format-call.cloned.1.call-start
scs
called_computation_lowered:
.L_overlay_start_0:
0x0: {  	s2 =	sld [smem:$0x3FD9]  }
0x1: {  	s3 =	sld [smem:$0x3FFE];
	_ =	sdelay $0x1  }
0x2: {  	s1 =	srdreg.scid  }
0x3: {  	s0 =	sand.u32 $0x1, s1  }
0x4: {  	s19 =	sshll.u32 s0, $0xA;
	s2 =	sadd.s32 s3, s2  }
0x5: {  	s2 =	sadd.s32 s2, s19  }
0x6: {  	[smem:$0x3FC7] =	sst s2  }
0x7: {  	_ = 	snop  }
0x8: {  	s2 =	sld [smem:$0x3FC9]  }
0x9: {  	s20 =	sld [smem:$0x3FD0];
	(tm) =	ssettm $0x1  }
0xa: {  	s4 =	sld [smem:$0x3FFB];
	_ =	sdelay $0x3  }
0xb: {  	_ =	strace s4  }
0xc: {  	s4 =	sld [smem:$0x3FFC];
	_ =	sdelay $0x3  }
0xd: {  	_ =	strace s4  }
0xe: {  	s4 =	sld [smem:$0x3FFD];
	_ =	sdelay $0x3  }
0xf: {  	_ =	strace s4  }
0x10: {  	_ =	strace $0x8FFFFFFF  }
0x11: {  	s21 =	sld [smem:$0x3FDB];
	_ =	sdelay $0x1  }
0x12: {  	s5 =	simm.s32 $_scs_section_size  }
0x13: {  	s6 =	simm.s32 $_size__tile_overlayer_lowered;
	s7 =	simm.s32 $_tile_overlayer_lowered  }
0x14: {  	s24 =	simm.s32 $0x1BFF;
	s23 =	sshll.u32 s7, $0x1;
	s4 =	sadd.s32 s5, s21  }
0x15: {  	s8 =	simm.s32 $0x0;
	s22 =	sshll.u32 s6, $0x1;
	s6 =	sadd.s32 s23, s4  }
0x16: {  	[timem:s8], [sflag:s24] =	dma.local [hbm:s6], s22  }
0x17: {  	_ =	swait.ge [sflag:s24], s22  }
0x18: {  	s5 =	ssub.s32 $0x0, s22;
	[sflag:s24] =	ssyncset.done $0x0  }
0x19: {  	[sflag:s24] =	ssyncadd.s32 s5;
	_ =	sdelay $0x1  }
0x1a: {  	s25 =	simm.s32 $0x1B8B  }
0x1b: {  	_ =	swait.ge [sflag:s25], $0x1  }
0x1c: {  	[sflag:s25] =	ssyncset.done $0x0  }
0x1d: {  	s26 =	simm.s32 $0x1B8E;
	[sflag:s25] =	ssyncadd.s32 $0xFFFFFFFF  }
0x1e: {  	s27 =	simm.s32 $execute0_lowered;
	[smem:$0x3FD2] =	sst s26  }
0x1f: {  	s5 =	sshll.u32 s27, $0x1;
	_ =	strace $0x80000046;
	[dreg:$0x1] =	wrdreg $0xFFFFFFFF  }
0x20: {  	s28 =	simm.s32 $_size_execute0_lowered;
	s4 =	sadd.s32 s4, s5;
	[dreg:$0x0] =	wrdreg $0x0  }
0x21: {  	s5 =	sshll.u32 s28, $0x1;
	[dreg:$0x2] =	wrdreg s4  }
0x22: {  	[dreg:$0x3] =	wrdreg s5  }
0x23: {  	[dreg:$0x4] =	wrdreg $0xC0  }
0x24: {  	_ =	task [dreg:s8], $0x5FFFF  }
0x25: {  	[dreg:$0x1] =	wrdreg $0xFFFFFFFF  }
0x26: {  	[dreg:$0x0] =	wrdreg $0x60  }
0x27: {  	[dreg:$0x2] =	wrdreg s2  }
0x28: {  	[dreg:$0x3] =	wrdreg s20  }
0x29: {  	[dreg:$0x4] =	wrdreg $0x9  }
0x2a: {  	_ =	task.clear_ibuf [dreg:s8], $0x5FFFF;
	_ =	strace $0x90000046  }
0x2b: {  	s29 =	simm.s32 $0x9;
	_ =	strace $0x80000048  }
0x2c: {  	_ =	swait.ge [sflag:s29], $0x1  }
0x2d: {  	[sflag:s29] =	ssyncadd.s32 $0xFFFFFFFF  }
0x2e: {  	_ =	strace $0x90000048  }
0x2f: {  	_ =	sfence  }
0x30: {  	s30 =	sld [smem:$0x0];
	_ =	sdelay $0x2  }
0x31: {  	s31 =	sshll.u32 s1, $0xD;
	s1 =	sshrl.u32 s1, $0x2  }
0x32: {  	s3 =	sand.u32 $0x4000, s31;
	s1 =	sadd.s32 s1, s30  }
0x33: {  	s0 =	sor.u32 s3, s0;
	s1 =	sshll.u32 s1, $0x11  }
0x34: {  	s0 =	sor.u32 s1, s0  }
0x35: {  	s0 =	sadd.s32 $0x8F2B, s0  }
0x36: {  	[sflag:s0] =	ssyncadd.remote.s32 $0x1  }
0x37: {  	_ =	sfence.sel $0xFFFF  }
0x38: {  	[dreg:$0x0] =	wrdreg $0xFFFFFFFF;
	(pc) =	sbr.abs _section_cstart, $3  }
0x39: {  	[dreg:$0x1] =	wrdreg $0xFFFFFFFF  }
0x3a: {  	_ =	task.clear_ibuf [dreg:s8], $0x2FFFF;
	_ =	strace $0x9FFFFFFF  }
0x3b: {  	(tm) =	ssettm $0x7FFFFFFF  }
tec
execute0_lowered:
.L_overlay_start_1:
0x0: {  	(tag) =	ssettag $0x1  }
0x1: {  	s2 =	rddreg [dreg:$0x0]  }
0x2: {  	s3 =	rddreg [dreg:$0x1]  }
0x3: {  	s0 =	rddreg [dreg:$0x2];
	s4 =	srdreg.scid  }
.Ltmp0:
0x4: {  	_ =	strace $0x80000047;
	s1 =	stileid.u32;
	(pc) =	sbr.rel .LBB1_1-.Ltmp0, $4  }
0x5: {  	s6 =	simm.s32 $0x2;
	p0 =	por $0x0, $0x0;
	s5 =	sshll.u32 s4, $0x4  }
0x6: {  	s9 =	simm.s32 $0x0;
	s4 =	simm.s32 $0x1;
	s5 =	sand.u32 $0x10, s5  }
0x7: {  	s7 =	simm.s32 $0x0;
	[sflag:s4] =	ssyncpa.u1 $0x0;
	s5 =	sor.u32 s1, s5  }
0x8: {  	[sflag:s6] =	ssyncpa.u1 $0x0;
	s6 =	simm.s32 $0x0;
	s8 =	smov.u32 s5  }
.LBB1_7:
0x9: {  	s11 =	sadd.s32 $0x20, s8  }
0xa: {  	p1 =	slt.u32 s7, $0x2;
	s7 =	sadd.s32 $0x1, s7;
	p2 =	sgt.s32 s11, $0x3FF  }
0xb: {  	s11 =	smov.u32 @p2 s5;
	p2 =	sne.s32 s7, $0x22  }
.Ltmp1:
0xc: {  	_ = 	snop;
	(pc) =	sbr.rel @!p2 .LBB1_8-.Ltmp1, $4  }
0xd: {  	s10 =	simm.s32 @!p1 $0x2  }
0xe: {  	_ =	swait.ge @!p1 [sflag:s10], $0x4000  }
0xf: {  	s9 =	smov.u32 s8;
	[sflag:s10] =	ssyncset.done @!p1 $0x0  }
0x10: {  	p0 =	por !p0, !p0;
	s8 =	smov.u32 s11;
	[sflag:s10] =	ssyncadd.s32 @!p1 $0xFFFFC000  }
.LBB1_1:
0x11: {  	p1 =	sgt.u32 s7, $0x1F  }
0x12: {  	s10 =	sxor.u32 @!p1 $0xFFFFFFFF, s7  }
0x13: {  	s11 =	sshll.u32 @!p1 s8, $0xB;
	s10 =	sshll.u32 @!p1 s10, $0xE  }
0x14: {  	s12 =	simm.s32 @!p1 $0x0;
	s11 =	sadd.s32 @!p1 s2, s11;
	s10 =	sand.u32 @!p1 $0x4000, s10  }
0x15: {  	[tilespmem:s10], [sflag:$0x1] =	stream.linear.gather @!p1 [hbm4b:s11+s12], $0x4000, $0x38;
	[tilespmem:$0x10000] =	vst v63  }
0x16: {  	p1 =	seq.s32 s7, $0x0  }
0x17: {  	p2 =	seq.s32 @!p1 s7, $0x21  }
0x18: {  	p1 =	por p1, p2  }
.Ltmp2:
0x19: {  	_ = 	snop;
	(pc) =	sbr.rel @p1 .LBB1_7-.Ltmp2, $1  }
0x1a: {  	_ =	sdelay $0x3  }
0x1b: {  	s10 =	simm.s32 $0x1;
	_ =	swait.ge [sflag:s4], $0x4000;
	s12 =	sshll.u32 s7, $0xE  }
0x1c: {  	s13 =	simm.s32 $0x0;
	s10 =	simm.s32 @!p0 $0x0;
	[sflag:s4] =	ssyncset.done $0x0  }
0x1d: {  	s12 =	sand.u32 $0x4000, s12;
	s11 =	sshll.u32 s10, $0xE;
	[sflag:s4] =	ssyncadd.s32 $0xFFFFC000  }
0x1e: {  	s12 =	sor.u32 $0x8000, s12;
	s10 =	sor.u32 $0x8040, s11;
	s11 =	sor.u32 $0x40, s11  }
.LBB1_3:
0x1f: {  	v0 =	vmov s11;
	_ =	sdelay $0x3  }
0x20: {  	s15 =	simm.s32 $0x0  }
0x21: {  	v6 =	vld.idx.msk [tilespmem:v0+s15+$0x30 ss:$0x1], $0xffff  }
0x22: {  	v7 =	vld.idx.msk [tilespmem:v0+s15+$0xFFFFFFC0 ss:$0x1], $0xffff  }
0x23: {  	v5 =	vld.idx.msk [tilespmem:v0+s15+$0xFFFFFFD0 ss:$0x1], $0xffff  }
0x24: {  	v4 =	vld.idx.msk [tilespmem:v0+s15+$0xFFFFFFE0 ss:$0x1], $0xffff  }
0x25: {  	v3 =	vld.idx.msk [tilespmem:v0+s15+$0xFFFFFFF0 ss:$0x1], $0xffff  }
0x26: {  	v1 =	vld.idx.msk [tilespmem:v0+s15+$0x0 ss:$0x1], $0xffff  }
0x27: {  	v2 =	vld.idx.msk [tilespmem:v0+s15+$0x10 ss:$0x1], $0xffff;
	[tilespmem:s10+$0x30] =	vst v6  }
0x28: {  	s14 =	simm.s32 $0x80;
	s16 =	simm.s32 $0x400;
	[tilespmem:s10+$0xFFFFFFC0] =	vst v7;
	v6 =	vld.idx.msk [tilespmem:v0+s15+$0x20 ss:$0x1], $0xffff;
	s15 =	smov.u32 s10  }
.LBB1_4:
0x29: {  	p1 =	sne.s32 s16, $0xE00;
	v7 =	vld.idx.msk [tilespmem:v0+s14+$0x30 ss:$0x1], $0xffff;
	[tilespmem:s15+$0xFFFFFFD0] =	vst v5  }
0x2a: {  	v8 =	vld.idx.msk [tilespmem:v0+s14+$0xFFFFFFC0 ss:$0x1], $0xffff;
	[tilespmem:s15+$0xFFFFFFE0] =	vst v4  }
0x2b: {  	v5 =	vld.idx.msk [tilespmem:v0+s14+$0xFFFFFFD0 ss:$0x1], $0xffff;
	[tilespmem:s15+$0xFFFFFFF0] =	vst v3  }
.Ltmp3:
0x2c: {  	v4 =	vld.idx.msk [tilespmem:v0+s14+$0xFFFFFFE0 ss:$0x1], $0xffff;
	[tilespmem:s15+$0x0] =	vst v1;
	(pc) =	sbr.rel @p1 .LBB1_4-.Ltmp3, $4  }
0x2d: {  	v3 =	vld.idx.msk [tilespmem:v0+s14+$0xFFFFFFF0 ss:$0x1], $0xffff;
	[tilespmem:s15+$0x10] =	vst v2  }
0x2e: {  	v1 =	vld.idx.msk [tilespmem:v0+s14+$0x0 ss:$0x1], $0xffff;
	[tilespmem:s15+$0x20] =	vst v6;
	s15 =	sadd.s32 $0x800, s15  }
0x2f: {  	v2 =	vld.idx.msk [tilespmem:v0+s14+$0x10 ss:$0x1], $0xffff;
	[tilespmem:s15+$0x30] =	vst v7  }
0x30: {  	[tilespmem:s15+$0xFFFFFFC0] =	vst v8;
	v6 =	vld.idx.msk [tilespmem:v0+s14+$0x20 ss:$0x1], $0xffff;
	s14 =	sshra.s32 s16, $0x2;
	s16 =	sadd.s32 $0x200, s16  }
0x31: {  	_ =	sdelay $0x2  }
0x32: {  	[tilespmem:s15+$0xFFFFFFD0] =	vst v5  }
0x33: {  	v56 =	vld.idx.msk [tilespmem:v0+s14+$0x30 ss:$0x1], $0xffff;
	[tilespmem:s15+$0xFFFFFFE0] =	vst v4  }
0x34: {  	v57 =	vld.idx.msk [tilespmem:v0+s14+$0xFFFFFFC0 ss:$0x1], $0xffff;
	[tilespmem:s15+$0xFFFFFFF0] =	vst v3  }
0x35: {  	v58 =	vld.idx.msk [tilespmem:v0+s14+$0xFFFFFFD0 ss:$0x1], $0xffff;
	[tilespmem:s15+$0x0] =	vst v1  }
0x36: {  	v59 =	vld.idx.msk [tilespmem:v0+s14+$0xFFFFFFE0 ss:$0x1], $0xffff;
	[tilespmem:s15+$0x10] =	vst v2  }
0x37: {  	v60 =	vld.idx.msk [tilespmem:v0+s14+$0xFFFFFFF0 ss:$0x1], $0xffff;
	s31 =	sadd.s32 $0x800, s15;
	[tilespmem:s15+$0x20] =	vst v6  }
0x38: {  	v61 =	vld.idx.msk [tilespmem:v0+s14+$0x0 ss:$0x1], $0xffff;
	[tilespmem:s31+$0x30] =	vst v56  }
0x39: {  	v62 =	vld.idx.msk [tilespmem:v0+s14+$0x10 ss:$0x1], $0xffff;
	s13 =	sadd.s32 $0x1, s13;
	[tilespmem:s31+$0xFFFFFFC0] =	vst v57  }
0x3a: {  	v63 =	vld.idx.msk [tilespmem:v0+s14+$0x20 ss:$0x1], $0xffff;
	p1 =	sne.s32 s13, $0x10;
	[tilespmem:s31+$0xFFFFFFD0] =	vst v58  }
.Ltmp4:
0x3b: {  	[tilespmem:s31+$0xFFFFFFE0] =	vst v59;
	(pc) =	sbr.rel @p1 .LBB1_3-.Ltmp4, $4  }
0x3c: {  	[tilespmem:s31+$0xFFFFFFF0] =	vst v60  }
0x3d: {  	[tilespmem:s31+$0x0] =	vst v61  }
0x3e: {  	[tilespmem:s31+$0x10] =	vst v62  }
0x3f: {  	s10 =	sadd.s32 $0x80, s10;
	s11 =	sadd.s32 $0x400, s11;
	[tilespmem:s31+$0x20] =	vst v63  }
.Ltmp5:
0x40: {  	(pc) =	sbr.rel .LBB1_7-.Ltmp5, $4  }
0x41: {  	_ = 	snop  }
0x42: {  	s9 =	sshll.u32 s9, $0xB  }
0x43: {  	s9 =	sadd.s32 s3, s9  }
0x44: {  	[hbm4b:s9+s6] =	stream.linear.scatter [tilespmem:s12], [sflag:$0x2], $0x4000, $0x38;
	[tilespmem:$0x10000] =	vst v63  }
.LBB1_8:
0x45: {  	_ =	sfence.sel $0x180000  }
0x46: {  	s2 =	simm.s32 $0x1;
	[bflag:$0x0] =	sbarrier.arrive $0xFFFF  }
0x47: {  	s31 =	simm.s32 $0x2;
	[sflag:s2] =	ssyncpa.u1 $0x1  }
0x48: {  	[sflag:s31] =	ssyncpa.u1 $0x1  }
0x49: {  	p0 =	sne.s32 s1, $0x0;
	_ =	strace $0x90000047  }
0x4a: {  	s0 =	sadd.s32 @!p0 $0x100000, s0;
	[bflag:$0x2] =	sbarrier.arrive $0xFFFF  }
0x4b: {  	[sflag:s0] =	ssyncadd.tile.s32 @!p0 $0x1;
	_ =	shalt  }
.Lfunc_end1:
_tile_overlayer_lowered:
.L_overlay_start_2:
0x4c: {  	(tag) =	ssettag $0x2  }
0x4d: {  	s0 =	rddreg [dreg:$0x0];
	s2 =	stileid.u32  }
0x4e: {  	s1 =	rddreg [dreg:$0x1];
	p0 =	sne.s32 s2, $0x0  }
0x4f: {  	s3 =	rddreg [dreg:$0x2];
	[bflag:$0x3] =	sbarrier.arrive $0xFFFF;
	s2 =	simm.s32 @!p0 $0x1C01  }
0x50: {  	[timem:s3], [sflag:s2] =	dma.local @!p0 [hbm:s0], s1  }
0x51: {  	s0 =	simm.s32 @!p0 $0x1  }
0x52: {  	_ =	swait.ge @!p0 [sflag:s0], s1  }
0x53: {  	s1 =	ssub.s32 @!p0 $0x0, s1;
	[sflag:s0] =	ssyncset.done @!p0 $0x0  }
0x54: {  	[sflag:s0] =	ssyncadd.s32 @!p0 s1  }
0x55: {  	[bflag:$0x3] =	sbarrier.arrive $0xFFFF  }
0x56: {  	_ =	shalt  }

</sc_bundles>
